<compile_context>
chip_gen: v7x
topology: tpu7x:2x2x1
jax: 0.10.2.dev20260603
libtpu: 0.0.44.dev20260713+nightly
codegen_flags: <defaults>
</compile_context>

<pallas_src>
import functools

import jax
import jax.numpy as jnp
from jax import lax
from jax.experimental import pallas as pl
from jax.experimental.pallas import tpu as pltpu
from jax.experimental.pallas import tpu_sc as plsc

_NC = 2
_NS = 16
_L = 16
_CHUNK = 80


def _pad_rows(N):
    rpt = (-(-N // _NS) + 7) // 8 * 8
    return rpt, rpt * _NS


@functools.lru_cache(maxsize=None)
def _make_edge_accum(N, E, F, with_cnt, interpret=False):
    assert E % (_NS * _CHUNK) == 0, (E, _NS, _CHUNK)
    assert F % _L == 0
    edges_per_tile = E // _NS
    nchunk = edges_per_tile // _CHUNK
    rpt, NP = _pad_rows(N)
    nj = F // _L

    out_type = [jax.ShapeDtypeStruct((_NC * NP, F), jnp.float32)]
    scratch = [
        pltpu.VMEM_SHARED((NP, F), jnp.float32),
        pltpu.VMEM((_CHUNK,), jnp.int32),
        pltpu.VMEM((_CHUNK,), jnp.int32),
        pltpu.VMEM((_CHUNK,), jnp.float32),
        pltpu.VMEM((_CHUNK, F), jnp.float32),
        pltpu.VMEM((8, F), jnp.float32),
        pltpu.SemaphoreType.DMA,
    ]
    if with_cnt:
        out_type.append(jax.ShapeDtypeStruct((_NS * NP,), jnp.float32))
        scratch.append(pltpu.VMEM((NP,), jnp.float32))

    def body(table, src_h, dst_h, u_h, *rest):
        if with_cnt:
            (sa_out, cnt_out, acc_sp, idx_v, dst_v, u_v, rows_v, zrow_v,
             sem, cnt_v) = rest
        else:
            (sa_out, acc_sp, idx_v, dst_v, u_v, rows_v, zrow_v, sem) = rest

        c = lax.axis_index("c")
        s = lax.axis_index("s")
        zeros16 = jnp.zeros((_L,), jnp.float32)
        ones16 = jnp.ones((_L,), jnp.float32)

        def zbody(i, _):
            for j in range(nj):
                zrow_v[i, pl.ds(_L * j, _L)] = zeros16
            return 0
        lax.fori_loop(0, 8, zbody, 0)
        if with_cnt:
            def cbody(i, _):
                cnt_v[pl.ds(i * _L, _L)] = zeros16
                return 0
            lax.fori_loop(0, NP // _L, cbody, 0)
        rbase = s * rpt

        def zcopy(i, _):
            pltpu.sync_copy(zrow_v, acc_sp.at[pl.ds(rbase + i * 8, 8)])
            return 0
        lax.fori_loop(0, rpt // 8, zcopy, 0)
        plsc.subcore_barrier()

        ebase = s * edges_per_tile

        def chunk(g, _):
            eb = ebase + g * _CHUNK
            pltpu.sync_copy(src_h.at[pl.ds(eb, _CHUNK)], idx_v)
            pltpu.sync_copy(dst_h.at[pl.ds(eb, _CHUNK)], dst_v)
            pltpu.sync_copy(u_h.at[pl.ds(eb, _CHUNK)], u_v)
            pltpu.async_copy(table.at[idx_v], rows_v, sem).wait()

            @pl.when(c == 1)
            def _():
                def mul(q, _):
                    ub = u_v[pl.ds(q * _L, _L)]
                    for t in range(_L):
                        e = q * _L + t
                        us = ub[t]
                        for j in range(nj):
                            sl = pl.ds(_L * j, _L)
                            rows_v[e, sl] = rows_v[e, sl] * us
                    return 0
                lax.fori_loop(0, _CHUNK // _L, mul, 0)

            pltpu.sync_copy(rows_v, acc_sp.at[dst_v], add=True)

            if with_cnt:
                @pl.when(c == 0)
                def _():
                    for q in range(_CHUNK // _L):
                        dst16 = dst_v[pl.ds(q * _L, _L)]
                        plsc.addupdate_scatter(cnt_v, [dst16], ones16)
            return 0

        lax.fori_loop(0, nchunk, chunk, 0)
        plsc.subcore_barrier()

        obase = c * NP + rbase
        pltpu.sync_copy(acc_sp.at[pl.ds(rbase, rpt)],
                        sa_out.at[pl.ds(obase, rpt)])
        if with_cnt:
            @pl.when(c == 0)
            def _():
                pltpu.sync_copy(cnt_v, cnt_out.at[pl.ds(s * NP, NP)])

    mesh = plsc.VectorSubcoreMesh(core_axis_name="c", subcore_axis_name="s",
                                  num_cores=_NC, num_subcores=_NS)
    out_arg = tuple(out_type) if with_cnt else out_type[0]
    return pl.kernel(body, out_type=out_arg, mesh=mesh,
                     scratch_types=tuple(scratch), interpret=interpret,
                     compiler_params=pltpu.CompilerParams(
                         needs_layout_passes=False))


@functools.lru_cache(maxsize=None)
def _make_dense_layer(N, Fin, Fout, apply_elu, interpret=False):
    BN = 1000 if N % 1000 == 0 else N
    assert N % BN == 0
    grid = (N // BN,)

    def dot(a, b):
        return lax.dot_general(a, b, (((1,), (0,)), ((), ())),
                               preferred_element_type=jnp.float32)

    def body(s_ref, a_ref, cnt_ref, x_ref, w_ref, root_ref, bias_ref, o_ref):
        sm = s_ref[0]
        am = a_ref[0]
        agg = dot(sm - am, w_ref[0]) + dot(am, w_ref[1])
        cnt = jnp.sum(cnt_ref[...], axis=1, keepdims=True)
        agg = agg / jnp.maximum(cnt, 1.0)
        r = agg + dot(x_ref[...], root_ref[...]) + bias_ref[...]
        if apply_elu:
            r = jnp.where(r > 0, r, jnp.exp(jnp.minimum(r, 0.0)) - 1.0)
        o_ref[...] = r

    return pl.pallas_call(
        body,
        grid=grid,
        in_specs=[
            pl.BlockSpec((1, BN, Fin), lambda i: (0, i, 0)),
            pl.BlockSpec((1, BN, Fin), lambda i: (1, i, 0)),
            pl.BlockSpec((BN, _NS), lambda i: (i, 0)),
            pl.BlockSpec((BN, Fin), lambda i: (i, 0)),
            pl.BlockSpec((2, Fin, Fout), lambda i: (0, 0, 0)),
            pl.BlockSpec((Fin, Fout), lambda i: (0, 0)),
            pl.BlockSpec((1, Fout), lambda i: (0, 0)),
        ],
        out_specs=pl.BlockSpec((BN, Fout), lambda i: (i, 0)),
        out_shape=jax.ShapeDtypeStruct((N, Fout), jnp.float32),
        interpret=interpret,
    )


def kernel(x, edge_index, edge_attr, W1, root1, bias1, W2, root2, bias2):
    N, F = x.shape
    E = edge_index.shape[1]
    H = root1.shape[1]
    C = root2.shape[1]
    src = edge_index[0]
    dst = edge_index[1]
    u = edge_attr[:, 0]
    _, NP = _pad_rows(N)

    SA1, cntf = _make_edge_accum(N, E, F, True)(x, src, dst, u)
    SA1 = SA1.reshape(_NC, NP, F)
    cnt16 = cntf.reshape(_NS, NP).T
    h = _make_dense_layer(N, F, H, True)(
        SA1, SA1, cnt16, x, W1, root1, bias1.reshape(1, H))

    SA2 = _make_edge_accum(N, E, H, False)(h, src, dst, u)
    SA2 = SA2.reshape(_NC, NP, H)
    out = _make_dense_layer(N, H, C, False)(
        SA2, SA2, cnt16, h, W2, root2, bias2.reshape(1, C))
    return out

# --- scband reference (transcript-rebuilt; emitter-appended) ---
"""Pipeline reference for scband-spline-net-17231408791938 (READ-ONLY COPY).

The authoritative reference and input builder live on the scoring server;
editing this copy changes nothing except your own understanding.
"""

import jax, jax.numpy as jnp
import numpy as np

# SplineConv (torch_geometric) with dim=1, kernel_size=2, degree=1, is_open_spline=True,
# aggr='mean', root_weight=True, bias=True.
# For pseudo u in [0,1): v = u*(kernel_size-degree) = u, basis b0 = 1-u at weight idx 0,
# b1 = u at weight idx 1. Message = b0*(x_j @ W[0]) + b1*(x_j @ W[1]); mean-aggregated
# over destination nodes, then + x @ root + bias.

def spline_conv(x, edge_index, edge_attr, W, root, bias):
    src = edge_index[0]
    dst = edge_index[1]
    u = edge_attr[:, 0]
    b0 = 1.0 - u
    b1 = u
    xj = jnp.take(x, src, axis=0)
    msg = (xj * b0[:, None]) @ W[0] + (xj * b1[:, None]) @ W[1]
    N = x.shape[0]
    sums = jax.ops.segment_sum(msg, dst, num_segments=N)
    cnt = jax.ops.segment_sum(jnp.ones((dst.shape[0],), jnp.float32), dst, num_segments=N)
    agg = sums / jnp.maximum(cnt, 1.0)[:, None]
    return agg + x @ root + bias


def setup_inputs(seed: int = 0) -> dict:
    key = jax.random.key(seed)
    ks = jax.random.split(key, 9)
    N, E = 10000, 320000
    F_in, H, C = 128, 128, 64
    x = jax.random.normal(ks[0], (N, F_in), dtype=jnp.float32)
    edge_index = jax.random.randint(ks[1], (2, E), 0, N, dtype=jnp.int32)
    edge_attr = jax.random.uniform(ks[2], (E, 1), dtype=jnp.float32)
    W1 = jax.random.normal(ks[3], (2, F_in, H), dtype=jnp.float32) * 0.05
    root1 = jax.random.normal(ks[4], (F_in, H), dtype=jnp.float32) * 0.05
    bias1 = jnp.zeros((H,), dtype=jnp.float32)
    W2 = jax.random.normal(ks[5], (2, H, C), dtype=jnp.float32) * 0.05
    root2 = jax.random.normal(ks[6], (H, C), dtype=jnp.float32) * 0.05
    bias2 = jnp.zeros((C,), dtype=jnp.float32)
    return {"x": x, "edge_index": edge_index, "edge_attr": edge_attr,
            "W1": W1, "root1": root1, "bias1": bias1,
            "W2": W2, "root2": root2, "bias2": bias2}


def reference(x, edge_index, edge_attr, W1, root1, bias1, W2, root2, bias2):
    # F.dropout with training=False is identity (eval mode assumed)
    h = spline_conv(x, edge_index, edge_attr, W1, root1, bias1)
    h = jax.nn.elu(h)
    out = spline_conv(h, edge_index, edge_attr, W2, root2, bias2)
    return out

if __name__ == "__main__":
    import jax
    _d = setup_inputs()
    print(jax.jit(kernel)(*tuple(_d.values())))

</pallas_src>

<mosaic_0001>
#map = affine_map<(d0, d1) -> (0, 0)>
#map1 = affine_map<(d0, d1) -> (0)>
module attributes {stable_mosaic.version = 14 : i64} {
  func.func @body(%arg0: i32, %arg1: i32, %arg2: memref<10000x128xf32, #tpu.memory_space<hbm>>, %arg3: memref<320000xi32, #tpu.memory_space<hbm>>, %arg4: memref<320000xi32, #tpu.memory_space<hbm>>, %arg5: memref<320000xf32, #tpu.memory_space<hbm>>, %arg6: memref<20224x128xf32, #tpu.memory_space<hbm>>, %arg7: memref<161792xf32, #tpu.memory_space<hbm>>, %arg8: memref<10112x128xf32, #tpu.memory_space<vmem_shared>>, %arg9: memref<80xi32, #tpu.memory_space<vmem>>, %arg10: memref<80xi32, #tpu.memory_space<vmem>>, %arg11: memref<80xf32, #tpu.memory_space<vmem>>, %arg12: memref<80x128xf32, #tpu.memory_space<vmem>>, %arg13: memref<8x128xf32, #tpu.memory_space<vmem>>, %arg14: memref<!tpu.dma_semaphore, #tpu.memory_space<semaphore_mem>>, %arg15: memref<10112xf32, #tpu.memory_space<vmem>>) attributes {dimension_semantics = [#tpu.dimension_semantics<core_parallel>, #tpu.dimension_semantics<subcore_parallel>], iteration_bounds = array<i64: 2, 16>, scalar_prefetch = 0 : i64, scratch_operands = 8 : i64, tpu.core_type = #tpu.core_type<sc_vector_subcore>, window_params = [{transform_indices = #map}, {transform_indices = #map1}, {transform_indices = #map1}, {transform_indices = #map1}, {transform_indices = #map}, {transform_indices = #map1}]} {
    %broadcast_in_dim3A = arith.constant 0.000000e+00 : f32
    %broadcast_in_dim3A_0 = vector.broadcast %broadcast_in_dim3A : f32 to vector<16xf32>
    %broadcast_in_dim3A_1 = arith.constant 1.000000e+00 : f32
    %broadcast_in_dim3A_2 = vector.broadcast %broadcast_in_dim3A_1 : f32 to vector<16xf32>
    %scan3A = arith.constant 0 : i32
    %scan3A_3 = arith.constant 0 : i32
    %scan3A_4 = arith.constant 8 : i32
    %scan3A_5 = arith.addi %scan3A_3, %scan3A_4 : i32
    %scan3A_6 = arith.constant 1 : i32
    %scan3A_7 = scf.for %scan3A_38 = %scan3A_3 to %scan3A_5 step %scan3A_6 iter_args(%scan3A_39 = %scan3A) -> (i32)  : i32 {
      %swap3A = arith.index_cast %scan3A_38 : i32 to index
      %swap3A_40 = arith.constant 0 : index
      %swap3A_41 = tpu.vector_load %arg13[%swap3A, %swap3A_40] {strides = array<i32>} : memref<8x128xf32, #tpu.memory_space<vmem>>, vector<16xf32>,
      tpu.vector_store %arg13[%swap3A, %swap3A_40], %broadcast_in_dim3A_0 {strides = array<i32>} : memref<8x128xf32, #tpu.memory_space<vmem>>, vector<16xf32>,
      %swap3A_42 = arith.index_cast %scan3A_38 : i32 to index
      %swap3A_43 = arith.constant 16 : index
      %swap3A_44 = tpu.vector_load %arg13[%swap3A_42, %swap3A_43] {strides = array<i32>} : memref<8x128xf32, #tpu.memory_space<vmem>>, vector<16xf32>,
      tpu.vector_store %arg13[%swap3A_42, %swap3A_43], %broadcast_in_dim3A_0 {strides = array<i32>} : memref<8x128xf32, #tpu.memory_space<vmem>>, vector<16xf32>,
      %swap3A_45 = arith.index_cast %scan3A_38 : i32 to index
      %swap3A_46 = arith.constant 32 : index
      %swap3A_47 = tpu.vector_load %arg13[%swap3A_45, %swap3A_46] {strides = array<i32>} : memref<8x128xf32, #tpu.memory_space<vmem>>, vector<16xf32>,
      tpu.vector_store %arg13[%swap3A_45, %swap3A_46], %broadcast_in_dim3A_0 {strides = array<i32>} : memref<8x128xf32, #tpu.memory_space<vmem>>, vector<16xf32>,
      %swap3A_48 = arith.index_cast %scan3A_38 : i32 to index
      %swap3A_49 = arith.constant 48 : index
      %swap3A_50 = tpu.vector_load %arg13[%swap3A_48, %swap3A_49] {strides = array<i32>} : memref<8x128xf32, #tpu.memory_space<vmem>>, vector<16xf32>,
      tpu.vector_store %arg13[%swap3A_48, %swap3A_49], %broadcast_in_dim3A_0 {strides = array<i32>} : memref<8x128xf32, #tpu.memory_space<vmem>>, vector<16xf32>,
      %swap3A_51 = arith.index_cast %scan3A_38 : i32 to index
      %swap3A_52 = arith.constant 64 : index
      %swap3A_53 = tpu.vector_load %arg13[%swap3A_51, %swap3A_52] {strides = array<i32>} : memref<8x128xf32, #tpu.memory_space<vmem>>, vector<16xf32>,
      tpu.vector_store %arg13[%swap3A_51, %swap3A_52], %broadcast_in_dim3A_0 {strides = array<i32>} : memref<8x128xf32, #tpu.memory_space<vmem>>, vector<16xf32>,
      %swap3A_54 = arith.index_cast %scan3A_38 : i32 to index
      %swap3A_55 = arith.constant 80 : index
      %swap3A_56 = tpu.vector_load %arg13[%swap3A_54, %swap3A_55] {strides = array<i32>} : memref<8x128xf32, #tpu.memory_space<vmem>>, vector<16xf32>,
      tpu.vector_store %arg13[%swap3A_54, %swap3A_55], %broadcast_in_dim3A_0 {strides = array<i32>} : memref<8x128xf32, #tpu.memory_space<vmem>>, vector<16xf32>,
      %swap3A_57 = arith.index_cast %scan3A_38 : i32 to index
      %swap3A_58 = arith.constant 96 : index
      %swap3A_59 = tpu.vector_load %arg13[%swap3A_57, %swap3A_58] {strides = array<i32>} : memref<8x128xf32, #tpu.memory_space<vmem>>, vector<16xf32>,
      tpu.vector_store %arg13[%swap3A_57, %swap3A_58], %broadcast_in_dim3A_0 {strides = array<i32>} : memref<8x128xf32, #tpu.memory_space<vmem>>, vector<16xf32>,
      %swap3A_60 = arith.index_cast %scan3A_38 : i32 to index
      %swap3A_61 = arith.constant 112 : index
      %swap3A_62 = tpu.vector_load %arg13[%swap3A_60, %swap3A_61] {strides = array<i32>} : memref<8x128xf32, #tpu.memory_space<vmem>>, vector<16xf32>,
      tpu.vector_store %arg13[%swap3A_60, %swap3A_61], %broadcast_in_dim3A_0 {strides = array<i32>} : memref<8x128xf32, #tpu.memory_space<vmem>>, vector<16xf32>,
      %scan3A_63 = arith.constant 0 : i32
      scf.yield %scan3A_63 : i32
    }
    %scan3A_8 = arith.constant 8 : i32
    %scan3A_9 = arith.constant 0 : i32
    %scan3A_10 = arith.constant 0 : i32
    %scan3A_11 = arith.constant 632 : i32
    %scan3A_12 = arith.addi %scan3A_10, %scan3A_11 : i32
    %scan3A_13 = arith.constant 1 : i32
    %scan3A_14 = scf.for %scan3A_38 = %scan3A_10 to %scan3A_12 step %scan3A_13 iter_args(%scan3A_39 = %scan3A_9) -> (i32)  : i32 {
      %mul3A_40 = arith.constant 16 : i32
      %mul3A_41 = arith.muli %scan3A_38, %mul3A_40 : i32
      %swap3A = arith.index_cast %mul3A_41 : i32 to index
      %swap3A_42 = tpu.vector_load %arg15[%swap3A] {strides = array<i32>} : memref<10112xf32, #tpu.memory_space<vmem>>, vector<16xf32>,
      tpu.vector_store %arg15[%swap3A], %broadcast_in_dim3A_0 {strides = array<i32>} : memref<10112xf32, #tpu.memory_space<vmem>>, vector<16xf32>,
      %scan3A_43 = arith.constant 0 : i32
      scf.yield %scan3A_43 : i32
    }
    %scan3A_15 = arith.constant 632 : i32
    %mul3A = arith.constant 632 : i32
    %mul3A_16 = arith.muli %arg1, %mul3A : i32
    %scan3A_17 = arith.constant 0 : i32
    %scan3A_18 = arith.constant 0 : i32
    %scan3A_19 = arith.constant 79 : i32
    %scan3A_20 = arith.addi %scan3A_18, %scan3A_19 : i32
    %scan3A_21 = arith.constant 1 : i32
    %scan3A_22 = scf.for %scan3A_38 = %scan3A_18 to %scan3A_20 step %scan3A_21 iter_args(%scan3A_39 = %scan3A_17) -> (i32)  : i32 {
      %mul3A_40 = arith.constant 8 : i32
      %mul3A_41 = arith.muli %scan3A_38, %mul3A_40 : i32
      %add3A_42 = arith.addi %mul3A_16, %mul3A_41 : i32
      "tpu.region"() ({
        %run_scoped3A = tpu.sem_alloc : memref<!tpu.dma_semaphore, #tpu.memory_space<semaphore_mem>>
        %dma_start3A = arith.constant 0 : i32
        %dma_start3A_44 = tpu.memref_slice %arg8[%add3A_42, %dma_start3A] : memref<10112x128xf32, #tpu.memory_space<vmem_shared>> -> memref<8x128xf32, #tpu.memory_space<vmem_shared>>
        %dma_start3A_45 = arith.constant 0 : i32
        %dma_start3A_46 = tpu.memref_slice %arg8[%add3A_42, %dma_start3A_45] : memref<10112x128xf32, #tpu.memory_space<vmem_shared>> -> memref<8x128xf32, #tpu.memory_space<vmem_shared>>
        tpu.enqueue_dma source(%arg13 : memref<8x128xf32, #tpu.memory_space<vmem>>) target(%dma_start3A_46 : memref<8x128xf32, #tpu.memory_space<vmem_shared>>) target_semaphore(%run_scoped3A : memref<!tpu.dma_semaphore, #tpu.memory_space<semaphore_mem>>)
        %dma_wait3A = arith.constant 0 : i32
        %dma_wait3A_47 = tpu.memref_slice %arg8[%add3A_42, %dma_wait3A] : memref<10112x128xf32, #tpu.memory_space<vmem_shared>> -> memref<8x128xf32, #tpu.memory_space<vmem_shared>>
        %dma_wait3A_48 = arith.constant 0 : i32
        %dma_wait3A_49 = tpu.memref_slice %arg8[%add3A_42, %dma_wait3A_48] : memref<10112x128xf32, #tpu.memory_space<vmem_shared>> -> memref<8x128xf32, #tpu.memory_space<vmem_shared>>
        tpu.wait_dma2 semaphore(%run_scoped3A : memref<!tpu.dma_semaphore, #tpu.memory_space<semaphore_mem>>) src(%arg13 : memref<8x128xf32, #tpu.memory_space<vmem>>) dst(%dma_wait3A_49 : memref<8x128xf32, #tpu.memory_space<vmem_shared>>)
        tpu.yield
      }) : () -> ()
      %scan3A_43 = arith.constant 0 : i32
      scf.yield %scan3A_43 : i32
    }
    %scan3A_23 = arith.constant 79 : i32
    %barrier3A = arith.constant 0 : index
    tpu.barrier barrier_id(%barrier3A)
    %mul3A_24 = arith.constant 20000 : i32
    %mul3A_25 = arith.muli %arg1, %mul3A_24 : i32
    %scan3A_26 = arith.constant 0 : i32
    %scan3A_27 = arith.constant 0 : i32
    %scan3A_28 = arith.constant 250 : i32
    %scan3A_29 = arith.addi %scan3A_27, %scan3A_28 : i32
    %scan3A_30 = arith.constant 1 : i32
    %scan3A_31 = scf.for %scan3A_38 = %scan3A_27 to %scan3A_29 step %scan3A_30 iter_args(%scan3A_39 = %scan3A_26) -> (i32)  : i32 {
      %mul3A_40 = arith.constant 80 : i32
      %mul3A_41 = arith.muli %scan3A_38, %mul3A_40 : i32
      %add3A_42 = arith.addi %mul3A_25, %mul3A_41 : i32
      "tpu.region"() ({
        %run_scoped3A = tpu.sem_alloc : memref<!tpu.dma_semaphore, #tpu.memory_space<semaphore_mem>>
        %dma_start3A_58 = tpu.memref_slice %arg3[%add3A_42] : memref<320000xi32, #tpu.memory_space<hbm>> -> memref<80xi32, #tpu.memory_space<hbm>>
        %dma_start3A_59 = tpu.memref_slice %arg3[%add3A_42] : memref<320000xi32, #tpu.memory_space<hbm>> -> memref<80xi32, #tpu.memory_space<hbm>>
        tpu.enqueue_dma source(%dma_start3A_59 : memref<80xi32, #tpu.memory_space<hbm>>) target(%arg9 : memref<80xi32, #tpu.memory_space<vmem>>) target_semaphore(%run_scoped3A : memref<!tpu.dma_semaphore, #tpu.memory_space<semaphore_mem>>)
        %dma_wait3A_60 = tpu.memref_slice %arg3[%add3A_42] : memref<320000xi32, #tpu.memory_space<hbm>> -> memref<80xi32, #tpu.memory_space<hbm>>
        %dma_wait3A_61 = tpu.memref_slice %arg3[%add3A_42] : memref<320000xi32, #tpu.memory_space<hbm>> -> memref<80xi32, #tpu.memory_space<hbm>>
        tpu.wait_dma2 semaphore(%run_scoped3A : memref<!tpu.dma_semaphore, #tpu.memory_space<semaphore_mem>>) src(%dma_wait3A_61 : memref<80xi32, #tpu.memory_space<hbm>>) dst(%arg9 : memref<80xi32, #tpu.memory_space<vmem>>)
        tpu.yield
      }) : () -> ()
      "tpu.region"() ({
        %run_scoped3A = tpu.sem_alloc : memref<!tpu.dma_semaphore, #tpu.memory_space<semaphore_mem>>
        %dma_start3A_58 = tpu.memref_slice %arg4[%add3A_42] : memref<320000xi32, #tpu.memory_space<hbm>> -> memref<80xi32, #tpu.memory_space<hbm>>
        %dma_start3A_59 = tpu.memref_slice %arg4[%add3A_42] : memref<320000xi32, #tpu.memory_space<hbm>> -> memref<80xi32, #tpu.memory_space<hbm>>
        tpu.enqueue_dma source(%dma_start3A_59 : memref<80xi32, #tpu.memory_space<hbm>>) target(%arg10 : memref<80xi32, #tpu.memory_space<vmem>>) target_semaphore(%run_scoped3A : memref<!tpu.dma_semaphore, #tpu.memory_space<semaphore_mem>>)
        %dma_wait3A_60 = tpu.memref_slice %arg4[%add3A_42] : memref<320000xi32, #tpu.memory_space<hbm>> -> memref<80xi32, #tpu.memory_space<hbm>>
        %dma_wait3A_61 = tpu.memref_slice %arg4[%add3A_42] : memref<320000xi32, #tpu.memory_space<hbm>> -> memref<80xi32, #tpu.memory_space<hbm>>
        tpu.wait_dma2 semaphore(%run_scoped3A : memref<!tpu.dma_semaphore, #tpu.memory_space<semaphore_mem>>) src(%dma_wait3A_61 : memref<80xi32, #tpu.memory_space<hbm>>) dst(%arg10 : memref<80xi32, #tpu.memory_space<vmem>>)
        tpu.yield
      }) : () -> ()
      "tpu.region"() ({
        %run_scoped3A = tpu.sem_alloc : memref<!tpu.dma_semaphore, #tpu.memory_space<semaphore_mem>>
        %dma_start3A_58 = tpu.memref_slice %arg5[%add3A_42] : memref<320000xf32, #tpu.memory_space<hbm>> -> memref<80xf32, #tpu.memory_space<hbm>>
        %dma_start3A_59 = tpu.memref_slice %arg5[%add3A_42] : memref<320000xf32, #tpu.memory_space<hbm>> -> memref<80xf32, #tpu.memory_space<hbm>>
        tpu.enqueue_dma source(%dma_start3A_59 : memref<80xf32, #tpu.memory_space<hbm>>) target(%arg11 : memref<80xf32, #tpu.memory_space<vmem>>) target_semaphore(%run_scoped3A : memref<!tpu.dma_semaphore, #tpu.memory_space<semaphore_mem>>)
        %dma_wait3A_60 = tpu.memref_slice %arg5[%add3A_42] : memref<320000xf32, #tpu.memory_space<hbm>> -> memref<80xf32, #tpu.memory_space<hbm>>
        %dma_wait3A_61 = tpu.memref_slice %arg5[%add3A_42] : memref<320000xf32, #tpu.memory_space<hbm>> -> memref<80xf32, #tpu.memory_space<hbm>>
        tpu.wait_dma2 semaphore(%run_scoped3A : memref<!tpu.dma_semaphore, #tpu.memory_space<semaphore_mem>>) src(%dma_wait3A_61 : memref<80xf32, #tpu.memory_space<hbm>>) dst(%arg11 : memref<80xf32, #tpu.memory_space<vmem>>)
        tpu.yield
      }) : () -> ()
      %dma_start3A = arith.constant 0 : i32
      %dma_start3A_43 = arith.constant 0 : i32
      %dma_start3A_44 = tpu.memref_slice %arg2[%dma_start3A, %dma_start3A_43] : memref<10000x128xf32, #tpu.memory_space<hbm>> -> memref<10000x128xf32, #tpu.memory_space<hbm>>
      tpu.enqueue_indirect_dma source(%dma_start3A_44 : memref<10000x128xf32, #tpu.memory_space<hbm>>) target(%arg12 : memref<80x128xf32, #tpu.memory_space<vmem>>) offsets(%arg9 : memref<80xi32, #tpu.memory_space<vmem>>) semaphore(%arg14 : memref<!tpu.dma_semaphore, #tpu.memory_space<semaphore_mem>>)
      %dma_wait3A = arith.constant 0 : i32
      %dma_wait3A_45 = arith.constant 0 : i32
      %dma_wait3A_46 = tpu.memref_slice %arg2[%dma_wait3A, %dma_wait3A_45] : memref<10000x128xf32, #tpu.memory_space<hbm>> -> memref<10000x128xf32, #tpu.memory_space<hbm>>
      tpu.wait_indirect_dma semaphore(%arg14 : memref<!tpu.dma_semaphore, #tpu.memory_space<semaphore_mem>>) src(%dma_wait3A_46 : memref<10000x128xf32, #tpu.memory_space<hbm>>) dst(%arg12 : memref<80x128xf32, #tpu.memory_space<vmem>>)
      %eq3A_47 = arith.constant 1 : i32
      %eq3A_48 = arith.cmpi eq, %arg0, %eq3A_47 : i32
      %convert_element_type3A_49 = arith.extui %eq3A_48 : i1 to i32
      %cond3A_50 = arith.constant 0 : i32
      %cond3A_51 = arith.cmpi ne, %convert_element_type3A_49, %cond3A_50 : i32
      scf.if %cond3A_51 {
        %scan3A_58 = arith.constant 0 : i32
        %scan3A_59 = arith.constant 0 : i32
        %scan3A_60 = arith.constant 5 : i32
        %scan3A_61 = arith.addi %scan3A_59, %scan3A_60 : i32
        %scan3A_62 = arith.constant 1 : i32
        %scan3A_63 = scf.for %scan3A_65 = %scan3A_59 to %scan3A_61 step %scan3A_62 iter_args(%scan3A_66 = %scan3A_58) -> (i32)  : i32 {
          %mul3A_67 = arith.constant 16 : i32
          %mul3A_68 = arith.muli %scan3A_65, %mul3A_67 : i32
          %get3A = arith.index_cast %mul3A_68 : i32 to index
          %get3A_69 = tpu.vector_load %arg11[%get3A] {strides = array<i32>} : memref<80xf32, #tpu.memory_space<vmem>>, vector<16xf32>,
          %mul3A_70 = arith.constant 16 : i32
          %mul3A_71 = arith.muli %scan3A_65, %mul3A_70 : i32
          %add3A_72 = arith.constant 0 : i32
          %add3A_73 = arith.addi %mul3A_71, %add3A_72 : i32
          %slice3A = vector.extract_strided_slice %get3A_69 {offsets = [0], sizes = [1], strides = [1]} : vector<16xf32> to vector<1xf32>
          %squeeze3A = vector.extract %slice3A[0] : f32 from vector<1xf32>
          %get3A_74 = arith.index_cast %add3A_73 : i32 to index
          %get3A_75 = arith.constant 0 : index
          %get3A_76 = tpu.vector_load %arg12[%get3A_74, %get3A_75] {strides = array<i32>} : memref<80x128xf32, #tpu.memory_space<vmem>>, vector<16xf32>,
          %mul3A_77 = vector.broadcast %squeeze3A : f32 to vector<16xf32>
          %mul3A_78 = arith.mulf %get3A_76, %mul3A_77 : vector<16xf32>
          %swap3A = arith.index_cast %add3A_73 : i32 to index
          %swap3A_79 = arith.constant 0 : index
          %swap3A_80 = tpu.vector_load %arg12[%swap3A, %swap3A_79] {strides = array<i32>} : memref<80x128xf32, #tpu.memory_space<vmem>>, vector<16xf32>,
          tpu.vector_store %arg12[%swap3A, %swap3A_79], %mul3A_78 {strides = array<i32>} : memref<80x128xf32, #tpu.memory_space<vmem>>, vector<16xf32>,
          %get3A_81 = arith.index_cast %add3A_73 : i32 to index
          %get3A_82 = arith.constant 16 : index
          %get3A_83 = tpu.vector_load %arg12[%get3A_81, %get3A_82] {strides = array<i32>} : memref<80x128xf32, #tpu.memory_space<vmem>>, vector<16xf32>,
          %mul3A_84 = vector.broadcast %squeeze3A : f32 to vector<16xf32>
          %mul3A_85 = arith.mulf %get3A_83, %mul3A_84 : vector<16xf32>
          %swap3A_86 = arith.index_cast %add3A_73 : i32 to index
          %swap3A_87 = arith.constant 16 : index
          %swap3A_88 = tpu.vector_load %arg12[%swap3A_86, %swap3A_87] {strides = array<i32>} : memref<80x128xf32, #tpu.memory_space<vmem>>, vector<16xf32>,
          tpu.vector_store %arg12[%swap3A_86, %swap3A_87], %mul3A_85 {strides = array<i32>} : memref<80x128xf32, #tpu.memory_space<vmem>>, vector<16xf32>,
          %get3A_89 = arith.index_cast %add3A_73 : i32 to index
          %get3A_90 = arith.constant 32 : index
          %get3A_91 = tpu.vector_load %arg12[%get3A_89, %get3A_90] {strides = array<i32>} : memref<80x128xf32, #tpu.memory_space<vmem>>, vector<16xf32>,
          %mul3A_92 = vector.broadcast %squeeze3A : f32 to vector<16xf32>
          %mul3A_93 = arith.mulf %get3A_91, %mul3A_92 : vector<16xf32>
          %swap3A_94 = arith.index_cast %add3A_73 : i32 to index
          %swap3A_95 = arith.constant 32 : index
          %swap3A_96 = tpu.vector_load %arg12[%swap3A_94, %swap3A_95] {strides = array<i32>} : memref<80x128xf32, #tpu.memory_space<vmem>>, vector<16xf32>,
          tpu.vector_store %arg12[%swap3A_94, %swap3A_95], %mul3A_93 {strides = array<i32>} : memref<80x128xf32, #tpu.memory_space<vmem>>, vector<16xf32>,
          %get3A_97 = arith.index_cast %add3A_73 : i32 to index
          %get3A_98 = arith.constant 48 : index
          %get3A_99 = tpu.vector_load %arg12[%get3A_97, %get3A_98] {strides = array<i32>} : memref<80x128xf32, #tpu.memory_space<vmem>>, vector<16xf32>,
          %mul3A_100 = vector.broadcast %squeeze3A : f32 to vector<16xf32>
          %mul3A_101 = arith.mulf %get3A_99, %mul3A_100 : vector<16xf32>
          %swap3A_102 = arith.index_cast %add3A_73 : i32 to index
          %swap3A_103 = arith.constant 48 : index
          %swap3A_104 = tpu.vector_load %arg12[%swap3A_102, %swap3A_103] {strides = array<i32>} : memref<80x128xf32, #tpu.memory_space<vmem>>, vector<16xf32>,
          tpu.vector_store %arg12[%swap3A_102, %swap3A_103], %mul3A_101 {strides = array<i32>} : memref<80x128xf32, #tpu.memory_space<vmem>>, vector<16xf32>,
          %get3A_105 = arith.index_cast %add3A_73 : i32 to index
          %get3A_106 = arith.constant 64 : index
          %get3A_107 = tpu.vector_load %arg12[%get3A_105, %get3A_106] {strides = array<i32>} : memref<80x128xf32, #tpu.memory_space<vmem>>, vector<16xf32>,
          %mul3A_108 = vector.broadcast %squeeze3A : f32 to vector<16xf32>
          %mul3A_109 = arith.mulf %get3A_107, %mul3A_108 : vector<16xf32>
          %swap3A_110 = arith.index_cast %add3A_73 : i32 to index
          %swap3A_111 = arith.constant 64 : index
          %swap3A_112 = tpu.vector_load %arg12[%swap3A_110, %swap3A_111] {strides = array<i32>} : memref<80x128xf32, #tpu.memory_space<vmem>>, vector<16xf32>,
          tpu.vector_store %arg12[%swap3A_110, %swap3A_111], %mul3A_109 {strides = array<i32>} : memref<80x128xf32, #tpu.memory_space<vmem>>, vector<16xf32>,
          %get3A_113 = arith.index_cast %add3A_73 : i32 to index
          %get3A_114 = arith.constant 80 : index
          %get3A_115 = tpu.vector_load %arg12[%get3A_113, %get3A_114] {strides = array<i32>} : memref<80x128xf32, #tpu.memory_space<vmem>>, vector<16xf32>,
          %mul3A_116 = vector.broadcast %squeeze3A : f32 to vector<16xf32>
          %mul3A_117 = arith.mulf %get3A_115, %mul3A_116 : vector<16xf32>
          %swap3A_118 = arith.index_cast %add3A_73 : i32 to index
          %swap3A_119 = arith.constant 80 : index
          %swap3A_120 = tpu.vector_load %arg12[%swap3A_118, %swap3A_119] {strides = array<i32>} : memref<80x128xf32, #tpu.memory_space<vmem>>, vector<16xf32>,
          tpu.vector_store %arg12[%swap3A_118, %swap3A_119], %mul3A_117 {strides = array<i32>} : memref<80x128xf32, #tpu.memory_space<vmem>>, vector<16xf32>,
          %get3A_121 = arith.index_cast %add3A_73 : i32 to index
          %get3A_122 = arith.constant 96 : index
          %get3A_123 = tpu.vector_load %arg12[%get3A_121, %get3A_122] {strides = array<i32>} : memref<80x128xf32, #tpu.memory_space<vmem>>, vector<16xf32>,
          %mul3A_124 = vector.broadcast %squeeze3A : f32 to vector<16xf32>
          %mul3A_125 = arith.mulf %get3A_123, %mul3A_124 : vector<16xf32>
          %swap3A_126 = arith.index_cast %add3A_73 : i32 to index
          %swap3A_127 = arith.constant 96 : index
          %swap3A_128 = tpu.vector_load %arg12[%swap3A_126, %swap3A_127] {strides = array<i32>} : memref<80x128xf32, #tpu.memory_space<vmem>>, vector<16xf32>,
          tpu.vector_store %arg12[%swap3A_126, %swap3A_127], %mul3A_125 {strides = array<i32>} : memref<80x128xf32, #tpu.memory_space<vmem>>, vector<16xf32>,
          %get3A_129 = arith.index_cast %add3A_73 : i32 to index
          %get3A_130 = arith.constant 112 : index
          %get3A_131 = tpu.vector_load %arg12[%get3A_129, %get3A_130] {strides = array<i32>} : memref<80x128xf32, #tpu.memory_space<vmem>>, vector<16xf32>,
          %mul3A_132 = vector.broadcast %squeeze3A : f32 to vector<16xf32>
          %mul3A_133 = arith.mulf %get3A_131, %mul3A_132 : vector<16xf32>
          %swap3A_134 = arith.index_cast %add3A_73 : i32 to index
          %swap3A_135 = arith.constant 112 : index
          %swap3A_136 = tpu.vector_load %arg12[%swap3A_134, %swap3A_135] {strides = array<i32>} : memref<80x128xf32, #tpu.memory_space<vmem>>, vector<16xf32>,
          tpu.vector_store %arg12[%swap3A_134, %swap3A_135], %mul3A_133 {strides = array<i32>} : memref<80x128xf32, #tpu.memory_space<vmem>>, vector<16xf32>,
          %mul3A_137 = arith.constant 16 : i32
          %mul3A_138 = arith.muli %scan3A_65, %mul3A_137 : i32
          %add3A_139 = arith.constant 1 : i32
          %add3A_140 = arith.addi %mul3A_138, %add3A_139 : i32
          %slice3A_141 = vector.extract_strided_slice %get3A_69 {offsets = [1], sizes = [1], strides = [1]} : vector<16xf32> to vector<1xf32>
          %squeeze3A_142 = vector.extract %slice3A_141[0] : f32 from vector<1xf32>
          %get3A_143 = arith.index_cast %add3A_140 : i32 to index
          %get3A_144 = arith.constant 0 : index
          %get3A_145 = tpu.vector_load %arg12[%get3A_143, %get3A_144] {strides = array<i32>} : memref<80x128xf32, #tpu.memory_space<vmem>>, vector<16xf32>,
          %mul3A_146 = vector.broadcast %squeeze3A_142 : f32 to vector<16xf32>
          %mul3A_147 = arith.mulf %get3A_145, %mul3A_146 : vector<16xf32>
          %swap3A_148 = arith.index_cast %add3A_140 : i32 to index
          %swap3A_149 = arith.constant 0 : index
          %swap3A_150 = tpu.vector_load %arg12[%swap3A_148, %swap3A_149] {strides = array<i32>} : memref<80x128xf32, #tpu.memory_space<vmem>>, vector<16xf32>,
          tpu.vector_store %arg12[%swap3A_148, %swap3A_149], %mul3A_147 {strides = array<i32>} : memref<80x128xf32, #tpu.memory_space<vmem>>, vector<16xf32>,
          %get3A_151 = arith.index_cast %add3A_140 : i32 to index
          %get3A_152 = arith.constant 16 : index
          %get3A_153 = tpu.vector_load %arg12[%get3A_151, %get3A_152] {strides = array<i32>} : memref<80x128xf32, #tpu.memory_space<vmem>>, vector<16xf32>,
          %mul3A_154 = vector.broadcast %squeeze3A_142 : f32 to vector<16xf32>
          %mul3A_155 = arith.mulf %get3A_153, %mul3A_154 : vector<16xf32>
          %swap3A_156 = arith.index_cast %add3A_140 : i32 to index
          %swap3A_157 = arith.constant 16 : index
          %swap3A_158 = tpu.vector_load %arg12[%swap3A_156, %swap3A_157] {strides = array<i32>} : memref<80x128xf32, #tpu.memory_space<vmem>>, vector<16xf32>,
          tpu.vector_store %arg12[%swap3A_156, %swap3A_157], %mul3A_155 {strides = array<i32>} : memref<80x128xf32, #tpu.memory_space<vmem>>, vector<16xf32>,
          %get3A_159 = arith.index_cast %add3A_140 : i32 to index
          %get3A_160 = arith.constant 32 : index
          %get3A_161 = tpu.vector_load %arg12[%get3A_159, %get3A_160] {strides = array<i32>} : memref<80x128xf32, #tpu.memory_space<vmem>>, vector<16xf32>,
          %mul3A_162 = vector.broadcast %squeeze3A_142 : f32 to vector<16xf32>
          %mul3A_163 = arith.mulf %get3A_161, %mul3A_162 : vector<16xf32>
          %swap3A_164 = arith.index_cast %add3A_140 : i32 to index
          %swap3A_165 = arith.constant 32 : index
          %swap3A_166 = tpu.vector_load %arg12[%swap3A_164, %swap3A_165] {strides = array<i32>} : memref<80x128xf32, #tpu.memory_space<vmem>>, vector<16xf32>,
          tpu.vector_store %arg12[%swap3A_164, %swap3A_165], %mul3A_163 {strides = array<i32>} : memref<80x128xf32, #tpu.memory_space<vmem>>, vector<16xf32>,
          %get3A_167 = arith.index_cast %add3A_140 : i32 to index
          %get3A_168 = arith.constant 48 : index
          %get3A_169 = tpu.vector_load %arg12[%get3A_167, %get3A_168] {strides = array<i32>} : memref<80x128xf32, #tpu.memory_space<vmem>>, vector<16xf32>,
          %mul3A_170 = vector.broadcast %squeeze3A_142 : f32 to vector<16xf32>
          %mul3A_171 = arith.mulf %get3A_169, %mul3A_170 : vector<16xf32>
          %swap3A_172 = arith.index_cast %add3A_140 : i32 to index
          %swap3A_173 = arith.constant 48 : index
          %swap3A_174 = tpu.vector_load %arg12[%swap3A_172, %swap3A_173] {strides = array<i32>} : memref<80x128xf32, #tpu.memory_space<vmem>>, vector<16xf32>,
          tpu.vector_store %arg12[%swap3A_172, %swap3A_173], %mul3A_171 {strides = array<i32>} : memref<80x128xf32, #tpu.memory_space<vmem>>, vector<16xf32>,
          %get3A_175 = arith.index_cast %add3A_140 : i32 to index
          %get3A_176 = arith.constant 64 : index
          %get3A_177 = tpu.vector_load %arg12[%get3A_175, %get3A_176] {strides = array<i32>} : memref<80x128xf32, #tpu.memory_space<vmem>>, vector<16xf32>,
          %mul3A_178 = vector.broadcast %squeeze3A_142 : f32 to vector<16xf32>
          %mul3A_179 = arith.mulf %get3A_177, %mul3A_178 : vector<16xf32>
          %swap3A_180 = arith.index_cast %add3A_140 : i32 to index
          %swap3A_181 = arith.constant 64 : index
          %swap3A_182 = tpu.vector_load %arg12[%swap3A_180, %swap3A_181] {strides = array<i32>} : memref<80x128xf32, #tpu.memory_space<vmem>>, vector<16xf32>,
          tpu.vector_store %arg12[%swap3A_180, %swap3A_181], %mul3A_179 {strides = array<i32>} : memref<80x128xf32, #tpu.memory_space<vmem>>, vector<16xf32>,
          %get3A_183 = arith.index_cast %add3A_140 : i32 to index
          %get3A_184 = arith.constant 80 : index
          %get3A_185 = tpu.vector_load %arg12[%get3A_183, %get3A_184] {strides = array<i32>} : memref<80x128xf32, #tpu.memory_space<vmem>>, vector<16xf32>,
          %mul3A_186 = vector.broadcast %squeeze3A_142 : f32 to vector<16xf32>
          %mul3A_187 = arith.mulf %get3A_185, %mul3A_186 : vector<16xf32>
          %swap3A_188 = arith.index_cast %add3A_140 : i32 to index
          %swap3A_189 = arith.constant 80 : index
          %swap3A_190 = tpu.vector_load %arg12[%swap3A_188, %swap3A_189] {strides = array<i32>} : memref<80x128xf32, #tpu.memory_space<vmem>>, vector<16xf32>,
          tpu.vector_store %arg12[%swap3A_188, %swap3A_189], %mul3A_187 {strides = array<i32>} : memref<80x128xf32, #tpu.memory_space<vmem>>, vector<16xf32>,
          %get3A_191 = arith.index_cast %add3A_140 : i32 to index
          %get3A_192 = arith.constant 96 : index
          %get3A_193 = tpu.vector_load %arg12[%get3A_191, %get3A_192] {strides = array<i32>} : memref<80x128xf32, #tpu.memory_space<vmem>>, vector<16xf32>,
          %mul3A_194 = vector.broadcast %squeeze3A_142 : f32 to vector<16xf32>
          %mul3A_195 = arith.mulf %get3A_193, %mul3A_194 : vector<16xf32>
          %swap3A_196 = arith.index_cast %add3A_140 : i32 to index
          %swap3A_197 = arith.constant 96 : index
          %swap3A_198 = tpu.vector_load %arg12[%swap3A_196, %swap3A_197] {strides = array<i32>} : memref<80x128xf32, #tpu.memory_space<vmem>>, vector<16xf32>,
          tpu.vector_store %arg12[%swap3A_196, %swap3A_197], %mul3A_195 {strides = array<i32>} : memref<80x128xf32, #tpu.memory_space<vmem>>, vector<16xf32>,
          %get3A_199 = arith.index_cast %add3A_140 : i32 to index
          %get3A_200 = arith.constant 112 : index
          %get3A_201 = tpu.vector_load %arg12[%get3A_199, %get3A_200] {strides = array<i32>} : memref<80x128xf32, #tpu.memory_space<vmem>>, vector<16xf32>,
          %mul3A_202 = vector.broadcast %squeeze3A_142 : f32 to vector<16xf32>
          %mul3A_203 = arith.mulf %get3A_201, %mul3A_202 : vector<16xf32>
          %swap3A_204 = arith.index_cast %add3A_140 : i32 to index
          %swap3A_205 = arith.constant 112 : index
          %swap3A_206 = tpu.vector_load %arg12[%swap3A_204, %swap3A_205] {strides = array<i32>} : memref<80x128xf32, #tpu.memory_space<vmem>>, vector<16xf32>,
          tpu.vector_store %arg12[%swap3A_204, %swap3A_205], %mul3A_203 {strides = array<i32>} : memref<80x128xf32, #tpu.memory_space<vmem>>, vector<16xf32>,
          %mul3A_207 = arith.constant 16 : i32
          %mul3A_208 = arith.muli %scan3A_65, %mul3A_207 : i32
          %add3A_209 = arith.constant 2 : i32
          %add3A_210 = arith.addi %mul3A_208, %add3A_209 : i32
          %slice3A_211 = vector.extract_strided_slice %get3A_69 {offsets = [2], sizes = [1], strides = [1]} : vector<16xf32> to vector<1xf32>
          %squeeze3A_212 = vector.extract %slice3A_211[0] : f32 from vector<1xf32>
          %get3A_213 = arith.index_cast %add3A_210 : i32 to index
          %get3A_214 = arith.constant 0 : index
          %get3A_215 = tpu.vector_load %arg12[%get3A_213, %get3A_214] {strides = array<i32>} : memref<80x128xf32, #tpu.memory_space<vmem>>, vector<16xf32>,
          %mul3A_216 = vector.broadcast %squeeze3A_212 : f32 to vector<16xf32>
          %mul3A_217 = arith.mulf %get3A_215, %mul3A_216 : vector<16xf32>
          %swap3A_218 = arith.index_cast %add3A_210 : i32 to index
          %swap3A_219 = arith.constant 0 : index
          %swap3A_220 = tpu.vector_load %arg12[%swap3A_218, %swap3A_219] {strides = array<i32>} : memref<80x128xf32, #tpu.memory_space<vmem>>, vector<16xf32>,
          tpu.vector_store %arg12[%swap3A_218, %swap3A_219], %mul3A_217 {strides = array<i32>} : memref<80x128xf32, #tpu.memory_space<vmem>>, vector<16xf32>,
          %get3A_221 = arith.index_cast %add3A_210 : i32 to index
          %get3A_222 = arith.constant 16 : index
          %get3A_223 = tpu.vector_load %arg12[%get3A_221, %get3A_222] {strides = array<i32>} : memref<80x128xf32, #tpu.memory_space<vmem>>, vector<16xf32>,
          %mul3A_224 = vector.broadcast %squeeze3A_212 : f32 to vector<16xf32>
          %mul3A_225 = arith.mulf %get3A_223, %mul3A_224 : vector<16xf32>
          %swap3A_226 = arith.index_cast %add3A_210 : i32 to index
          %swap3A_227 = arith.constant 16 : index
          %swap3A_228 = tpu.vector_load %arg12[%swap3A_226, %swap3A_227] {strides = array<i32>} : memref<80x128xf32, #tpu.memory_space<vmem>>, vector<16xf32>,
          tpu.vector_store %arg12[%swap3A_226, %swap3A_227], %mul3A_225 {strides = array<i32>} : memref<80x128xf32, #tpu.memory_space<vmem>>, vector<16xf32>,
          %get3A_229 = arith.index_cast %add3A_210 : i32 to index
          %get3A_230 = arith.constant 32 : index
          %get3A_231 = tpu.vector_load %arg12[%get3A_229, %get3A_230] {strides = array<i32>} : memref<80x128xf32, #tpu.memory_space<vmem>>, vector<16xf32>,
          %mul3A_232 = vector.broadcast %squeeze3A_212 : f32 to vector<16xf32>
          %mul3A_233 = arith.mulf %get3A_231, %mul3A_232 : vector<16xf32>
          %swap3A_234 = arith.index_cast %add3A_210 : i32 to index
          %swap3A_235 = arith.constant 32 : index
          %swap3A_236 = tpu.vector_load %arg12[%swap3A_234, %swap3A_235] {strides = array<i32>} : memref<80x128xf32, #tpu.memory_space<vmem>>, vector<16xf32>,
          tpu.vector_store %arg12[%swap3A_234, %swap3A_235], %mul3A_233 {strides = array<i32>} : memref<80x128xf32, #tpu.memory_space<vmem>>, vector<16xf32>,
          %get3A_237 = arith.index_cast %add3A_210 : i32 to index
          %get3A_238 = arith.constant 48 : index
          %get3A_239 = tpu.vector_load %arg12[%get3A_237, %get3A_238] {strides = array<i32>} : memref<80x128xf32, #tpu.memory_space<vmem>>, vector<16xf32>,
          %mul3A_240 = vector.broadcast %squeeze3A_212 : f32 to vector<16xf32>
          %mul3A_241 = arith.mulf %get3A_239, %mul3A_240 : vector<16xf32>
          %swap3A_242 = arith.index_cast %add3A_210 : i32 to index
          %swap3A_243 = arith.constant 48 : index
          %swap3A_244 = tpu.vector_load %arg12[%swap3A_242, %swap3A_243] {strides = array<i32>} : memref<80x128xf32, #tpu.memory_space<vmem>>, vector<16xf32>,
          tpu.vector_store %arg12[%swap3A_242, %swap3A_243], %mul3A_241 {strides = array<i32>} : memref<80x128xf32, #tpu.memory_space<vmem>>, vector<16xf32>,
          %get3A_245 = arith.index_cast %add3A_210 : i32 to index
          %get3A_246 = arith.constant 64 : index
          %get3A_247 = tpu.vector_load %arg12[%get3A_245, %get3A_246] {strides = array<i32>} : memref<80x128xf32, #tpu.memory_space<vmem>>, vector<16xf32>,
          %mul3A_248 = vector.broadcast %squeeze3A_212 : f32 to vector<16xf32>
          %mul3A_249 = arith.mulf %get3A_247, %mul3A_248 : vector<16xf32>
          %swap3A_250 = arith.index_cast %add3A_210 : i32 to index
          %swap3A_251 = arith.constant 64 : index
          %swap3A_252 = tpu.vector_load %arg12[%swap3A_250, %swap3A_251] {strides = array<i32>} : memref<80x128xf32, #tpu.memory_space<vmem>>, vector<16xf32>,
          tpu.vector_store %arg12[%swap3A_250, %swap3A_251], %mul3A_249 {strides = array<i32>} : memref<80x128xf32, #tpu.memory_space<vmem>>, vector<16xf32>,
          %get3A_253 = arith.index_cast %add3A_210 : i32 to index
          %get3A_254 = arith.constant 80 : index
          %get3A_255 = tpu.vector_load %arg12[%get3A_253, %get3A_254] {strides = array<i32>} : memref<80x128xf32, #tpu.memory_space<vmem>>, vector<16xf32>,
          %mul3A_256 = vector.broadcast %squeeze3A_212 : f32 to vector<16xf32>
          %mul3A_257 = arith.mulf %get3A_255, %mul3A_256 : vector<16xf32>
          %swap3A_258 = arith.index_cast %add3A_210 : i32 to index
          %swap3A_259 = arith.constant 80 : index
          %swap3A_260 = tpu.vector_load %arg12[%swap3A_258, %swap3A_259] {strides = array<i32>} : memref<80x128xf32, #tpu.memory_space<vmem>>, vector<16xf32>,
          tpu.vector_store %arg12[%swap3A_258, %swap3A_259], %mul3A_257 {strides = array<i32>} : memref<80x128xf32, #tpu.memory_space<vmem>>, vector<16xf32>,
          %get3A_261 = arith.index_cast %add3A_210 : i32 to index
          %get3A_262 = arith.constant 96 : index
          %get3A_263 = tpu.vector_load %arg12[%get3A_261, %get3A_262] {strides = array<i32>} : memref<80x128xf32, #tpu.memory_space<vmem>>, vector<16xf32>,
          %mul3A_264 = vector.broadcast %squeeze3A_212 : f32 to vector<16xf32>
          %mul3A_265 = arith.mulf %get3A_263, %mul3A_264 : vector<16xf32>
          %swap3A_266 = arith.index_cast %add3A_210 : i32 to index
          %swap3A_267 = arith.constant 96 : index
          %swap3A_268 = tpu.vector_load %arg12[%swap3A_266, %swap3A_267] {strides = array<i32>} : memref<80x128xf32, #tpu.memory_space<vmem>>, vector<16xf32>,
          tpu.vector_store %arg12[%swap3A_266, %swap3A_267], %mul3A_265 {strides = array<i32>} : memref<80x128xf32, #tpu.memory_space<vmem>>, vector<16xf32>,
          %get3A_269 = arith.index_cast %add3A_210 : i32 to index
          %get3A_270 = arith.constant 112 : index
          %get3A_271 = tpu.vector_load %arg12[%get3A_269, %get3A_270] {strides = array<i32>} : memref<80x128xf32, #tpu.memory_space<vmem>>, vector<16xf32>,
          %mul3A_272 = vector.broadcast %squeeze3A_212 : f32 to vector<16xf32>
          %mul3A_273 = arith.mulf %get3A_271, %mul3A_272 : vector<16xf32>
          %swap3A_274 = arith.index_cast %add3A_210 : i32 to index
          %swap3A_275 = arith.constant 112 : index
          %swap3A_276 = tpu.vector_load %arg12[%swap3A_274, %swap3A_275] {strides = array<i32>} : memref<80x128xf32, #tpu.memory_space<vmem>>, vector<16xf32>,
          tpu.vector_store %arg12[%swap3A_274, %swap3A_275], %mul3A_273 {strides = array<i32>} : memref<80x128xf32, #tpu.memory_space<vmem>>, vector<16xf32>,
          %mul3A_277 = arith.constant 16 : i32
          %mul3A_278 = arith.muli %scan3A_65, %mul3A_277 : i32
          %add3A_279 = arith.constant 3 : i32
          %add3A_280 = arith.addi %mul3A_278, %add3A_279 : i32
          %slice3A_281 = vector.extract_strided_slice %get3A_69 {offsets = [3], sizes = [1], strides = [1]} : vector<16xf32> to vector<1xf32>
          %squeeze3A_282 = vector.extract %slice3A_281[0] : f32 from vector<1xf32>
          %get3A_283 = arith.index_cast %add3A_280 : i32 to index
          %get3A_284 = arith.constant 0 : index
          %get3A_285 = tpu.vector_load %arg12[%get3A_283, %get3A_284] {strides = array<i32>} : memref<80x128xf32, #tpu.memory_space<vmem>>, vector<16xf32>,
          %mul3A_286 = vector.broadcast %squeeze3A_282 : f32 to vector<16xf32>
          %mul3A_287 = arith.mulf %get3A_285, %mul3A_286 : vector<16xf32>
          %swap3A_288 = arith.index_cast %add3A_280 : i32 to index
          %swap3A_289 = arith.constant 0 : index
          %swap3A_290 = tpu.vector_load %arg12[%swap3A_288, %swap3A_289] {strides = array<i32>} : memref<80x128xf32, #tpu.memory_space<vmem>>, vector<16xf32>,
          tpu.vector_store %arg12[%swap3A_288, %swap3A_289], %mul3A_287 {strides = array<i32>} : memref<80x128xf32, #tpu.memory_space<vmem>>, vector<16xf32>,
          %get3A_291 = arith.index_cast %add3A_280 : i32 to index
          %get3A_292 = arith.constant 16 : index
          %get3A_293 = tpu.vector_load %arg12[%get3A_291, %get3A_292] {strides = array<i32>} : memref<80x128xf32, #tpu.memory_space<vmem>>, vector<16xf32>,
          %mul3A_294 = vector.broadcast %squeeze3A_282 : f32 to vector<16xf32>
          %mul3A_295 = arith.mulf %get3A_293, %mul3A_294 : vector<16xf32>
          %swap3A_296 = arith.index_cast %add3A_280 : i32 to index
          %swap3A_297 = arith.constant 16 : index
          %swap3A_298 = tpu.vector_load %arg12[%swap3A_296, %swap3A_297] {strides = array<i32>} : memref<80x128xf32, #tpu.memory_space<vmem>>, vector<16xf32>,
          tpu.vector_store %arg12[%swap3A_296, %swap3A_297], %mul3A_295 {strides = array<i32>} : memref<80x128xf32, #tpu.memory_space<vmem>>, vector<16xf32>,
          %get3A_299 = arith.index_cast %add3A_280 : i32 to index
          %get3A_300 = arith.constant 32 : index
          %get3A_301 = tpu.vector_load %arg12[%get3A_299, %get3A_300] {strides = array<i32>} : memref<80x128xf32, #tpu.memory_space<vmem>>, vector<16xf32>,
          %mul3A_302 = vector.broadcast %squeeze3A_282 : f32 to vector<16xf32>
          %mul3A_303 = arith.mulf %get3A_301, %mul3A_302 : vector<16xf32>
          %swap3A_304 = arith.index_cast %add3A_280 : i32 to index
          %swap3A_305 = arith.constant 32 : index
          %swap3A_306 = tpu.vector_load %arg12[%swap3A_304, %swap3A_305] {strides = array<i32>} : memref<80x128xf32, #tpu.memory_space<vmem>>, vector<16xf32>,
          tpu.vector_store %arg12[%swap3A_304, %swap3A_305], %mul3A_303 {strides = array<i32>} : memref<80x128xf32, #tpu.memory_space<vmem>>, vector<16xf32>,
          %get3A_307 = arith.index_cast %add3A_280 : i32 to index
          %get3A_308 = arith.constant 48 : index
          %get3A_309 = tpu.vector_load %arg12[%get3A_307, %get3A_308] {strides = array<i32>} : memref<80x128xf32, #tpu.memory_space<vmem>>, vector<16xf32>,
          %mul3A_310 = vector.broadcast %squeeze3A_282 : f32 to vector<16xf32>
          %mul3A_311 = arith.mulf %get3A_309, %mul3A_310 : vector<16xf32>
          %swap3A_312 = arith.index_cast %add3A_280 : i32 to index
          %swap3A_313 = arith.constant 48 : index
          %swap3A_314 = tpu.vector_load %arg12[%swap3A_312, %swap3A_313] {strides = array<i32>} : memref<80x128xf32, #tpu.memory_space<vmem>>, vector<16xf32>,
          tpu.vector_store %arg12[%swap3A_312, %swap3A_313], %mul3A_311 {strides = array<i32>} : memref<80x128xf32, #tpu.memory_space<vmem>>, vector<16xf32>,
          %get3A_315 = arith.index_cast %add3A_280 : i32 to index
          %get3A_316 = arith.constant 64 : index
          %get3A_317 = tpu.vector_load %arg12[%get3A_315, %get3A_316] {strides = array<i32>} : memref<80x128xf32, #tpu.memory_space<vmem>>, vector<16xf32>,
          %mul3A_318 = vector.broadcast %squeeze3A_282 : f32 to vector<16xf32>
          %mul3A_319 = arith.mulf %get3A_317, %mul3A_318 : vector<16xf32>
          %swap3A_320 = arith.index_cast %add3A_280 : i32 to index
          %swap3A_321 = arith.constant 64 : index
          %swap3A_322 = tpu.vector_load %arg12[%swap3A_320, %swap3A_321] {strides = array<i32>} : memref<80x128xf32, #tpu.memory_space<vmem>>, vector<16xf32>,
          tpu.vector_store %arg12[%swap3A_320, %swap3A_321], %mul3A_319 {strides = array<i32>} : memref<80x128xf32, #tpu.memory_space<vmem>>, vector<16xf32>,
          %get3A_323 = arith.index_cast %add3A_280 : i32 to index
          %get3A_324 = arith.constant 80 : index
          %get3A_325 = tpu.vector_load %arg12[%get3A_323, %get3A_324] {strides = array<i32>} : memref<80x128xf32, #tpu.memory_space<vmem>>, vector<16xf32>,
          %mul3A_326 = vector.broadcast %squeeze3A_282 : f32 to vector<16xf32>
          %mul3A_327 = arith.mulf %get3A_325, %mul3A_326 : vector<16xf32>
          %swap3A_328 = arith.index_cast %add3A_280 : i32 to index
          %swap3A_329 = arith.constant 80 : index
          %swap3A_330 = tpu.vector_load %arg12[%swap3A_328, %swap3A_329] {strides = array<i32>} : memref<80x128xf32, #tpu.memory_space<vmem>>, vector<16xf32>,
          tpu.vector_store %arg12[%swap3A_328, %swap3A_329], %mul3A_327 {strides = array<i32>} : memref<80x128xf32, #tpu.memory_space<vmem>>, vector<16xf32>,
          %get3A_331 = arith.index_cast %add3A_280 : i32 to index
          %get3A_332 = arith.constant 96 : index
          %get3A_333 = tpu.vector_load %arg12[%get3A_331, %get3A_332] {strides = array<i32>} : memref<80x128xf32, #tpu.memory_space<vmem>>, vector<16xf32>,
          %mul3A_334 = vector.broadcast %squeeze3A_282 : f32 to vector<16xf32>
          %mul3A_335 = arith.mulf %get3A_333, %mul3A_334 : vector<16xf32>
          %swap3A_336 = arith.index_cast %add3A_280 : i32 to index
          %swap3A_337 = arith.constant 96 : index
          %swap3A_338 = tpu.vector_load %arg12[%swap3A_336, %swap3A_337] {strides = array<i32>} : memref<80x128xf32, #tpu.memory_space<vmem>>, vector<16xf32>,
          tpu.vector_store %arg12[%swap3A_336, %swap3A_337], %mul3A_335 {strides = array<i32>} : memref<80x128xf32, #tpu.memory_space<vmem>>, vector<16xf32>,
          %get3A_339 = arith.index_cast %add3A_280 : i32 to index
          %get3A_340 = arith.constant 112 : index
          %get3A_341 = tpu.vector_load %arg12[%get3A_339, %get3A_340] {strides = array<i32>} : memref<80x128xf32, #tpu.memory_space<vmem>>, vector<16xf32>,
          %mul3A_342 = vector.broadcast %squeeze3A_282 : f32 to vector<16xf32>
          %mul3A_343 = arith.mulf %get3A_341, %mul3A_342 : vector<16xf32>
          %swap3A_344 = arith.index_cast %add3A_280 : i32 to index
          %swap3A_345 = arith.constant 112 : index
          %swap3A_346 = tpu.vector_load %arg12[%swap3A_344, %swap3A_345] {strides = array<i32>} : memref<80x128xf32, #tpu.memory_space<vmem>>, vector<16xf32>,
          tpu.vector_store %arg12[%swap3A_344, %swap3A_345], %mul3A_343 {strides = array<i32>} : memref<80x128xf32, #tpu.memory_space<vmem>>, vector<16xf32>,
          %mul3A_347 = arith.constant 16 : i32
          %mul3A_348 = arith.muli %scan3A_65, %mul3A_347 : i32
          %add3A_349 = arith.constant 4 : i32
          %add3A_350 = arith.addi %mul3A_348, %add3A_349 : i32
          %slice3A_351 = vector.extract_strided_slice %get3A_69 {offsets = [4], sizes = [1], strides = [1]} : vector<16xf32> to vector<1xf32>
          %squeeze3A_352 = vector.extract %slice3A_351[0] : f32 from vector<1xf32>
          %get3A_353 = arith.index_cast %add3A_350 : i32 to index
          %get3A_354 = arith.constant 0 : index
          %get3A_355 = tpu.vector_load %arg12[%get3A_353, %get3A_354] {strides = array<i32>} : memref<80x128xf32, #tpu.memory_space<vmem>>, vector<16xf32>,
          %mul3A_356 = vector.broadcast %squeeze3A_352 : f32 to vector<16xf32>
          %mul3A_357 = arith.mulf %get3A_355, %mul3A_356 : vector<16xf32>
          %swap3A_358 = arith.index_cast %add3A_350 : i32 to index
          %swap3A_359 = arith.constant 0 : index
          %swap3A_360 = tpu.vector_load %arg12[%swap3A_358, %swap3A_359] {strides = array<i32>} : memref<80x128xf32, #tpu.memory_space<vmem>>, vector<16xf32>,
          tpu.vector_store %arg12[%swap3A_358, %swap3A_359], %mul3A_357 {strides = array<i32>} : memref<80x128xf32, #tpu.memory_space<vmem>>, vector<16xf32>,
          %get3A_361 = arith.index_cast %add3A_350 : i32 to index
          %get3A_362 = arith.constant 16 : index
          %get3A_363 = tpu.vector_load %arg12[%get3A_361, %get3A_362] {strides = array<i32>} : memref<80x128xf32, #tpu.memory_space<vmem>>, vector<16xf32>,
          %mul3A_364 = vector.broadcast %squeeze3A_352 : f32 to vector<16xf32>
          %mul3A_365 = arith.mulf %get3A_363, %mul3A_364 : vector<16xf32>
          %swap3A_366 = arith.index_cast %add3A_350 : i32 to index
          %swap3A_367 = arith.constant 16 : index
          %swap3A_368 = tpu.vector_load %arg12[%swap3A_366, %swap3A_367] {strides = array<i32>} : memref<80x128xf32, #tpu.memory_space<vmem>>, vector<16xf32>,
          tpu.vector_store %arg12[%swap3A_366, %swap3A_367], %mul3A_365 {strides = array<i32>} : memref<80x128xf32, #tpu.memory_space<vmem>>, vector<16xf32>,
          %get3A_369 = arith.index_cast %add3A_350 : i32 to index
          %get3A_370 = arith.constant 32 : index
          %get3A_371 = tpu.vector_load %arg12[%get3A_369, %get3A_370] {strides = array<i32>} : memref<80x128xf32, #tpu.memory_space<vmem>>, vector<16xf32>,
          %mul3A_372 = vector.broadcast %squeeze3A_352 : f32 to vector<16xf32>
          %mul3A_373 = arith.mulf %get3A_371, %mul3A_372 : vector<16xf32>
          %swap3A_374 = arith.index_cast %add3A_350 : i32 to index
          %swap3A_375 = arith.constant 32 : index
          %swap3A_376 = tpu.vector_load %arg12[%swap3A_374, %swap3A_375] {strides = array<i32>} : memref<80x128xf32, #tpu.memory_space<vmem>>, vector<16xf32>,
          tpu.vector_store %arg12[%swap3A_374, %swap3A_375], %mul3A_373 {strides = array<i32>} : memref<80x128xf32, #tpu.memory_space<vmem>>, vector<16xf32>,
          %get3A_377 = arith.index_cast %add3A_350 : i32 to index
          %get3A_378 = arith.constant 48 : index
          %get3A_379 = tpu.vector_load %arg12[%get3A_377, %get3A_378] {strides = array<i32>} : memref<80x128xf32, #tpu.memory_space<vmem>>, vector<16xf32>,
          %mul3A_380 = vector.broadcast %squeeze3A_352 : f32 to vector<16xf32>
          %mul3A_381 = arith.mulf %get3A_379, %mul3A_380 : vector<16xf32>
          %swap3A_382 = arith.index_cast %add3A_350 : i32 to index
          %swap3A_383 = arith.constant 48 : index
          %swap3A_384 = tpu.vector_load %arg12[%swap3A_382, %swap3A_383] {strides = array<i32>} : memref<80x128xf32, #tpu.memory_space<vmem>>, vector<16xf32>,
          tpu.vector_store %arg12[%swap3A_382, %swap3A_383], %mul3A_381 {strides = array<i32>} : memref<80x128xf32, #tpu.memory_space<vmem>>, vector<16xf32>,
          %get3A_385 = arith.index_cast %add3A_350 : i32 to index
          %get3A_386 = arith.constant 64 : index
          %get3A_387 = tpu.vector_load %arg12[%get3A_385, %get3A_386] {strides = array<i32>} : memref<80x128xf32, #tpu.memory_space<vmem>>, vector<16xf32>,
          %mul3A_388 = vector.broadcast %squeeze3A_352 : f32 to vector<16xf32>
          %mul3A_389 = arith.mulf %get3A_387, %mul3A_388 : vector<16xf32>
          %swap3A_390 = arith.index_cast %add3A_350 : i32 to index
          %swap3A_391 = arith.constant 64 : index
          %swap3A_392 = tpu.vector_load %arg12[%swap3A_390, %swap3A_391] {strides = array<i32>} : memref<80x128xf32, #tpu.memory_space<vmem>>, vector<16xf32>,
          tpu.vector_store %arg12[%swap3A_390, %swap3A_391], %mul3A_389 {strides = array<i32>} : memref<80x128xf32, #tpu.memory_space<vmem>>, vector<16xf32>,
          %get3A_393 = arith.index_cast %add3A_350 : i32 to index
          %get3A_394 = arith.constant 80 : index
          %get3A_395 = tpu.vector_load %arg12[%get3A_393, %get3A_394] {strides = array<i32>} : memref<80x128xf32, #tpu.memory_space<vmem>>, vector<16xf32>,
          %mul3A_396 = vector.broadcast %squeeze3A_352 : f32 to vector<16xf32>
          %mul3A_397 = arith.mulf %get3A_395, %mul3A_396 : vector<16xf32>
          %swap3A_398 = arith.index_cast %add3A_350 : i32 to index
          %swap3A_399 = arith.constant 80 : index
          %swap3A_400 = tpu.vector_load %arg12[%swap3A_398, %swap3A_399] {strides = array<i32>} : memref<80x128xf32, #tpu.memory_space<vmem>>, vector<16xf32>,
          tpu.vector_store %arg12[%swap3A_398, %swap3A_399], %mul3A_397 {strides = array<i32>} : memref<80x128xf32, #tpu.memory_space<vmem>>, vector<16xf32>,
          %get3A_401 = arith.index_cast %add3A_350 : i32 to index
          %get3A_402 = arith.constant 96 : index
          %get3A_403 = tpu.vector_load %arg12[%get3A_401, %get3A_402] {strides = array<i32>} : memref<80x128xf32, #tpu.memory_space<vmem>>, vector<16xf32>,
          %mul3A_404 = vector.broadcast %squeeze3A_352 : f32 to vector<16xf32>
          %mul3A_405 = arith.mulf %get3A_403, %mul3A_404 : vector<16xf32>
          %swap3A_406 = arith.index_cast %add3A_350 : i32 to index
          %swap3A_407 = arith.constant 96 : index
          %swap3A_408 = tpu.vector_load %arg12[%swap3A_406, %swap3A_407] {strides = array<i32>} : memref<80x128xf32, #tpu.memory_space<vmem>>, vector<16xf32>,
          tpu.vector_store %arg12[%swap3A_406, %swap3A_407], %mul3A_405 {strides = array<i32>} : memref<80x128xf32, #tpu.memory_space<vmem>>, vector<16xf32>,
          %get3A_409 = arith.index_cast %add3A_350 : i32 to index
          %get3A_410 = arith.constant 112 : index
          %get3A_411 = tpu.vector_load %arg12[%get3A_409, %get3A_410] {strides = array<i32>} : memref<80x128xf32, #tpu.memory_space<vmem>>, vector<16xf32>,
          %mul3A_412 = vector.broadcast %squeeze3A_352 : f32 to vector<16xf32>
          %mul3A_413 = arith.mulf %get3A_411, %mul3A_412 : vector<16xf32>
          %swap3A_414 = arith.index_cast %add3A_350 : i32 to index
          %swap3A_415 = arith.constant 112 : index
          %swap3A_416 = tpu.vector_load %arg12[%swap3A_414, %swap3A_415] {strides = array<i32>} : memref<80x128xf32, #tpu.memory_space<vmem>>, vector<16xf32>,
          tpu.vector_store %arg12[%swap3A_414, %swap3A_415], %mul3A_413 {strides = array<i32>} : memref<80x128xf32, #tpu.memory_space<vmem>>, vector<16xf32>,
          %mul3A_417 = arith.constant 16 : i32
          %mul3A_418 = arith.muli %scan3A_65, %mul3A_417 : i32
          %add3A_419 = arith.constant 5 : i32
          %add3A_420 = arith.addi %mul3A_418, %add3A_419 : i32
          %slice3A_421 = vector.extract_strided_slice %get3A_69 {offsets = [5], sizes = [1], strides = [1]} : vector<16xf32> to vector<1xf32>
          %squeeze3A_422 = vector.extract %slice3A_421[0] : f32 from vector<1xf32>
          %get3A_423 = arith.index_cast %add3A_420 : i32 to index
          %get3A_424 = arith.constant 0 : index
          %get3A_425 = tpu.vector_load %arg12[%get3A_423, %get3A_424] {strides = array<i32>} : memref<80x128xf32, #tpu.memory_space<vmem>>, vector<16xf32>,
          %mul3A_426 = vector.broadcast %squeeze3A_422 : f32 to vector<16xf32>
          %mul3A_427 = arith.mulf %get3A_425, %mul3A_426 : vector<16xf32>
          %swap3A_428 = arith.index_cast %add3A_420 : i32 to index
          %swap3A_429 = arith.constant 0 : index
          %swap3A_430 = tpu.vector_load %arg12[%swap3A_428, %swap3A_429] {strides = array<i32>} : memref<80x128xf32, #tpu.memory_space<vmem>>, vector<16xf32>,
          tpu.vector_store %arg12[%swap3A_428, %swap3A_429], %mul3A_427 {strides = array<i32>} : memref<80x128xf32, #tpu.memory_space<vmem>>, vector<16xf32>,
          %get3A_431 = arith.index_cast %add3A_420 : i32 to index
          %get3A_432 = arith.constant 16 : index
          %get3A_433 = tpu.vector_load %arg12[%get3A_431, %get3A_432] {strides = array<i32>} : memref<80x128xf32, #tpu.memory_space<vmem>>, vector<16xf32>,
          %mul3A_434 = vector.broadcast %squeeze3A_422 : f32 to vector<16xf32>
          %mul3A_435 = arith.mulf %get3A_433, %mul3A_434 : vector<16xf32>
          %swap3A_436 = arith.index_cast %add3A_420 : i32 to index
          %swap3A_437 = arith.constant 16 : index
          %swap3A_438 = tpu.vector_load %arg12[%swap3A_436, %swap3A_437] {strides = array<i32>} : memref<80x128xf32, #tpu.memory_space<vmem>>, vector<16xf32>,
          tpu.vector_store %arg12[%swap3A_436, %swap3A_437], %mul3A_435 {strides = array<i32>} : memref<80x128xf32, #tpu.memory_space<vmem>>, vector<16xf32>,
          %get3A_439 = arith.index_cast %add3A_420 : i32 to index
          %get3A_440 = arith.constant 32 : index
          %get3A_441 = tpu.vector_load %arg12[%get3A_439, %get3A_440] {strides = array<i32>} : memref<80x128xf32, #tpu.memory_space<vmem>>, vector<16xf32>,
          %mul3A_442 = vector.broadcast %squeeze3A_422 : f32 to vector<16xf32>
          %mul3A_443 = arith.mulf %get3A_441, %mul3A_442 : vector<16xf32>
          %swap3A_444 = arith.index_cast %add3A_420 : i32 to index
          %swap3A_445 = arith.constant 32 : index
          %swap3A_446 = tpu.vector_load %arg12[%swap3A_444, %swap3A_445] {strides = array<i32>} : memref<80x128xf32, #tpu.memory_space<vmem>>, vector<16xf32>,
          tpu.vector_store %arg12[%swap3A_444, %swap3A_445], %mul3A_443 {strides = array<i32>} : memref<80x128xf32, #tpu.memory_space<vmem>>, vector<16xf32>,
          %get3A_447 = arith.index_cast %add3A_420 : i32 to index
          %get3A_448 = arith.constant 48 : index
          %get3A_449 = tpu.vector_load %arg12[%get3A_447, %get3A_448] {strides = array<i32>} : memref<80x128xf32, #tpu.memory_space<vmem>>, vector<16xf32>,
          %mul3A_450 = vector.broadcast %squeeze3A_422 : f32 to vector<16xf32>
          %mul3A_451 = arith.mulf %get3A_449, %mul3A_450 : vector<16xf32>
          %swap3A_452 = arith.index_cast %add3A_420 : i32 to index
          %swap3A_453 = arith.constant 48 : index
          %swap3A_454 = tpu.vector_load %arg12[%swap3A_452, %swap3A_453] {strides = array<i32>} : memref<80x128xf32, #tpu.memory_space<vmem>>, vector<16xf32>,
          tpu.vector_store %arg12[%swap3A_452, %swap3A_453], %mul3A_451 {strides = array<i32>} : memref<80x128xf32, #tpu.memory_space<vmem>>, vector<16xf32>,
          %get3A_455 = arith.index_cast %add3A_420 : i32 to index
          %get3A_456 = arith.constant 64 : index
          %get3A_457 = tpu.vector_load %arg12[%get3A_455, %get3A_456] {strides = array<i32>} : memref<80x128xf32, #tpu.memory_space<vmem>>, vector<16xf32>,
          %mul3A_458 = vector.broadcast %squeeze3A_422 : f32 to vector<16xf32>
          %mul3A_459 = arith.mulf %get3A_457, %mul3A_458 : vector<16xf32>
          %swap3A_460 = arith.index_cast %add3A_420 : i32 to index
          %swap3A_461 = arith.constant 64 : index
          %swap3A_462 = tpu.vector_load %arg12[%swap3A_460, %swap3A_461] {strides = array<i32>} : memref<80x128xf32, #tpu.memory_space<vmem>>, vector<16xf32>,
          tpu.vector_store %arg12[%swap3A_460, %swap3A_461], %mul3A_459 {strides = array<i32>} : memref<80x128xf32, #tpu.memory_space<vmem>>, vector<16xf32>,
          %get3A_463 = arith.index_cast %add3A_420 : i32 to index
          %get3A_464 = arith.constant 80 : index
          %get3A_465 = tpu.vector_load %arg12[%get3A_463, %get3A_464] {strides = array<i32>} : memref<80x128xf32, #tpu.memory_space<vmem>>, vector<16xf32>,
          %mul3A_466 = vector.broadcast %squeeze3A_422 : f32 to vector<16xf32>
          %mul3A_467 = arith.mulf %get3A_465, %mul3A_466 : vector<16xf32>
          %swap3A_468 = arith.index_cast %add3A_420 : i32 to index
          %swap3A_469 = arith.constant 80 : index
          %swap3A_470 = tpu.vector_load %arg12[%swap3A_468, %swap3A_469] {strides = array<i32>} : memref<80x128xf32, #tpu.memory_space<vmem>>, vector<16xf32>,
          tpu.vector_store %arg12[%swap3A_468, %swap3A_469], %mul3A_467 {strides = array<i32>} : memref<80x128xf32, #tpu.memory_space<vmem>>, vector<16xf32>,
          %get3A_471 = arith.index_cast %add3A_420 : i32 to index
          %get3A_472 = arith.constant 96 : index
          %get3A_473 = tpu.vector_load %arg12[%get3A_471, %get3A_472] {strides = array<i32>} : memref<80x128xf32, #tpu.memory_space<vmem>>, vector<16xf32>,
          %mul3A_474 = vector.broadcast %squeeze3A_422 : f32 to vector<16xf32>
          %mul3A_475 = arith.mulf %get3A_473, %mul3A_474 : vector<16xf32>
          %swap3A_476 = arith.index_cast %add3A_420 : i32 to index
          %swap3A_477 = arith.constant 96 : index
          %swap3A_478 = tpu.vector_load %arg12[%swap3A_476, %swap3A_477] {strides = array<i32>} : memref<80x128xf32, #tpu.memory_space<vmem>>, vector<16xf32>,
          tpu.vector_store %arg12[%swap3A_476, %swap3A_477], %mul3A_475 {strides = array<i32>} : memref<80x128xf32, #tpu.memory_space<vmem>>, vector<16xf32>,
          %get3A_479 = arith.index_cast %add3A_420 : i32 to index
          %get3A_480 = arith.constant 112 : index
          %get3A_481 = tpu.vector_load %arg12[%get3A_479, %get3A_480] {strides = array<i32>} : memref<80x128xf32, #tpu.memory_space<vmem>>, vector<16xf32>,
          %mul3A_482 = vector.broadcast %squeeze3A_422 : f32 to vector<16xf32>
          %mul3A_483 = arith.mulf %get3A_481, %mul3A_482 : vector<16xf32>
          %swap3A_484 = arith.index_cast %add3A_420 : i32 to index
          %swap3A_485 = arith.constant 112 : index
          %swap3A_486 = tpu.vector_load %arg12[%swap3A_484, %swap3A_485] {strides = array<i32>} : memref<80x128xf32, #tpu.memory_space<vmem>>, vector<16xf32>,
          tpu.vector_store %arg12[%swap3A_484, %swap3A_485], %mul3A_483 {strides = array<i32>} : memref<80x128xf32, #tpu.memory_space<vmem>>, vector<16xf32>,
          %mul3A_487 = arith.constant 16 : i32
          %mul3A_488 = arith.muli %scan3A_65, %mul3A_487 : i32
          %add3A_489 = arith.constant 6 : i32
          %add3A_490 = arith.addi %mul3A_488, %add3A_489 : i32
          %slice3A_491 = vector.extract_strided_slice %get3A_69 {offsets = [6], sizes = [1], strides = [1]} : vector<16xf32> to vector<1xf32>
          %squeeze3A_492 = vector.extract %slice3A_491[0] : f32 from vector<1xf32>
          %get3A_493 = arith.index_cast %add3A_490 : i32 to index
          %get3A_494 = arith.constant 0 : index
          %get3A_495 = tpu.vector_load %arg12[%get3A_493, %get3A_494] {strides = array<i32>} : memref<80x128xf32, #tpu.memory_space<vmem>>, vector<16xf32>,
          %mul3A_496 = vector.broadcast %squeeze3A_492 : f32 to vector<16xf32>
          %mul3A_497 = arith.mulf %get3A_495, %mul3A_496 : vector<16xf32>
          %swap3A_498 = arith.index_cast %add3A_490 : i32 to index
          %swap3A_499 = arith.constant 0 : index
          %swap3A_500 = tpu.vector_load %arg12[%swap3A_498, %swap3A_499] {strides = array<i32>} : memref<80x128xf32, #tpu.memory_space<vmem>>, vector<16xf32>,
          tpu.vector_store %arg12[%swap3A_498, %swap3A_499], %mul3A_497 {strides = array<i32>} : memref<80x128xf32, #tpu.memory_space<vmem>>, vector<16xf32>,
          %get3A_501 = arith.index_cast %add3A_490 : i32 to index
          %get3A_502 = arith.constant 16 : index
          %get3A_503 = tpu.vector_load %arg12[%get3A_501, %get3A_502] {strides = array<i32>} : memref<80x128xf32, #tpu.memory_space<vmem>>, vector<16xf32>,
          %mul3A_504 = vector.broadcast %squeeze3A_492 : f32 to vector<16xf32>
          %mul3A_505 = arith.mulf %get3A_503, %mul3A_504 : vector<16xf32>
          %swap3A_506 = arith.index_cast %add3A_490 : i32 to index
          %swap3A_507 = arith.constant 16 : index
          %swap3A_508 = tpu.vector_load %arg12[%swap3A_506, %swap3A_507] {strides = array<i32>} : memref<80x128xf32, #tpu.memory_space<vmem>>, vector<16xf32>,
          tpu.vector_store %arg12[%swap3A_506, %swap3A_507], %mul3A_505 {strides = array<i32>} : memref<80x128xf32, #tpu.memory_space<vmem>>, vector<16xf32>,
          %get3A_509 = arith.index_cast %add3A_490 : i32 to index
          %get3A_510 = arith.constant 32 : index
          %get3A_511 = tpu.vector_load %arg12[%get3A_509, %get3A_510] {strides = array<i32>} : memref<80x128xf32, #tpu.memory_space<vmem>>, vector<16xf32>,
          %mul3A_512 = vector.broadcast %squeeze3A_492 : f32 to vector<16xf32>
          %mul3A_513 = arith.mulf %get3A_511, %mul3A_512 : vector<16xf32>
          %swap3A_514 = arith.index_cast %add3A_490 : i32 to index
          %swap3A_515 = arith.constant 32 : index
          %swap3A_516 = tpu.vector_load %arg12[%swap3A_514, %swap3A_515] {strides = array<i32>} : memref<80x128xf32, #tpu.memory_space<vmem>>, vector<16xf32>,
          tpu.vector_store %arg12[%swap3A_514, %swap3A_515], %mul3A_513 {strides = array<i32>} : memref<80x128xf32, #tpu.memory_space<vmem>>, vector<16xf32>,
          %get3A_517 = arith.index_cast %add3A_490 : i32 to index
          %get3A_518 = arith.constant 48 : index
          %get3A_519 = tpu.vector_load %arg12[%get3A_517, %get3A_518] {strides = array<i32>} : memref<80x128xf32, #tpu.memory_space<vmem>>, vector<16xf32>,
          %mul3A_520 = vector.broadcast %squeeze3A_492 : f32 to vector<16xf32>
          %mul3A_521 = arith.mulf %get3A_519, %mul3A_520 : vector<16xf32>
          %swap3A_522 = arith.index_cast %add3A_490 : i32 to index
          %swap3A_523 = arith.constant 48 : index
          %swap3A_524 = tpu.vector_load %arg12[%swap3A_522, %swap3A_523] {strides = array<i32>} : memref<80x128xf32, #tpu.memory_space<vmem>>, vector<16xf32>,
          tpu.vector_store %arg12[%swap3A_522, %swap3A_523], %mul3A_521 {strides = array<i32>} : memref<80x128xf32, #tpu.memory_space<vmem>>, vector<16xf32>,
          %get3A_525 = arith.index_cast %add3A_490 : i32 to index
          %get3A_526 = arith.constant 64 : index
          %get3A_527 = tpu.vector_load %arg12[%get3A_525, %get3A_526] {strides = array<i32>} : memref<80x128xf32, #tpu.memory_space<vmem>>, vector<16xf32>,
          %mul3A_528 = vector.broadcast %squeeze3A_492 : f32 to vector<16xf32>
          %mul3A_529 = arith.mulf %get3A_527, %mul3A_528 : vector<16xf32>
          %swap3A_530 = arith.index_cast %add3A_490 : i32 to index
          %swap3A_531 = arith.constant 64 : index
          %swap3A_532 = tpu.vector_load %arg12[%swap3A_530, %swap3A_531] {strides = array<i32>} : memref<80x128xf32, #tpu.memory_space<vmem>>, vector<16xf32>,
          tpu.vector_store %arg12[%swap3A_530, %swap3A_531], %mul3A_529 {strides = array<i32>} : memref<80x128xf32, #tpu.memory_space<vmem>>, vector<16xf32>,
          %get3A_533 = arith.index_cast %add3A_490 : i32 to index
          %get3A_534 = arith.constant 80 : index
          %get3A_535 = tpu.vector_load %arg12[%get3A_533, %get3A_534] {strides = array<i32>} : memref<80x128xf32, #tpu.memory_space<vmem>>, vector<16xf32>,
          %mul3A_536 = vector.broadcast %squeeze3A_492 : f32 to vector<16xf32>
          %mul3A_537 = arith.mulf %get3A_535, %mul3A_536 : vector<16xf32>
          %swap3A_538 = arith.index_cast %add3A_490 : i32 to index
          %swap3A_539 = arith.constant 80 : index
          %swap3A_540 = tpu.vector_load %arg12[%swap3A_538, %swap3A_539] {strides = array<i32>} : memref<80x128xf32, #tpu.memory_space<vmem>>, vector<16xf32>,
          tpu.vector_store %arg12[%swap3A_538, %swap3A_539], %mul3A_537 {strides = array<i32>} : memref<80x128xf32, #tpu.memory_space<vmem>>, vector<16xf32>,
          %get3A_541 = arith.index_cast %add3A_490 : i32 to index
          %get3A_542 = arith.constant 96 : index
          %get3A_543 = tpu.vector_load %arg12[%get3A_541, %get3A_542] {strides = array<i32>} : memref<80x128xf32, #tpu.memory_space<vmem>>, vector<16xf32>,
          %mul3A_544 = vector.broadcast %squeeze3A_492 : f32 to vector<16xf32>
          %mul3A_545 = arith.mulf %get3A_543, %mul3A_544 : vector<16xf32>
          %swap3A_546 = arith.index_cast %add3A_490 : i32 to index
          %swap3A_547 = arith.constant 96 : index
          %swap3A_548 = tpu.vector_load %arg12[%swap3A_546, %swap3A_547] {strides = array<i32>} : memref<80x128xf32, #tpu.memory_space<vmem>>, vector<16xf32>,
          tpu.vector_store %arg12[%swap3A_546, %swap3A_547], %mul3A_545 {strides = array<i32>} : memref<80x128xf32, #tpu.memory_space<vmem>>, vector<16xf32>,
          %get3A_549 = arith.index_cast %add3A_490 : i32 to index
          %get3A_550 = arith.constant 112 : index
          %get3A_551 = tpu.vector_load %arg12[%get3A_549, %get3A_550] {strides = array<i32>} : memref<80x128xf32, #tpu.memory_space<vmem>>, vector<16xf32>,
          %mul3A_552 = vector.broadcast %squeeze3A_492 : f32 to vector<16xf32>
          %mul3A_553 = arith.mulf %get3A_551, %mul3A_552 : vector<16xf32>
          %swap3A_554 = arith.index_cast %add3A_490 : i32 to index
          %swap3A_555 = arith.constant 112 : index
          %swap3A_556 = tpu.vector_load %arg12[%swap3A_554, %swap3A_555] {strides = array<i32>} : memref<80x128xf32, #tpu.memory_space<vmem>>, vector<16xf32>,
          tpu.vector_store %arg12[%swap3A_554, %swap3A_555], %mul3A_553 {strides = array<i32>} : memref<80x128xf32, #tpu.memory_space<vmem>>, vector<16xf32>,
          %mul3A_557 = arith.constant 16 : i32
          %mul3A_558 = arith.muli %scan3A_65, %mul3A_557 : i32
          %add3A_559 = arith.constant 7 : i32
          %add3A_560 = arith.addi %mul3A_558, %add3A_559 : i32
          %slice3A_561 = vector.extract_strided_slice %get3A_69 {offsets = [7], sizes = [1], strides = [1]} : vector<16xf32> to vector<1xf32>
          %squeeze3A_562 = vector.extract %slice3A_561[0] : f32 from vector<1xf32>
          %get3A_563 = arith.index_cast %add3A_560 : i32 to index
          %get3A_564 = arith.constant 0 : index
          %get3A_565 = tpu.vector_load %arg12[%get3A_563, %get3A_564] {strides = array<i32>} : memref<80x128xf32, #tpu.memory_space<vmem>>, vector<16xf32>,
          %mul3A_566 = vector.broadcast %squeeze3A_562 : f32 to vector<16xf32>
          %mul3A_567 = arith.mulf %get3A_565, %mul3A_566 : vector<16xf32>
          %swap3A_568 = arith.index_cast %add3A_560 : i32 to index
          %swap3A_569 = arith.constant 0 : index
          %swap3A_570 = tpu.vector_load %arg12[%swap3A_568, %swap3A_569] {strides = array<i32>} : memref<80x128xf32, #tpu.memory_space<vmem>>, vector<16xf32>,
          tpu.vector_store %arg12[%swap3A_568, %swap3A_569], %mul3A_567 {strides = array<i32>} : memref<80x128xf32, #tpu.memory_space<vmem>>, vector<16xf32>,
          %get3A_571 = arith.index_cast %add3A_560 : i32 to index
          %get3A_572 = arith.constant 16 : index
          %get3A_573 = tpu.vector_load %arg12[%get3A_571, %get3A_572] {strides = array<i32>} : memref<80x128xf32, #tpu.memory_space<vmem>>, vector<16xf32>,
          %mul3A_574 = vector.broadcast %squeeze3A_562 : f32 to vector<16xf32>
          %mul3A_575 = arith.mulf %get3A_573, %mul3A_574 : vector<16xf32>
          %swap3A_576 = arith.index_cast %add3A_560 : i32 to index
          %swap3A_577 = arith.constant 16 : index
          %swap3A_578 = tpu.vector_load %arg12[%swap3A_576, %swap3A_577] {strides = array<i32>} : memref<80x128xf32, #tpu.memory_space<vmem>>, vector<16xf32>,
          tpu.vector_store %arg12[%swap3A_576, %swap3A_577], %mul3A_575 {strides = array<i32>} : memref<80x128xf32, #tpu.memory_space<vmem>>, vector<16xf32>,
          %get3A_579 = arith.index_cast %add3A_560 : i32 to index
          %get3A_580 = arith.constant 32 : index
          %get3A_581 = tpu.vector_load %arg12[%get3A_579, %get3A_580] {strides = array<i32>} : memref<80x128xf32, #tpu.memory_space<vmem>>, vector<16xf32>,
          %mul3A_582 = vector.broadcast %squeeze3A_562 : f32 to vector<16xf32>
          %mul3A_583 = arith.mulf %get3A_581, %mul3A_582 : vector<16xf32>
          %swap3A_584 = arith.index_cast %add3A_560 : i32 to index
          %swap3A_585 = arith.constant 32 : index
          %swap3A_586 = tpu.vector_load %arg12[%swap3A_584, %swap3A_585] {strides = array<i32>} : memref<80x128xf32, #tpu.memory_space<vmem>>, vector<16xf32>,
          tpu.vector_store %arg12[%swap3A_584, %swap3A_585], %mul3A_583 {strides = array<i32>} : memref<80x128xf32, #tpu.memory_space<vmem>>, vector<16xf32>,
          %get3A_587 = arith.index_cast %add3A_560 : i32 to index
          %get3A_588 = arith.constant 48 : index
          %get3A_589 = tpu.vector_load %arg12[%get3A_587, %get3A_588] {strides = array<i32>} : memref<80x128xf32, #tpu.memory_space<vmem>>, vector<16xf32>,
          %mul3A_590 = vector.broadcast %squeeze3A_562 : f32 to vector<16xf32>
          %mul3A_591 = arith.mulf %get3A_589, %mul3A_590 : vector<16xf32>
          %swap3A_592 = arith.index_cast %add3A_560 : i32 to index
          %swap3A_593 = arith.constant 48 : index
          %swap3A_594 = tpu.vector_load %arg12[%swap3A_592, %swap3A_593] {strides = array<i32>} : memref<80x128xf32, #tpu.memory_space<vmem>>, vector<16xf32>,
          tpu.vector_store %arg12[%swap3A_592, %swap3A_593], %mul3A_591 {strides = array<i32>} : memref<80x128xf32, #tpu.memory_space<vmem>>, vector<16xf32>,
          %get3A_595 = arith.index_cast %add3A_560 : i32 to index
          %get3A_596 = arith.constant 64 : index
          %get3A_597 = tpu.vector_load %arg12[%get3A_595, %get3A_596] {strides = array<i32>} : memref<80x128xf32, #tpu.memory_space<vmem>>, vector<16xf32>,
          %mul3A_598 = vector.broadcast %squeeze3A_562 : f32 to vector<16xf32>
          %mul3A_599 = arith.mulf %get3A_597, %mul3A_598 : vector<16xf32>
          %swap3A_600 = arith.index_cast %add3A_560 : i32 to index
          %swap3A_601 = arith.constant 64 : index
          %swap3A_602 = tpu.vector_load %arg12[%swap3A_600, %swap3A_601] {strides = array<i32>} : memref<80x128xf32, #tpu.memory_space<vmem>>, vector<16xf32>,
          tpu.vector_store %arg12[%swap3A_600, %swap3A_601], %mul3A_599 {strides = array<i32>} : memref<80x128xf32, #tpu.memory_space<vmem>>, vector<16xf32>,
          %get3A_603 = arith.index_cast %add3A_560 : i32 to index
          %get3A_604 = arith.constant 80 : index
          %get3A_605 = tpu.vector_load %arg12[%get3A_603, %get3A_604] {strides = array<i32>} : memref<80x128xf32, #tpu.memory_space<vmem>>, vector<16xf32>,
          %mul3A_606 = vector.broadcast %squeeze3A_562 : f32 to vector<16xf32>
          %mul3A_607 = arith.mulf %get3A_605, %mul3A_606 : vector<16xf32>
          %swap3A_608 = arith.index_cast %add3A_560 : i32 to index
          %swap3A_609 = arith.constant 80 : index
          %swap3A_610 = tpu.vector_load %arg12[%swap3A_608, %swap3A_609] {strides = array<i32>} : memref<80x128xf32, #tpu.memory_space<vmem>>, vector<16xf32>,
          tpu.vector_store %arg12[%swap3A_608, %swap3A_609], %mul3A_607 {strides = array<i32>} : memref<80x128xf32, #tpu.memory_space<vmem>>, vector<16xf32>,
          %get3A_611 = arith.index_cast %add3A_560 : i32 to index
          %get3A_612 = arith.constant 96 : index
          %get3A_613 = tpu.vector_load %arg12[%get3A_611, %get3A_612] {strides = array<i32>} : memref<80x128xf32, #tpu.memory_space<vmem>>, vector<16xf32>,
          %mul3A_614 = vector.broadcast %squeeze3A_562 : f32 to vector<16xf32>
          %mul3A_615 = arith.mulf %get3A_613, %mul3A_614 : vector<16xf32>
          %swap3A_616 = arith.index_cast %add3A_560 : i32 to index
          %swap3A_617 = arith.constant 96 : index
          %swap3A_618 = tpu.vector_load %arg12[%swap3A_616, %swap3A_617] {strides = array<i32>} : memref<80x128xf32, #tpu.memory_space<vmem>>, vector<16xf32>,
          tpu.vector_store %arg12[%swap3A_616, %swap3A_617], %mul3A_615 {strides = array<i32>} : memref<80x128xf32, #tpu.memory_space<vmem>>, vector<16xf32>,
          %get3A_619 = arith.index_cast %add3A_560 : i32 to index
          %get3A_620 = arith.constant 112 : index
          %get3A_621 = tpu.vector_load %arg12[%get3A_619, %get3A_620] {strides = array<i32>} : memref<80x128xf32, #tpu.memory_space<vmem>>, vector<16xf32>,
          %mul3A_622 = vector.broadcast %squeeze3A_562 : f32 to vector<16xf32>
          %mul3A_623 = arith.mulf %get3A_621, %mul3A_622 : vector<16xf32>
          %swap3A_624 = arith.index_cast %add3A_560 : i32 to index
          %swap3A_625 = arith.constant 112 : index
          %swap3A_626 = tpu.vector_load %arg12[%swap3A_624, %swap3A_625] {strides = array<i32>} : memref<80x128xf32, #tpu.memory_space<vmem>>, vector<16xf32>,
          tpu.vector_store %arg12[%swap3A_624, %swap3A_625], %mul3A_623 {strides = array<i32>} : memref<80x128xf32, #tpu.memory_space<vmem>>, vector<16xf32>,
          %mul3A_627 = arith.constant 16 : i32
          %mul3A_628 = arith.muli %scan3A_65, %mul3A_627 : i32
          %add3A_629 = arith.constant 8 : i32
          %add3A_630 = arith.addi %mul3A_628, %add3A_629 : i32
          %slice3A_631 = vector.extract_strided_slice %get3A_69 {offsets = [8], sizes = [1], strides = [1]} : vector<16xf32> to vector<1xf32>
          %squeeze3A_632 = vector.extract %slice3A_631[0] : f32 from vector<1xf32>
          %get3A_633 = arith.index_cast %add3A_630 : i32 to index
          %get3A_634 = arith.constant 0 : index
          %get3A_635 = tpu.vector_load %arg12[%get3A_633, %get3A_634] {strides = array<i32>} : memref<80x128xf32, #tpu.memory_space<vmem>>, vector<16xf32>,
          %mul3A_636 = vector.broadcast %squeeze3A_632 : f32 to vector<16xf32>
          %mul3A_637 = arith.mulf %get3A_635, %mul3A_636 : vector<16xf32>
          %swap3A_638 = arith.index_cast %add3A_630 : i32 to index
          %swap3A_639 = arith.constant 0 : index
          %swap3A_640 = tpu.vector_load %arg12[%swap3A_638, %swap3A_639] {strides = array<i32>} : memref<80x128xf32, #tpu.memory_space<vmem>>, vector<16xf32>,
          tpu.vector_store %arg12[%swap3A_638, %swap3A_639], %mul3A_637 {strides = array<i32>} : memref<80x128xf32, #tpu.memory_space<vmem>>, vector<16xf32>,
          %get3A_641 = arith.index_cast %add3A_630 : i32 to index
          %get3A_642 = arith.constant 16 : index
          %get3A_643 = tpu.vector_load %arg12[%get3A_641, %get3A_642] {strides = array<i32>} : memref<80x128xf32, #tpu.memory_space<vmem>>, vector<16xf32>,
          %mul3A_644 = vector.broadcast %squeeze3A_632 : f32 to vector<16xf32>
          %mul3A_645 = arith.mulf %get3A_643, %mul3A_644 : vector<16xf32>
          %swap3A_646 = arith.index_cast %add3A_630 : i32 to index
          %swap3A_647 = arith.constant 16 : index
          %swap3A_648 = tpu.vector_load %arg12[%swap3A_646, %swap3A_647] {strides = array<i32>} : memref<80x128xf32, #tpu.memory_space<vmem>>, vector<16xf32>,
          tpu.vector_store %arg12[%swap3A_646, %swap3A_647], %mul3A_645 {strides = array<i32>} : memref<80x128xf32, #tpu.memory_space<vmem>>, vector<16xf32>,
          %get3A_649 = arith.index_cast %add3A_630 : i32 to index
          %get3A_650 = arith.constant 32 : index
          %get3A_651 = tpu.vector_load %arg12[%get3A_649, %get3A_650] {strides = array<i32>} : memref<80x128xf32, #tpu.memory_space<vmem>>, vector<16xf32>,
          %mul3A_652 = vector.broadcast %squeeze3A_632 : f32 to vector<16xf32>
          %mul3A_653 = arith.mulf %get3A_651, %mul3A_652 : vector<16xf32>
          %swap3A_654 = arith.index_cast %add3A_630 : i32 to index
          %swap3A_655 = arith.constant 32 : index
          %swap3A_656 = tpu.vector_load %arg12[%swap3A_654, %swap3A_655] {strides = array<i32>} : memref<80x128xf32, #tpu.memory_space<vmem>>, vector<16xf32>,
          tpu.vector_store %arg12[%swap3A_654, %swap3A_655], %mul3A_653 {strides = array<i32>} : memref<80x128xf32, #tpu.memory_space<vmem>>, vector<16xf32>,
          %get3A_657 = arith.index_cast %add3A_630 : i32 to index
          %get3A_658 = arith.constant 48 : index
          %get3A_659 = tpu.vector_load %arg12[%get3A_657, %get3A_658] {strides = array<i32>} : memref<80x128xf32, #tpu.memory_space<vmem>>, vector<16xf32>,
          %mul3A_660 = vector.broadcast %squeeze3A_632 : f32 to vector<16xf32>
          %mul3A_661 = arith.mulf %get3A_659, %mul3A_660 : vector<16xf32>
          %swap3A_662 = arith.index_cast %add3A_630 : i32 to index
          %swap3A_663 = arith.constant 48 : index
          %swap3A_664 = tpu.vector_load %arg12[%swap3A_662, %swap3A_663] {strides = array<i32>} : memref<80x128xf32, #tpu.memory_space<vmem>>, vector<16xf32>,
          tpu.vector_store %arg12[%swap3A_662, %swap3A_663], %mul3A_661 {strides = array<i32>} : memref<80x128xf32, #tpu.memory_space<vmem>>, vector<16xf32>,
          %get3A_665 = arith.index_cast %add3A_630 : i32 to index
          %get3A_666 = arith.constant 64 : index
          %get3A_667 = tpu.vector_load %arg12[%get3A_665, %get3A_666] {strides = array<i32>} : memref<80x128xf32, #tpu.memory_space<vmem>>, vector<16xf32>,
          %mul3A_668 = vector.broadcast %squeeze3A_632 : f32 to vector<16xf32>
          %mul3A_669 = arith.mulf %get3A_667, %mul3A_668 : vector<16xf32>
          %swap3A_670 = arith.index_cast %add3A_630 : i32 to index
          %swap3A_671 = arith.constant 64 : index
          %swap3A_672 = tpu.vector_load %arg12[%swap3A_670, %swap3A_671] {strides = array<i32>} : memref<80x128xf32, #tpu.memory_space<vmem>>, vector<16xf32>,
          tpu.vector_store %arg12[%swap3A_670, %swap3A_671], %mul3A_669 {strides = array<i32>} : memref<80x128xf32, #tpu.memory_space<vmem>>, vector<16xf32>,
          %get3A_673 = arith.index_cast %add3A_630 : i32 to index
          %get3A_674 = arith.constant 80 : index
          %get3A_675 = tpu.vector_load %arg12[%get3A_673, %get3A_674] {strides = array<i32>} : memref<80x128xf32, #tpu.memory_space<vmem>>, vector<16xf32>,
          %mul3A_676 = vector.broadcast %squeeze3A_632 : f32 to vector<16xf32>
          %mul3A_677 = arith.mulf %get3A_675, %mul3A_676 : vector<16xf32>
          %swap3A_678 = arith.index_cast %add3A_630 : i32 to index
          %swap3A_679 = arith.constant 80 : index
          %swap3A_680 = tpu.vector_load %arg12[%swap3A_678, %swap3A_679] {strides = array<i32>} : memref<80x128xf32, #tpu.memory_space<vmem>>, vector<16xf32>,
          tpu.vector_store %arg12[%swap3A_678, %swap3A_679], %mul3A_677 {strides = array<i32>} : memref<80x128xf32, #tpu.memory_space<vmem>>, vector<16xf32>,
          %get3A_681 = arith.index_cast %add3A_630 : i32 to index
          %get3A_682 = arith.constant 96 : index
          %get3A_683 = tpu.vector_load %arg12[%get3A_681, %get3A_682] {strides = array<i32>} : memref<80x128xf32, #tpu.memory_space<vmem>>, vector<16xf32>,
          %mul3A_684 = vector.broadcast %squeeze3A_632 : f32 to vector<16xf32>
          %mul3A_685 = arith.mulf %get3A_683, %mul3A_684 : vector<16xf32>
          %swap3A_686 = arith.index_cast %add3A_630 : i32 to index
          %swap3A_687 = arith.constant 96 : index
          %swap3A_688 = tpu.vector_load %arg12[%swap3A_686, %swap3A_687] {strides = array<i32>} : memref<80x128xf32, #tpu.memory_space<vmem>>, vector<16xf32>,
          tpu.vector_store %arg12[%swap3A_686, %swap3A_687], %mul3A_685 {strides = array<i32>} : memref<80x128xf32, #tpu.memory_space<vmem>>, vector<16xf32>,
          %get3A_689 = arith.index_cast %add3A_630 : i32 to index
          %get3A_690 = arith.constant 112 : index
          %get3A_691 = tpu.vector_load %arg12[%get3A_689, %get3A_690] {strides = array<i32>} : memref<80x128xf32, #tpu.memory_space<vmem>>, vector<16xf32>,
          %mul3A_692 = vector.broadcast %squeeze3A_632 : f32 to vector<16xf32>
          %mul3A_693 = arith.mulf %get3A_691, %mul3A_692 : vector<16xf32>
          %swap3A_694 = arith.index_cast %add3A_630 : i32 to index
          %swap3A_695 = arith.constant 112 : index
          %swap3A_696 = tpu.vector_load %arg12[%swap3A_694, %swap3A_695] {strides = array<i32>} : memref<80x128xf32, #tpu.memory_space<vmem>>, vector<16xf32>,
          tpu.vector_store %arg12[%swap3A_694, %swap3A_695], %mul3A_693 {strides = array<i32>} : memref<80x128xf32, #tpu.memory_space<vmem>>, vector<16xf32>,
          %mul3A_697 = arith.constant 16 : i32
          %mul3A_698 = arith.muli %scan3A_65, %mul3A_697 : i32
          %add3A_699 = arith.constant 9 : i32
          %add3A_700 = arith.addi %mul3A_698, %add3A_699 : i32
          %slice3A_701 = vector.extract_strided_slice %get3A_69 {offsets = [9], sizes = [1], strides = [1]} : vector<16xf32> to vector<1xf32>
          %squeeze3A_702 = vector.extract %slice3A_701[0] : f32 from vector<1xf32>
          %get3A_703 = arith.index_cast %add3A_700 : i32 to index
          %get3A_704 = arith.constant 0 : index
          %get3A_705 = tpu.vector_load %arg12[%get3A_703, %get3A_704] {strides = array<i32>} : memref<80x128xf32, #tpu.memory_space<vmem>>, vector<16xf32>,
          %mul3A_706 = vector.broadcast %squeeze3A_702 : f32 to vector<16xf32>
          %mul3A_707 = arith.mulf %get3A_705, %mul3A_706 : vector<16xf32>
          %swap3A_708 = arith.index_cast %add3A_700 : i32 to index
          %swap3A_709 = arith.constant 0 : index
          %swap3A_710 = tpu.vector_load %arg12[%swap3A_708, %swap3A_709] {strides = array<i32>} : memref<80x128xf32, #tpu.memory_space<vmem>>, vector<16xf32>,
          tpu.vector_store %arg12[%swap3A_708, %swap3A_709], %mul3A_707 {strides = array<i32>} : memref<80x128xf32, #tpu.memory_space<vmem>>, vector<16xf32>,
          %get3A_711 = arith.index_cast %add3A_700 : i32 to index
          %get3A_712 = arith.constant 16 : index
          %get3A_713 = tpu.vector_load %arg12[%get3A_711, %get3A_712] {strides = array<i32>} : memref<80x128xf32, #tpu.memory_space<vmem>>, vector<16xf32>,
          %mul3A_714 = vector.broadcast %squeeze3A_702 : f32 to vector<16xf32>
          %mul3A_715 = arith.mulf %get3A_713, %mul3A_714 : vector<16xf32>
          %swap3A_716 = arith.index_cast %add3A_700 : i32 to index
          %swap3A_717 = arith.constant 16 : index
          %swap3A_718 = tpu.vector_load %arg12[%swap3A_716, %swap3A_717] {strides = array<i32>} : memref<80x128xf32, #tpu.memory_space<vmem>>, vector<16xf32>,
          tpu.vector_store %arg12[%swap3A_716, %swap3A_717], %mul3A_715 {strides = array<i32>} : memref<80x128xf32, #tpu.memory_space<vmem>>, vector<16xf32>,
          %get3A_719 = arith.index_cast %add3A_700 : i32 to index
          %get3A_720 = arith.constant 32 : index
          %get3A_721 = tpu.vector_load %arg12[%get3A_719, %get3A_720] {strides = array<i32>} : memref<80x128xf32, #tpu.memory_space<vmem>>, vector<16xf32>,
          %mul3A_722 = vector.broadcast %squeeze3A_702 : f32 to vector<16xf32>
          %mul3A_723 = arith.mulf %get3A_721, %mul3A_722 : vector<16xf32>
          %swap3A_724 = arith.index_cast %add3A_700 : i32 to index
          %swap3A_725 = arith.constant 32 : index
          %swap3A_726 = tpu.vector_load %arg12[%swap3A_724, %swap3A_725] {strides = array<i32>} : memref<80x128xf32, #tpu.memory_space<vmem>>, vector<16xf32>,
          tpu.vector_store %arg12[%swap3A_724, %swap3A_725], %mul3A_723 {strides = array<i32>} : memref<80x128xf32, #tpu.memory_space<vmem>>, vector<16xf32>,
          %get3A_727 = arith.index_cast %add3A_700 : i32 to index
          %get3A_728 = arith.constant 48 : index
          %get3A_729 = tpu.vector_load %arg12[%get3A_727, %get3A_728] {strides = array<i32>} : memref<80x128xf32, #tpu.memory_space<vmem>>, vector<16xf32>,
          %mul3A_730 = vector.broadcast %squeeze3A_702 : f32 to vector<16xf32>
          %mul3A_731 = arith.mulf %get3A_729, %mul3A_730 : vector<16xf32>
          %swap3A_732 = arith.index_cast %add3A_700 : i32 to index
          %swap3A_733 = arith.constant 48 : index
          %swap3A_734 = tpu.vector_load %arg12[%swap3A_732, %swap3A_733] {strides = array<i32>} : memref<80x128xf32, #tpu.memory_space<vmem>>, vector<16xf32>,
          tpu.vector_store %arg12[%swap3A_732, %swap3A_733], %mul3A_731 {strides = array<i32>} : memref<80x128xf32, #tpu.memory_space<vmem>>, vector<16xf32>,
          %get3A_735 = arith.index_cast %add3A_700 : i32 to index
          %get3A_736 = arith.constant 64 : index
          %get3A_737 = tpu.vector_load %arg12[%get3A_735, %get3A_736] {strides = array<i32>} : memref<80x128xf32, #tpu.memory_space<vmem>>, vector<16xf32>,
          %mul3A_738 = vector.broadcast %squeeze3A_702 : f32 to vector<16xf32>
          %mul3A_739 = arith.mulf %get3A_737, %mul3A_738 : vector<16xf32>
          %swap3A_740 = arith.index_cast %add3A_700 : i32 to index
          %swap3A_741 = arith.constant 64 : index
          %swap3A_742 = tpu.vector_load %arg12[%swap3A_740, %swap3A_741] {strides = array<i32>} : memref<80x128xf32, #tpu.memory_space<vmem>>, vector<16xf32>,
          tpu.vector_store %arg12[%swap3A_740, %swap3A_741], %mul3A_739 {strides = array<i32>} : memref<80x128xf32, #tpu.memory_space<vmem>>, vector<16xf32>,
          %get3A_743 = arith.index_cast %add3A_700 : i32 to index
          %get3A_744 = arith.constant 80 : index
          %get3A_745 = tpu.vector_load %arg12[%get3A_743, %get3A_744] {strides = array<i32>} : memref<80x128xf32, #tpu.memory_space<vmem>>, vector<16xf32>,
          %mul3A_746 = vector.broadcast %squeeze3A_702 : f32 to vector<16xf32>
          %mul3A_747 = arith.mulf %get3A_745, %mul3A_746 : vector<16xf32>
          %swap3A_748 = arith.index_cast %add3A_700 : i32 to index
          %swap3A_749 = arith.constant 80 : index
          %swap3A_750 = tpu.vector_load %arg12[%swap3A_748, %swap3A_749] {strides = array<i32>} : memref<80x128xf32, #tpu.memory_space<vmem>>, vector<16xf32>,
          tpu.vector_store %arg12[%swap3A_748, %swap3A_749], %mul3A_747 {strides = array<i32>} : memref<80x128xf32, #tpu.memory_space<vmem>>, vector<16xf32>,
          %get3A_751 = arith.index_cast %add3A_700 : i32 to index
          %get3A_752 = arith.constant 96 : index
          %get3A_753 = tpu.vector_load %arg12[%get3A_751, %get3A_752] {strides = array<i32>} : memref<80x128xf32, #tpu.memory_space<vmem>>, vector<16xf32>,
          %mul3A_754 = vector.broadcast %squeeze3A_702 : f32 to vector<16xf32>
          %mul3A_755 = arith.mulf %get3A_753, %mul3A_754 : vector<16xf32>
          %swap3A_756 = arith.index_cast %add3A_700 : i32 to index
          %swap3A_757 = arith.constant 96 : index
          %swap3A_758 = tpu.vector_load %arg12[%swap3A_756, %swap3A_757] {strides = array<i32>} : memref<80x128xf32, #tpu.memory_space<vmem>>, vector<16xf32>,
          tpu.vector_store %arg12[%swap3A_756, %swap3A_757], %mul3A_755 {strides = array<i32>} : memref<80x128xf32, #tpu.memory_space<vmem>>, vector<16xf32>,
          %get3A_759 = arith.index_cast %add3A_700 : i32 to index
          %get3A_760 = arith.constant 112 : index
          %get3A_761 = tpu.vector_load %arg12[%get3A_759, %get3A_760] {strides = array<i32>} : memref<80x128xf32, #tpu.memory_space<vmem>>, vector<16xf32>,
          %mul3A_762 = vector.broadcast %squeeze3A_702 : f32 to vector<16xf32>
          %mul3A_763 = arith.mulf %get3A_761, %mul3A_762 : vector<16xf32>
          %swap3A_764 = arith.index_cast %add3A_700 : i32 to index
          %swap3A_765 = arith.constant 112 : index
          %swap3A_766 = tpu.vector_load %arg12[%swap3A_764, %swap3A_765] {strides = array<i32>} : memref<80x128xf32, #tpu.memory_space<vmem>>, vector<16xf32>,
          tpu.vector_store %arg12[%swap3A_764, %swap3A_765], %mul3A_763 {strides = array<i32>} : memref<80x128xf32, #tpu.memory_space<vmem>>, vector<16xf32>,
          %mul3A_767 = arith.constant 16 : i32
          %mul3A_768 = arith.muli %scan3A_65, %mul3A_767 : i32
          %add3A_769 = arith.constant 10 : i32
          %add3A_770 = arith.addi %mul3A_768, %add3A_769 : i32
          %slice3A_771 = vector.extract_strided_slice %get3A_69 {offsets = [10], sizes = [1], strides = [1]} : vector<16xf32> to vector<1xf32>
          %squeeze3A_772 = vector.extract %slice3A_771[0] : f32 from vector<1xf32>
          %get3A_773 = arith.index_cast %add3A_770 : i32 to index
          %get3A_774 = arith.constant 0 : index
          %get3A_775 = tpu.vector_load %arg12[%get3A_773, %get3A_774] {strides = array<i32>} : memref<80x128xf32, #tpu.memory_space<vmem>>, vector<16xf32>,
          %mul3A_776 = vector.broadcast %squeeze3A_772 : f32 to vector<16xf32>
          %mul3A_777 = arith.mulf %get3A_775, %mul3A_776 : vector<16xf32>
          %swap3A_778 = arith.index_cast %add3A_770 : i32 to index
          %swap3A_779 = arith.constant 0 : index
          %swap3A_780 = tpu.vector_load %arg12[%swap3A_778, %swap3A_779] {strides = array<i32>} : memref<80x128xf32, #tpu.memory_space<vmem>>, vector<16xf32>,
          tpu.vector_store %arg12[%swap3A_778, %swap3A_779], %mul3A_777 {strides = array<i32>} : memref<80x128xf32, #tpu.memory_space<vmem>>, vector<16xf32>,
          %get3A_781 = arith.index_cast %add3A_770 : i32 to index
          %get3A_782 = arith.constant 16 : index
          %get3A_783 = tpu.vector_load %arg12[%get3A_781, %get3A_782] {strides = array<i32>} : memref<80x128xf32, #tpu.memory_space<vmem>>, vector<16xf32>,
          %mul3A_784 = vector.broadcast %squeeze3A_772 : f32 to vector<16xf32>
          %mul3A_785 = arith.mulf %get3A_783, %mul3A_784 : vector<16xf32>
          %swap3A_786 = arith.index_cast %add3A_770 : i32 to index
          %swap3A_787 = arith.constant 16 : index
          %swap3A_788 = tpu.vector_load %arg12[%swap3A_786, %swap3A_787] {strides = array<i32>} : memref<80x128xf32, #tpu.memory_space<vmem>>, vector<16xf32>,
          tpu.vector_store %arg12[%swap3A_786, %swap3A_787], %mul3A_785 {strides = array<i32>} : memref<80x128xf32, #tpu.memory_space<vmem>>, vector<16xf32>,
          %get3A_789 = arith.index_cast %add3A_770 : i32 to index
          %get3A_790 = arith.constant 32 : index
          %get3A_791 = tpu.vector_load %arg12[%get3A_789, %get3A_790] {strides = array<i32>} : memref<80x128xf32, #tpu.memory_space<vmem>>, vector<16xf32>,
          %mul3A_792 = vector.broadcast %squeeze3A_772 : f32 to vector<16xf32>
          %mul3A_793 = arith.mulf %get3A_791, %mul3A_792 : vector<16xf32>
          %swap3A_794 = arith.index_cast %add3A_770 : i32 to index
          %swap3A_795 = arith.constant 32 : index
          %swap3A_796 = tpu.vector_load %arg12[%swap3A_794, %swap3A_795] {strides = array<i32>} : memref<80x128xf32, #tpu.memory_space<vmem>>, vector<16xf32>,
          tpu.vector_store %arg12[%swap3A_794, %swap3A_795], %mul3A_793 {strides = array<i32>} : memref<80x128xf32, #tpu.memory_space<vmem>>, vector<16xf32>,
          %get3A_797 = arith.index_cast %add3A_770 : i32 to index
          %get3A_798 = arith.constant 48 : index
          %get3A_799 = tpu.vector_load %arg12[%get3A_797, %get3A_798] {strides = array<i32>} : memref<80x128xf32, #tpu.memory_space<vmem>>, vector<16xf32>,
          %mul3A_800 = vector.broadcast %squeeze3A_772 : f32 to vector<16xf32>
          %mul3A_801 = arith.mulf %get3A_799, %mul3A_800 : vector<16xf32>
          %swap3A_802 = arith.index_cast %add3A_770 : i32 to index
          %swap3A_803 = arith.constant 48 : index
          %swap3A_804 = tpu.vector_load %arg12[%swap3A_802, %swap3A_803] {strides = array<i32>} : memref<80x128xf32, #tpu.memory_space<vmem>>, vector<16xf32>,
          tpu.vector_store %arg12[%swap3A_802, %swap3A_803], %mul3A_801 {strides = array<i32>} : memref<80x128xf32, #tpu.memory_space<vmem>>, vector<16xf32>,
          %get3A_805 = arith.index_cast %add3A_770 : i32 to index
          %get3A_806 = arith.constant 64 : index
          %get3A_807 = tpu.vector_load %arg12[%get3A_805, %get3A_806] {strides = array<i32>} : memref<80x128xf32, #tpu.memory_space<vmem>>, vector<16xf32>,
          %mul3A_808 = vector.broadcast %squeeze3A_772 : f32 to vector<16xf32>
          %mul3A_809 = arith.mulf %get3A_807, %mul3A_808 : vector<16xf32>
          %swap3A_810 = arith.index_cast %add3A_770 : i32 to index
          %swap3A_811 = arith.constant 64 : index
          %swap3A_812 = tpu.vector_load %arg12[%swap3A_810, %swap3A_811] {strides = array<i32>} : memref<80x128xf32, #tpu.memory_space<vmem>>, vector<16xf32>,
          tpu.vector_store %arg12[%swap3A_810, %swap3A_811], %mul3A_809 {strides = array<i32>} : memref<80x128xf32, #tpu.memory_space<vmem>>, vector<16xf32>,
          %get3A_813 = arith.index_cast %add3A_770 : i32 to index
          %get3A_814 = arith.constant 80 : index
          %get3A_815 = tpu.vector_load %arg12[%get3A_813, %get3A_814] {strides = array<i32>} : memref<80x128xf32, #tpu.memory_space<vmem>>, vector<16xf32>,
          %mul3A_816 = vector.broadcast %squeeze3A_772 : f32 to vector<16xf32>
          %mul3A_817 = arith.mulf %get3A_815, %mul3A_816 : vector<16xf32>
          %swap3A_818 = arith.index_cast %add3A_770 : i32 to index
          %swap3A_819 = arith.constant 80 : index
          %swap3A_820 = tpu.vector_load %arg12[%swap3A_818, %swap3A_819] {strides = array<i32>} : memref<80x128xf32, #tpu.memory_space<vmem>>, vector<16xf32>,
          tpu.vector_store %arg12[%swap3A_818, %swap3A_819], %mul3A_817 {strides = array<i32>} : memref<80x128xf32, #tpu.memory_space<vmem>>, vector<16xf32>,
          %get3A_821 = arith.index_cast %add3A_770 : i32 to index
          %get3A_822 = arith.constant 96 : index
          %get3A_823 = tpu.vector_load %arg12[%get3A_821, %get3A_822] {strides = array<i32>} : memref<80x128xf32, #tpu.memory_space<vmem>>, vector<16xf32>,
          %mul3A_824 = vector.broadcast %squeeze3A_772 : f32 to vector<16xf32>
          %mul3A_825 = arith.mulf %get3A_823, %mul3A_824 : vector<16xf32>
          %swap3A_826 = arith.index_cast %add3A_770 : i32 to index
          %swap3A_827 = arith.constant 96 : index
          %swap3A_828 = tpu.vector_load %arg12[%swap3A_826, %swap3A_827] {strides = array<i32>} : memref<80x128xf32, #tpu.memory_space<vmem>>, vector<16xf32>,
          tpu.vector_store %arg12[%swap3A_826, %swap3A_827], %mul3A_825 {strides = array<i32>} : memref<80x128xf32, #tpu.memory_space<vmem>>, vector<16xf32>,
          %get3A_829 = arith.index_cast %add3A_770 : i32 to index
          %get3A_830 = arith.constant 112 : index
          %get3A_831 = tpu.vector_load %arg12[%get3A_829, %get3A_830] {strides = array<i32>} : memref<80x128xf32, #tpu.memory_space<vmem>>, vector<16xf32>,
          %mul3A_832 = vector.broadcast %squeeze3A_772 : f32 to vector<16xf32>
          %mul3A_833 = arith.mulf %get3A_831, %mul3A_832 : vector<16xf32>
          %swap3A_834 = arith.index_cast %add3A_770 : i32 to index
          %swap3A_835 = arith.constant 112 : index
          %swap3A_836 = tpu.vector_load %arg12[%swap3A_834, %swap3A_835] {strides = array<i32>} : memref<80x128xf32, #tpu.memory_space<vmem>>, vector<16xf32>,
          tpu.vector_store %arg12[%swap3A_834, %swap3A_835], %mul3A_833 {strides = array<i32>} : memref<80x128xf32, #tpu.memory_space<vmem>>, vector<16xf32>,
          %mul3A_837 = arith.constant 16 : i32
          %mul3A_838 = arith.muli %scan3A_65, %mul3A_837 : i32
          %add3A_839 = arith.constant 11 : i32
          %add3A_840 = arith.addi %mul3A_838, %add3A_839 : i32
          %slice3A_841 = vector.extract_strided_slice %get3A_69 {offsets = [11], sizes = [1], strides = [1]} : vector<16xf32> to vector<1xf32>
          %squeeze3A_842 = vector.extract %slice3A_841[0] : f32 from vector<1xf32>
          %get3A_843 = arith.index_cast %add3A_840 : i32 to index
          %get3A_844 = arith.constant 0 : index
          %get3A_845 = tpu.vector_load %arg12[%get3A_843, %get3A_844] {strides = array<i32>} : memref<80x128xf32, #tpu.memory_space<vmem>>, vector<16xf32>,
          %mul3A_846 = vector.broadcast %squeeze3A_842 : f32 to vector<16xf32>
          %mul3A_847 = arith.mulf %get3A_845, %mul3A_846 : vector<16xf32>
          %swap3A_848 = arith.index_cast %add3A_840 : i32 to index
          %swap3A_849 = arith.constant 0 : index
          %swap3A_850 = tpu.vector_load %arg12[%swap3A_848, %swap3A_849] {strides = array<i32>} : memref<80x128xf32, #tpu.memory_space<vmem>>, vector<16xf32>,
          tpu.vector_store %arg12[%swap3A_848, %swap3A_849], %mul3A_847 {strides = array<i32>} : memref<80x128xf32, #tpu.memory_space<vmem>>, vector<16xf32>,
          %get3A_851 = arith.index_cast %add3A_840 : i32 to index
          %get3A_852 = arith.constant 16 : index
          %get3A_853 = tpu.vector_load %arg12[%get3A_851, %get3A_852] {strides = array<i32>} : memref<80x128xf32, #tpu.memory_space<vmem>>, vector<16xf32>,
          %mul3A_854 = vector.broadcast %squeeze3A_842 : f32 to vector<16xf32>
          %mul3A_855 = arith.mulf %get3A_853, %mul3A_854 : vector<16xf32>
          %swap3A_856 = arith.index_cast %add3A_840 : i32 to index
          %swap3A_857 = arith.constant 16 : index
          %swap3A_858 = tpu.vector_load %arg12[%swap3A_856, %swap3A_857] {strides = array<i32>} : memref<80x128xf32, #tpu.memory_space<vmem>>, vector<16xf32>,
          tpu.vector_store %arg12[%swap3A_856, %swap3A_857], %mul3A_855 {strides = array<i32>} : memref<80x128xf32, #tpu.memory_space<vmem>>, vector<16xf32>,
          %get3A_859 = arith.index_cast %add3A_840 : i32 to index
          %get3A_860 = arith.constant 32 : index
          %get3A_861 = tpu.vector_load %arg12[%get3A_859, %get3A_860] {strides = array<i32>} : memref<80x128xf32, #tpu.memory_space<vmem>>, vector<16xf32>,
          %mul3A_862 = vector.broadcast %squeeze3A_842 : f32 to vector<16xf32>
          %mul3A_863 = arith.mulf %get3A_861, %mul3A_862 : vector<16xf32>
          %swap3A_864 = arith.index_cast %add3A_840 : i32 to index
          %swap3A_865 = arith.constant 32 : index
          %swap3A_866 = tpu.vector_load %arg12[%swap3A_864, %swap3A_865] {strides = array<i32>} : memref<80x128xf32, #tpu.memory_space<vmem>>, vector<16xf32>,
          tpu.vector_store %arg12[%swap3A_864, %swap3A_865], %mul3A_863 {strides = array<i32>} : memref<80x128xf32, #tpu.memory_space<vmem>>, vector<16xf32>,
          %get3A_867 = arith.index_cast %add3A_840 : i32 to index
          %get3A_868 = arith.constant 48 : index
          %get3A_869 = tpu.vector_load %arg12[%get3A_867, %get3A_868] {strides = array<i32>} : memref<80x128xf32, #tpu.memory_space<vmem>>, vector<16xf32>,
          %mul3A_870 = vector.broadcast %squeeze3A_842 : f32 to vector<16xf32>
          %mul3A_871 = arith.mulf %get3A_869, %mul3A_870 : vector<16xf32>
          %swap3A_872 = arith.index_cast %add3A_840 : i32 to index
          %swap3A_873 = arith.constant 48 : index
          %swap3A_874 = tpu.vector_load %arg12[%swap3A_872, %swap3A_873] {strides = array<i32>} : memref<80x128xf32, #tpu.memory_space<vmem>>, vector<16xf32>,
          tpu.vector_store %arg12[%swap3A_872, %swap3A_873], %mul3A_871 {strides = array<i32>} : memref<80x128xf32, #tpu.memory_space<vmem>>, vector<16xf32>,
          %get3A_875 = arith.index_cast %add3A_840 : i32 to index
          %get3A_876 = arith.constant 64 : index
          %get3A_877 = tpu.vector_load %arg12[%get3A_875, %get3A_876] {strides = array<i32>} : memref<80x128xf32, #tpu.memory_space<vmem>>, vector<16xf32>,
          %mul3A_878 = vector.broadcast %squeeze3A_842 : f32 to vector<16xf32>
          %mul3A_879 = arith.mulf %get3A_877, %mul3A_878 : vector<16xf32>
          %swap3A_880 = arith.index_cast %add3A_840 : i32 to index
          %swap3A_881 = arith.constant 64 : index
          %swap3A_882 = tpu.vector_load %arg12[%swap3A_880, %swap3A_881] {strides = array<i32>} : memref<80x128xf32, #tpu.memory_space<vmem>>, vector<16xf32>,
          tpu.vector_store %arg12[%swap3A_880, %swap3A_881], %mul3A_879 {strides = array<i32>} : memref<80x128xf32, #tpu.memory_space<vmem>>, vector<16xf32>,
          %get3A_883 = arith.index_cast %add3A_840 : i32 to index
          %get3A_884 = arith.constant 80 : index
          %get3A_885 = tpu.vector_load %arg12[%get3A_883, %get3A_884] {strides = array<i32>} : memref<80x128xf32, #tpu.memory_space<vmem>>, vector<16xf32>,
          %mul3A_886 = vector.broadcast %squeeze3A_842 : f32 to vector<16xf32>
          %mul3A_887 = arith.mulf %get3A_885, %mul3A_886 : vector<16xf32>
          %swap3A_888 = arith.index_cast %add3A_840 : i32 to index
          %swap3A_889 = arith.constant 80 : index
          %swap3A_890 = tpu.vector_load %arg12[%swap3A_888, %swap3A_889] {strides = array<i32>} : memref<80x128xf32, #tpu.memory_space<vmem>>, vector<16xf32>,
          tpu.vector_store %arg12[%swap3A_888, %swap3A_889], %mul3A_887 {strides = array<i32>} : memref<80x128xf32, #tpu.memory_space<vmem>>, vector<16xf32>,
          %get3A_891 = arith.index_cast %add3A_840 : i32 to index
          %get3A_892 = arith.constant 96 : index
          %get3A_893 = tpu.vector_load %arg12[%get3A_891, %get3A_892] {strides = array<i32>} : memref<80x128xf32, #tpu.memory_space<vmem>>, vector<16xf32>,
          %mul3A_894 = vector.broadcast %squeeze3A_842 : f32 to vector<16xf32>
          %mul3A_895 = arith.mulf %get3A_893, %mul3A_894 : vector<16xf32>
          %swap3A_896 = arith.index_cast %add3A_840 : i32 to index
          %swap3A_897 = arith.constant 96 : index
          %swap3A_898 = tpu.vector_load %arg12[%swap3A_896, %swap3A_897] {strides = array<i32>} : memref<80x128xf32, #tpu.memory_space<vmem>>, vector<16xf32>,
          tpu.vector_store %arg12[%swap3A_896, %swap3A_897], %mul3A_895 {strides = array<i32>} : memref<80x128xf32, #tpu.memory_space<vmem>>, vector<16xf32>,
          %get3A_899 = arith.index_cast %add3A_840 : i32 to index
          %get3A_900 = arith.constant 112 : index
          %get3A_901 = tpu.vector_load %arg12[%get3A_899, %get3A_900] {strides = array<i32>} : memref<80x128xf32, #tpu.memory_space<vmem>>, vector<16xf32>,
          %mul3A_902 = vector.broadcast %squeeze3A_842 : f32 to vector<16xf32>
          %mul3A_903 = arith.mulf %get3A_901, %mul3A_902 : vector<16xf32>
          %swap3A_904 = arith.index_cast %add3A_840 : i32 to index
          %swap3A_905 = arith.constant 112 : index
          %swap3A_906 = tpu.vector_load %arg12[%swap3A_904, %swap3A_905] {strides = array<i32>} : memref<80x128xf32, #tpu.memory_space<vmem>>, vector<16xf32>,
          tpu.vector_store %arg12[%swap3A_904, %swap3A_905], %mul3A_903 {strides = array<i32>} : memref<80x128xf32, #tpu.memory_space<vmem>>, vector<16xf32>,
          %mul3A_907 = arith.constant 16 : i32
          %mul3A_908 = arith.muli %scan3A_65, %mul3A_907 : i32
          %add3A_909 = arith.constant 12 : i32
          %add3A_910 = arith.addi %mul3A_908, %add3A_909 : i32
          %slice3A_911 = vector.extract_strided_slice %get3A_69 {offsets = [12], sizes = [1], strides = [1]} : vector<16xf32> to vector<1xf32>
          %squeeze3A_912 = vector.extract %slice3A_911[0] : f32 from vector<1xf32>
          %get3A_913 = arith.index_cast %add3A_910 : i32 to index
          %get3A_914 = arith.constant 0 : index
          %get3A_915 = tpu.vector_load %arg12[%get3A_913, %get3A_914] {strides = array<i32>} : memref<80x128xf32, #tpu.memory_space<vmem>>, vector<16xf32>,
          %mul3A_916 = vector.broadcast %squeeze3A_912 : f32 to vector<16xf32>
          %mul3A_917 = arith.mulf %get3A_915, %mul3A_916 : vector<16xf32>
          %swap3A_918 = arith.index_cast %add3A_910 : i32 to index
          %swap3A_919 = arith.constant 0 : index
          %swap3A_920 = tpu.vector_load %arg12[%swap3A_918, %swap3A_919] {strides = array<i32>} : memref<80x128xf32, #tpu.memory_space<vmem>>, vector<16xf32>,
          tpu.vector_store %arg12[%swap3A_918, %swap3A_919], %mul3A_917 {strides = array<i32>} : memref<80x128xf32, #tpu.memory_space<vmem>>, vector<16xf32>,
          %get3A_921 = arith.index_cast %add3A_910 : i32 to index
          %get3A_922 = arith.constant 16 : index
          %get3A_923 = tpu.vector_load %arg12[%get3A_921, %get3A_922] {strides = array<i32>} : memref<80x128xf32, #tpu.memory_space<vmem>>, vector<16xf32>,
          %mul3A_924 = vector.broadcast %squeeze3A_912 : f32 to vector<16xf32>
          %mul3A_925 = arith.mulf %get3A_923, %mul3A_924 : vector<16xf32>
          %swap3A_926 = arith.index_cast %add3A_910 : i32 to index
          %swap3A_927 = arith.constant 16 : index
          %swap3A_928 = tpu.vector_load %arg12[%swap3A_926, %swap3A_927] {strides = array<i32>} : memref<80x128xf32, #tpu.memory_space<vmem>>, vector<16xf32>,
          tpu.vector_store %arg12[%swap3A_926, %swap3A_927], %mul3A_925 {strides = array<i32>} : memref<80x128xf32, #tpu.memory_space<vmem>>, vector<16xf32>,
          %get3A_929 = arith.index_cast %add3A_910 : i32 to index
          %get3A_930 = arith.constant 32 : index
          %get3A_931 = tpu.vector_load %arg12[%get3A_929, %get3A_930] {strides = array<i32>} : memref<80x128xf32, #tpu.memory_space<vmem>>, vector<16xf32>,
          %mul3A_932 = vector.broadcast %squeeze3A_912 : f32 to vector<16xf32>
          %mul3A_933 = arith.mulf %get3A_931, %mul3A_932 : vector<16xf32>
          %swap3A_934 = arith.index_cast %add3A_910 : i32 to index
          %swap3A_935 = arith.constant 32 : index
          %swap3A_936 = tpu.vector_load %arg12[%swap3A_934, %swap3A_935] {strides = array<i32>} : memref<80x128xf32, #tpu.memory_space<vmem>>, vector<16xf32>,
          tpu.vector_store %arg12[%swap3A_934, %swap3A_935], %mul3A_933 {strides = array<i32>} : memref<80x128xf32, #tpu.memory_space<vmem>>, vector<16xf32>,
          %get3A_937 = arith.index_cast %add3A_910 : i32 to index
          %get3A_938 = arith.constant 48 : index
          %get3A_939 = tpu.vector_load %arg12[%get3A_937, %get3A_938] {strides = array<i32>} : memref<80x128xf32, #tpu.memory_space<vmem>>, vector<16xf32>,
          %mul3A_940 = vector.broadcast %squeeze3A_912 : f32 to vector<16xf32>
          %mul3A_941 = arith.mulf %get3A_939, %mul3A_940 : vector<16xf32>
          %swap3A_942 = arith.index_cast %add3A_910 : i32 to index
          %swap3A_943 = arith.constant 48 : index
          %swap3A_944 = tpu.vector_load %arg12[%swap3A_942, %swap3A_943] {strides = array<i32>} : memref<80x128xf32, #tpu.memory_space<vmem>>, vector<16xf32>,
          tpu.vector_store %arg12[%swap3A_942, %swap3A_943], %mul3A_941 {strides = array<i32>} : memref<80x128xf32, #tpu.memory_space<vmem>>, vector<16xf32>,
          %get3A_945 = arith.index_cast %add3A_910 : i32 to index
          %get3A_946 = arith.constant 64 : index
          %get3A_947 = tpu.vector_load %arg12[%get3A_945, %get3A_946] {strides = array<i32>} : memref<80x128xf32, #tpu.memory_space<vmem>>, vector<16xf32>,
          %mul3A_948 = vector.broadcast %squeeze3A_912 : f32 to vector<16xf32>
          %mul3A_949 = arith.mulf %get3A_947, %mul3A_948 : vector<16xf32>
          %swap3A_950 = arith.index_cast %add3A_910 : i32 to index
          %swap3A_951 = arith.constant 64 : index
          %swap3A_952 = tpu.vector_load %arg12[%swap3A_950, %swap3A_951] {strides = array<i32>} : memref<80x128xf32, #tpu.memory_space<vmem>>, vector<16xf32>,
          tpu.vector_store %arg12[%swap3A_950, %swap3A_951], %mul3A_949 {strides = array<i32>} : memref<80x128xf32, #tpu.memory_space<vmem>>, vector<16xf32>,
          %get3A_953 = arith.index_cast %add3A_910 : i32 to index
          %get3A_954 = arith.constant 80 : index
          %get3A_955 = tpu.vector_load %arg12[%get3A_953, %get3A_954] {strides = array<i32>} : memref<80x128xf32, #tpu.memory_space<vmem>>, vector<16xf32>,
          %mul3A_956 = vector.broadcast %squeeze3A_912 : f32 to vector<16xf32>
          %mul3A_957 = arith.mulf %get3A_955, %mul3A_956 : vector<16xf32>
          %swap3A_958 = arith.index_cast %add3A_910 : i32 to index
          %swap3A_959 = arith.constant 80 : index
          %swap3A_960 = tpu.vector_load %arg12[%swap3A_958, %swap3A_959] {strides = array<i32>} : memref<80x128xf32, #tpu.memory_space<vmem>>, vector<16xf32>,
          tpu.vector_store %arg12[%swap3A_958, %swap3A_959], %mul3A_957 {strides = array<i32>} : memref<80x128xf32, #tpu.memory_space<vmem>>, vector<16xf32>,
          %get3A_961 = arith.index_cast %add3A_910 : i32 to index
          %get3A_962 = arith.constant 96 : index
          %get3A_963 = tpu.vector_load %arg12[%get3A_961, %get3A_962] {strides = array<i32>} : memref<80x128xf32, #tpu.memory_space<vmem>>, vector<16xf32>,
          %mul3A_964 = vector.broadcast %squeeze3A_912 : f32 to vector<16xf32>
          %mul3A_965 = arith.mulf %get3A_963, %mul3A_964 : vector<16xf32>
          %swap3A_966 = arith.index_cast %add3A_910 : i32 to index
          %swap3A_967 = arith.constant 96 : index
          %swap3A_968 = tpu.vector_load %arg12[%swap3A_966, %swap3A_967] {strides = array<i32>} : memref<80x128xf32, #tpu.memory_space<vmem>>, vector<16xf32>,
          tpu.vector_store %arg12[%swap3A_966, %swap3A_967], %mul3A_965 {strides = array<i32>} : memref<80x128xf32, #tpu.memory_space<vmem>>, vector<16xf32>,
          %get3A_969 = arith.index_cast %add3A_910 : i32 to index
          %get3A_970 = arith.constant 112 : index
          %get3A_971 = tpu.vector_load %arg12[%get3A_969, %get3A_970] {strides = array<i32>} : memref<80x128xf32, #tpu.memory_space<vmem>>, vector<16xf32>,
          %mul3A_972 = vector.broadcast %squeeze3A_912 : f32 to vector<16xf32>
          %mul3A_973 = arith.mulf %get3A_971, %mul3A_972 : vector<16xf32>
          %swap3A_974 = arith.index_cast %add3A_910 : i32 to index
          %swap3A_975 = arith.constant 112 : index
          %swap3A_976 = tpu.vector_load %arg12[%swap3A_974, %swap3A_975] {strides = array<i32>} : memref<80x128xf32, #tpu.memory_space<vmem>>, vector<16xf32>,
          tpu.vector_store %arg12[%swap3A_974, %swap3A_975], %mul3A_973 {strides = array<i32>} : memref<80x128xf32, #tpu.memory_space<vmem>>, vector<16xf32>,
          %mul3A_977 = arith.constant 16 : i32
          %mul3A_978 = arith.muli %scan3A_65, %mul3A_977 : i32
          %add3A_979 = arith.constant 13 : i32
          %add3A_980 = arith.addi %mul3A_978, %add3A_979 : i32
          %slice3A_981 = vector.extract_strided_slice %get3A_69 {offsets = [13], sizes = [1], strides = [1]} : vector<16xf32> to vector<1xf32>
          %squeeze3A_982 = vector.extract %slice3A_981[0] : f32 from vector<1xf32>
          %get3A_983 = arith.index_cast %add3A_980 : i32 to index
          %get3A_984 = arith.constant 0 : index
          %get3A_985 = tpu.vector_load %arg12[%get3A_983, %get3A_984] {strides = array<i32>} : memref<80x128xf32, #tpu.memory_space<vmem>>, vector<16xf32>,
          %mul3A_986 = vector.broadcast %squeeze3A_982 : f32 to vector<16xf32>
          %mul3A_987 = arith.mulf %get3A_985, %mul3A_986 : vector<16xf32>
          %swap3A_988 = arith.index_cast %add3A_980 : i32 to index
          %swap3A_989 = arith.constant 0 : index
          %swap3A_990 = tpu.vector_load %arg12[%swap3A_988, %swap3A_989] {strides = array<i32>} : memref<80x128xf32, #tpu.memory_space<vmem>>, vector<16xf32>,
          tpu.vector_store %arg12[%swap3A_988, %swap3A_989], %mul3A_987 {strides = array<i32>} : memref<80x128xf32, #tpu.memory_space<vmem>>, vector<16xf32>,
          %get3A_991 = arith.index_cast %add3A_980 : i32 to index
          %get3A_992 = arith.constant 16 : index
          %get3A_993 = tpu.vector_load %arg12[%get3A_991, %get3A_992] {strides = array<i32>} : memref<80x128xf32, #tpu.memory_space<vmem>>, vector<16xf32>,
          %mul3A_994 = vector.broadcast %squeeze3A_982 : f32 to vector<16xf32>
          %mul3A_995 = arith.mulf %get3A_993, %mul3A_994 : vector<16xf32>
          %swap3A_996 = arith.index_cast %add3A_980 : i32 to index
          %swap3A_997 = arith.constant 16 : index
          %swap3A_998 = tpu.vector_load %arg12[%swap3A_996, %swap3A_997] {strides = array<i32>} : memref<80x128xf32, #tpu.memory_space<vmem>>, vector<16xf32>,
          tpu.vector_store %arg12[%swap3A_996, %swap3A_997], %mul3A_995 {strides = array<i32>} : memref<80x128xf32, #tpu.memory_space<vmem>>, vector<16xf32>,
          %get3A_999 = arith.index_cast %add3A_980 : i32 to index
          %get3A_1000 = arith.constant 32 : index
          %get3A_1001 = tpu.vector_load %arg12[%get3A_999, %get3A_1000] {strides = array<i32>} : memref<80x128xf32, #tpu.memory_space<vmem>>, vector<16xf32>,
          %mul3A_1002 = vector.broadcast %squeeze3A_982 : f32 to vector<16xf32>
          %mul3A_1003 = arith.mulf %get3A_1001, %mul3A_1002 : vector<16xf32>
          %swap3A_1004 = arith.index_cast %add3A_980 : i32 to index
          %swap3A_1005 = arith.constant 32 : index
          %swap3A_1006 = tpu.vector_load %arg12[%swap3A_1004, %swap3A_1005] {strides = array<i32>} : memref<80x128xf32, #tpu.memory_space<vmem>>, vector<16xf32>,
          tpu.vector_store %arg12[%swap3A_1004, %swap3A_1005], %mul3A_1003 {strides = array<i32>} : memref<80x128xf32, #tpu.memory_space<vmem>>, vector<16xf32>,
          %get3A_1007 = arith.index_cast %add3A_980 : i32 to index
          %get3A_1008 = arith.constant 48 : index
          %get3A_1009 = tpu.vector_load %arg12[%get3A_1007, %get3A_1008] {strides = array<i32>} : memref<80x128xf32, #tpu.memory_space<vmem>>, vector<16xf32>,
          %mul3A_1010 = vector.broadcast %squeeze3A_982 : f32 to vector<16xf32>
          %mul3A_1011 = arith.mulf %get3A_1009, %mul3A_1010 : vector<16xf32>
          %swap3A_1012 = arith.index_cast %add3A_980 : i32 to index
          %swap3A_1013 = arith.constant 48 : index
          %swap3A_1014 = tpu.vector_load %arg12[%swap3A_1012, %swap3A_1013] {strides = array<i32>} : memref<80x128xf32, #tpu.memory_space<vmem>>, vector<16xf32>,
          tpu.vector_store %arg12[%swap3A_1012, %swap3A_1013], %mul3A_1011 {strides = array<i32>} : memref<80x128xf32, #tpu.memory_space<vmem>>, vector<16xf32>,
          %get3A_1015 = arith.index_cast %add3A_980 : i32 to index
          %get3A_1016 = arith.constant 64 : index
          %get3A_1017 = tpu.vector_load %arg12[%get3A_1015, %get3A_1016] {strides = array<i32>} : memref<80x128xf32, #tpu.memory_space<vmem>>, vector<16xf32>,
          %mul3A_1018 = vector.broadcast %squeeze3A_982 : f32 to vector<16xf32>
          %mul3A_1019 = arith.mulf %get3A_1017, %mul3A_1018 : vector<16xf32>
          %swap3A_1020 = arith.index_cast %add3A_980 : i32 to index
          %swap3A_1021 = arith.constant 64 : index
          %swap3A_1022 = tpu.vector_load %arg12[%swap3A_1020, %swap3A_1021] {strides = array<i32>} : memref<80x128xf32, #tpu.memory_space<vmem>>, vector<16xf32>,
          tpu.vector_store %arg12[%swap3A_1020, %swap3A_1021], %mul3A_1019 {strides = array<i32>} : memref<80x128xf32, #tpu.memory_space<vmem>>, vector<16xf32>,
          %get3A_1023 = arith.index_cast %add3A_980 : i32 to index
          %get3A_1024 = arith.constant 80 : index
          %get3A_1025 = tpu.vector_load %arg12[%get3A_1023, %get3A_1024] {strides = array<i32>} : memref<80x128xf32, #tpu.memory_space<vmem>>, vector<16xf32>,
          %mul3A_1026 = vector.broadcast %squeeze3A_982 : f32 to vector<16xf32>
          %mul3A_1027 = arith.mulf %get3A_1025, %mul3A_1026 : vector<16xf32>
          %swap3A_1028 = arith.index_cast %add3A_980 : i32 to index
          %swap3A_1029 = arith.constant 80 : index
          %swap3A_1030 = tpu.vector_load %arg12[%swap3A_1028, %swap3A_1029] {strides = array<i32>} : memref<80x128xf32, #tpu.memory_space<vmem>>, vector<16xf32>,
          tpu.vector_store %arg12[%swap3A_1028, %swap3A_1029], %mul3A_1027 {strides = array<i32>} : memref<80x128xf32, #tpu.memory_space<vmem>>, vector<16xf32>,
          %get3A_1031 = arith.index_cast %add3A_980 : i32 to index
          %get3A_1032 = arith.constant 96 : index
          %get3A_1033 = tpu.vector_load %arg12[%get3A_1031, %get3A_1032] {strides = array<i32>} : memref<80x128xf32, #tpu.memory_space<vmem>>, vector<16xf32>,
          %mul3A_1034 = vector.broadcast %squeeze3A_982 : f32 to vector<16xf32>
          %mul3A_1035 = arith.mulf %get3A_1033, %mul3A_1034 : vector<16xf32>
          %swap3A_1036 = arith.index_cast %add3A_980 : i32 to index
          %swap3A_1037 = arith.constant 96 : index
          %swap3A_1038 = tpu.vector_load %arg12[%swap3A_1036, %swap3A_1037] {strides = array<i32>} : memref<80x128xf32, #tpu.memory_space<vmem>>, vector<16xf32>,
          tpu.vector_store %arg12[%swap3A_1036, %swap3A_1037], %mul3A_1035 {strides = array<i32>} : memref<80x128xf32, #tpu.memory_space<vmem>>, vector<16xf32>,
          %get3A_1039 = arith.index_cast %add3A_980 : i32 to index
          %get3A_1040 = arith.constant 112 : index
          %get3A_1041 = tpu.vector_load %arg12[%get3A_1039, %get3A_1040] {strides = array<i32>} : memref<80x128xf32, #tpu.memory_space<vmem>>, vector<16xf32>,
          %mul3A_1042 = vector.broadcast %squeeze3A_982 : f32 to vector<16xf32>
          %mul3A_1043 = arith.mulf %get3A_1041, %mul3A_1042 : vector<16xf32>
          %swap3A_1044 = arith.index_cast %add3A_980 : i32 to index
          %swap3A_1045 = arith.constant 112 : index
          %swap3A_1046 = tpu.vector_load %arg12[%swap3A_1044, %swap3A_1045] {strides = array<i32>} : memref<80x128xf32, #tpu.memory_space<vmem>>, vector<16xf32>,
          tpu.vector_store %arg12[%swap3A_1044, %swap3A_1045], %mul3A_1043 {strides = array<i32>} : memref<80x128xf32, #tpu.memory_space<vmem>>, vector<16xf32>,
          %mul3A_1047 = arith.constant 16 : i32
          %mul3A_1048 = arith.muli %scan3A_65, %mul3A_1047 : i32
          %add3A_1049 = arith.constant 14 : i32
          %add3A_1050 = arith.addi %mul3A_1048, %add3A_1049 : i32
          %slice3A_1051 = vector.extract_strided_slice %get3A_69 {offsets = [14], sizes = [1], strides = [1]} : vector<16xf32> to vector<1xf32>
          %squeeze3A_1052 = vector.extract %slice3A_1051[0] : f32 from vector<1xf32>
          %get3A_1053 = arith.index_cast %add3A_1050 : i32 to index
          %get3A_1054 = arith.constant 0 : index
          %get3A_1055 = tpu.vector_load %arg12[%get3A_1053, %get3A_1054] {strides = array<i32>} : memref<80x128xf32, #tpu.memory_space<vmem>>, vector<16xf32>,
          %mul3A_1056 = vector.broadcast %squeeze3A_1052 : f32 to vector<16xf32>
          %mul3A_1057 = arith.mulf %get3A_1055, %mul3A_1056 : vector<16xf32>
          %swap3A_1058 = arith.index_cast %add3A_1050 : i32 to index
          %swap3A_1059 = arith.constant 0 : index
          %swap3A_1060 = tpu.vector_load %arg12[%swap3A_1058, %swap3A_1059] {strides = array<i32>} : memref<80x128xf32, #tpu.memory_space<vmem>>, vector<16xf32>,
          tpu.vector_store %arg12[%swap3A_1058, %swap3A_1059], %mul3A_1057 {strides = array<i32>} : memref<80x128xf32, #tpu.memory_space<vmem>>, vector<16xf32>,
          %get3A_1061 = arith.index_cast %add3A_1050 : i32 to index
          %get3A_1062 = arith.constant 16 : index
          %get3A_1063 = tpu.vector_load %arg12[%get3A_1061, %get3A_1062] {strides = array<i32>} : memref<80x128xf32, #tpu.memory_space<vmem>>, vector<16xf32>,
          %mul3A_1064 = vector.broadcast %squeeze3A_1052 : f32 to vector<16xf32>
          %mul3A_1065 = arith.mulf %get3A_1063, %mul3A_1064 : vector<16xf32>
          %swap3A_1066 = arith.index_cast %add3A_1050 : i32 to index
          %swap3A_1067 = arith.constant 16 : index
          %swap3A_1068 = tpu.vector_load %arg12[%swap3A_1066, %swap3A_1067] {strides = array<i32>} : memref<80x128xf32, #tpu.memory_space<vmem>>, vector<16xf32>,
          tpu.vector_store %arg12[%swap3A_1066, %swap3A_1067], %mul3A_1065 {strides = array<i32>} : memref<80x128xf32, #tpu.memory_space<vmem>>, vector<16xf32>,
          %get3A_1069 = arith.index_cast %add3A_1050 : i32 to index
          %get3A_1070 = arith.constant 32 : index
          %get3A_1071 = tpu.vector_load %arg12[%get3A_1069, %get3A_1070] {strides = array<i32>} : memref<80x128xf32, #tpu.memory_space<vmem>>, vector<16xf32>,
          %mul3A_1072 = vector.broadcast %squeeze3A_1052 : f32 to vector<16xf32>
          %mul3A_1073 = arith.mulf %get3A_1071, %mul3A_1072 : vector<16xf32>
          %swap3A_1074 = arith.index_cast %add3A_1050 : i32 to index
          %swap3A_1075 = arith.constant 32 : index
          %swap3A_1076 = tpu.vector_load %arg12[%swap3A_1074, %swap3A_1075] {strides = array<i32>} : memref<80x128xf32, #tpu.memory_space<vmem>>, vector<16xf32>,
          tpu.vector_store %arg12[%swap3A_1074, %swap3A_1075], %mul3A_1073 {strides = array<i32>} : memref<80x128xf32, #tpu.memory_space<vmem>>, vector<16xf32>,
          %get3A_1077 = arith.index_cast %add3A_1050 : i32 to index
          %get3A_1078 = arith.constant 48 : index
          %get3A_1079 = tpu.vector_load %arg12[%get3A_1077, %get3A_1078] {strides = array<i32>} : memref<80x128xf32, #tpu.memory_space<vmem>>, vector<16xf32>,
          %mul3A_1080 = vector.broadcast %squeeze3A_1052 : f32 to vector<16xf32>
          %mul3A_1081 = arith.mulf %get3A_1079, %mul3A_1080 : vector<16xf32>
          %swap3A_1082 = arith.index_cast %add3A_1050 : i32 to index
          %swap3A_1083 = arith.constant 48 : index
          %swap3A_1084 = tpu.vector_load %arg12[%swap3A_1082, %swap3A_1083] {strides = array<i32>} : memref<80x128xf32, #tpu.memory_space<vmem>>, vector<16xf32>,
          tpu.vector_store %arg12[%swap3A_1082, %swap3A_1083], %mul3A_1081 {strides = array<i32>} : memref<80x128xf32, #tpu.memory_space<vmem>>, vector<16xf32>,
          %get3A_1085 = arith.index_cast %add3A_1050 : i32 to index
          %get3A_1086 = arith.constant 64 : index
          %get3A_1087 = tpu.vector_load %arg12[%get3A_1085, %get3A_1086] {strides = array<i32>} : memref<80x128xf32, #tpu.memory_space<vmem>>, vector<16xf32>,
          %mul3A_1088 = vector.broadcast %squeeze3A_1052 : f32 to vector<16xf32>
          %mul3A_1089 = arith.mulf %get3A_1087, %mul3A_1088 : vector<16xf32>
          %swap3A_1090 = arith.index_cast %add3A_1050 : i32 to index
          %swap3A_1091 = arith.constant 64 : index
          %swap3A_1092 = tpu.vector_load %arg12[%swap3A_1090, %swap3A_1091] {strides = array<i32>} : memref<80x128xf32, #tpu.memory_space<vmem>>, vector<16xf32>,
          tpu.vector_store %arg12[%swap3A_1090, %swap3A_1091], %mul3A_1089 {strides = array<i32>} : memref<80x128xf32, #tpu.memory_space<vmem>>, vector<16xf32>,
          %get3A_1093 = arith.index_cast %add3A_1050 : i32 to index
          %get3A_1094 = arith.constant 80 : index
          %get3A_1095 = tpu.vector_load %arg12[%get3A_1093, %get3A_1094] {strides = array<i32>} : memref<80x128xf32, #tpu.memory_space<vmem>>, vector<16xf32>,
          %mul3A_1096 = vector.broadcast %squeeze3A_1052 : f32 to vector<16xf32>
          %mul3A_1097 = arith.mulf %get3A_1095, %mul3A_1096 : vector<16xf32>
          %swap3A_1098 = arith.index_cast %add3A_1050 : i32 to index
          %swap3A_1099 = arith.constant 80 : index
          %swap3A_1100 = tpu.vector_load %arg12[%swap3A_1098, %swap3A_1099] {strides = array<i32>} : memref<80x128xf32, #tpu.memory_space<vmem>>, vector<16xf32>,
          tpu.vector_store %arg12[%swap3A_1098, %swap3A_1099], %mul3A_1097 {strides = array<i32>} : memref<80x128xf32, #tpu.memory_space<vmem>>, vector<16xf32>,
          %get3A_1101 = arith.index_cast %add3A_1050 : i32 to index
          %get3A_1102 = arith.constant 96 : index
          %get3A_1103 = tpu.vector_load %arg12[%get3A_1101, %get3A_1102] {strides = array<i32>} : memref<80x128xf32, #tpu.memory_space<vmem>>, vector<16xf32>,
          %mul3A_1104 = vector.broadcast %squeeze3A_1052 : f32 to vector<16xf32>
          %mul3A_1105 = arith.mulf %get3A_1103, %mul3A_1104 : vector<16xf32>
          %swap3A_1106 = arith.index_cast %add3A_1050 : i32 to index
          %swap3A_1107 = arith.constant 96 : index
          %swap3A_1108 = tpu.vector_load %arg12[%swap3A_1106, %swap3A_1107] {strides = array<i32>} : memref<80x128xf32, #tpu.memory_space<vmem>>, vector<16xf32>,
          tpu.vector_store %arg12[%swap3A_1106, %swap3A_1107], %mul3A_1105 {strides = array<i32>} : memref<80x128xf32, #tpu.memory_space<vmem>>, vector<16xf32>,
          %get3A_1109 = arith.index_cast %add3A_1050 : i32 to index
          %get3A_1110 = arith.constant 112 : index
          %get3A_1111 = tpu.vector_load %arg12[%get3A_1109, %get3A_1110] {strides = array<i32>} : memref<80x128xf32, #tpu.memory_space<vmem>>, vector<16xf32>,
          %mul3A_1112 = vector.broadcast %squeeze3A_1052 : f32 to vector<16xf32>
          %mul3A_1113 = arith.mulf %get3A_1111, %mul3A_1112 : vector<16xf32>
          %swap3A_1114 = arith.index_cast %add3A_1050 : i32 to index
          %swap3A_1115 = arith.constant 112 : index
          %swap3A_1116 = tpu.vector_load %arg12[%swap3A_1114, %swap3A_1115] {strides = array<i32>} : memref<80x128xf32, #tpu.memory_space<vmem>>, vector<16xf32>,
          tpu.vector_store %arg12[%swap3A_1114, %swap3A_1115], %mul3A_1113 {strides = array<i32>} : memref<80x128xf32, #tpu.memory_space<vmem>>, vector<16xf32>,
          %mul3A_1117 = arith.constant 16 : i32
          %mul3A_1118 = arith.muli %scan3A_65, %mul3A_1117 : i32
          %add3A_1119 = arith.constant 15 : i32
          %add3A_1120 = arith.addi %mul3A_1118, %add3A_1119 : i32
          %slice3A_1121 = vector.extract_strided_slice %get3A_69 {offsets = [15], sizes = [1], strides = [1]} : vector<16xf32> to vector<1xf32>
          %squeeze3A_1122 = vector.extract %slice3A_1121[0] : f32 from vector<1xf32>
          %get3A_1123 = arith.index_cast %add3A_1120 : i32 to index
          %get3A_1124 = arith.constant 0 : index
          %get3A_1125 = tpu.vector_load %arg12[%get3A_1123, %get3A_1124] {strides = array<i32>} : memref<80x128xf32, #tpu.memory_space<vmem>>, vector<16xf32>,
          %mul3A_1126 = vector.broadcast %squeeze3A_1122 : f32 to vector<16xf32>
          %mul3A_1127 = arith.mulf %get3A_1125, %mul3A_1126 : vector<16xf32>
          %swap3A_1128 = arith.index_cast %add3A_1120 : i32 to index
          %swap3A_1129 = arith.constant 0 : index
          %swap3A_1130 = tpu.vector_load %arg12[%swap3A_1128, %swap3A_1129] {strides = array<i32>} : memref<80x128xf32, #tpu.memory_space<vmem>>, vector<16xf32>,
          tpu.vector_store %arg12[%swap3A_1128, %swap3A_1129], %mul3A_1127 {strides = array<i32>} : memref<80x128xf32, #tpu.memory_space<vmem>>, vector<16xf32>,
          %get3A_1131 = arith.index_cast %add3A_1120 : i32 to index
          %get3A_1132 = arith.constant 16 : index
          %get3A_1133 = tpu.vector_load %arg12[%get3A_1131, %get3A_1132] {strides = array<i32>} : memref<80x128xf32, #tpu.memory_space<vmem>>, vector<16xf32>,
          %mul3A_1134 = vector.broadcast %squeeze3A_1122 : f32 to vector<16xf32>
          %mul3A_1135 = arith.mulf %get3A_1133, %mul3A_1134 : vector<16xf32>
          %swap3A_1136 = arith.index_cast %add3A_1120 : i32 to index
          %swap3A_1137 = arith.constant 16 : index
          %swap3A_1138 = tpu.vector_load %arg12[%swap3A_1136, %swap3A_1137] {strides = array<i32>} : memref<80x128xf32, #tpu.memory_space<vmem>>, vector<16xf32>,
          tpu.vector_store %arg12[%swap3A_1136, %swap3A_1137], %mul3A_1135 {strides = array<i32>} : memref<80x128xf32, #tpu.memory_space<vmem>>, vector<16xf32>,
          %get3A_1139 = arith.index_cast %add3A_1120 : i32 to index
          %get3A_1140 = arith.constant 32 : index
          %get3A_1141 = tpu.vector_load %arg12[%get3A_1139, %get3A_1140] {strides = array<i32>} : memref<80x128xf32, #tpu.memory_space<vmem>>, vector<16xf32>,
          %mul3A_1142 = vector.broadcast %squeeze3A_1122 : f32 to vector<16xf32>
          %mul3A_1143 = arith.mulf %get3A_1141, %mul3A_1142 : vector<16xf32>
          %swap3A_1144 = arith.index_cast %add3A_1120 : i32 to index
          %swap3A_1145 = arith.constant 32 : index
          %swap3A_1146 = tpu.vector_load %arg12[%swap3A_1144, %swap3A_1145] {strides = array<i32>} : memref<80x128xf32, #tpu.memory_space<vmem>>, vector<16xf32>,
          tpu.vector_store %arg12[%swap3A_1144, %swap3A_1145], %mul3A_1143 {strides = array<i32>} : memref<80x128xf32, #tpu.memory_space<vmem>>, vector<16xf32>,
          %get3A_1147 = arith.index_cast %add3A_1120 : i32 to index
          %get3A_1148 = arith.constant 48 : index
          %get3A_1149 = tpu.vector_load %arg12[%get3A_1147, %get3A_1148] {strides = array<i32>} : memref<80x128xf32, #tpu.memory_space<vmem>>, vector<16xf32>,
          %mul3A_1150 = vector.broadcast %squeeze3A_1122 : f32 to vector<16xf32>
          %mul3A_1151 = arith.mulf %get3A_1149, %mul3A_1150 : vector<16xf32>
          %swap3A_1152 = arith.index_cast %add3A_1120 : i32 to index
          %swap3A_1153 = arith.constant 48 : index
          %swap3A_1154 = tpu.vector_load %arg12[%swap3A_1152, %swap3A_1153] {strides = array<i32>} : memref<80x128xf32, #tpu.memory_space<vmem>>, vector<16xf32>,
          tpu.vector_store %arg12[%swap3A_1152, %swap3A_1153], %mul3A_1151 {strides = array<i32>} : memref<80x128xf32, #tpu.memory_space<vmem>>, vector<16xf32>,
          %get3A_1155 = arith.index_cast %add3A_1120 : i32 to index
          %get3A_1156 = arith.constant 64 : index
          %get3A_1157 = tpu.vector_load %arg12[%get3A_1155, %get3A_1156] {strides = array<i32>} : memref<80x128xf32, #tpu.memory_space<vmem>>, vector<16xf32>,
          %mul3A_1158 = vector.broadcast %squeeze3A_1122 : f32 to vector<16xf32>
          %mul3A_1159 = arith.mulf %get3A_1157, %mul3A_1158 : vector<16xf32>
          %swap3A_1160 = arith.index_cast %add3A_1120 : i32 to index
          %swap3A_1161 = arith.constant 64 : index
          %swap3A_1162 = tpu.vector_load %arg12[%swap3A_1160, %swap3A_1161] {strides = array<i32>} : memref<80x128xf32, #tpu.memory_space<vmem>>, vector<16xf32>,
          tpu.vector_store %arg12[%swap3A_1160, %swap3A_1161], %mul3A_1159 {strides = array<i32>} : memref<80x128xf32, #tpu.memory_space<vmem>>, vector<16xf32>,
          %get3A_1163 = arith.index_cast %add3A_1120 : i32 to index
          %get3A_1164 = arith.constant 80 : index
          %get3A_1165 = tpu.vector_load %arg12[%get3A_1163, %get3A_1164] {strides = array<i32>} : memref<80x128xf32, #tpu.memory_space<vmem>>, vector<16xf32>,
          %mul3A_1166 = vector.broadcast %squeeze3A_1122 : f32 to vector<16xf32>
          %mul3A_1167 = arith.mulf %get3A_1165, %mul3A_1166 : vector<16xf32>
          %swap3A_1168 = arith.index_cast %add3A_1120 : i32 to index
          %swap3A_1169 = arith.constant 80 : index
          %swap3A_1170 = tpu.vector_load %arg12[%swap3A_1168, %swap3A_1169] {strides = array<i32>} : memref<80x128xf32, #tpu.memory_space<vmem>>, vector<16xf32>,
          tpu.vector_store %arg12[%swap3A_1168, %swap3A_1169], %mul3A_1167 {strides = array<i32>} : memref<80x128xf32, #tpu.memory_space<vmem>>, vector<16xf32>,
          %get3A_1171 = arith.index_cast %add3A_1120 : i32 to index
          %get3A_1172 = arith.constant 96 : index
          %get3A_1173 = tpu.vector_load %arg12[%get3A_1171, %get3A_1172] {strides = array<i32>} : memref<80x128xf32, #tpu.memory_space<vmem>>, vector<16xf32>,
          %mul3A_1174 = vector.broadcast %squeeze3A_1122 : f32 to vector<16xf32>
          %mul3A_1175 = arith.mulf %get3A_1173, %mul3A_1174 : vector<16xf32>
          %swap3A_1176 = arith.index_cast %add3A_1120 : i32 to index
          %swap3A_1177 = arith.constant 96 : index
          %swap3A_1178 = tpu.vector_load %arg12[%swap3A_1176, %swap3A_1177] {strides = array<i32>} : memref<80x128xf32, #tpu.memory_space<vmem>>, vector<16xf32>,
          tpu.vector_store %arg12[%swap3A_1176, %swap3A_1177], %mul3A_1175 {strides = array<i32>} : memref<80x128xf32, #tpu.memory_space<vmem>>, vector<16xf32>,
          %get3A_1179 = arith.index_cast %add3A_1120 : i32 to index
          %get3A_1180 = arith.constant 112 : index
          %get3A_1181 = tpu.vector_load %arg12[%get3A_1179, %get3A_1180] {strides = array<i32>} : memref<80x128xf32, #tpu.memory_space<vmem>>, vector<16xf32>,
          %mul3A_1182 = vector.broadcast %squeeze3A_1122 : f32 to vector<16xf32>
          %mul3A_1183 = arith.mulf %get3A_1181, %mul3A_1182 : vector<16xf32>
          %swap3A_1184 = arith.index_cast %add3A_1120 : i32 to index
          %swap3A_1185 = arith.constant 112 : index
          %swap3A_1186 = tpu.vector_load %arg12[%swap3A_1184, %swap3A_1185] {strides = array<i32>} : memref<80x128xf32, #tpu.memory_space<vmem>>, vector<16xf32>,
          tpu.vector_store %arg12[%swap3A_1184, %swap3A_1185], %mul3A_1183 {strides = array<i32>} : memref<80x128xf32, #tpu.memory_space<vmem>>, vector<16xf32>,
          %scan3A_1187 = arith.constant 0 : i32
          scf.yield %scan3A_1187 : i32
        }
        %scan3A_64 = arith.constant 5 : i32
      } else {
      }
      "tpu.region"() ({
        %run_scoped3A = tpu.sem_alloc : memref<!tpu.dma_semaphore, #tpu.memory_space<semaphore_mem>>
        %dma_start3A_58 = arith.constant 0 : i32
        %dma_start3A_59 = arith.constant 0 : i32
        %dma_start3A_60 = tpu.memref_slice %arg8[%dma_start3A_58, %dma_start3A_59] : memref<10112x128xf32, #tpu.memory_space<vmem_shared>> -> memref<10112x128xf32, #tpu.memory_space<vmem_shared>>
        tpu.enqueue_indirect_dma source(%arg12 : memref<80x128xf32, #tpu.memory_space<vmem>>) target(%dma_start3A_60 : memref<10112x128xf32, #tpu.memory_space<vmem_shared>>) offsets(%arg10 : memref<80xi32, #tpu.memory_space<vmem>>) semaphore(%run_scoped3A : memref<!tpu.dma_semaphore, #tpu.memory_space<semaphore_mem>>) {add = true}
        %dma_wait3A_61 = arith.constant 0 : i32
        %dma_wait3A_62 = arith.constant 0 : i32
        %dma_wait3A_63 = tpu.memref_slice %arg8[%dma_wait3A_61, %dma_wait3A_62] : memref<10112x128xf32, #tpu.memory_space<vmem_shared>> -> memref<10112x128xf32, #tpu.memory_space<vmem_shared>>
        tpu.wait_indirect_dma semaphore(%run_scoped3A : memref<!tpu.dma_semaphore, #tpu.memory_space<semaphore_mem>>) src(%arg12 : memref<80x128xf32, #tpu.memory_space<vmem>>) dst(%dma_wait3A_63 : memref<10112x128xf32, #tpu.memory_space<vmem_shared>>)
        tpu.yield
      }) : () -> ()
      %eq3A_52 = arith.constant 0 : i32
      %eq3A_53 = arith.cmpi eq, %arg0, %eq3A_52 : i32
      %convert_element_type3A_54 = arith.extui %eq3A_53 : i1 to i32
      %cond3A_55 = arith.constant 0 : i32
      %cond3A_56 = arith.cmpi ne, %convert_element_type3A_54, %cond3A_55 : i32
      scf.if %cond3A_56 {
        %get3A = arith.constant 0 : index
        %get3A_58 = tpu.vector_load %arg10[%get3A] {strides = array<i32>} : memref<80xi32, #tpu.memory_space<vmem>>, vector<16xi32>,
        tpu.vector_store_idx %arg15[%get3A_58], %broadcast_in_dim3A_2 {add = true} : memref<10112xf32, #tpu.memory_space<vmem>>[vector<16xi32>], vector<16xf32>,
        %get3A_59 = arith.constant 16 : index
        %get3A_60 = tpu.vector_load %arg10[%get3A_59] {strides = array<i32>} : memref<80xi32, #tpu.memory_space<vmem>>, vector<16xi32>,
        tpu.vector_store_idx %arg15[%get3A_60], %broadcast_in_dim3A_2 {add = true} : memref<10112xf32, #tpu.memory_space<vmem>>[vector<16xi32>], vector<16xf32>,
        %get3A_61 = arith.constant 32 : index
        %get3A_62 = tpu.vector_load %arg10[%get3A_61] {strides = array<i32>} : memref<80xi32, #tpu.memory_space<vmem>>, vector<16xi32>,
        tpu.vector_store_idx %arg15[%get3A_62], %broadcast_in_dim3A_2 {add = true} : memref<10112xf32, #tpu.memory_space<vmem>>[vector<16xi32>], vector<16xf32>,
        %get3A_63 = arith.constant 48 : index
        %get3A_64 = tpu.vector_load %arg10[%get3A_63] {strides = array<i32>} : memref<80xi32, #tpu.memory_space<vmem>>, vector<16xi32>,
        tpu.vector_store_idx %arg15[%get3A_64], %broadcast_in_dim3A_2 {add = true} : memref<10112xf32, #tpu.memory_space<vmem>>[vector<16xi32>], vector<16xf32>,
        %get3A_65 = arith.constant 64 : index
        %get3A_66 = tpu.vector_load %arg10[%get3A_65] {strides = array<i32>} : memref<80xi32, #tpu.memory_space<vmem>>, vector<16xi32>,
        tpu.vector_store_idx %arg15[%get3A_66], %broadcast_in_dim3A_2 {add = true} : memref<10112xf32, #tpu.memory_space<vmem>>[vector<16xi32>], vector<16xf32>,
      } else {
      }
      %scan3A_57 = arith.constant 0 : i32
      scf.yield %scan3A_57 : i32
    }
    %scan3A_32 = arith.constant 250 : i32
    %barrier3A_33 = arith.constant 0 : index
    tpu.barrier barrier_id(%barrier3A_33)
    %mul3A_34 = arith.constant 10112 : i32
    %mul3A_35 = arith.muli %arg0, %mul3A_34 : i32
    %add3A = arith.addi %mul3A_35, %mul3A_16 : i32
    "tpu.region"() ({
      %run_scoped3A = tpu.sem_alloc : memref<!tpu.dma_semaphore, #tpu.memory_space<semaphore_mem>>
      %dma_start3A = arith.constant 0 : i32
      %dma_start3A_38 = tpu.memref_slice %arg6[%add3A, %dma_start3A] : memref<20224x128xf32, #tpu.memory_space<hbm>> -> memref<632x128xf32, #tpu.memory_space<hbm>>
      %dma_start3A_39 = arith.constant 0 : i32
      %dma_start3A_40 = tpu.memref_slice %arg8[%mul3A_16, %dma_start3A_39] : memref<10112x128xf32, #tpu.memory_space<vmem_shared>> -> memref<632x128xf32, #tpu.memory_space<vmem_shared>>
      tpu.enqueue_dma source(%dma_start3A_40 : memref<632x128xf32, #tpu.memory_space<vmem_shared>>) target(%dma_start3A_38 : memref<632x128xf32, #tpu.memory_space<hbm>>) target_semaphore(%run_scoped3A : memref<!tpu.dma_semaphore, #tpu.memory_space<semaphore_mem>>)
      %dma_wait3A = arith.constant 0 : i32
      %dma_wait3A_41 = tpu.memref_slice %arg6[%add3A, %dma_wait3A] : memref<20224x128xf32, #tpu.memory_space<hbm>> -> memref<632x128xf32, #tpu.memory_space<hbm>>
      %dma_wait3A_42 = arith.constant 0 : i32
      %dma_wait3A_43 = tpu.memref_slice %arg8[%mul3A_16, %dma_wait3A_42] : memref<10112x128xf32, #tpu.memory_space<vmem_shared>> -> memref<632x128xf32, #tpu.memory_space<vmem_shared>>
      tpu.wait_dma2 semaphore(%run_scoped3A : memref<!tpu.dma_semaphore, #tpu.memory_space<semaphore_mem>>) src(%dma_wait3A_43 : memref<632x128xf32, #tpu.memory_space<vmem_shared>>) dst(%dma_wait3A_41 : memref<632x128xf32, #tpu.memory_space<hbm>>)
      tpu.yield
    }) : () -> ()
    %eq3A = arith.constant 0 : i32
    %eq3A_36 = arith.cmpi eq, %arg0, %eq3A : i32
    %convert_element_type3A = arith.extui %eq3A_36 : i1 to i32
    %cond3A = arith.constant 0 : i32
    %cond3A_37 = arith.cmpi ne, %convert_element_type3A, %cond3A : i32
    scf.if %cond3A_37 {
      %mul3A_38 = arith.constant 10112 : i32
      %mul3A_39 = arith.muli %arg1, %mul3A_38 : i32
      "tpu.region"() ({
        %run_scoped3A = tpu.sem_alloc : memref<!tpu.dma_semaphore, #tpu.memory_space<semaphore_mem>>
        %dma_start3A = tpu.memref_slice %arg7[%mul3A_39] : memref<161792xf32, #tpu.memory_space<hbm>> -> memref<10112xf32, #tpu.memory_space<hbm>>
        %dma_start3A_40 = tpu.memref_slice %arg7[%mul3A_39] : memref<161792xf32, #tpu.memory_space<hbm>> -> memref<10112xf32, #tpu.memory_space<hbm>>
        tpu.enqueue_dma source(%arg15 : memref<10112xf32, #tpu.memory_space<vmem>>) target(%dma_start3A_40 : memref<10112xf32, #tpu.memory_space<hbm>>) target_semaphore(%run_scoped3A : memref<!tpu.dma_semaphore, #tpu.memory_space<semaphore_mem>>)
        %dma_wait3A = tpu.memref_slice %arg7[%mul3A_39] : memref<161792xf32, #tpu.memory_space<hbm>> -> memref<10112xf32, #tpu.memory_space<hbm>>
        %dma_wait3A_41 = tpu.memref_slice %arg7[%mul3A_39] : memref<161792xf32, #tpu.memory_space<hbm>> -> memref<10112xf32, #tpu.memory_space<hbm>>
        tpu.wait_dma2 semaphore(%run_scoped3A : memref<!tpu.dma_semaphore, #tpu.memory_space<semaphore_mem>>) src(%arg15 : memref<10112xf32, #tpu.memory_space<vmem>>) dst(%dma_wait3A_41 : memref<10112xf32, #tpu.memory_space<hbm>>)
        tpu.yield
      }) : () -> ()
    } else {
    }
    return
  }
}

#map = affine_map<(d0, d1) -> (0, 0)>
#map1 = affine_map<(d0, d1) -> (0)>
module attributes {stable_mosaic.version = 14 : i64} {
  func.func @body(%arg0: i32, %arg1: i32, %arg2: memref<10000x128xf32, #tpu.memory_space<hbm>>, %arg3: memref<320000xi32, #tpu.memory_space<hbm>>, %arg4: memref<320000xi32, #tpu.memory_space<hbm>>, %arg5: memref<320000xf32, #tpu.memory_space<hbm>>, %arg6: memref<20224x128xf32, #tpu.memory_space<hbm>>, %arg7: memref<10112x128xf32, #tpu.memory_space<vmem_shared>>, %arg8: memref<80xi32, #tpu.memory_space<vmem>>, %arg9: memref<80xi32, #tpu.memory_space<vmem>>, %arg10: memref<80xf32, #tpu.memory_space<vmem>>, %arg11: memref<80x128xf32, #tpu.memory_space<vmem>>, %arg12: memref<8x128xf32, #tpu.memory_space<vmem>>, %arg13: memref<!tpu.dma_semaphore, #tpu.memory_space<semaphore_mem>>) attributes {dimension_semantics = [#tpu.dimension_semantics<core_parallel>, #tpu.dimension_semantics<subcore_parallel>], iteration_bounds = array<i64: 2, 16>, scalar_prefetch = 0 : i64, scratch_operands = 7 : i64, tpu.core_type = #tpu.core_type<sc_vector_subcore>, window_params = [{transform_indices = #map}, {transform_indices = #map1}, {transform_indices = #map1}, {transform_indices = #map1}, {transform_indices = #map}]} {
    %broadcast_in_dim3A = arith.constant 0.000000e+00 : f32
    %broadcast_in_dim3A_0 = vector.broadcast %broadcast_in_dim3A : f32 to vector<16xf32>
    %broadcast_in_dim3A_1 = arith.constant 1.000000e+00 : f32
    %broadcast_in_dim3A_2 = vector.broadcast %broadcast_in_dim3A_1 : f32 to vector<16xf32>
    %scan3A = arith.constant 0 : i32
    %scan3A_3 = arith.constant 0 : i32
    %scan3A_4 = arith.constant 8 : i32
    %scan3A_5 = arith.addi %scan3A_3, %scan3A_4 : i32
    %scan3A_6 = arith.constant 1 : i32
    %scan3A_7 = scf.for %scan3A_29 = %scan3A_3 to %scan3A_5 step %scan3A_6 iter_args(%scan3A_30 = %scan3A) -> (i32)  : i32 {
      %swap3A = arith.index_cast %scan3A_29 : i32 to index
      %swap3A_31 = arith.constant 0 : index
      %swap3A_32 = tpu.vector_load %arg12[%swap3A, %swap3A_31] {strides = array<i32>} : memref<8x128xf32, #tpu.memory_space<vmem>>, vector<16xf32>,
      tpu.vector_store %arg12[%swap3A, %swap3A_31], %broadcast_in_dim3A_0 {strides = array<i32>} : memref<8x128xf32, #tpu.memory_space<vmem>>, vector<16xf32>,
      %swap3A_33 = arith.index_cast %scan3A_29 : i32 to index
      %swap3A_34 = arith.constant 16 : index
      %swap3A_35 = tpu.vector_load %arg12[%swap3A_33, %swap3A_34] {strides = array<i32>} : memref<8x128xf32, #tpu.memory_space<vmem>>, vector<16xf32>,
      tpu.vector_store %arg12[%swap3A_33, %swap3A_34], %broadcast_in_dim3A_0 {strides = array<i32>} : memref<8x128xf32, #tpu.memory_space<vmem>>, vector<16xf32>,
      %swap3A_36 = arith.index_cast %scan3A_29 : i32 to index
      %swap3A_37 = arith.constant 32 : index
      %swap3A_38 = tpu.vector_load %arg12[%swap3A_36, %swap3A_37] {strides = array<i32>} : memref<8x128xf32, #tpu.memory_space<vmem>>, vector<16xf32>,
      tpu.vector_store %arg12[%swap3A_36, %swap3A_37], %broadcast_in_dim3A_0 {strides = array<i32>} : memref<8x128xf32, #tpu.memory_space<vmem>>, vector<16xf32>,
      %swap3A_39 = arith.index_cast %scan3A_29 : i32 to index
      %swap3A_40 = arith.constant 48 : index
      %swap3A_41 = tpu.vector_load %arg12[%swap3A_39, %swap3A_40] {strides = array<i32>} : memref<8x128xf32, #tpu.memory_space<vmem>>, vector<16xf32>,
      tpu.vector_store %arg12[%swap3A_39, %swap3A_40], %broadcast_in_dim3A_0 {strides = array<i32>} : memref<8x128xf32, #tpu.memory_space<vmem>>, vector<16xf32>,
      %swap3A_42 = arith.index_cast %scan3A_29 : i32 to index
      %swap3A_43 = arith.constant 64 : index
      %swap3A_44 = tpu.vector_load %arg12[%swap3A_42, %swap3A_43] {strides = array<i32>} : memref<8x128xf32, #tpu.memory_space<vmem>>, vector<16xf32>,
      tpu.vector_store %arg12[%swap3A_42, %swap3A_43], %broadcast_in_dim3A_0 {strides = array<i32>} : memref<8x128xf32, #tpu.memory_space<vmem>>, vector<16xf32>,
      %swap3A_45 = arith.index_cast %scan3A_29 : i32 to index
      %swap3A_46 = arith.constant 80 : index
      %swap3A_47 = tpu.vector_load %arg12[%swap3A_45, %swap3A_46] {strides = array<i32>} : memref<8x128xf32, #tpu.memory_space<vmem>>, vector<16xf32>,
      tpu.vector_store %arg12[%swap3A_45, %swap3A_46], %broadcast_in_dim3A_0 {strides = array<i32>} : memref<8x128xf32, #tpu.memory_space<vmem>>, vector<16xf32>,
      %swap3A_48 = arith.index_cast %scan3A_29 : i32 to index
      %swap3A_49 = arith.constant 96 : index
      %swap3A_50 = tpu.vector_load %arg12[%swap3A_48, %swap3A_49] {strides = array<i32>} : memref<8x128xf32, #tpu.memory_space<vmem>>, vector<16xf32>,
      tpu.vector_store %arg12[%swap3A_48, %swap3A_49], %broadcast_in_dim3A_0 {strides = array<i32>} : memref<8x128xf32, #tpu.memory_space<vmem>>, vector<16xf32>,
      %swap3A_51 = arith.index_cast %scan3A_29 : i32 to index
      %swap3A_52 = arith.constant 112 : index
      %swap3A_53 = tpu.vector_load %arg12[%swap3A_51, %swap3A_52] {strides = array<i32>} : memref<8x128xf32, #tpu.memory_space<vmem>>, vector<16xf32>,
      tpu.vector_store %arg12[%swap3A_51, %swap3A_52], %broadcast_in_dim3A_0 {strides = array<i32>} : memref<8x128xf32, #tpu.memory_space<vmem>>, vector<16xf32>,
      %scan3A_54 = arith.constant 0 : i32
      scf.yield %scan3A_54 : i32
    }
    %scan3A_8 = arith.constant 8 : i32
    %mul3A = arith.constant 632 : i32
    %mul3A_9 = arith.muli %arg1, %mul3A : i32
    %scan3A_10 = arith.constant 0 : i32
    %scan3A_11 = arith.constant 0 : i32
    %scan3A_12 = arith.constant 79 : i32
    %scan3A_13 = arith.addi %scan3A_11, %scan3A_12 : i32
    %scan3A_14 = arith.constant 1 : i32
    %scan3A_15 = scf.for %scan3A_29 = %scan3A_11 to %scan3A_13 step %scan3A_14 iter_args(%scan3A_30 = %scan3A_10) -> (i32)  : i32 {
      %mul3A_31 = arith.constant 8 : i32
      %mul3A_32 = arith.muli %scan3A_29, %mul3A_31 : i32
      %add3A_33 = arith.addi %mul3A_9, %mul3A_32 : i32
      "tpu.region"() ({
        %run_scoped3A = tpu.sem_alloc : memref<!tpu.dma_semaphore, #tpu.memory_space<semaphore_mem>>
        %dma_start3A = arith.constant 0 : i32
        %dma_start3A_35 = tpu.memref_slice %arg7[%add3A_33, %dma_start3A] : memref<10112x128xf32, #tpu.memory_space<vmem_shared>> -> memref<8x128xf32, #tpu.memory_space<vmem_shared>>
        %dma_start3A_36 = arith.constant 0 : i32
        %dma_start3A_37 = tpu.memref_slice %arg7[%add3A_33, %dma_start3A_36] : memref<10112x128xf32, #tpu.memory_space<vmem_shared>> -> memref<8x128xf32, #tpu.memory_space<vmem_shared>>
        tpu.enqueue_dma source(%arg12 : memref<8x128xf32, #tpu.memory_space<vmem>>) target(%dma_start3A_37 : memref<8x128xf32, #tpu.memory_space<vmem_shared>>) target_semaphore(%run_scoped3A : memref<!tpu.dma_semaphore, #tpu.memory_space<semaphore_mem>>)
        %dma_wait3A = arith.constant 0 : i32
        %dma_wait3A_38 = tpu.memref_slice %arg7[%add3A_33, %dma_wait3A] : memref<10112x128xf32, #tpu.memory_space<vmem_shared>> -> memref<8x128xf32, #tpu.memory_space<vmem_shared>>
        %dma_wait3A_39 = arith.constant 0 : i32
        %dma_wait3A_40 = tpu.memref_slice %arg7[%add3A_33, %dma_wait3A_39] : memref<10112x128xf32, #tpu.memory_space<vmem_shared>> -> memref<8x128xf32, #tpu.memory_space<vmem_shared>>
        tpu.wait_dma2 semaphore(%run_scoped3A : memref<!tpu.dma_semaphore, #tpu.memory_space<semaphore_mem>>) src(%arg12 : memref<8x128xf32, #tpu.memory_space<vmem>>) dst(%dma_wait3A_40 : memref<8x128xf32, #tpu.memory_space<vmem_shared>>)
        tpu.yield
      }) : () -> ()
      %scan3A_34 = arith.constant 0 : i32
      scf.yield %scan3A_34 : i32
    }
    %scan3A_16 = arith.constant 79 : i32
    %barrier3A = arith.constant 0 : index
    tpu.barrier barrier_id(%barrier3A)
    %mul3A_17 = arith.constant 20000 : i32
    %mul3A_18 = arith.muli %arg1, %mul3A_17 : i32
    %scan3A_19 = arith.constant 0 : i32
    %scan3A_20 = arith.constant 0 : i32
    %scan3A_21 = arith.constant 250 : i32
    %scan3A_22 = arith.addi %scan3A_20, %scan3A_21 : i32
    %scan3A_23 = arith.constant 1 : i32
    %scan3A_24 = scf.for %scan3A_29 = %scan3A_20 to %scan3A_22 step %scan3A_23 iter_args(%scan3A_30 = %scan3A_19) -> (i32)  : i32 {
      %mul3A_31 = arith.constant 80 : i32
      %mul3A_32 = arith.muli %scan3A_29, %mul3A_31 : i32
      %add3A_33 = arith.addi %mul3A_18, %mul3A_32 : i32
      "tpu.region"() ({
        %run_scoped3A = tpu.sem_alloc : memref<!tpu.dma_semaphore, #tpu.memory_space<semaphore_mem>>
        %dma_start3A_41 = tpu.memref_slice %arg3[%add3A_33] : memref<320000xi32, #tpu.memory_space<hbm>> -> memref<80xi32, #tpu.memory_space<hbm>>
        %dma_start3A_42 = tpu.memref_slice %arg3[%add3A_33] : memref<320000xi32, #tpu.memory_space<hbm>> -> memref<80xi32, #tpu.memory_space<hbm>>
        tpu.enqueue_dma source(%dma_start3A_42 : memref<80xi32, #tpu.memory_space<hbm>>) target(%arg8 : memref<80xi32, #tpu.memory_space<vmem>>) target_semaphore(%run_scoped3A : memref<!tpu.dma_semaphore, #tpu.memory_space<semaphore_mem>>)
        %dma_wait3A_43 = tpu.memref_slice %arg3[%add3A_33] : memref<320000xi32, #tpu.memory_space<hbm>> -> memref<80xi32, #tpu.memory_space<hbm>>
        %dma_wait3A_44 = tpu.memref_slice %arg3[%add3A_33] : memref<320000xi32, #tpu.memory_space<hbm>> -> memref<80xi32, #tpu.memory_space<hbm>>
        tpu.wait_dma2 semaphore(%run_scoped3A : memref<!tpu.dma_semaphore, #tpu.memory_space<semaphore_mem>>) src(%dma_wait3A_44 : memref<80xi32, #tpu.memory_space<hbm>>) dst(%arg8 : memref<80xi32, #tpu.memory_space<vmem>>)
        tpu.yield
      }) : () -> ()
      "tpu.region"() ({
        %run_scoped3A = tpu.sem_alloc : memref<!tpu.dma_semaphore, #tpu.memory_space<semaphore_mem>>
        %dma_start3A_41 = tpu.memref_slice %arg4[%add3A_33] : memref<320000xi32, #tpu.memory_space<hbm>> -> memref<80xi32, #tpu.memory_space<hbm>>
        %dma_start3A_42 = tpu.memref_slice %arg4[%add3A_33] : memref<320000xi32, #tpu.memory_space<hbm>> -> memref<80xi32, #tpu.memory_space<hbm>>
        tpu.enqueue_dma source(%dma_start3A_42 : memref<80xi32, #tpu.memory_space<hbm>>) target(%arg9 : memref<80xi32, #tpu.memory_space<vmem>>) target_semaphore(%run_scoped3A : memref<!tpu.dma_semaphore, #tpu.memory_space<semaphore_mem>>)
        %dma_wait3A_43 = tpu.memref_slice %arg4[%add3A_33] : memref<320000xi32, #tpu.memory_space<hbm>> -> memref<80xi32, #tpu.memory_space<hbm>>
        %dma_wait3A_44 = tpu.memref_slice %arg4[%add3A_33] : memref<320000xi32, #tpu.memory_space<hbm>> -> memref<80xi32, #tpu.memory_space<hbm>>
        tpu.wait_dma2 semaphore(%run_scoped3A : memref<!tpu.dma_semaphore, #tpu.memory_space<semaphore_mem>>) src(%dma_wait3A_44 : memref<80xi32, #tpu.memory_space<hbm>>) dst(%arg9 : memref<80xi32, #tpu.memory_space<vmem>>)
        tpu.yield
      }) : () -> ()
      "tpu.region"() ({
        %run_scoped3A = tpu.sem_alloc : memref<!tpu.dma_semaphore, #tpu.memory_space<semaphore_mem>>
        %dma_start3A_41 = tpu.memref_slice %arg5[%add3A_33] : memref<320000xf32, #tpu.memory_space<hbm>> -> memref<80xf32, #tpu.memory_space<hbm>>
        %dma_start3A_42 = tpu.memref_slice %arg5[%add3A_33] : memref<320000xf32, #tpu.memory_space<hbm>> -> memref<80xf32, #tpu.memory_space<hbm>>
        tpu.enqueue_dma source(%dma_start3A_42 : memref<80xf32, #tpu.memory_space<hbm>>) target(%arg10 : memref<80xf32, #tpu.memory_space<vmem>>) target_semaphore(%run_scoped3A : memref<!tpu.dma_semaphore, #tpu.memory_space<semaphore_mem>>)
        %dma_wait3A_43 = tpu.memref_slice %arg5[%add3A_33] : memref<320000xf32, #tpu.memory_space<hbm>> -> memref<80xf32, #tpu.memory_space<hbm>>
        %dma_wait3A_44 = tpu.memref_slice %arg5[%add3A_33] : memref<320000xf32, #tpu.memory_space<hbm>> -> memref<80xf32, #tpu.memory_space<hbm>>
        tpu.wait_dma2 semaphore(%run_scoped3A : memref<!tpu.dma_semaphore, #tpu.memory_space<semaphore_mem>>) src(%dma_wait3A_44 : memref<80xf32, #tpu.memory_space<hbm>>) dst(%arg10 : memref<80xf32, #tpu.memory_space<vmem>>)
        tpu.yield
      }) : () -> ()
      %dma_start3A = arith.constant 0 : i32
      %dma_start3A_34 = arith.constant 0 : i32
      %dma_start3A_35 = tpu.memref_slice %arg2[%dma_start3A, %dma_start3A_34] : memref<10000x128xf32, #tpu.memory_space<hbm>> -> memref<10000x128xf32, #tpu.memory_space<hbm>>
      tpu.enqueue_indirect_dma source(%dma_start3A_35 : memref<10000x128xf32, #tpu.memory_space<hbm>>) target(%arg11 : memref<80x128xf32, #tpu.memory_space<vmem>>) offsets(%arg8 : memref<80xi32, #tpu.memory_space<vmem>>) semaphore(%arg13 : memref<!tpu.dma_semaphore, #tpu.memory_space<semaphore_mem>>)
      %dma_wait3A = arith.constant 0 : i32
      %dma_wait3A_36 = arith.constant 0 : i32
      %dma_wait3A_37 = tpu.memref_slice %arg2[%dma_wait3A, %dma_wait3A_36] : memref<10000x128xf32, #tpu.memory_space<hbm>> -> memref<10000x128xf32, #tpu.memory_space<hbm>>
      tpu.wait_indirect_dma semaphore(%arg13 : memref<!tpu.dma_semaphore, #tpu.memory_space<semaphore_mem>>) src(%dma_wait3A_37 : memref<10000x128xf32, #tpu.memory_space<hbm>>) dst(%arg11 : memref<80x128xf32, #tpu.memory_space<vmem>>)
      %eq3A = arith.constant 1 : i32
      %eq3A_38 = arith.cmpi eq, %arg0, %eq3A : i32
      %convert_element_type3A = arith.extui %eq3A_38 : i1 to i32
      %cond3A = arith.constant 0 : i32
      %cond3A_39 = arith.cmpi ne, %convert_element_type3A, %cond3A : i32
      scf.if %cond3A_39 {
        %scan3A_41 = arith.constant 0 : i32
        %scan3A_42 = arith.constant 0 : i32
        %scan3A_43 = arith.constant 5 : i32
        %scan3A_44 = arith.addi %scan3A_42, %scan3A_43 : i32
        %scan3A_45 = arith.constant 1 : i32
        %scan3A_46 = scf.for %scan3A_48 = %scan3A_42 to %scan3A_44 step %scan3A_45 iter_args(%scan3A_49 = %scan3A_41) -> (i32)  : i32 {
          %mul3A_50 = arith.constant 16 : i32
          %mul3A_51 = arith.muli %scan3A_48, %mul3A_50 : i32
          %get3A = arith.index_cast %mul3A_51 : i32 to index
          %get3A_52 = tpu.vector_load %arg10[%get3A] {strides = array<i32>} : memref<80xf32, #tpu.memory_space<vmem>>, vector<16xf32>,
          %mul3A_53 = arith.constant 16 : i32
          %mul3A_54 = arith.muli %scan3A_48, %mul3A_53 : i32
          %add3A_55 = arith.constant 0 : i32
          %add3A_56 = arith.addi %mul3A_54, %add3A_55 : i32
          %slice3A = vector.extract_strided_slice %get3A_52 {offsets = [0], sizes = [1], strides = [1]} : vector<16xf32> to vector<1xf32>
          %squeeze3A = vector.extract %slice3A[0] : f32 from vector<1xf32>
          %get3A_57 = arith.index_cast %add3A_56 : i32 to index
          %get3A_58 = arith.constant 0 : index
          %get3A_59 = tpu.vector_load %arg11[%get3A_57, %get3A_58] {strides = array<i32>} : memref<80x128xf32, #tpu.memory_space<vmem>>, vector<16xf32>,
          %mul3A_60 = vector.broadcast %squeeze3A : f32 to vector<16xf32>
          %mul3A_61 = arith.mulf %get3A_59, %mul3A_60 : vector<16xf32>
          %swap3A = arith.index_cast %add3A_56 : i32 to index
          %swap3A_62 = arith.constant 0 : index
          %swap3A_63 = tpu.vector_load %arg11[%swap3A, %swap3A_62] {strides = array<i32>} : memref<80x128xf32, #tpu.memory_space<vmem>>, vector<16xf32>,
          tpu.vector_store %arg11[%swap3A, %swap3A_62], %mul3A_61 {strides = array<i32>} : memref<80x128xf32, #tpu.memory_space<vmem>>, vector<16xf32>,
          %get3A_64 = arith.index_cast %add3A_56 : i32 to index
          %get3A_65 = arith.constant 16 : index
          %get3A_66 = tpu.vector_load %arg11[%get3A_64, %get3A_65] {strides = array<i32>} : memref<80x128xf32, #tpu.memory_space<vmem>>, vector<16xf32>,
          %mul3A_67 = vector.broadcast %squeeze3A : f32 to vector<16xf32>
          %mul3A_68 = arith.mulf %get3A_66, %mul3A_67 : vector<16xf32>
          %swap3A_69 = arith.index_cast %add3A_56 : i32 to index
          %swap3A_70 = arith.constant 16 : index
          %swap3A_71 = tpu.vector_load %arg11[%swap3A_69, %swap3A_70] {strides = array<i32>} : memref<80x128xf32, #tpu.memory_space<vmem>>, vector<16xf32>,
          tpu.vector_store %arg11[%swap3A_69, %swap3A_70], %mul3A_68 {strides = array<i32>} : memref<80x128xf32, #tpu.memory_space<vmem>>, vector<16xf32>,
          %get3A_72 = arith.index_cast %add3A_56 : i32 to index
          %get3A_73 = arith.constant 32 : index
          %get3A_74 = tpu.vector_load %arg11[%get3A_72, %get3A_73] {strides = array<i32>} : memref<80x128xf32, #tpu.memory_space<vmem>>, vector<16xf32>,
          %mul3A_75 = vector.broadcast %squeeze3A : f32 to vector<16xf32>
          %mul3A_76 = arith.mulf %get3A_74, %mul3A_75 : vector<16xf32>
          %swap3A_77 = arith.index_cast %add3A_56 : i32 to index
          %swap3A_78 = arith.constant 32 : index
          %swap3A_79 = tpu.vector_load %arg11[%swap3A_77, %swap3A_78] {strides = array<i32>} : memref<80x128xf32, #tpu.memory_space<vmem>>, vector<16xf32>,
          tpu.vector_store %arg11[%swap3A_77, %swap3A_78], %mul3A_76 {strides = array<i32>} : memref<80x128xf32, #tpu.memory_space<vmem>>, vector<16xf32>,
          %get3A_80 = arith.index_cast %add3A_56 : i32 to index
          %get3A_81 = arith.constant 48 : index
          %get3A_82 = tpu.vector_load %arg11[%get3A_80, %get3A_81] {strides = array<i32>} : memref<80x128xf32, #tpu.memory_space<vmem>>, vector<16xf32>,
          %mul3A_83 = vector.broadcast %squeeze3A : f32 to vector<16xf32>
          %mul3A_84 = arith.mulf %get3A_82, %mul3A_83 : vector<16xf32>
          %swap3A_85 = arith.index_cast %add3A_56 : i32 to index
          %swap3A_86 = arith.constant 48 : index
          %swap3A_87 = tpu.vector_load %arg11[%swap3A_85, %swap3A_86] {strides = array<i32>} : memref<80x128xf32, #tpu.memory_space<vmem>>, vector<16xf32>,
          tpu.vector_store %arg11[%swap3A_85, %swap3A_86], %mul3A_84 {strides = array<i32>} : memref<80x128xf32, #tpu.memory_space<vmem>>, vector<16xf32>,
          %get3A_88 = arith.index_cast %add3A_56 : i32 to index
          %get3A_89 = arith.constant 64 : index
          %get3A_90 = tpu.vector_load %arg11[%get3A_88, %get3A_89] {strides = array<i32>} : memref<80x128xf32, #tpu.memory_space<vmem>>, vector<16xf32>,
          %mul3A_91 = vector.broadcast %squeeze3A : f32 to vector<16xf32>
          %mul3A_92 = arith.mulf %get3A_90, %mul3A_91 : vector<16xf32>
          %swap3A_93 = arith.index_cast %add3A_56 : i32 to index
          %swap3A_94 = arith.constant 64 : index
          %swap3A_95 = tpu.vector_load %arg11[%swap3A_93, %swap3A_94] {strides = array<i32>} : memref<80x128xf32, #tpu.memory_space<vmem>>, vector<16xf32>,
          tpu.vector_store %arg11[%swap3A_93, %swap3A_94], %mul3A_92 {strides = array<i32>} : memref<80x128xf32, #tpu.memory_space<vmem>>, vector<16xf32>,
          %get3A_96 = arith.index_cast %add3A_56 : i32 to index
          %get3A_97 = arith.constant 80 : index
          %get3A_98 = tpu.vector_load %arg11[%get3A_96, %get3A_97] {strides = array<i32>} : memref<80x128xf32, #tpu.memory_space<vmem>>, vector<16xf32>,
          %mul3A_99 = vector.broadcast %squeeze3A : f32 to vector<16xf32>
          %mul3A_100 = arith.mulf %get3A_98, %mul3A_99 : vector<16xf32>
          %swap3A_101 = arith.index_cast %add3A_56 : i32 to index
          %swap3A_102 = arith.constant 80 : index
          %swap3A_103 = tpu.vector_load %arg11[%swap3A_101, %swap3A_102] {strides = array<i32>} : memref<80x128xf32, #tpu.memory_space<vmem>>, vector<16xf32>,
          tpu.vector_store %arg11[%swap3A_101, %swap3A_102], %mul3A_100 {strides = array<i32>} : memref<80x128xf32, #tpu.memory_space<vmem>>, vector<16xf32>,
          %get3A_104 = arith.index_cast %add3A_56 : i32 to index
          %get3A_105 = arith.constant 96 : index
          %get3A_106 = tpu.vector_load %arg11[%get3A_104, %get3A_105] {strides = array<i32>} : memref<80x128xf32, #tpu.memory_space<vmem>>, vector<16xf32>,
          %mul3A_107 = vector.broadcast %squeeze3A : f32 to vector<16xf32>
          %mul3A_108 = arith.mulf %get3A_106, %mul3A_107 : vector<16xf32>
          %swap3A_109 = arith.index_cast %add3A_56 : i32 to index
          %swap3A_110 = arith.constant 96 : index
          %swap3A_111 = tpu.vector_load %arg11[%swap3A_109, %swap3A_110] {strides = array<i32>} : memref<80x128xf32, #tpu.memory_space<vmem>>, vector<16xf32>,
          tpu.vector_store %arg11[%swap3A_109, %swap3A_110], %mul3A_108 {strides = array<i32>} : memref<80x128xf32, #tpu.memory_space<vmem>>, vector<16xf32>,
          %get3A_112 = arith.index_cast %add3A_56 : i32 to index
          %get3A_113 = arith.constant 112 : index
          %get3A_114 = tpu.vector_load %arg11[%get3A_112, %get3A_113] {strides = array<i32>} : memref<80x128xf32, #tpu.memory_space<vmem>>, vector<16xf32>,
          %mul3A_115 = vector.broadcast %squeeze3A : f32 to vector<16xf32>
          %mul3A_116 = arith.mulf %get3A_114, %mul3A_115 : vector<16xf32>
          %swap3A_117 = arith.index_cast %add3A_56 : i32 to index
          %swap3A_118 = arith.constant 112 : index
          %swap3A_119 = tpu.vector_load %arg11[%swap3A_117, %swap3A_118] {strides = array<i32>} : memref<80x128xf32, #tpu.memory_space<vmem>>, vector<16xf32>,
          tpu.vector_store %arg11[%swap3A_117, %swap3A_118], %mul3A_116 {strides = array<i32>} : memref<80x128xf32, #tpu.memory_space<vmem>>, vector<16xf32>,
          %mul3A_120 = arith.constant 16 : i32
          %mul3A_121 = arith.muli %scan3A_48, %mul3A_120 : i32
          %add3A_122 = arith.constant 1 : i32
          %add3A_123 = arith.addi %mul3A_121, %add3A_122 : i32
          %slice3A_124 = vector.extract_strided_slice %get3A_52 {offsets = [1], sizes = [1], strides = [1]} : vector<16xf32> to vector<1xf32>
          %squeeze3A_125 = vector.extract %slice3A_124[0] : f32 from vector<1xf32>
          %get3A_126 = arith.index_cast %add3A_123 : i32 to index
          %get3A_127 = arith.constant 0 : index
          %get3A_128 = tpu.vector_load %arg11[%get3A_126, %get3A_127] {strides = array<i32>} : memref<80x128xf32, #tpu.memory_space<vmem>>, vector<16xf32>,
          %mul3A_129 = vector.broadcast %squeeze3A_125 : f32 to vector<16xf32>
          %mul3A_130 = arith.mulf %get3A_128, %mul3A_129 : vector<16xf32>
          %swap3A_131 = arith.index_cast %add3A_123 : i32 to index
          %swap3A_132 = arith.constant 0 : index
          %swap3A_133 = tpu.vector_load %arg11[%swap3A_131, %swap3A_132] {strides = array<i32>} : memref<80x128xf32, #tpu.memory_space<vmem>>, vector<16xf32>,
          tpu.vector_store %arg11[%swap3A_131, %swap3A_132], %mul3A_130 {strides = array<i32>} : memref<80x128xf32, #tpu.memory_space<vmem>>, vector<16xf32>,
          %get3A_134 = arith.index_cast %add3A_123 : i32 to index
          %get3A_135 = arith.constant 16 : index
          %get3A_136 = tpu.vector_load %arg11[%get3A_134, %get3A_135] {strides = array<i32>} : memref<80x128xf32, #tpu.memory_space<vmem>>, vector<16xf32>,
          %mul3A_137 = vector.broadcast %squeeze3A_125 : f32 to vector<16xf32>
          %mul3A_138 = arith.mulf %get3A_136, %mul3A_137 : vector<16xf32>
          %swap3A_139 = arith.index_cast %add3A_123 : i32 to index
          %swap3A_140 = arith.constant 16 : index
          %swap3A_141 = tpu.vector_load %arg11[%swap3A_139, %swap3A_140] {strides = array<i32>} : memref<80x128xf32, #tpu.memory_space<vmem>>, vector<16xf32>,
          tpu.vector_store %arg11[%swap3A_139, %swap3A_140], %mul3A_138 {strides = array<i32>} : memref<80x128xf32, #tpu.memory_space<vmem>>, vector<16xf32>,
          %get3A_142 = arith.index_cast %add3A_123 : i32 to index
          %get3A_143 = arith.constant 32 : index
          %get3A_144 = tpu.vector_load %arg11[%get3A_142, %get3A_143] {strides = array<i32>} : memref<80x128xf32, #tpu.memory_space<vmem>>, vector<16xf32>,
          %mul3A_145 = vector.broadcast %squeeze3A_125 : f32 to vector<16xf32>
          %mul3A_146 = arith.mulf %get3A_144, %mul3A_145 : vector<16xf32>
          %swap3A_147 = arith.index_cast %add3A_123 : i32 to index
          %swap3A_148 = arith.constant 32 : index
          %swap3A_149 = tpu.vector_load %arg11[%swap3A_147, %swap3A_148] {strides = array<i32>} : memref<80x128xf32, #tpu.memory_space<vmem>>, vector<16xf32>,
          tpu.vector_store %arg11[%swap3A_147, %swap3A_148], %mul3A_146 {strides = array<i32>} : memref<80x128xf32, #tpu.memory_space<vmem>>, vector<16xf32>,
          %get3A_150 = arith.index_cast %add3A_123 : i32 to index
          %get3A_151 = arith.constant 48 : index
          %get3A_152 = tpu.vector_load %arg11[%get3A_150, %get3A_151] {strides = array<i32>} : memref<80x128xf32, #tpu.memory_space<vmem>>, vector<16xf32>,
          %mul3A_153 = vector.broadcast %squeeze3A_125 : f32 to vector<16xf32>
          %mul3A_154 = arith.mulf %get3A_152, %mul3A_153 : vector<16xf32>
          %swap3A_155 = arith.index_cast %add3A_123 : i32 to index
          %swap3A_156 = arith.constant 48 : index
          %swap3A_157 = tpu.vector_load %arg11[%swap3A_155, %swap3A_156] {strides = array<i32>} : memref<80x128xf32, #tpu.memory_space<vmem>>, vector<16xf32>,
          tpu.vector_store %arg11[%swap3A_155, %swap3A_156], %mul3A_154 {strides = array<i32>} : memref<80x128xf32, #tpu.memory_space<vmem>>, vector<16xf32>,
          %get3A_158 = arith.index_cast %add3A_123 : i32 to index
          %get3A_159 = arith.constant 64 : index
          %get3A_160 = tpu.vector_load %arg11[%get3A_158, %get3A_159] {strides = array<i32>} : memref<80x128xf32, #tpu.memory_space<vmem>>, vector<16xf32>,
          %mul3A_161 = vector.broadcast %squeeze3A_125 : f32 to vector<16xf32>
          %mul3A_162 = arith.mulf %get3A_160, %mul3A_161 : vector<16xf32>
          %swap3A_163 = arith.index_cast %add3A_123 : i32 to index
          %swap3A_164 = arith.constant 64 : index
          %swap3A_165 = tpu.vector_load %arg11[%swap3A_163, %swap3A_164] {strides = array<i32>} : memref<80x128xf32, #tpu.memory_space<vmem>>, vector<16xf32>,
          tpu.vector_store %arg11[%swap3A_163, %swap3A_164], %mul3A_162 {strides = array<i32>} : memref<80x128xf32, #tpu.memory_space<vmem>>, vector<16xf32>,
          %get3A_166 = arith.index_cast %add3A_123 : i32 to index
          %get3A_167 = arith.constant 80 : index
          %get3A_168 = tpu.vector_load %arg11[%get3A_166, %get3A_167] {strides = array<i32>} : memref<80x128xf32, #tpu.memory_space<vmem>>, vector<16xf32>,
          %mul3A_169 = vector.broadcast %squeeze3A_125 : f32 to vector<16xf32>
          %mul3A_170 = arith.mulf %get3A_168, %mul3A_169 : vector<16xf32>
          %swap3A_171 = arith.index_cast %add3A_123 : i32 to index
          %swap3A_172 = arith.constant 80 : index
          %swap3A_173 = tpu.vector_load %arg11[%swap3A_171, %swap3A_172] {strides = array<i32>} : memref<80x128xf32, #tpu.memory_space<vmem>>, vector<16xf32>,
          tpu.vector_store %arg11[%swap3A_171, %swap3A_172], %mul3A_170 {strides = array<i32>} : memref<80x128xf32, #tpu.memory_space<vmem>>, vector<16xf32>,
          %get3A_174 = arith.index_cast %add3A_123 : i32 to index
          %get3A_175 = arith.constant 96 : index
          %get3A_176 = tpu.vector_load %arg11[%get3A_174, %get3A_175] {strides = array<i32>} : memref<80x128xf32, #tpu.memory_space<vmem>>, vector<16xf32>,
          %mul3A_177 = vector.broadcast %squeeze3A_125 : f32 to vector<16xf32>
          %mul3A_178 = arith.mulf %get3A_176, %mul3A_177 : vector<16xf32>
          %swap3A_179 = arith.index_cast %add3A_123 : i32 to index
          %swap3A_180 = arith.constant 96 : index
          %swap3A_181 = tpu.vector_load %arg11[%swap3A_179, %swap3A_180] {strides = array<i32>} : memref<80x128xf32, #tpu.memory_space<vmem>>, vector<16xf32>,
          tpu.vector_store %arg11[%swap3A_179, %swap3A_180], %mul3A_178 {strides = array<i32>} : memref<80x128xf32, #tpu.memory_space<vmem>>, vector<16xf32>,
          %get3A_182 = arith.index_cast %add3A_123 : i32 to index
          %get3A_183 = arith.constant 112 : index
          %get3A_184 = tpu.vector_load %arg11[%get3A_182, %get3A_183] {strides = array<i32>} : memref<80x128xf32, #tpu.memory_space<vmem>>, vector<16xf32>,
          %mul3A_185 = vector.broadcast %squeeze3A_125 : f32 to vector<16xf32>
          %mul3A_186 = arith.mulf %get3A_184, %mul3A_185 : vector<16xf32>
          %swap3A_187 = arith.index_cast %add3A_123 : i32 to index
          %swap3A_188 = arith.constant 112 : index
          %swap3A_189 = tpu.vector_load %arg11[%swap3A_187, %swap3A_188] {strides = array<i32>} : memref<80x128xf32, #tpu.memory_space<vmem>>, vector<16xf32>,
          tpu.vector_store %arg11[%swap3A_187, %swap3A_188], %mul3A_186 {strides = array<i32>} : memref<80x128xf32, #tpu.memory_space<vmem>>, vector<16xf32>,
          %mul3A_190 = arith.constant 16 : i32
          %mul3A_191 = arith.muli %scan3A_48, %mul3A_190 : i32
          %add3A_192 = arith.constant 2 : i32
          %add3A_193 = arith.addi %mul3A_191, %add3A_192 : i32
          %slice3A_194 = vector.extract_strided_slice %get3A_52 {offsets = [2], sizes = [1], strides = [1]} : vector<16xf32> to vector<1xf32>
          %squeeze3A_195 = vector.extract %slice3A_194[0] : f32 from vector<1xf32>
          %get3A_196 = arith.index_cast %add3A_193 : i32 to index
          %get3A_197 = arith.constant 0 : index
          %get3A_198 = tpu.vector_load %arg11[%get3A_196, %get3A_197] {strides = array<i32>} : memref<80x128xf32, #tpu.memory_space<vmem>>, vector<16xf32>,
          %mul3A_199 = vector.broadcast %squeeze3A_195 : f32 to vector<16xf32>
          %mul3A_200 = arith.mulf %get3A_198, %mul3A_199 : vector<16xf32>
          %swap3A_201 = arith.index_cast %add3A_193 : i32 to index
          %swap3A_202 = arith.constant 0 : index
          %swap3A_203 = tpu.vector_load %arg11[%swap3A_201, %swap3A_202] {strides = array<i32>} : memref<80x128xf32, #tpu.memory_space<vmem>>, vector<16xf32>,
          tpu.vector_store %arg11[%swap3A_201, %swap3A_202], %mul3A_200 {strides = array<i32>} : memref<80x128xf32, #tpu.memory_space<vmem>>, vector<16xf32>,
          %get3A_204 = arith.index_cast %add3A_193 : i32 to index
          %get3A_205 = arith.constant 16 : index
          %get3A_206 = tpu.vector_load %arg11[%get3A_204, %get3A_205] {strides = array<i32>} : memref<80x128xf32, #tpu.memory_space<vmem>>, vector<16xf32>,
          %mul3A_207 = vector.broadcast %squeeze3A_195 : f32 to vector<16xf32>
          %mul3A_208 = arith.mulf %get3A_206, %mul3A_207 : vector<16xf32>
          %swap3A_209 = arith.index_cast %add3A_193 : i32 to index
          %swap3A_210 = arith.constant 16 : index
          %swap3A_211 = tpu.vector_load %arg11[%swap3A_209, %swap3A_210] {strides = array<i32>} : memref<80x128xf32, #tpu.memory_space<vmem>>, vector<16xf32>,
          tpu.vector_store %arg11[%swap3A_209, %swap3A_210], %mul3A_208 {strides = array<i32>} : memref<80x128xf32, #tpu.memory_space<vmem>>, vector<16xf32>,
          %get3A_212 = arith.index_cast %add3A_193 : i32 to index
          %get3A_213 = arith.constant 32 : index
          %get3A_214 = tpu.vector_load %arg11[%get3A_212, %get3A_213] {strides = array<i32>} : memref<80x128xf32, #tpu.memory_space<vmem>>, vector<16xf32>,
          %mul3A_215 = vector.broadcast %squeeze3A_195 : f32 to vector<16xf32>
          %mul3A_216 = arith.mulf %get3A_214, %mul3A_215 : vector<16xf32>
          %swap3A_217 = arith.index_cast %add3A_193 : i32 to index
          %swap3A_218 = arith.constant 32 : index
          %swap3A_219 = tpu.vector_load %arg11[%swap3A_217, %swap3A_218] {strides = array<i32>} : memref<80x128xf32, #tpu.memory_space<vmem>>, vector<16xf32>,
          tpu.vector_store %arg11[%swap3A_217, %swap3A_218], %mul3A_216 {strides = array<i32>} : memref<80x128xf32, #tpu.memory_space<vmem>>, vector<16xf32>,
          %get3A_220 = arith.index_cast %add3A_193 : i32 to index
          %get3A_221 = arith.constant 48 : index
          %get3A_222 = tpu.vector_load %arg11[%get3A_220, %get3A_221] {strides = array<i32>} : memref<80x128xf32, #tpu.memory_space<vmem>>, vector<16xf32>,
          %mul3A_223 = vector.broadcast %squeeze3A_195 : f32 to vector<16xf32>
          %mul3A_224 = arith.mulf %get3A_222, %mul3A_223 : vector<16xf32>
          %swap3A_225 = arith.index_cast %add3A_193 : i32 to index
          %swap3A_226 = arith.constant 48 : index
          %swap3A_227 = tpu.vector_load %arg11[%swap3A_225, %swap3A_226] {strides = array<i32>} : memref<80x128xf32, #tpu.memory_space<vmem>>, vector<16xf32>,
          tpu.vector_store %arg11[%swap3A_225, %swap3A_226], %mul3A_224 {strides = array<i32>} : memref<80x128xf32, #tpu.memory_space<vmem>>, vector<16xf32>,
          %get3A_228 = arith.index_cast %add3A_193 : i32 to index
          %get3A_229 = arith.constant 64 : index
          %get3A_230 = tpu.vector_load %arg11[%get3A_228, %get3A_229] {strides = array<i32>} : memref<80x128xf32, #tpu.memory_space<vmem>>, vector<16xf32>,
          %mul3A_231 = vector.broadcast %squeeze3A_195 : f32 to vector<16xf32>
          %mul3A_232 = arith.mulf %get3A_230, %mul3A_231 : vector<16xf32>
          %swap3A_233 = arith.index_cast %add3A_193 : i32 to index
          %swap3A_234 = arith.constant 64 : index
          %swap3A_235 = tpu.vector_load %arg11[%swap3A_233, %swap3A_234] {strides = array<i32>} : memref<80x128xf32, #tpu.memory_space<vmem>>, vector<16xf32>,
          tpu.vector_store %arg11[%swap3A_233, %swap3A_234], %mul3A_232 {strides = array<i32>} : memref<80x128xf32, #tpu.memory_space<vmem>>, vector<16xf32>,
          %get3A_236 = arith.index_cast %add3A_193 : i32 to index
          %get3A_237 = arith.constant 80 : index
          %get3A_238 = tpu.vector_load %arg11[%get3A_236, %get3A_237] {strides = array<i32>} : memref<80x128xf32, #tpu.memory_space<vmem>>, vector<16xf32>,
          %mul3A_239 = vector.broadcast %squeeze3A_195 : f32 to vector<16xf32>
          %mul3A_240 = arith.mulf %get3A_238, %mul3A_239 : vector<16xf32>
          %swap3A_241 = arith.index_cast %add3A_193 : i32 to index
          %swap3A_242 = arith.constant 80 : index
          %swap3A_243 = tpu.vector_load %arg11[%swap3A_241, %swap3A_242] {strides = array<i32>} : memref<80x128xf32, #tpu.memory_space<vmem>>, vector<16xf32>,
          tpu.vector_store %arg11[%swap3A_241, %swap3A_242], %mul3A_240 {strides = array<i32>} : memref<80x128xf32, #tpu.memory_space<vmem>>, vector<16xf32>,
          %get3A_244 = arith.index_cast %add3A_193 : i32 to index
          %get3A_245 = arith.constant 96 : index
          %get3A_246 = tpu.vector_load %arg11[%get3A_244, %get3A_245] {strides = array<i32>} : memref<80x128xf32, #tpu.memory_space<vmem>>, vector<16xf32>,
          %mul3A_247 = vector.broadcast %squeeze3A_195 : f32 to vector<16xf32>
          %mul3A_248 = arith.mulf %get3A_246, %mul3A_247 : vector<16xf32>
          %swap3A_249 = arith.index_cast %add3A_193 : i32 to index
          %swap3A_250 = arith.constant 96 : index
          %swap3A_251 = tpu.vector_load %arg11[%swap3A_249, %swap3A_250] {strides = array<i32>} : memref<80x128xf32, #tpu.memory_space<vmem>>, vector<16xf32>,
          tpu.vector_store %arg11[%swap3A_249, %swap3A_250], %mul3A_248 {strides = array<i32>} : memref<80x128xf32, #tpu.memory_space<vmem>>, vector<16xf32>,
          %get3A_252 = arith.index_cast %add3A_193 : i32 to index
          %get3A_253 = arith.constant 112 : index
          %get3A_254 = tpu.vector_load %arg11[%get3A_252, %get3A_253] {strides = array<i32>} : memref<80x128xf32, #tpu.memory_space<vmem>>, vector<16xf32>,
          %mul3A_255 = vector.broadcast %squeeze3A_195 : f32 to vector<16xf32>
          %mul3A_256 = arith.mulf %get3A_254, %mul3A_255 : vector<16xf32>
          %swap3A_257 = arith.index_cast %add3A_193 : i32 to index
          %swap3A_258 = arith.constant 112 : index
          %swap3A_259 = tpu.vector_load %arg11[%swap3A_257, %swap3A_258] {strides = array<i32>} : memref<80x128xf32, #tpu.memory_space<vmem>>, vector<16xf32>,
          tpu.vector_store %arg11[%swap3A_257, %swap3A_258], %mul3A_256 {strides = array<i32>} : memref<80x128xf32, #tpu.memory_space<vmem>>, vector<16xf32>,
          %mul3A_260 = arith.constant 16 : i32
          %mul3A_261 = arith.muli %scan3A_48, %mul3A_260 : i32
          %add3A_262 = arith.constant 3 : i32
          %add3A_263 = arith.addi %mul3A_261, %add3A_262 : i32
          %slice3A_264 = vector.extract_strided_slice %get3A_52 {offsets = [3], sizes = [1], strides = [1]} : vector<16xf32> to vector<1xf32>
          %squeeze3A_265 = vector.extract %slice3A_264[0] : f32 from vector<1xf32>
          %get3A_266 = arith.index_cast %add3A_263 : i32 to index
          %get3A_267 = arith.constant 0 : index
          %get3A_268 = tpu.vector_load %arg11[%get3A_266, %get3A_267] {strides = array<i32>} : memref<80x128xf32, #tpu.memory_space<vmem>>, vector<16xf32>,
          %mul3A_269 = vector.broadcast %squeeze3A_265 : f32 to vector<16xf32>
          %mul3A_270 = arith.mulf %get3A_268, %mul3A_269 : vector<16xf32>
          %swap3A_271 = arith.index_cast %add3A_263 : i32 to index
          %swap3A_272 = arith.constant 0 : index
          %swap3A_273 = tpu.vector_load %arg11[%swap3A_271, %swap3A_272] {strides = array<i32>} : memref<80x128xf32, #tpu.memory_space<vmem>>, vector<16xf32>,
          tpu.vector_store %arg11[%swap3A_271, %swap3A_272], %mul3A_270 {strides = array<i32>} : memref<80x128xf32, #tpu.memory_space<vmem>>, vector<16xf32>,
          %get3A_274 = arith.index_cast %add3A_263 : i32 to index
          %get3A_275 = arith.constant 16 : index
          %get3A_276 = tpu.vector_load %arg11[%get3A_274, %get3A_275] {strides = array<i32>} : memref<80x128xf32, #tpu.memory_space<vmem>>, vector<16xf32>,
          %mul3A_277 = vector.broadcast %squeeze3A_265 : f32 to vector<16xf32>
          %mul3A_278 = arith.mulf %get3A_276, %mul3A_277 : vector<16xf32>
          %swap3A_279 = arith.index_cast %add3A_263 : i32 to index
          %swap3A_280 = arith.constant 16 : index
          %swap3A_281 = tpu.vector_load %arg11[%swap3A_279, %swap3A_280] {strides = array<i32>} : memref<80x128xf32, #tpu.memory_space<vmem>>, vector<16xf32>,
          tpu.vector_store %arg11[%swap3A_279, %swap3A_280], %mul3A_278 {strides = array<i32>} : memref<80x128xf32, #tpu.memory_space<vmem>>, vector<16xf32>,
          %get3A_282 = arith.index_cast %add3A_263 : i32 to index
          %get3A_283 = arith.constant 32 : index
          %get3A_284 = tpu.vector_load %arg11[%get3A_282, %get3A_283] {strides = array<i32>} : memref<80x128xf32, #tpu.memory_space<vmem>>, vector<16xf32>,
          %mul3A_285 = vector.broadcast %squeeze3A_265 : f32 to vector<16xf32>
          %mul3A_286 = arith.mulf %get3A_284, %mul3A_285 : vector<16xf32>
          %swap3A_287 = arith.index_cast %add3A_263 : i32 to index
          %swap3A_288 = arith.constant 32 : index
          %swap3A_289 = tpu.vector_load %arg11[%swap3A_287, %swap3A_288] {strides = array<i32>} : memref<80x128xf32, #tpu.memory_space<vmem>>, vector<16xf32>,
          tpu.vector_store %arg11[%swap3A_287, %swap3A_288], %mul3A_286 {strides = array<i32>} : memref<80x128xf32, #tpu.memory_space<vmem>>, vector<16xf32>,
          %get3A_290 = arith.index_cast %add3A_263 : i32 to index
          %get3A_291 = arith.constant 48 : index
          %get3A_292 = tpu.vector_load %arg11[%get3A_290, %get3A_291] {strides = array<i32>} : memref<80x128xf32, #tpu.memory_space<vmem>>, vector<16xf32>,
          %mul3A_293 = vector.broadcast %squeeze3A_265 : f32 to vector<16xf32>
          %mul3A_294 = arith.mulf %get3A_292, %mul3A_293 : vector<16xf32>
          %swap3A_295 = arith.index_cast %add3A_263 : i32 to index
          %swap3A_296 = arith.constant 48 : index
          %swap3A_297 = tpu.vector_load %arg11[%swap3A_295, %swap3A_296] {strides = array<i32>} : memref<80x128xf32, #tpu.memory_space<vmem>>, vector<16xf32>,
          tpu.vector_store %arg11[%swap3A_295, %swap3A_296], %mul3A_294 {strides = array<i32>} : memref<80x128xf32, #tpu.memory_space<vmem>>, vector<16xf32>,
          %get3A_298 = arith.index_cast %add3A_263 : i32 to index
          %get3A_299 = arith.constant 64 : index
          %get3A_300 = tpu.vector_load %arg11[%get3A_298, %get3A_299] {strides = array<i32>} : memref<80x128xf32, #tpu.memory_space<vmem>>, vector<16xf32>,
          %mul3A_301 = vector.broadcast %squeeze3A_265 : f32 to vector<16xf32>
          %mul3A_302 = arith.mulf %get3A_300, %mul3A_301 : vector<16xf32>
          %swap3A_303 = arith.index_cast %add3A_263 : i32 to index
          %swap3A_304 = arith.constant 64 : index
          %swap3A_305 = tpu.vector_load %arg11[%swap3A_303, %swap3A_304] {strides = array<i32>} : memref<80x128xf32, #tpu.memory_space<vmem>>, vector<16xf32>,
          tpu.vector_store %arg11[%swap3A_303, %swap3A_304], %mul3A_302 {strides = array<i32>} : memref<80x128xf32, #tpu.memory_space<vmem>>, vector<16xf32>,
          %get3A_306 = arith.index_cast %add3A_263 : i32 to index
          %get3A_307 = arith.constant 80 : index
          %get3A_308 = tpu.vector_load %arg11[%get3A_306, %get3A_307] {strides = array<i32>} : memref<80x128xf32, #tpu.memory_space<vmem>>, vector<16xf32>,
          %mul3A_309 = vector.broadcast %squeeze3A_265 : f32 to vector<16xf32>
          %mul3A_310 = arith.mulf %get3A_308, %mul3A_309 : vector<16xf32>
          %swap3A_311 = arith.index_cast %add3A_263 : i32 to index
          %swap3A_312 = arith.constant 80 : index
          %swap3A_313 = tpu.vector_load %arg11[%swap3A_311, %swap3A_312] {strides = array<i32>} : memref<80x128xf32, #tpu.memory_space<vmem>>, vector<16xf32>,
          tpu.vector_store %arg11[%swap3A_311, %swap3A_312], %mul3A_310 {strides = array<i32>} : memref<80x128xf32, #tpu.memory_space<vmem>>, vector<16xf32>,
          %get3A_314 = arith.index_cast %add3A_263 : i32 to index
          %get3A_315 = arith.constant 96 : index
          %get3A_316 = tpu.vector_load %arg11[%get3A_314, %get3A_315] {strides = array<i32>} : memref<80x128xf32, #tpu.memory_space<vmem>>, vector<16xf32>,
          %mul3A_317 = vector.broadcast %squeeze3A_265 : f32 to vector<16xf32>
          %mul3A_318 = arith.mulf %get3A_316, %mul3A_317 : vector<16xf32>
          %swap3A_319 = arith.index_cast %add3A_263 : i32 to index
          %swap3A_320 = arith.constant 96 : index
          %swap3A_321 = tpu.vector_load %arg11[%swap3A_319, %swap3A_320] {strides = array<i32>} : memref<80x128xf32, #tpu.memory_space<vmem>>, vector<16xf32>,
          tpu.vector_store %arg11[%swap3A_319, %swap3A_320], %mul3A_318 {strides = array<i32>} : memref<80x128xf32, #tpu.memory_space<vmem>>, vector<16xf32>,
          %get3A_322 = arith.index_cast %add3A_263 : i32 to index
          %get3A_323 = arith.constant 112 : index
          %get3A_324 = tpu.vector_load %arg11[%get3A_322, %get3A_323] {strides = array<i32>} : memref<80x128xf32, #tpu.memory_space<vmem>>, vector<16xf32>,
          %mul3A_325 = vector.broadcast %squeeze3A_265 : f32 to vector<16xf32>
          %mul3A_326 = arith.mulf %get3A_324, %mul3A_325 : vector<16xf32>
          %swap3A_327 = arith.index_cast %add3A_263 : i32 to index
          %swap3A_328 = arith.constant 112 : index
          %swap3A_329 = tpu.vector_load %arg11[%swap3A_327, %swap3A_328] {strides = array<i32>} : memref<80x128xf32, #tpu.memory_space<vmem>>, vector<16xf32>,
          tpu.vector_store %arg11[%swap3A_327, %swap3A_328], %mul3A_326 {strides = array<i32>} : memref<80x128xf32, #tpu.memory_space<vmem>>, vector<16xf32>,
          %mul3A_330 = arith.constant 16 : i32
          %mul3A_331 = arith.muli %scan3A_48, %mul3A_330 : i32
          %add3A_332 = arith.constant 4 : i32
          %add3A_333 = arith.addi %mul3A_331, %add3A_332 : i32
          %slice3A_334 = vector.extract_strided_slice %get3A_52 {offsets = [4], sizes = [1], strides = [1]} : vector<16xf32> to vector<1xf32>
          %squeeze3A_335 = vector.extract %slice3A_334[0] : f32 from vector<1xf32>
          %get3A_336 = arith.index_cast %add3A_333 : i32 to index
          %get3A_337 = arith.constant 0 : index
          %get3A_338 = tpu.vector_load %arg11[%get3A_336, %get3A_337] {strides = array<i32>} : memref<80x128xf32, #tpu.memory_space<vmem>>, vector<16xf32>,
          %mul3A_339 = vector.broadcast %squeeze3A_335 : f32 to vector<16xf32>
          %mul3A_340 = arith.mulf %get3A_338, %mul3A_339 : vector<16xf32>
          %swap3A_341 = arith.index_cast %add3A_333 : i32 to index
          %swap3A_342 = arith.constant 0 : index
          %swap3A_343 = tpu.vector_load %arg11[%swap3A_341, %swap3A_342] {strides = array<i32>} : memref<80x128xf32, #tpu.memory_space<vmem>>, vector<16xf32>,
          tpu.vector_store %arg11[%swap3A_341, %swap3A_342], %mul3A_340 {strides = array<i32>} : memref<80x128xf32, #tpu.memory_space<vmem>>, vector<16xf32>,
          %get3A_344 = arith.index_cast %add3A_333 : i32 to index
          %get3A_345 = arith.constant 16 : index
          %get3A_346 = tpu.vector_load %arg11[%get3A_344, %get3A_345] {strides = array<i32>} : memref<80x128xf32, #tpu.memory_space<vmem>>, vector<16xf32>,
          %mul3A_347 = vector.broadcast %squeeze3A_335 : f32 to vector<16xf32>
          %mul3A_348 = arith.mulf %get3A_346, %mul3A_347 : vector<16xf32>
          %swap3A_349 = arith.index_cast %add3A_333 : i32 to index
          %swap3A_350 = arith.constant 16 : index
          %swap3A_351 = tpu.vector_load %arg11[%swap3A_349, %swap3A_350] {strides = array<i32>} : memref<80x128xf32, #tpu.memory_space<vmem>>, vector<16xf32>,
          tpu.vector_store %arg11[%swap3A_349, %swap3A_350], %mul3A_348 {strides = array<i32>} : memref<80x128xf32, #tpu.memory_space<vmem>>, vector<16xf32>,
          %get3A_352 = arith.index_cast %add3A_333 : i32 to index
          %get3A_353 = arith.constant 32 : index
          %get3A_354 = tpu.vector_load %arg11[%get3A_352, %get3A_353] {strides = array<i32>} : memref<80x128xf32, #tpu.memory_space<vmem>>, vector<16xf32>,
          %mul3A_355 = vector.broadcast %squeeze3A_335 : f32 to vector<16xf32>
          %mul3A_356 = arith.mulf %get3A_354, %mul3A_355 : vector<16xf32>
          %swap3A_357 = arith.index_cast %add3A_333 : i32 to index
          %swap3A_358 = arith.constant 32 : index
          %swap3A_359 = tpu.vector_load %arg11[%swap3A_357, %swap3A_358] {strides = array<i32>} : memref<80x128xf32, #tpu.memory_space<vmem>>, vector<16xf32>,
          tpu.vector_store %arg11[%swap3A_357, %swap3A_358], %mul3A_356 {strides = array<i32>} : memref<80x128xf32, #tpu.memory_space<vmem>>, vector<16xf32>,
          %get3A_360 = arith.index_cast %add3A_333 : i32 to index
          %get3A_361 = arith.constant 48 : index
          %get3A_362 = tpu.vector_load %arg11[%get3A_360, %get3A_361] {strides = array<i32>} : memref<80x128xf32, #tpu.memory_space<vmem>>, vector<16xf32>,
          %mul3A_363 = vector.broadcast %squeeze3A_335 : f32 to vector<16xf32>
          %mul3A_364 = arith.mulf %get3A_362, %mul3A_363 : vector<16xf32>
          %swap3A_365 = arith.index_cast %add3A_333 : i32 to index
          %swap3A_366 = arith.constant 48 : index
          %swap3A_367 = tpu.vector_load %arg11[%swap3A_365, %swap3A_366] {strides = array<i32>} : memref<80x128xf32, #tpu.memory_space<vmem>>, vector<16xf32>,
          tpu.vector_store %arg11[%swap3A_365, %swap3A_366], %mul3A_364 {strides = array<i32>} : memref<80x128xf32, #tpu.memory_space<vmem>>, vector<16xf32>,
          %get3A_368 = arith.index_cast %add3A_333 : i32 to index
          %get3A_369 = arith.constant 64 : index
          %get3A_370 = tpu.vector_load %arg11[%get3A_368, %get3A_369] {strides = array<i32>} : memref<80x128xf32, #tpu.memory_space<vmem>>, vector<16xf32>,
          %mul3A_371 = vector.broadcast %squeeze3A_335 : f32 to vector<16xf32>
          %mul3A_372 = arith.mulf %get3A_370, %mul3A_371 : vector<16xf32>
          %swap3A_373 = arith.index_cast %add3A_333 : i32 to index
          %swap3A_374 = arith.constant 64 : index
          %swap3A_375 = tpu.vector_load %arg11[%swap3A_373, %swap3A_374] {strides = array<i32>} : memref<80x128xf32, #tpu.memory_space<vmem>>, vector<16xf32>,
          tpu.vector_store %arg11[%swap3A_373, %swap3A_374], %mul3A_372 {strides = array<i32>} : memref<80x128xf32, #tpu.memory_space<vmem>>, vector<16xf32>,
          %get3A_376 = arith.index_cast %add3A_333 : i32 to index
          %get3A_377 = arith.constant 80 : index
          %get3A_378 = tpu.vector_load %arg11[%get3A_376, %get3A_377] {strides = array<i32>} : memref<80x128xf32, #tpu.memory_space<vmem>>, vector<16xf32>,
          %mul3A_379 = vector.broadcast %squeeze3A_335 : f32 to vector<16xf32>
          %mul3A_380 = arith.mulf %get3A_378, %mul3A_379 : vector<16xf32>
          %swap3A_381 = arith.index_cast %add3A_333 : i32 to index
          %swap3A_382 = arith.constant 80 : index
          %swap3A_383 = tpu.vector_load %arg11[%swap3A_381, %swap3A_382] {strides = array<i32>} : memref<80x128xf32, #tpu.memory_space<vmem>>, vector<16xf32>,
          tpu.vector_store %arg11[%swap3A_381, %swap3A_382], %mul3A_380 {strides = array<i32>} : memref<80x128xf32, #tpu.memory_space<vmem>>, vector<16xf32>,
          %get3A_384 = arith.index_cast %add3A_333 : i32 to index
          %get3A_385 = arith.constant 96 : index
          %get3A_386 = tpu.vector_load %arg11[%get3A_384, %get3A_385] {strides = array<i32>} : memref<80x128xf32, #tpu.memory_space<vmem>>, vector<16xf32>,
          %mul3A_387 = vector.broadcast %squeeze3A_335 : f32 to vector<16xf32>
          %mul3A_388 = arith.mulf %get3A_386, %mul3A_387 : vector<16xf32>
          %swap3A_389 = arith.index_cast %add3A_333 : i32 to index
          %swap3A_390 = arith.constant 96 : index
          %swap3A_391 = tpu.vector_load %arg11[%swap3A_389, %swap3A_390] {strides = array<i32>} : memref<80x128xf32, #tpu.memory_space<vmem>>, vector<16xf32>,
          tpu.vector_store %arg11[%swap3A_389, %swap3A_390], %mul3A_388 {strides = array<i32>} : memref<80x128xf32, #tpu.memory_space<vmem>>, vector<16xf32>,
          %get3A_392 = arith.index_cast %add3A_333 : i32 to index
          %get3A_393 = arith.constant 112 : index
          %get3A_394 = tpu.vector_load %arg11[%get3A_392, %get3A_393] {strides = array<i32>} : memref<80x128xf32, #tpu.memory_space<vmem>>, vector<16xf32>,
          %mul3A_395 = vector.broadcast %squeeze3A_335 : f32 to vector<16xf32>
          %mul3A_396 = arith.mulf %get3A_394, %mul3A_395 : vector<16xf32>
          %swap3A_397 = arith.index_cast %add3A_333 : i32 to index
          %swap3A_398 = arith.constant 112 : index
          %swap3A_399 = tpu.vector_load %arg11[%swap3A_397, %swap3A_398] {strides = array<i32>} : memref<80x128xf32, #tpu.memory_space<vmem>>, vector<16xf32>,
          tpu.vector_store %arg11[%swap3A_397, %swap3A_398], %mul3A_396 {strides = array<i32>} : memref<80x128xf32, #tpu.memory_space<vmem>>, vector<16xf32>,
          %mul3A_400 = arith.constant 16 : i32
          %mul3A_401 = arith.muli %scan3A_48, %mul3A_400 : i32
          %add3A_402 = arith.constant 5 : i32
          %add3A_403 = arith.addi %mul3A_401, %add3A_402 : i32
          %slice3A_404 = vector.extract_strided_slice %get3A_52 {offsets = [5], sizes = [1], strides = [1]} : vector<16xf32> to vector<1xf32>
          %squeeze3A_405 = vector.extract %slice3A_404[0] : f32 from vector<1xf32>
          %get3A_406 = arith.index_cast %add3A_403 : i32 to index
          %get3A_407 = arith.constant 0 : index
          %get3A_408 = tpu.vector_load %arg11[%get3A_406, %get3A_407] {strides = array<i32>} : memref<80x128xf32, #tpu.memory_space<vmem>>, vector<16xf32>,
          %mul3A_409 = vector.broadcast %squeeze3A_405 : f32 to vector<16xf32>
          %mul3A_410 = arith.mulf %get3A_408, %mul3A_409 : vector<16xf32>
          %swap3A_411 = arith.index_cast %add3A_403 : i32 to index
          %swap3A_412 = arith.constant 0 : index
          %swap3A_413 = tpu.vector_load %arg11[%swap3A_411, %swap3A_412] {strides = array<i32>} : memref<80x128xf32, #tpu.memory_space<vmem>>, vector<16xf32>,
          tpu.vector_store %arg11[%swap3A_411, %swap3A_412], %mul3A_410 {strides = array<i32>} : memref<80x128xf32, #tpu.memory_space<vmem>>, vector<16xf32>,
          %get3A_414 = arith.index_cast %add3A_403 : i32 to index
          %get3A_415 = arith.constant 16 : index
          %get3A_416 = tpu.vector_load %arg11[%get3A_414, %get3A_415] {strides = array<i32>} : memref<80x128xf32, #tpu.memory_space<vmem>>, vector<16xf32>,
          %mul3A_417 = vector.broadcast %squeeze3A_405 : f32 to vector<16xf32>
          %mul3A_418 = arith.mulf %get3A_416, %mul3A_417 : vector<16xf32>
          %swap3A_419 = arith.index_cast %add3A_403 : i32 to index
          %swap3A_420 = arith.constant 16 : index
          %swap3A_421 = tpu.vector_load %arg11[%swap3A_419, %swap3A_420] {strides = array<i32>} : memref<80x128xf32, #tpu.memory_space<vmem>>, vector<16xf32>,
          tpu.vector_store %arg11[%swap3A_419, %swap3A_420], %mul3A_418 {strides = array<i32>} : memref<80x128xf32, #tpu.memory_space<vmem>>, vector<16xf32>,
          %get3A_422 = arith.index_cast %add3A_403 : i32 to index
          %get3A_423 = arith.constant 32 : index
          %get3A_424 = tpu.vector_load %arg11[%get3A_422, %get3A_423] {strides = array<i32>} : memref<80x128xf32, #tpu.memory_space<vmem>>, vector<16xf32>,
          %mul3A_425 = vector.broadcast %squeeze3A_405 : f32 to vector<16xf32>
          %mul3A_426 = arith.mulf %get3A_424, %mul3A_425 : vector<16xf32>
          %swap3A_427 = arith.index_cast %add3A_403 : i32 to index
          %swap3A_428 = arith.constant 32 : index
          %swap3A_429 = tpu.vector_load %arg11[%swap3A_427, %swap3A_428] {strides = array<i32>} : memref<80x128xf32, #tpu.memory_space<vmem>>, vector<16xf32>,
          tpu.vector_store %arg11[%swap3A_427, %swap3A_428], %mul3A_426 {strides = array<i32>} : memref<80x128xf32, #tpu.memory_space<vmem>>, vector<16xf32>,
          %get3A_430 = arith.index_cast %add3A_403 : i32 to index
          %get3A_431 = arith.constant 48 : index
          %get3A_432 = tpu.vector_load %arg11[%get3A_430, %get3A_431] {strides = array<i32>} : memref<80x128xf32, #tpu.memory_space<vmem>>, vector<16xf32>,
          %mul3A_433 = vector.broadcast %squeeze3A_405 : f32 to vector<16xf32>
          %mul3A_434 = arith.mulf %get3A_432, %mul3A_433 : vector<16xf32>
          %swap3A_435 = arith.index_cast %add3A_403 : i32 to index
          %swap3A_436 = arith.constant 48 : index
          %swap3A_437 = tpu.vector_load %arg11[%swap3A_435, %swap3A_436] {strides = array<i32>} : memref<80x128xf32, #tpu.memory_space<vmem>>, vector<16xf32>,
          tpu.vector_store %arg11[%swap3A_435, %swap3A_436], %mul3A_434 {strides = array<i32>} : memref<80x128xf32, #tpu.memory_space<vmem>>, vector<16xf32>,
          %get3A_438 = arith.index_cast %add3A_403 : i32 to index
          %get3A_439 = arith.constant 64 : index
          %get3A_440 = tpu.vector_load %arg11[%get3A_438, %get3A_439] {strides = array<i32>} : memref<80x128xf32, #tpu.memory_space<vmem>>, vector<16xf32>,
          %mul3A_441 = vector.broadcast %squeeze3A_405 : f32 to vector<16xf32>
          %mul3A_442 = arith.mulf %get3A_440, %mul3A_441 : vector<16xf32>
          %swap3A_443 = arith.index_cast %add3A_403 : i32 to index
          %swap3A_444 = arith.constant 64 : index
          %swap3A_445 = tpu.vector_load %arg11[%swap3A_443, %swap3A_444] {strides = array<i32>} : memref<80x128xf32, #tpu.memory_space<vmem>>, vector<16xf32>,
          tpu.vector_store %arg11[%swap3A_443, %swap3A_444], %mul3A_442 {strides = array<i32>} : memref<80x128xf32, #tpu.memory_space<vmem>>, vector<16xf32>,
          %get3A_446 = arith.index_cast %add3A_403 : i32 to index
          %get3A_447 = arith.constant 80 : index
          %get3A_448 = tpu.vector_load %arg11[%get3A_446, %get3A_447] {strides = array<i32>} : memref<80x128xf32, #tpu.memory_space<vmem>>, vector<16xf32>,
          %mul3A_449 = vector.broadcast %squeeze3A_405 : f32 to vector<16xf32>
          %mul3A_450 = arith.mulf %get3A_448, %mul3A_449 : vector<16xf32>
          %swap3A_451 = arith.index_cast %add3A_403 : i32 to index
          %swap3A_452 = arith.constant 80 : index
          %swap3A_453 = tpu.vector_load %arg11[%swap3A_451, %swap3A_452] {strides = array<i32>} : memref<80x128xf32, #tpu.memory_space<vmem>>, vector<16xf32>,
          tpu.vector_store %arg11[%swap3A_451, %swap3A_452], %mul3A_450 {strides = array<i32>} : memref<80x128xf32, #tpu.memory_space<vmem>>, vector<16xf32>,
          %get3A_454 = arith.index_cast %add3A_403 : i32 to index
          %get3A_455 = arith.constant 96 : index
          %get3A_456 = tpu.vector_load %arg11[%get3A_454, %get3A_455] {strides = array<i32>} : memref<80x128xf32, #tpu.memory_space<vmem>>, vector<16xf32>,
          %mul3A_457 = vector.broadcast %squeeze3A_405 : f32 to vector<16xf32>
          %mul3A_458 = arith.mulf %get3A_456, %mul3A_457 : vector<16xf32>
          %swap3A_459 = arith.index_cast %add3A_403 : i32 to index
          %swap3A_460 = arith.constant 96 : index
          %swap3A_461 = tpu.vector_load %arg11[%swap3A_459, %swap3A_460] {strides = array<i32>} : memref<80x128xf32, #tpu.memory_space<vmem>>, vector<16xf32>,
          tpu.vector_store %arg11[%swap3A_459, %swap3A_460], %mul3A_458 {strides = array<i32>} : memref<80x128xf32, #tpu.memory_space<vmem>>, vector<16xf32>,
          %get3A_462 = arith.index_cast %add3A_403 : i32 to index
          %get3A_463 = arith.constant 112 : index
          %get3A_464 = tpu.vector_load %arg11[%get3A_462, %get3A_463] {strides = array<i32>} : memref<80x128xf32, #tpu.memory_space<vmem>>, vector<16xf32>,
          %mul3A_465 = vector.broadcast %squeeze3A_405 : f32 to vector<16xf32>
          %mul3A_466 = arith.mulf %get3A_464, %mul3A_465 : vector<16xf32>
          %swap3A_467 = arith.index_cast %add3A_403 : i32 to index
          %swap3A_468 = arith.constant 112 : index
          %swap3A_469 = tpu.vector_load %arg11[%swap3A_467, %swap3A_468] {strides = array<i32>} : memref<80x128xf32, #tpu.memory_space<vmem>>, vector<16xf32>,
          tpu.vector_store %arg11[%swap3A_467, %swap3A_468], %mul3A_466 {strides = array<i32>} : memref<80x128xf32, #tpu.memory_space<vmem>>, vector<16xf32>,
          %mul3A_470 = arith.constant 16 : i32
          %mul3A_471 = arith.muli %scan3A_48, %mul3A_470 : i32
          %add3A_472 = arith.constant 6 : i32
          %add3A_473 = arith.addi %mul3A_471, %add3A_472 : i32
          %slice3A_474 = vector.extract_strided_slice %get3A_52 {offsets = [6], sizes = [1], strides = [1]} : vector<16xf32> to vector<1xf32>
          %squeeze3A_475 = vector.extract %slice3A_474[0] : f32 from vector<1xf32>
          %get3A_476 = arith.index_cast %add3A_473 : i32 to index
          %get3A_477 = arith.constant 0 : index
          %get3A_478 = tpu.vector_load %arg11[%get3A_476, %get3A_477] {strides = array<i32>} : memref<80x128xf32, #tpu.memory_space<vmem>>, vector<16xf32>,
          %mul3A_479 = vector.broadcast %squeeze3A_475 : f32 to vector<16xf32>
          %mul3A_480 = arith.mulf %get3A_478, %mul3A_479 : vector<16xf32>
          %swap3A_481 = arith.index_cast %add3A_473 : i32 to index
          %swap3A_482 = arith.constant 0 : index
          %swap3A_483 = tpu.vector_load %arg11[%swap3A_481, %swap3A_482] {strides = array<i32>} : memref<80x128xf32, #tpu.memory_space<vmem>>, vector<16xf32>,
          tpu.vector_store %arg11[%swap3A_481, %swap3A_482], %mul3A_480 {strides = array<i32>} : memref<80x128xf32, #tpu.memory_space<vmem>>, vector<16xf32>,
          %get3A_484 = arith.index_cast %add3A_473 : i32 to index
          %get3A_485 = arith.constant 16 : index
          %get3A_486 = tpu.vector_load %arg11[%get3A_484, %get3A_485] {strides = array<i32>} : memref<80x128xf32, #tpu.memory_space<vmem>>, vector<16xf32>,
          %mul3A_487 = vector.broadcast %squeeze3A_475 : f32 to vector<16xf32>
          %mul3A_488 = arith.mulf %get3A_486, %mul3A_487 : vector<16xf32>
          %swap3A_489 = arith.index_cast %add3A_473 : i32 to index
          %swap3A_490 = arith.constant 16 : index
          %swap3A_491 = tpu.vector_load %arg11[%swap3A_489, %swap3A_490] {strides = array<i32>} : memref<80x128xf32, #tpu.memory_space<vmem>>, vector<16xf32>,
          tpu.vector_store %arg11[%swap3A_489, %swap3A_490], %mul3A_488 {strides = array<i32>} : memref<80x128xf32, #tpu.memory_space<vmem>>, vector<16xf32>,
          %get3A_492 = arith.index_cast %add3A_473 : i32 to index
          %get3A_493 = arith.constant 32 : index
          %get3A_494 = tpu.vector_load %arg11[%get3A_492, %get3A_493] {strides = array<i32>} : memref<80x128xf32, #tpu.memory_space<vmem>>, vector<16xf32>,
          %mul3A_495 = vector.broadcast %squeeze3A_475 : f32 to vector<16xf32>
          %mul3A_496 = arith.mulf %get3A_494, %mul3A_495 : vector<16xf32>
          %swap3A_497 = arith.index_cast %add3A_473 : i32 to index
          %swap3A_498 = arith.constant 32 : index
          %swap3A_499 = tpu.vector_load %arg11[%swap3A_497, %swap3A_498] {strides = array<i32>} : memref<80x128xf32, #tpu.memory_space<vmem>>, vector<16xf32>,
          tpu.vector_store %arg11[%swap3A_497, %swap3A_498], %mul3A_496 {strides = array<i32>} : memref<80x128xf32, #tpu.memory_space<vmem>>, vector<16xf32>,
          %get3A_500 = arith.index_cast %add3A_473 : i32 to index
          %get3A_501 = arith.constant 48 : index
          %get3A_502 = tpu.vector_load %arg11[%get3A_500, %get3A_501] {strides = array<i32>} : memref<80x128xf32, #tpu.memory_space<vmem>>, vector<16xf32>,
          %mul3A_503 = vector.broadcast %squeeze3A_475 : f32 to vector<16xf32>
          %mul3A_504 = arith.mulf %get3A_502, %mul3A_503 : vector<16xf32>
          %swap3A_505 = arith.index_cast %add3A_473 : i32 to index
          %swap3A_506 = arith.constant 48 : index
          %swap3A_507 = tpu.vector_load %arg11[%swap3A_505, %swap3A_506] {strides = array<i32>} : memref<80x128xf32, #tpu.memory_space<vmem>>, vector<16xf32>,
          tpu.vector_store %arg11[%swap3A_505, %swap3A_506], %mul3A_504 {strides = array<i32>} : memref<80x128xf32, #tpu.memory_space<vmem>>, vector<16xf32>,
          %get3A_508 = arith.index_cast %add3A_473 : i32 to index
          %get3A_509 = arith.constant 64 : index
          %get3A_510 = tpu.vector_load %arg11[%get3A_508, %get3A_509] {strides = array<i32>} : memref<80x128xf32, #tpu.memory_space<vmem>>, vector<16xf32>,
          %mul3A_511 = vector.broadcast %squeeze3A_475 : f32 to vector<16xf32>
          %mul3A_512 = arith.mulf %get3A_510, %mul3A_511 : vector<16xf32>
          %swap3A_513 = arith.index_cast %add3A_473 : i32 to index
          %swap3A_514 = arith.constant 64 : index
          %swap3A_515 = tpu.vector_load %arg11[%swap3A_513, %swap3A_514] {strides = array<i32>} : memref<80x128xf32, #tpu.memory_space<vmem>>, vector<16xf32>,
          tpu.vector_store %arg11[%swap3A_513, %swap3A_514], %mul3A_512 {strides = array<i32>} : memref<80x128xf32, #tpu.memory_space<vmem>>, vector<16xf32>,
          %get3A_516 = arith.index_cast %add3A_473 : i32 to index
          %get3A_517 = arith.constant 80 : index
          %get3A_518 = tpu.vector_load %arg11[%get3A_516, %get3A_517] {strides = array<i32>} : memref<80x128xf32, #tpu.memory_space<vmem>>, vector<16xf32>,
          %mul3A_519 = vector.broadcast %squeeze3A_475 : f32 to vector<16xf32>
          %mul3A_520 = arith.mulf %get3A_518, %mul3A_519 : vector<16xf32>
          %swap3A_521 = arith.index_cast %add3A_473 : i32 to index
          %swap3A_522 = arith.constant 80 : index
          %swap3A_523 = tpu.vector_load %arg11[%swap3A_521, %swap3A_522] {strides = array<i32>} : memref<80x128xf32, #tpu.memory_space<vmem>>, vector<16xf32>,
          tpu.vector_store %arg11[%swap3A_521, %swap3A_522], %mul3A_520 {strides = array<i32>} : memref<80x128xf32, #tpu.memory_space<vmem>>, vector<16xf32>,
          %get3A_524 = arith.index_cast %add3A_473 : i32 to index
          %get3A_525 = arith.constant 96 : index
          %get3A_526 = tpu.vector_load %arg11[%get3A_524, %get3A_525] {strides = array<i32>} : memref<80x128xf32, #tpu.memory_space<vmem>>, vector<16xf32>,
          %mul3A_527 = vector.broadcast %squeeze3A_475 : f32 to vector<16xf32>
          %mul3A_528 = arith.mulf %get3A_526, %mul3A_527 : vector<16xf32>
          %swap3A_529 = arith.index_cast %add3A_473 : i32 to index
          %swap3A_530 = arith.constant 96 : index
          %swap3A_531 = tpu.vector_load %arg11[%swap3A_529, %swap3A_530] {strides = array<i32>} : memref<80x128xf32, #tpu.memory_space<vmem>>, vector<16xf32>,
          tpu.vector_store %arg11[%swap3A_529, %swap3A_530], %mul3A_528 {strides = array<i32>} : memref<80x128xf32, #tpu.memory_space<vmem>>, vector<16xf32>,
          %get3A_532 = arith.index_cast %add3A_473 : i32 to index
          %get3A_533 = arith.constant 112 : index
          %get3A_534 = tpu.vector_load %arg11[%get3A_532, %get3A_533] {strides = array<i32>} : memref<80x128xf32, #tpu.memory_space<vmem>>, vector<16xf32>,
          %mul3A_535 = vector.broadcast %squeeze3A_475 : f32 to vector<16xf32>
          %mul3A_536 = arith.mulf %get3A_534, %mul3A_535 : vector<16xf32>
          %swap3A_537 = arith.index_cast %add3A_473 : i32 to index
          %swap3A_538 = arith.constant 112 : index
          %swap3A_539 = tpu.vector_load %arg11[%swap3A_537, %swap3A_538] {strides = array<i32>} : memref<80x128xf32, #tpu.memory_space<vmem>>, vector<16xf32>,
          tpu.vector_store %arg11[%swap3A_537, %swap3A_538], %mul3A_536 {strides = array<i32>} : memref<80x128xf32, #tpu.memory_space<vmem>>, vector<16xf32>,
          %mul3A_540 = arith.constant 16 : i32
          %mul3A_541 = arith.muli %scan3A_48, %mul3A_540 : i32
          %add3A_542 = arith.constant 7 : i32
          %add3A_543 = arith.addi %mul3A_541, %add3A_542 : i32
          %slice3A_544 = vector.extract_strided_slice %get3A_52 {offsets = [7], sizes = [1], strides = [1]} : vector<16xf32> to vector<1xf32>
          %squeeze3A_545 = vector.extract %slice3A_544[0] : f32 from vector<1xf32>
          %get3A_546 = arith.index_cast %add3A_543 : i32 to index
          %get3A_547 = arith.constant 0 : index
          %get3A_548 = tpu.vector_load %arg11[%get3A_546, %get3A_547] {strides = array<i32>} : memref<80x128xf32, #tpu.memory_space<vmem>>, vector<16xf32>,
          %mul3A_549 = vector.broadcast %squeeze3A_545 : f32 to vector<16xf32>
          %mul3A_550 = arith.mulf %get3A_548, %mul3A_549 : vector<16xf32>
          %swap3A_551 = arith.index_cast %add3A_543 : i32 to index
          %swap3A_552 = arith.constant 0 : index
          %swap3A_553 = tpu.vector_load %arg11[%swap3A_551, %swap3A_552] {strides = array<i32>} : memref<80x128xf32, #tpu.memory_space<vmem>>, vector<16xf32>,
          tpu.vector_store %arg11[%swap3A_551, %swap3A_552], %mul3A_550 {strides = array<i32>} : memref<80x128xf32, #tpu.memory_space<vmem>>, vector<16xf32>,
          %get3A_554 = arith.index_cast %add3A_543 : i32 to index
          %get3A_555 = arith.constant 16 : index
          %get3A_556 = tpu.vector_load %arg11[%get3A_554, %get3A_555] {strides = array<i32>} : memref<80x128xf32, #tpu.memory_space<vmem>>, vector<16xf32>,
          %mul3A_557 = vector.broadcast %squeeze3A_545 : f32 to vector<16xf32>
          %mul3A_558 = arith.mulf %get3A_556, %mul3A_557 : vector<16xf32>
          %swap3A_559 = arith.index_cast %add3A_543 : i32 to index
          %swap3A_560 = arith.constant 16 : index
          %swap3A_561 = tpu.vector_load %arg11[%swap3A_559, %swap3A_560] {strides = array<i32>} : memref<80x128xf32, #tpu.memory_space<vmem>>, vector<16xf32>,
          tpu.vector_store %arg11[%swap3A_559, %swap3A_560], %mul3A_558 {strides = array<i32>} : memref<80x128xf32, #tpu.memory_space<vmem>>, vector<16xf32>,
          %get3A_562 = arith.index_cast %add3A_543 : i32 to index
          %get3A_563 = arith.constant 32 : index
          %get3A_564 = tpu.vector_load %arg11[%get3A_562, %get3A_563] {strides = array<i32>} : memref<80x128xf32, #tpu.memory_space<vmem>>, vector<16xf32>,
          %mul3A_565 = vector.broadcast %squeeze3A_545 : f32 to vector<16xf32>
          %mul3A_566 = arith.mulf %get3A_564, %mul3A_565 : vector<16xf32>
          %swap3A_567 = arith.index_cast %add3A_543 : i32 to index
          %swap3A_568 = arith.constant 32 : index
          %swap3A_569 = tpu.vector_load %arg11[%swap3A_567, %swap3A_568] {strides = array<i32>} : memref<80x128xf32, #tpu.memory_space<vmem>>, vector<16xf32>,
          tpu.vector_store %arg11[%swap3A_567, %swap3A_568], %mul3A_566 {strides = array<i32>} : memref<80x128xf32, #tpu.memory_space<vmem>>, vector<16xf32>,
          %get3A_570 = arith.index_cast %add3A_543 : i32 to index
          %get3A_571 = arith.constant 48 : index
          %get3A_572 = tpu.vector_load %arg11[%get3A_570, %get3A_571] {strides = array<i32>} : memref<80x128xf32, #tpu.memory_space<vmem>>, vector<16xf32>,
          %mul3A_573 = vector.broadcast %squeeze3A_545 : f32 to vector<16xf32>
          %mul3A_574 = arith.mulf %get3A_572, %mul3A_573 : vector<16xf32>
          %swap3A_575 = arith.index_cast %add3A_543 : i32 to index
          %swap3A_576 = arith.constant 48 : index
          %swap3A_577 = tpu.vector_load %arg11[%swap3A_575, %swap3A_576] {strides = array<i32>} : memref<80x128xf32, #tpu.memory_space<vmem>>, vector<16xf32>,
          tpu.vector_store %arg11[%swap3A_575, %swap3A_576], %mul3A_574 {strides = array<i32>} : memref<80x128xf32, #tpu.memory_space<vmem>>, vector<16xf32>,
          %get3A_578 = arith.index_cast %add3A_543 : i32 to index
          %get3A_579 = arith.constant 64 : index
          %get3A_580 = tpu.vector_load %arg11[%get3A_578, %get3A_579] {strides = array<i32>} : memref<80x128xf32, #tpu.memory_space<vmem>>, vector<16xf32>,
          %mul3A_581 = vector.broadcast %squeeze3A_545 : f32 to vector<16xf32>
          %mul3A_582 = arith.mulf %get3A_580, %mul3A_581 : vector<16xf32>
          %swap3A_583 = arith.index_cast %add3A_543 : i32 to index
          %swap3A_584 = arith.constant 64 : index
          %swap3A_585 = tpu.vector_load %arg11[%swap3A_583, %swap3A_584] {strides = array<i32>} : memref<80x128xf32, #tpu.memory_space<vmem>>, vector<16xf32>,
          tpu.vector_store %arg11[%swap3A_583, %swap3A_584], %mul3A_582 {strides = array<i32>} : memref<80x128xf32, #tpu.memory_space<vmem>>, vector<16xf32>,
          %get3A_586 = arith.index_cast %add3A_543 : i32 to index
          %get3A_587 = arith.constant 80 : index
          %get3A_588 = tpu.vector_load %arg11[%get3A_586, %get3A_587] {strides = array<i32>} : memref<80x128xf32, #tpu.memory_space<vmem>>, vector<16xf32>,
          %mul3A_589 = vector.broadcast %squeeze3A_545 : f32 to vector<16xf32>
          %mul3A_590 = arith.mulf %get3A_588, %mul3A_589 : vector<16xf32>
          %swap3A_591 = arith.index_cast %add3A_543 : i32 to index
          %swap3A_592 = arith.constant 80 : index
          %swap3A_593 = tpu.vector_load %arg11[%swap3A_591, %swap3A_592] {strides = array<i32>} : memref<80x128xf32, #tpu.memory_space<vmem>>, vector<16xf32>,
          tpu.vector_store %arg11[%swap3A_591, %swap3A_592], %mul3A_590 {strides = array<i32>} : memref<80x128xf32, #tpu.memory_space<vmem>>, vector<16xf32>,
          %get3A_594 = arith.index_cast %add3A_543 : i32 to index
          %get3A_595 = arith.constant 96 : index
          %get3A_596 = tpu.vector_load %arg11[%get3A_594, %get3A_595] {strides = array<i32>} : memref<80x128xf32, #tpu.memory_space<vmem>>, vector<16xf32>,
          %mul3A_597 = vector.broadcast %squeeze3A_545 : f32 to vector<16xf32>
          %mul3A_598 = arith.mulf %get3A_596, %mul3A_597 : vector<16xf32>
          %swap3A_599 = arith.index_cast %add3A_543 : i32 to index
          %swap3A_600 = arith.constant 96 : index
          %swap3A_601 = tpu.vector_load %arg11[%swap3A_599, %swap3A_600] {strides = array<i32>} : memref<80x128xf32, #tpu.memory_space<vmem>>, vector<16xf32>,
          tpu.vector_store %arg11[%swap3A_599, %swap3A_600], %mul3A_598 {strides = array<i32>} : memref<80x128xf32, #tpu.memory_space<vmem>>, vector<16xf32>,
          %get3A_602 = arith.index_cast %add3A_543 : i32 to index
          %get3A_603 = arith.constant 112 : index
          %get3A_604 = tpu.vector_load %arg11[%get3A_602, %get3A_603] {strides = array<i32>} : memref<80x128xf32, #tpu.memory_space<vmem>>, vector<16xf32>,
          %mul3A_605 = vector.broadcast %squeeze3A_545 : f32 to vector<16xf32>
          %mul3A_606 = arith.mulf %get3A_604, %mul3A_605 : vector<16xf32>
          %swap3A_607 = arith.index_cast %add3A_543 : i32 to index
          %swap3A_608 = arith.constant 112 : index
          %swap3A_609 = tpu.vector_load %arg11[%swap3A_607, %swap3A_608] {strides = array<i32>} : memref<80x128xf32, #tpu.memory_space<vmem>>, vector<16xf32>,
          tpu.vector_store %arg11[%swap3A_607, %swap3A_608], %mul3A_606 {strides = array<i32>} : memref<80x128xf32, #tpu.memory_space<vmem>>, vector<16xf32>,
          %mul3A_610 = arith.constant 16 : i32
          %mul3A_611 = arith.muli %scan3A_48, %mul3A_610 : i32
          %add3A_612 = arith.constant 8 : i32
          %add3A_613 = arith.addi %mul3A_611, %add3A_612 : i32
          %slice3A_614 = vector.extract_strided_slice %get3A_52 {offsets = [8], sizes = [1], strides = [1]} : vector<16xf32> to vector<1xf32>
          %squeeze3A_615 = vector.extract %slice3A_614[0] : f32 from vector<1xf32>
          %get3A_616 = arith.index_cast %add3A_613 : i32 to index
          %get3A_617 = arith.constant 0 : index
          %get3A_618 = tpu.vector_load %arg11[%get3A_616, %get3A_617] {strides = array<i32>} : memref<80x128xf32, #tpu.memory_space<vmem>>, vector<16xf32>,
          %mul3A_619 = vector.broadcast %squeeze3A_615 : f32 to vector<16xf32>
          %mul3A_620 = arith.mulf %get3A_618, %mul3A_619 : vector<16xf32>
          %swap3A_621 = arith.index_cast %add3A_613 : i32 to index
          %swap3A_622 = arith.constant 0 : index
          %swap3A_623 = tpu.vector_load %arg11[%swap3A_621, %swap3A_622] {strides = array<i32>} : memref<80x128xf32, #tpu.memory_space<vmem>>, vector<16xf32>,
          tpu.vector_store %arg11[%swap3A_621, %swap3A_622], %mul3A_620 {strides = array<i32>} : memref<80x128xf32, #tpu.memory_space<vmem>>, vector<16xf32>,
          %get3A_624 = arith.index_cast %add3A_613 : i32 to index
          %get3A_625 = arith.constant 16 : index
          %get3A_626 = tpu.vector_load %arg11[%get3A_624, %get3A_625] {strides = array<i32>} : memref<80x128xf32, #tpu.memory_space<vmem>>, vector<16xf32>,
          %mul3A_627 = vector.broadcast %squeeze3A_615 : f32 to vector<16xf32>
          %mul3A_628 = arith.mulf %get3A_626, %mul3A_627 : vector<16xf32>
          %swap3A_629 = arith.index_cast %add3A_613 : i32 to index
          %swap3A_630 = arith.constant 16 : index
          %swap3A_631 = tpu.vector_load %arg11[%swap3A_629, %swap3A_630] {strides = array<i32>} : memref<80x128xf32, #tpu.memory_space<vmem>>, vector<16xf32>,
          tpu.vector_store %arg11[%swap3A_629, %swap3A_630], %mul3A_628 {strides = array<i32>} : memref<80x128xf32, #tpu.memory_space<vmem>>, vector<16xf32>,
          %get3A_632 = arith.index_cast %add3A_613 : i32 to index
          %get3A_633 = arith.constant 32 : index
          %get3A_634 = tpu.vector_load %arg11[%get3A_632, %get3A_633] {strides = array<i32>} : memref<80x128xf32, #tpu.memory_space<vmem>>, vector<16xf32>,
          %mul3A_635 = vector.broadcast %squeeze3A_615 : f32 to vector<16xf32>
          %mul3A_636 = arith.mulf %get3A_634, %mul3A_635 : vector<16xf32>
          %swap3A_637 = arith.index_cast %add3A_613 : i32 to index
          %swap3A_638 = arith.constant 32 : index
          %swap3A_639 = tpu.vector_load %arg11[%swap3A_637, %swap3A_638] {strides = array<i32>} : memref<80x128xf32, #tpu.memory_space<vmem>>, vector<16xf32>,
          tpu.vector_store %arg11[%swap3A_637, %swap3A_638], %mul3A_636 {strides = array<i32>} : memref<80x128xf32, #tpu.memory_space<vmem>>, vector<16xf32>,
          %get3A_640 = arith.index_cast %add3A_613 : i32 to index
          %get3A_641 = arith.constant 48 : index
          %get3A_642 = tpu.vector_load %arg11[%get3A_640, %get3A_641] {strides = array<i32>} : memref<80x128xf32, #tpu.memory_space<vmem>>, vector<16xf32>,
          %mul3A_643 = vector.broadcast %squeeze3A_615 : f32 to vector<16xf32>
          %mul3A_644 = arith.mulf %get3A_642, %mul3A_643 : vector<16xf32>
          %swap3A_645 = arith.index_cast %add3A_613 : i32 to index
          %swap3A_646 = arith.constant 48 : index
          %swap3A_647 = tpu.vector_load %arg11[%swap3A_645, %swap3A_646] {strides = array<i32>} : memref<80x128xf32, #tpu.memory_space<vmem>>, vector<16xf32>,
          tpu.vector_store %arg11[%swap3A_645, %swap3A_646], %mul3A_644 {strides = array<i32>} : memref<80x128xf32, #tpu.memory_space<vmem>>, vector<16xf32>,
          %get3A_648 = arith.index_cast %add3A_613 : i32 to index
          %get3A_649 = arith.constant 64 : index
          %get3A_650 = tpu.vector_load %arg11[%get3A_648, %get3A_649] {strides = array<i32>} : memref<80x128xf32, #tpu.memory_space<vmem>>, vector<16xf32>,
          %mul3A_651 = vector.broadcast %squeeze3A_615 : f32 to vector<16xf32>
          %mul3A_652 = arith.mulf %get3A_650, %mul3A_651 : vector<16xf32>
          %swap3A_653 = arith.index_cast %add3A_613 : i32 to index
          %swap3A_654 = arith.constant 64 : index
          %swap3A_655 = tpu.vector_load %arg11[%swap3A_653, %swap3A_654] {strides = array<i32>} : memref<80x128xf32, #tpu.memory_space<vmem>>, vector<16xf32>,
          tpu.vector_store %arg11[%swap3A_653, %swap3A_654], %mul3A_652 {strides = array<i32>} : memref<80x128xf32, #tpu.memory_space<vmem>>, vector<16xf32>,
          %get3A_656 = arith.index_cast %add3A_613 : i32 to index
          %get3A_657 = arith.constant 80 : index
          %get3A_658 = tpu.vector_load %arg11[%get3A_656, %get3A_657] {strides = array<i32>} : memref<80x128xf32, #tpu.memory_space<vmem>>, vector<16xf32>,
          %mul3A_659 = vector.broadcast %squeeze3A_615 : f32 to vector<16xf32>
          %mul3A_660 = arith.mulf %get3A_658, %mul3A_659 : vector<16xf32>
          %swap3A_661 = arith.index_cast %add3A_613 : i32 to index
          %swap3A_662 = arith.constant 80 : index
          %swap3A_663 = tpu.vector_load %arg11[%swap3A_661, %swap3A_662] {strides = array<i32>} : memref<80x128xf32, #tpu.memory_space<vmem>>, vector<16xf32>,
          tpu.vector_store %arg11[%swap3A_661, %swap3A_662], %mul3A_660 {strides = array<i32>} : memref<80x128xf32, #tpu.memory_space<vmem>>, vector<16xf32>,
          %get3A_664 = arith.index_cast %add3A_613 : i32 to index
          %get3A_665 = arith.constant 96 : index
          %get3A_666 = tpu.vector_load %arg11[%get3A_664, %get3A_665] {strides = array<i32>} : memref<80x128xf32, #tpu.memory_space<vmem>>, vector<16xf32>,
          %mul3A_667 = vector.broadcast %squeeze3A_615 : f32 to vector<16xf32>
          %mul3A_668 = arith.mulf %get3A_666, %mul3A_667 : vector<16xf32>
          %swap3A_669 = arith.index_cast %add3A_613 : i32 to index
          %swap3A_670 = arith.constant 96 : index
          %swap3A_671 = tpu.vector_load %arg11[%swap3A_669, %swap3A_670] {strides = array<i32>} : memref<80x128xf32, #tpu.memory_space<vmem>>, vector<16xf32>,
          tpu.vector_store %arg11[%swap3A_669, %swap3A_670], %mul3A_668 {strides = array<i32>} : memref<80x128xf32, #tpu.memory_space<vmem>>, vector<16xf32>,
          %get3A_672 = arith.index_cast %add3A_613 : i32 to index
          %get3A_673 = arith.constant 112 : index
          %get3A_674 = tpu.vector_load %arg11[%get3A_672, %get3A_673] {strides = array<i32>} : memref<80x128xf32, #tpu.memory_space<vmem>>, vector<16xf32>,
          %mul3A_675 = vector.broadcast %squeeze3A_615 : f32 to vector<16xf32>
          %mul3A_676 = arith.mulf %get3A_674, %mul3A_675 : vector<16xf32>
          %swap3A_677 = arith.index_cast %add3A_613 : i32 to index
          %swap3A_678 = arith.constant 112 : index
          %swap3A_679 = tpu.vector_load %arg11[%swap3A_677, %swap3A_678] {strides = array<i32>} : memref<80x128xf32, #tpu.memory_space<vmem>>, vector<16xf32>,
          tpu.vector_store %arg11[%swap3A_677, %swap3A_678], %mul3A_676 {strides = array<i32>} : memref<80x128xf32, #tpu.memory_space<vmem>>, vector<16xf32>,
          %mul3A_680 = arith.constant 16 : i32
          %mul3A_681 = arith.muli %scan3A_48, %mul3A_680 : i32
          %add3A_682 = arith.constant 9 : i32
          %add3A_683 = arith.addi %mul3A_681, %add3A_682 : i32
          %slice3A_684 = vector.extract_strided_slice %get3A_52 {offsets = [9], sizes = [1], strides = [1]} : vector<16xf32> to vector<1xf32>
          %squeeze3A_685 = vector.extract %slice3A_684[0] : f32 from vector<1xf32>
          %get3A_686 = arith.index_cast %add3A_683 : i32 to index
          %get3A_687 = arith.constant 0 : index
          %get3A_688 = tpu.vector_load %arg11[%get3A_686, %get3A_687] {strides = array<i32>} : memref<80x128xf32, #tpu.memory_space<vmem>>, vector<16xf32>,
          %mul3A_689 = vector.broadcast %squeeze3A_685 : f32 to vector<16xf32>
          %mul3A_690 = arith.mulf %get3A_688, %mul3A_689 : vector<16xf32>
          %swap3A_691 = arith.index_cast %add3A_683 : i32 to index
          %swap3A_692 = arith.constant 0 : index
          %swap3A_693 = tpu.vector_load %arg11[%swap3A_691, %swap3A_692] {strides = array<i32>} : memref<80x128xf32, #tpu.memory_space<vmem>>, vector<16xf32>,
          tpu.vector_store %arg11[%swap3A_691, %swap3A_692], %mul3A_690 {strides = array<i32>} : memref<80x128xf32, #tpu.memory_space<vmem>>, vector<16xf32>,
          %get3A_694 = arith.index_cast %add3A_683 : i32 to index
          %get3A_695 = arith.constant 16 : index
          %get3A_696 = tpu.vector_load %arg11[%get3A_694, %get3A_695] {strides = array<i32>} : memref<80x128xf32, #tpu.memory_space<vmem>>, vector<16xf32>,
          %mul3A_697 = vector.broadcast %squeeze3A_685 : f32 to vector<16xf32>
          %mul3A_698 = arith.mulf %get3A_696, %mul3A_697 : vector<16xf32>
          %swap3A_699 = arith.index_cast %add3A_683 : i32 to index
          %swap3A_700 = arith.constant 16 : index
          %swap3A_701 = tpu.vector_load %arg11[%swap3A_699, %swap3A_700] {strides = array<i32>} : memref<80x128xf32, #tpu.memory_space<vmem>>, vector<16xf32>,
          tpu.vector_store %arg11[%swap3A_699, %swap3A_700], %mul3A_698 {strides = array<i32>} : memref<80x128xf32, #tpu.memory_space<vmem>>, vector<16xf32>,
          %get3A_702 = arith.index_cast %add3A_683 : i32 to index
          %get3A_703 = arith.constant 32 : index
          %get3A_704 = tpu.vector_load %arg11[%get3A_702, %get3A_703] {strides = array<i32>} : memref<80x128xf32, #tpu.memory_space<vmem>>, vector<16xf32>,
          %mul3A_705 = vector.broadcast %squeeze3A_685 : f32 to vector<16xf32>
          %mul3A_706 = arith.mulf %get3A_704, %mul3A_705 : vector<16xf32>
          %swap3A_707 = arith.index_cast %add3A_683 : i32 to index
          %swap3A_708 = arith.constant 32 : index
          %swap3A_709 = tpu.vector_load %arg11[%swap3A_707, %swap3A_708] {strides = array<i32>} : memref<80x128xf32, #tpu.memory_space<vmem>>, vector<16xf32>,
          tpu.vector_store %arg11[%swap3A_707, %swap3A_708], %mul3A_706 {strides = array<i32>} : memref<80x128xf32, #tpu.memory_space<vmem>>, vector<16xf32>,
          %get3A_710 = arith.index_cast %add3A_683 : i32 to index
          %get3A_711 = arith.constant 48 : index
          %get3A_712 = tpu.vector_load %arg11[%get3A_710, %get3A_711] {strides = array<i32>} : memref<80x128xf32, #tpu.memory_space<vmem>>, vector<16xf32>,
          %mul3A_713 = vector.broadcast %squeeze3A_685 : f32 to vector<16xf32>
          %mul3A_714 = arith.mulf %get3A_712, %mul3A_713 : vector<16xf32>
          %swap3A_715 = arith.index_cast %add3A_683 : i32 to index
          %swap3A_716 = arith.constant 48 : index
          %swap3A_717 = tpu.vector_load %arg11[%swap3A_715, %swap3A_716] {strides = array<i32>} : memref<80x128xf32, #tpu.memory_space<vmem>>, vector<16xf32>,
          tpu.vector_store %arg11[%swap3A_715, %swap3A_716], %mul3A_714 {strides = array<i32>} : memref<80x128xf32, #tpu.memory_space<vmem>>, vector<16xf32>,
          %get3A_718 = arith.index_cast %add3A_683 : i32 to index
          %get3A_719 = arith.constant 64 : index
          %get3A_720 = tpu.vector_load %arg11[%get3A_718, %get3A_719] {strides = array<i32>} : memref<80x128xf32, #tpu.memory_space<vmem>>, vector<16xf32>,
          %mul3A_721 = vector.broadcast %squeeze3A_685 : f32 to vector<16xf32>
          %mul3A_722 = arith.mulf %get3A_720, %mul3A_721 : vector<16xf32>
          %swap3A_723 = arith.index_cast %add3A_683 : i32 to index
          %swap3A_724 = arith.constant 64 : index
          %swap3A_725 = tpu.vector_load %arg11[%swap3A_723, %swap3A_724] {strides = array<i32>} : memref<80x128xf32, #tpu.memory_space<vmem>>, vector<16xf32>,
          tpu.vector_store %arg11[%swap3A_723, %swap3A_724], %mul3A_722 {strides = array<i32>} : memref<80x128xf32, #tpu.memory_space<vmem>>, vector<16xf32>,
          %get3A_726 = arith.index_cast %add3A_683 : i32 to index
          %get3A_727 = arith.constant 80 : index
          %get3A_728 = tpu.vector_load %arg11[%get3A_726, %get3A_727] {strides = array<i32>} : memref<80x128xf32, #tpu.memory_space<vmem>>, vector<16xf32>,
          %mul3A_729 = vector.broadcast %squeeze3A_685 : f32 to vector<16xf32>
          %mul3A_730 = arith.mulf %get3A_728, %mul3A_729 : vector<16xf32>
          %swap3A_731 = arith.index_cast %add3A_683 : i32 to index
          %swap3A_732 = arith.constant 80 : index
          %swap3A_733 = tpu.vector_load %arg11[%swap3A_731, %swap3A_732] {strides = array<i32>} : memref<80x128xf32, #tpu.memory_space<vmem>>, vector<16xf32>,
          tpu.vector_store %arg11[%swap3A_731, %swap3A_732], %mul3A_730 {strides = array<i32>} : memref<80x128xf32, #tpu.memory_space<vmem>>, vector<16xf32>,
          %get3A_734 = arith.index_cast %add3A_683 : i32 to index
          %get3A_735 = arith.constant 96 : index
          %get3A_736 = tpu.vector_load %arg11[%get3A_734, %get3A_735] {strides = array<i32>} : memref<80x128xf32, #tpu.memory_space<vmem>>, vector<16xf32>,
          %mul3A_737 = vector.broadcast %squeeze3A_685 : f32 to vector<16xf32>
          %mul3A_738 = arith.mulf %get3A_736, %mul3A_737 : vector<16xf32>
          %swap3A_739 = arith.index_cast %add3A_683 : i32 to index
          %swap3A_740 = arith.constant 96 : index
          %swap3A_741 = tpu.vector_load %arg11[%swap3A_739, %swap3A_740] {strides = array<i32>} : memref<80x128xf32, #tpu.memory_space<vmem>>, vector<16xf32>,
          tpu.vector_store %arg11[%swap3A_739, %swap3A_740], %mul3A_738 {strides = array<i32>} : memref<80x128xf32, #tpu.memory_space<vmem>>, vector<16xf32>,
          %get3A_742 = arith.index_cast %add3A_683 : i32 to index
          %get3A_743 = arith.constant 112 : index
          %get3A_744 = tpu.vector_load %arg11[%get3A_742, %get3A_743] {strides = array<i32>} : memref<80x128xf32, #tpu.memory_space<vmem>>, vector<16xf32>,
          %mul3A_745 = vector.broadcast %squeeze3A_685 : f32 to vector<16xf32>
          %mul3A_746 = arith.mulf %get3A_744, %mul3A_745 : vector<16xf32>
          %swap3A_747 = arith.index_cast %add3A_683 : i32 to index
          %swap3A_748 = arith.constant 112 : index
          %swap3A_749 = tpu.vector_load %arg11[%swap3A_747, %swap3A_748] {strides = array<i32>} : memref<80x128xf32, #tpu.memory_space<vmem>>, vector<16xf32>,
          tpu.vector_store %arg11[%swap3A_747, %swap3A_748], %mul3A_746 {strides = array<i32>} : memref<80x128xf32, #tpu.memory_space<vmem>>, vector<16xf32>,
          %mul3A_750 = arith.constant 16 : i32
          %mul3A_751 = arith.muli %scan3A_48, %mul3A_750 : i32
          %add3A_752 = arith.constant 10 : i32
          %add3A_753 = arith.addi %mul3A_751, %add3A_752 : i32
          %slice3A_754 = vector.extract_strided_slice %get3A_52 {offsets = [10], sizes = [1], strides = [1]} : vector<16xf32> to vector<1xf32>
          %squeeze3A_755 = vector.extract %slice3A_754[0] : f32 from vector<1xf32>
          %get3A_756 = arith.index_cast %add3A_753 : i32 to index
          %get3A_757 = arith.constant 0 : index
          %get3A_758 = tpu.vector_load %arg11[%get3A_756, %get3A_757] {strides = array<i32>} : memref<80x128xf32, #tpu.memory_space<vmem>>, vector<16xf32>,
          %mul3A_759 = vector.broadcast %squeeze3A_755 : f32 to vector<16xf32>
          %mul3A_760 = arith.mulf %get3A_758, %mul3A_759 : vector<16xf32>
          %swap3A_761 = arith.index_cast %add3A_753 : i32 to index
          %swap3A_762 = arith.constant 0 : index
          %swap3A_763 = tpu.vector_load %arg11[%swap3A_761, %swap3A_762] {strides = array<i32>} : memref<80x128xf32, #tpu.memory_space<vmem>>, vector<16xf32>,
          tpu.vector_store %arg11[%swap3A_761, %swap3A_762], %mul3A_760 {strides = array<i32>} : memref<80x128xf32, #tpu.memory_space<vmem>>, vector<16xf32>,
          %get3A_764 = arith.index_cast %add3A_753 : i32 to index
          %get3A_765 = arith.constant 16 : index
          %get3A_766 = tpu.vector_load %arg11[%get3A_764, %get3A_765] {strides = array<i32>} : memref<80x128xf32, #tpu.memory_space<vmem>>, vector<16xf32>,
          %mul3A_767 = vector.broadcast %squeeze3A_755 : f32 to vector<16xf32>
          %mul3A_768 = arith.mulf %get3A_766, %mul3A_767 : vector<16xf32>
          %swap3A_769 = arith.index_cast %add3A_753 : i32 to index
          %swap3A_770 = arith.constant 16 : index
          %swap3A_771 = tpu.vector_load %arg11[%swap3A_769, %swap3A_770] {strides = array<i32>} : memref<80x128xf32, #tpu.memory_space<vmem>>, vector<16xf32>,
          tpu.vector_store %arg11[%swap3A_769, %swap3A_770], %mul3A_768 {strides = array<i32>} : memref<80x128xf32, #tpu.memory_space<vmem>>, vector<16xf32>,
          %get3A_772 = arith.index_cast %add3A_753 : i32 to index
          %get3A_773 = arith.constant 32 : index
          %get3A_774 = tpu.vector_load %arg11[%get3A_772, %get3A_773] {strides = array<i32>} : memref<80x128xf32, #tpu.memory_space<vmem>>, vector<16xf32>,
          %mul3A_775 = vector.broadcast %squeeze3A_755 : f32 to vector<16xf32>
          %mul3A_776 = arith.mulf %get3A_774, %mul3A_775 : vector<16xf32>
          %swap3A_777 = arith.index_cast %add3A_753 : i32 to index
          %swap3A_778 = arith.constant 32 : index
          %swap3A_779 = tpu.vector_load %arg11[%swap3A_777, %swap3A_778] {strides = array<i32>} : memref<80x128xf32, #tpu.memory_space<vmem>>, vector<16xf32>,
          tpu.vector_store %arg11[%swap3A_777, %swap3A_778], %mul3A_776 {strides = array<i32>} : memref<80x128xf32, #tpu.memory_space<vmem>>, vector<16xf32>,
          %get3A_780 = arith.index_cast %add3A_753 : i32 to index
          %get3A_781 = arith.constant 48 : index
          %get3A_782 = tpu.vector_load %arg11[%get3A_780, %get3A_781] {strides = array<i32>} : memref<80x128xf32, #tpu.memory_space<vmem>>, vector<16xf32>,
          %mul3A_783 = vector.broadcast %squeeze3A_755 : f32 to vector<16xf32>
          %mul3A_784 = arith.mulf %get3A_782, %mul3A_783 : vector<16xf32>
          %swap3A_785 = arith.index_cast %add3A_753 : i32 to index
          %swap3A_786 = arith.constant 48 : index
          %swap3A_787 = tpu.vector_load %arg11[%swap3A_785, %swap3A_786] {strides = array<i32>} : memref<80x128xf32, #tpu.memory_space<vmem>>, vector<16xf32>,
          tpu.vector_store %arg11[%swap3A_785, %swap3A_786], %mul3A_784 {strides = array<i32>} : memref<80x128xf32, #tpu.memory_space<vmem>>, vector<16xf32>,
          %get3A_788 = arith.index_cast %add3A_753 : i32 to index
          %get3A_789 = arith.constant 64 : index
          %get3A_790 = tpu.vector_load %arg11[%get3A_788, %get3A_789] {strides = array<i32>} : memref<80x128xf32, #tpu.memory_space<vmem>>, vector<16xf32>,
          %mul3A_791 = vector.broadcast %squeeze3A_755 : f32 to vector<16xf32>
          %mul3A_792 = arith.mulf %get3A_790, %mul3A_791 : vector<16xf32>
          %swap3A_793 = arith.index_cast %add3A_753 : i32 to index
          %swap3A_794 = arith.constant 64 : index
          %swap3A_795 = tpu.vector_load %arg11[%swap3A_793, %swap3A_794] {strides = array<i32>} : memref<80x128xf32, #tpu.memory_space<vmem>>, vector<16xf32>,
          tpu.vector_store %arg11[%swap3A_793, %swap3A_794], %mul3A_792 {strides = array<i32>} : memref<80x128xf32, #tpu.memory_space<vmem>>, vector<16xf32>,
          %get3A_796 = arith.index_cast %add3A_753 : i32 to index
          %get3A_797 = arith.constant 80 : index
          %get3A_798 = tpu.vector_load %arg11[%get3A_796, %get3A_797] {strides = array<i32>} : memref<80x128xf32, #tpu.memory_space<vmem>>, vector<16xf32>,
          %mul3A_799 = vector.broadcast %squeeze3A_755 : f32 to vector<16xf32>
          %mul3A_800 = arith.mulf %get3A_798, %mul3A_799 : vector<16xf32>
          %swap3A_801 = arith.index_cast %add3A_753 : i32 to index
          %swap3A_802 = arith.constant 80 : index
          %swap3A_803 = tpu.vector_load %arg11[%swap3A_801, %swap3A_802] {strides = array<i32>} : memref<80x128xf32, #tpu.memory_space<vmem>>, vector<16xf32>,
          tpu.vector_store %arg11[%swap3A_801, %swap3A_802], %mul3A_800 {strides = array<i32>} : memref<80x128xf32, #tpu.memory_space<vmem>>, vector<16xf32>,
          %get3A_804 = arith.index_cast %add3A_753 : i32 to index
          %get3A_805 = arith.constant 96 : index
          %get3A_806 = tpu.vector_load %arg11[%get3A_804, %get3A_805] {strides = array<i32>} : memref<80x128xf32, #tpu.memory_space<vmem>>, vector<16xf32>,
          %mul3A_807 = vector.broadcast %squeeze3A_755 : f32 to vector<16xf32>
          %mul3A_808 = arith.mulf %get3A_806, %mul3A_807 : vector<16xf32>
          %swap3A_809 = arith.index_cast %add3A_753 : i32 to index
          %swap3A_810 = arith.constant 96 : index
          %swap3A_811 = tpu.vector_load %arg11[%swap3A_809, %swap3A_810] {strides = array<i32>} : memref<80x128xf32, #tpu.memory_space<vmem>>, vector<16xf32>,
          tpu.vector_store %arg11[%swap3A_809, %swap3A_810], %mul3A_808 {strides = array<i32>} : memref<80x128xf32, #tpu.memory_space<vmem>>, vector<16xf32>,
          %get3A_812 = arith.index_cast %add3A_753 : i32 to index
          %get3A_813 = arith.constant 112 : index
          %get3A_814 = tpu.vector_load %arg11[%get3A_812, %get3A_813] {strides = array<i32>} : memref<80x128xf32, #tpu.memory_space<vmem>>, vector<16xf32>,
          %mul3A_815 = vector.broadcast %squeeze3A_755 : f32 to vector<16xf32>
          %mul3A_816 = arith.mulf %get3A_814, %mul3A_815 : vector<16xf32>
          %swap3A_817 = arith.index_cast %add3A_753 : i32 to index
          %swap3A_818 = arith.constant 112 : index
          %swap3A_819 = tpu.vector_load %arg11[%swap3A_817, %swap3A_818] {strides = array<i32>} : memref<80x128xf32, #tpu.memory_space<vmem>>, vector<16xf32>,
          tpu.vector_store %arg11[%swap3A_817, %swap3A_818], %mul3A_816 {strides = array<i32>} : memref<80x128xf32, #tpu.memory_space<vmem>>, vector<16xf32>,
          %mul3A_820 = arith.constant 16 : i32
          %mul3A_821 = arith.muli %scan3A_48, %mul3A_820 : i32
          %add3A_822 = arith.constant 11 : i32
          %add3A_823 = arith.addi %mul3A_821, %add3A_822 : i32
          %slice3A_824 = vector.extract_strided_slice %get3A_52 {offsets = [11], sizes = [1], strides = [1]} : vector<16xf32> to vector<1xf32>
          %squeeze3A_825 = vector.extract %slice3A_824[0] : f32 from vector<1xf32>
          %get3A_826 = arith.index_cast %add3A_823 : i32 to index
          %get3A_827 = arith.constant 0 : index
          %get3A_828 = tpu.vector_load %arg11[%get3A_826, %get3A_827] {strides = array<i32>} : memref<80x128xf32, #tpu.memory_space<vmem>>, vector<16xf32>,
          %mul3A_829 = vector.broadcast %squeeze3A_825 : f32 to vector<16xf32>
          %mul3A_830 = arith.mulf %get3A_828, %mul3A_829 : vector<16xf32>
          %swap3A_831 = arith.index_cast %add3A_823 : i32 to index
          %swap3A_832 = arith.constant 0 : index
          %swap3A_833 = tpu.vector_load %arg11[%swap3A_831, %swap3A_832] {strides = array<i32>} : memref<80x128xf32, #tpu.memory_space<vmem>>, vector<16xf32>,
          tpu.vector_store %arg11[%swap3A_831, %swap3A_832], %mul3A_830 {strides = array<i32>} : memref<80x128xf32, #tpu.memory_space<vmem>>, vector<16xf32>,
          %get3A_834 = arith.index_cast %add3A_823 : i32 to index
          %get3A_835 = arith.constant 16 : index
          %get3A_836 = tpu.vector_load %arg11[%get3A_834, %get3A_835] {strides = array<i32>} : memref<80x128xf32, #tpu.memory_space<vmem>>, vector<16xf32>,
          %mul3A_837 = vector.broadcast %squeeze3A_825 : f32 to vector<16xf32>
          %mul3A_838 = arith.mulf %get3A_836, %mul3A_837 : vector<16xf32>
          %swap3A_839 = arith.index_cast %add3A_823 : i32 to index
          %swap3A_840 = arith.constant 16 : index
          %swap3A_841 = tpu.vector_load %arg11[%swap3A_839, %swap3A_840] {strides = array<i32>} : memref<80x128xf32, #tpu.memory_space<vmem>>, vector<16xf32>,
          tpu.vector_store %arg11[%swap3A_839, %swap3A_840], %mul3A_838 {strides = array<i32>} : memref<80x128xf32, #tpu.memory_space<vmem>>, vector<16xf32>,
          %get3A_842 = arith.index_cast %add3A_823 : i32 to index
          %get3A_843 = arith.constant 32 : index
          %get3A_844 = tpu.vector_load %arg11[%get3A_842, %get3A_843] {strides = array<i32>} : memref<80x128xf32, #tpu.memory_space<vmem>>, vector<16xf32>,
          %mul3A_845 = vector.broadcast %squeeze3A_825 : f32 to vector<16xf32>
          %mul3A_846 = arith.mulf %get3A_844, %mul3A_845 : vector<16xf32>
          %swap3A_847 = arith.index_cast %add3A_823 : i32 to index
          %swap3A_848 = arith.constant 32 : index
          %swap3A_849 = tpu.vector_load %arg11[%swap3A_847, %swap3A_848] {strides = array<i32>} : memref<80x128xf32, #tpu.memory_space<vmem>>, vector<16xf32>,
          tpu.vector_store %arg11[%swap3A_847, %swap3A_848], %mul3A_846 {strides = array<i32>} : memref<80x128xf32, #tpu.memory_space<vmem>>, vector<16xf32>,
          %get3A_850 = arith.index_cast %add3A_823 : i32 to index
          %get3A_851 = arith.constant 48 : index
          %get3A_852 = tpu.vector_load %arg11[%get3A_850, %get3A_851] {strides = array<i32>} : memref<80x128xf32, #tpu.memory_space<vmem>>, vector<16xf32>,
          %mul3A_853 = vector.broadcast %squeeze3A_825 : f32 to vector<16xf32>
          %mul3A_854 = arith.mulf %get3A_852, %mul3A_853 : vector<16xf32>
          %swap3A_855 = arith.index_cast %add3A_823 : i32 to index
          %swap3A_856 = arith.constant 48 : index
          %swap3A_857 = tpu.vector_load %arg11[%swap3A_855, %swap3A_856] {strides = array<i32>} : memref<80x128xf32, #tpu.memory_space<vmem>>, vector<16xf32>,
          tpu.vector_store %arg11[%swap3A_855, %swap3A_856], %mul3A_854 {strides = array<i32>} : memref<80x128xf32, #tpu.memory_space<vmem>>, vector<16xf32>,
          %get3A_858 = arith.index_cast %add3A_823 : i32 to index
          %get3A_859 = arith.constant 64 : index
          %get3A_860 = tpu.vector_load %arg11[%get3A_858, %get3A_859] {strides = array<i32>} : memref<80x128xf32, #tpu.memory_space<vmem>>, vector<16xf32>,
          %mul3A_861 = vector.broadcast %squeeze3A_825 : f32 to vector<16xf32>
          %mul3A_862 = arith.mulf %get3A_860, %mul3A_861 : vector<16xf32>
          %swap3A_863 = arith.index_cast %add3A_823 : i32 to index
          %swap3A_864 = arith.constant 64 : index
          %swap3A_865 = tpu.vector_load %arg11[%swap3A_863, %swap3A_864] {strides = array<i32>} : memref<80x128xf32, #tpu.memory_space<vmem>>, vector<16xf32>,
          tpu.vector_store %arg11[%swap3A_863, %swap3A_864], %mul3A_862 {strides = array<i32>} : memref<80x128xf32, #tpu.memory_space<vmem>>, vector<16xf32>,
          %get3A_866 = arith.index_cast %add3A_823 : i32 to index
          %get3A_867 = arith.constant 80 : index
          %get3A_868 = tpu.vector_load %arg11[%get3A_866, %get3A_867] {strides = array<i32>} : memref<80x128xf32, #tpu.memory_space<vmem>>, vector<16xf32>,
          %mul3A_869 = vector.broadcast %squeeze3A_825 : f32 to vector<16xf32>
          %mul3A_870 = arith.mulf %get3A_868, %mul3A_869 : vector<16xf32>
          %swap3A_871 = arith.index_cast %add3A_823 : i32 to index
          %swap3A_872 = arith.constant 80 : index
          %swap3A_873 = tpu.vector_load %arg11[%swap3A_871, %swap3A_872] {strides = array<i32>} : memref<80x128xf32, #tpu.memory_space<vmem>>, vector<16xf32>,
          tpu.vector_store %arg11[%swap3A_871, %swap3A_872], %mul3A_870 {strides = array<i32>} : memref<80x128xf32, #tpu.memory_space<vmem>>, vector<16xf32>,
          %get3A_874 = arith.index_cast %add3A_823 : i32 to index
          %get3A_875 = arith.constant 96 : index
          %get3A_876 = tpu.vector_load %arg11[%get3A_874, %get3A_875] {strides = array<i32>} : memref<80x128xf32, #tpu.memory_space<vmem>>, vector<16xf32>,
          %mul3A_877 = vector.broadcast %squeeze3A_825 : f32 to vector<16xf32>
          %mul3A_878 = arith.mulf %get3A_876, %mul3A_877 : vector<16xf32>
          %swap3A_879 = arith.index_cast %add3A_823 : i32 to index
          %swap3A_880 = arith.constant 96 : index
          %swap3A_881 = tpu.vector_load %arg11[%swap3A_879, %swap3A_880] {strides = array<i32>} : memref<80x128xf32, #tpu.memory_space<vmem>>, vector<16xf32>,
          tpu.vector_store %arg11[%swap3A_879, %swap3A_880], %mul3A_878 {strides = array<i32>} : memref<80x128xf32, #tpu.memory_space<vmem>>, vector<16xf32>,
          %get3A_882 = arith.index_cast %add3A_823 : i32 to index
          %get3A_883 = arith.constant 112 : index
          %get3A_884 = tpu.vector_load %arg11[%get3A_882, %get3A_883] {strides = array<i32>} : memref<80x128xf32, #tpu.memory_space<vmem>>, vector<16xf32>,
          %mul3A_885 = vector.broadcast %squeeze3A_825 : f32 to vector<16xf32>
          %mul3A_886 = arith.mulf %get3A_884, %mul3A_885 : vector<16xf32>
          %swap3A_887 = arith.index_cast %add3A_823 : i32 to index
          %swap3A_888 = arith.constant 112 : index
          %swap3A_889 = tpu.vector_load %arg11[%swap3A_887, %swap3A_888] {strides = array<i32>} : memref<80x128xf32, #tpu.memory_space<vmem>>, vector<16xf32>,
          tpu.vector_store %arg11[%swap3A_887, %swap3A_888], %mul3A_886 {strides = array<i32>} : memref<80x128xf32, #tpu.memory_space<vmem>>, vector<16xf32>,
          %mul3A_890 = arith.constant 16 : i32
          %mul3A_891 = arith.muli %scan3A_48, %mul3A_890 : i32
          %add3A_892 = arith.constant 12 : i32
          %add3A_893 = arith.addi %mul3A_891, %add3A_892 : i32
          %slice3A_894 = vector.extract_strided_slice %get3A_52 {offsets = [12], sizes = [1], strides = [1]} : vector<16xf32> to vector<1xf32>
          %squeeze3A_895 = vector.extract %slice3A_894[0] : f32 from vector<1xf32>
          %get3A_896 = arith.index_cast %add3A_893 : i32 to index
          %get3A_897 = arith.constant 0 : index
          %get3A_898 = tpu.vector_load %arg11[%get3A_896, %get3A_897] {strides = array<i32>} : memref<80x128xf32, #tpu.memory_space<vmem>>, vector<16xf32>,
          %mul3A_899 = vector.broadcast %squeeze3A_895 : f32 to vector<16xf32>
          %mul3A_900 = arith.mulf %get3A_898, %mul3A_899 : vector<16xf32>
          %swap3A_901 = arith.index_cast %add3A_893 : i32 to index
          %swap3A_902 = arith.constant 0 : index
          %swap3A_903 = tpu.vector_load %arg11[%swap3A_901, %swap3A_902] {strides = array<i32>} : memref<80x128xf32, #tpu.memory_space<vmem>>, vector<16xf32>,
          tpu.vector_store %arg11[%swap3A_901, %swap3A_902], %mul3A_900 {strides = array<i32>} : memref<80x128xf32, #tpu.memory_space<vmem>>, vector<16xf32>,
          %get3A_904 = arith.index_cast %add3A_893 : i32 to index
          %get3A_905 = arith.constant 16 : index
          %get3A_906 = tpu.vector_load %arg11[%get3A_904, %get3A_905] {strides = array<i32>} : memref<80x128xf32, #tpu.memory_space<vmem>>, vector<16xf32>,
          %mul3A_907 = vector.broadcast %squeeze3A_895 : f32 to vector<16xf32>
          %mul3A_908 = arith.mulf %get3A_906, %mul3A_907 : vector<16xf32>
          %swap3A_909 = arith.index_cast %add3A_893 : i32 to index
          %swap3A_910 = arith.constant 16 : index
          %swap3A_911 = tpu.vector_load %arg11[%swap3A_909, %swap3A_910] {strides = array<i32>} : memref<80x128xf32, #tpu.memory_space<vmem>>, vector<16xf32>,
          tpu.vector_store %arg11[%swap3A_909, %swap3A_910], %mul3A_908 {strides = array<i32>} : memref<80x128xf32, #tpu.memory_space<vmem>>, vector<16xf32>,
          %get3A_912 = arith.index_cast %add3A_893 : i32 to index
          %get3A_913 = arith.constant 32 : index
          %get3A_914 = tpu.vector_load %arg11[%get3A_912, %get3A_913] {strides = array<i32>} : memref<80x128xf32, #tpu.memory_space<vmem>>, vector<16xf32>,
          %mul3A_915 = vector.broadcast %squeeze3A_895 : f32 to vector<16xf32>
          %mul3A_916 = arith.mulf %get3A_914, %mul3A_915 : vector<16xf32>
          %swap3A_917 = arith.index_cast %add3A_893 : i32 to index
          %swap3A_918 = arith.constant 32 : index
          %swap3A_919 = tpu.vector_load %arg11[%swap3A_917, %swap3A_918] {strides = array<i32>} : memref<80x128xf32, #tpu.memory_space<vmem>>, vector<16xf32>,
          tpu.vector_store %arg11[%swap3A_917, %swap3A_918], %mul3A_916 {strides = array<i32>} : memref<80x128xf32, #tpu.memory_space<vmem>>, vector<16xf32>,
          %get3A_920 = arith.index_cast %add3A_893 : i32 to index
          %get3A_921 = arith.constant 48 : index
          %get3A_922 = tpu.vector_load %arg11[%get3A_920, %get3A_921] {strides = array<i32>} : memref<80x128xf32, #tpu.memory_space<vmem>>, vector<16xf32>,
          %mul3A_923 = vector.broadcast %squeeze3A_895 : f32 to vector<16xf32>
          %mul3A_924 = arith.mulf %get3A_922, %mul3A_923 : vector<16xf32>
          %swap3A_925 = arith.index_cast %add3A_893 : i32 to index
          %swap3A_926 = arith.constant 48 : index
          %swap3A_927 = tpu.vector_load %arg11[%swap3A_925, %swap3A_926] {strides = array<i32>} : memref<80x128xf32, #tpu.memory_space<vmem>>, vector<16xf32>,
          tpu.vector_store %arg11[%swap3A_925, %swap3A_926], %mul3A_924 {strides = array<i32>} : memref<80x128xf32, #tpu.memory_space<vmem>>, vector<16xf32>,
          %get3A_928 = arith.index_cast %add3A_893 : i32 to index
          %get3A_929 = arith.constant 64 : index
          %get3A_930 = tpu.vector_load %arg11[%get3A_928, %get3A_929] {strides = array<i32>} : memref<80x128xf32, #tpu.memory_space<vmem>>, vector<16xf32>,
          %mul3A_931 = vector.broadcast %squeeze3A_895 : f32 to vector<16xf32>
          %mul3A_932 = arith.mulf %get3A_930, %mul3A_931 : vector<16xf32>
          %swap3A_933 = arith.index_cast %add3A_893 : i32 to index
          %swap3A_934 = arith.constant 64 : index
          %swap3A_935 = tpu.vector_load %arg11[%swap3A_933, %swap3A_934] {strides = array<i32>} : memref<80x128xf32, #tpu.memory_space<vmem>>, vector<16xf32>,
          tpu.vector_store %arg11[%swap3A_933, %swap3A_934], %mul3A_932 {strides = array<i32>} : memref<80x128xf32, #tpu.memory_space<vmem>>, vector<16xf32>,
          %get3A_936 = arith.index_cast %add3A_893 : i32 to index
          %get3A_937 = arith.constant 80 : index
          %get3A_938 = tpu.vector_load %arg11[%get3A_936, %get3A_937] {strides = array<i32>} : memref<80x128xf32, #tpu.memory_space<vmem>>, vector<16xf32>,
          %mul3A_939 = vector.broadcast %squeeze3A_895 : f32 to vector<16xf32>
          %mul3A_940 = arith.mulf %get3A_938, %mul3A_939 : vector<16xf32>
          %swap3A_941 = arith.index_cast %add3A_893 : i32 to index
          %swap3A_942 = arith.constant 80 : index
          %swap3A_943 = tpu.vector_load %arg11[%swap3A_941, %swap3A_942] {strides = array<i32>} : memref<80x128xf32, #tpu.memory_space<vmem>>, vector<16xf32>,
          tpu.vector_store %arg11[%swap3A_941, %swap3A_942], %mul3A_940 {strides = array<i32>} : memref<80x128xf32, #tpu.memory_space<vmem>>, vector<16xf32>,
          %get3A_944 = arith.index_cast %add3A_893 : i32 to index
          %get3A_945 = arith.constant 96 : index
          %get3A_946 = tpu.vector_load %arg11[%get3A_944, %get3A_945] {strides = array<i32>} : memref<80x128xf32, #tpu.memory_space<vmem>>, vector<16xf32>,
          %mul3A_947 = vector.broadcast %squeeze3A_895 : f32 to vector<16xf32>
          %mul3A_948 = arith.mulf %get3A_946, %mul3A_947 : vector<16xf32>
          %swap3A_949 = arith.index_cast %add3A_893 : i32 to index
          %swap3A_950 = arith.constant 96 : index
          %swap3A_951 = tpu.vector_load %arg11[%swap3A_949, %swap3A_950] {strides = array<i32>} : memref<80x128xf32, #tpu.memory_space<vmem>>, vector<16xf32>,
          tpu.vector_store %arg11[%swap3A_949, %swap3A_950], %mul3A_948 {strides = array<i32>} : memref<80x128xf32, #tpu.memory_space<vmem>>, vector<16xf32>,
          %get3A_952 = arith.index_cast %add3A_893 : i32 to index
          %get3A_953 = arith.constant 112 : index
          %get3A_954 = tpu.vector_load %arg11[%get3A_952, %get3A_953] {strides = array<i32>} : memref<80x128xf32, #tpu.memory_space<vmem>>, vector<16xf32>,
          %mul3A_955 = vector.broadcast %squeeze3A_895 : f32 to vector<16xf32>
          %mul3A_956 = arith.mulf %get3A_954, %mul3A_955 : vector<16xf32>
          %swap3A_957 = arith.index_cast %add3A_893 : i32 to index
          %swap3A_958 = arith.constant 112 : index
          %swap3A_959 = tpu.vector_load %arg11[%swap3A_957, %swap3A_958] {strides = array<i32>} : memref<80x128xf32, #tpu.memory_space<vmem>>, vector<16xf32>,
          tpu.vector_store %arg11[%swap3A_957, %swap3A_958], %mul3A_956 {strides = array<i32>} : memref<80x128xf32, #tpu.memory_space<vmem>>, vector<16xf32>,
          %mul3A_960 = arith.constant 16 : i32
          %mul3A_961 = arith.muli %scan3A_48, %mul3A_960 : i32
          %add3A_962 = arith.constant 13 : i32
          %add3A_963 = arith.addi %mul3A_961, %add3A_962 : i32
          %slice3A_964 = vector.extract_strided_slice %get3A_52 {offsets = [13], sizes = [1], strides = [1]} : vector<16xf32> to vector<1xf32>
          %squeeze3A_965 = vector.extract %slice3A_964[0] : f32 from vector<1xf32>
          %get3A_966 = arith.index_cast %add3A_963 : i32 to index
          %get3A_967 = arith.constant 0 : index
          %get3A_968 = tpu.vector_load %arg11[%get3A_966, %get3A_967] {strides = array<i32>} : memref<80x128xf32, #tpu.memory_space<vmem>>, vector<16xf32>,
          %mul3A_969 = vector.broadcast %squeeze3A_965 : f32 to vector<16xf32>
          %mul3A_970 = arith.mulf %get3A_968, %mul3A_969 : vector<16xf32>
          %swap3A_971 = arith.index_cast %add3A_963 : i32 to index
          %swap3A_972 = arith.constant 0 : index
          %swap3A_973 = tpu.vector_load %arg11[%swap3A_971, %swap3A_972] {strides = array<i32>} : memref<80x128xf32, #tpu.memory_space<vmem>>, vector<16xf32>,
          tpu.vector_store %arg11[%swap3A_971, %swap3A_972], %mul3A_970 {strides = array<i32>} : memref<80x128xf32, #tpu.memory_space<vmem>>, vector<16xf32>,
          %get3A_974 = arith.index_cast %add3A_963 : i32 to index
          %get3A_975 = arith.constant 16 : index
          %get3A_976 = tpu.vector_load %arg11[%get3A_974, %get3A_975] {strides = array<i32>} : memref<80x128xf32, #tpu.memory_space<vmem>>, vector<16xf32>,
          %mul3A_977 = vector.broadcast %squeeze3A_965 : f32 to vector<16xf32>
          %mul3A_978 = arith.mulf %get3A_976, %mul3A_977 : vector<16xf32>
          %swap3A_979 = arith.index_cast %add3A_963 : i32 to index
          %swap3A_980 = arith.constant 16 : index
          %swap3A_981 = tpu.vector_load %arg11[%swap3A_979, %swap3A_980] {strides = array<i32>} : memref<80x128xf32, #tpu.memory_space<vmem>>, vector<16xf32>,
          tpu.vector_store %arg11[%swap3A_979, %swap3A_980], %mul3A_978 {strides = array<i32>} : memref<80x128xf32, #tpu.memory_space<vmem>>, vector<16xf32>,
          %get3A_982 = arith.index_cast %add3A_963 : i32 to index
          %get3A_983 = arith.constant 32 : index
          %get3A_984 = tpu.vector_load %arg11[%get3A_982, %get3A_983] {strides = array<i32>} : memref<80x128xf32, #tpu.memory_space<vmem>>, vector<16xf32>,
          %mul3A_985 = vector.broadcast %squeeze3A_965 : f32 to vector<16xf32>
          %mul3A_986 = arith.mulf %get3A_984, %mul3A_985 : vector<16xf32>
          %swap3A_987 = arith.index_cast %add3A_963 : i32 to index
          %swap3A_988 = arith.constant 32 : index
          %swap3A_989 = tpu.vector_load %arg11[%swap3A_987, %swap3A_988] {strides = array<i32>} : memref<80x128xf32, #tpu.memory_space<vmem>>, vector<16xf32>,
          tpu.vector_store %arg11[%swap3A_987, %swap3A_988], %mul3A_986 {strides = array<i32>} : memref<80x128xf32, #tpu.memory_space<vmem>>, vector<16xf32>,
          %get3A_990 = arith.index_cast %add3A_963 : i32 to index
          %get3A_991 = arith.constant 48 : index
          %get3A_992 = tpu.vector_load %arg11[%get3A_990, %get3A_991] {strides = array<i32>} : memref<80x128xf32, #tpu.memory_space<vmem>>, vector<16xf32>,
          %mul3A_993 = vector.broadcast %squeeze3A_965 : f32 to vector<16xf32>
          %mul3A_994 = arith.mulf %get3A_992, %mul3A_993 : vector<16xf32>
          %swap3A_995 = arith.index_cast %add3A_963 : i32 to index
          %swap3A_996 = arith.constant 48 : index
          %swap3A_997 = tpu.vector_load %arg11[%swap3A_995, %swap3A_996] {strides = array<i32>} : memref<80x128xf32, #tpu.memory_space<vmem>>, vector<16xf32>,
          tpu.vector_store %arg11[%swap3A_995, %swap3A_996], %mul3A_994 {strides = array<i32>} : memref<80x128xf32, #tpu.memory_space<vmem>>, vector<16xf32>,
          %get3A_998 = arith.index_cast %add3A_963 : i32 to index
          %get3A_999 = arith.constant 64 : index
          %get3A_1000 = tpu.vector_load %arg11[%get3A_998, %get3A_999] {strides = array<i32>} : memref<80x128xf32, #tpu.memory_space<vmem>>, vector<16xf32>,
          %mul3A_1001 = vector.broadcast %squeeze3A_965 : f32 to vector<16xf32>
          %mul3A_1002 = arith.mulf %get3A_1000, %mul3A_1001 : vector<16xf32>
          %swap3A_1003 = arith.index_cast %add3A_963 : i32 to index
          %swap3A_1004 = arith.constant 64 : index
          %swap3A_1005 = tpu.vector_load %arg11[%swap3A_1003, %swap3A_1004] {strides = array<i32>} : memref<80x128xf32, #tpu.memory_space<vmem>>, vector<16xf32>,
          tpu.vector_store %arg11[%swap3A_1003, %swap3A_1004], %mul3A_1002 {strides = array<i32>} : memref<80x128xf32, #tpu.memory_space<vmem>>, vector<16xf32>,
          %get3A_1006 = arith.index_cast %add3A_963 : i32 to index
          %get3A_1007 = arith.constant 80 : index
          %get3A_1008 = tpu.vector_load %arg11[%get3A_1006, %get3A_1007] {strides = array<i32>} : memref<80x128xf32, #tpu.memory_space<vmem>>, vector<16xf32>,
          %mul3A_1009 = vector.broadcast %squeeze3A_965 : f32 to vector<16xf32>
          %mul3A_1010 = arith.mulf %get3A_1008, %mul3A_1009 : vector<16xf32>
          %swap3A_1011 = arith.index_cast %add3A_963 : i32 to index
          %swap3A_1012 = arith.constant 80 : index
          %swap3A_1013 = tpu.vector_load %arg11[%swap3A_1011, %swap3A_1012] {strides = array<i32>} : memref<80x128xf32, #tpu.memory_space<vmem>>, vector<16xf32>,
          tpu.vector_store %arg11[%swap3A_1011, %swap3A_1012], %mul3A_1010 {strides = array<i32>} : memref<80x128xf32, #tpu.memory_space<vmem>>, vector<16xf32>,
          %get3A_1014 = arith.index_cast %add3A_963 : i32 to index
          %get3A_1015 = arith.constant 96 : index
          %get3A_1016 = tpu.vector_load %arg11[%get3A_1014, %get3A_1015] {strides = array<i32>} : memref<80x128xf32, #tpu.memory_space<vmem>>, vector<16xf32>,
          %mul3A_1017 = vector.broadcast %squeeze3A_965 : f32 to vector<16xf32>
          %mul3A_1018 = arith.mulf %get3A_1016, %mul3A_1017 : vector<16xf32>
          %swap3A_1019 = arith.index_cast %add3A_963 : i32 to index
          %swap3A_1020 = arith.constant 96 : index
          %swap3A_1021 = tpu.vector_load %arg11[%swap3A_1019, %swap3A_1020] {strides = array<i32>} : memref<80x128xf32, #tpu.memory_space<vmem>>, vector<16xf32>,
          tpu.vector_store %arg11[%swap3A_1019, %swap3A_1020], %mul3A_1018 {strides = array<i32>} : memref<80x128xf32, #tpu.memory_space<vmem>>, vector<16xf32>,
          %get3A_1022 = arith.index_cast %add3A_963 : i32 to index
          %get3A_1023 = arith.constant 112 : index
          %get3A_1024 = tpu.vector_load %arg11[%get3A_1022, %get3A_1023] {strides = array<i32>} : memref<80x128xf32, #tpu.memory_space<vmem>>, vector<16xf32>,
          %mul3A_1025 = vector.broadcast %squeeze3A_965 : f32 to vector<16xf32>
          %mul3A_1026 = arith.mulf %get3A_1024, %mul3A_1025 : vector<16xf32>
          %swap3A_1027 = arith.index_cast %add3A_963 : i32 to index
          %swap3A_1028 = arith.constant 112 : index
          %swap3A_1029 = tpu.vector_load %arg11[%swap3A_1027, %swap3A_1028] {strides = array<i32>} : memref<80x128xf32, #tpu.memory_space<vmem>>, vector<16xf32>,
          tpu.vector_store %arg11[%swap3A_1027, %swap3A_1028], %mul3A_1026 {strides = array<i32>} : memref<80x128xf32, #tpu.memory_space<vmem>>, vector<16xf32>,
          %mul3A_1030 = arith.constant 16 : i32
          %mul3A_1031 = arith.muli %scan3A_48, %mul3A_1030 : i32
          %add3A_1032 = arith.constant 14 : i32
          %add3A_1033 = arith.addi %mul3A_1031, %add3A_1032 : i32
          %slice3A_1034 = vector.extract_strided_slice %get3A_52 {offsets = [14], sizes = [1], strides = [1]} : vector<16xf32> to vector<1xf32>
          %squeeze3A_1035 = vector.extract %slice3A_1034[0] : f32 from vector<1xf32>
          %get3A_1036 = arith.index_cast %add3A_1033 : i32 to index
          %get3A_1037 = arith.constant 0 : index
          %get3A_1038 = tpu.vector_load %arg11[%get3A_1036, %get3A_1037] {strides = array<i32>} : memref<80x128xf32, #tpu.memory_space<vmem>>, vector<16xf32>,
          %mul3A_1039 = vector.broadcast %squeeze3A_1035 : f32 to vector<16xf32>
          %mul3A_1040 = arith.mulf %get3A_1038, %mul3A_1039 : vector<16xf32>
          %swap3A_1041 = arith.index_cast %add3A_1033 : i32 to index
          %swap3A_1042 = arith.constant 0 : index
          %swap3A_1043 = tpu.vector_load %arg11[%swap3A_1041, %swap3A_1042] {strides = array<i32>} : memref<80x128xf32, #tpu.memory_space<vmem>>, vector<16xf32>,
          tpu.vector_store %arg11[%swap3A_1041, %swap3A_1042], %mul3A_1040 {strides = array<i32>} : memref<80x128xf32, #tpu.memory_space<vmem>>, vector<16xf32>,
          %get3A_1044 = arith.index_cast %add3A_1033 : i32 to index
          %get3A_1045 = arith.constant 16 : index
          %get3A_1046 = tpu.vector_load %arg11[%get3A_1044, %get3A_1045] {strides = array<i32>} : memref<80x128xf32, #tpu.memory_space<vmem>>, vector<16xf32>,
          %mul3A_1047 = vector.broadcast %squeeze3A_1035 : f32 to vector<16xf32>
          %mul3A_1048 = arith.mulf %get3A_1046, %mul3A_1047 : vector<16xf32>
          %swap3A_1049 = arith.index_cast %add3A_1033 : i32 to index
          %swap3A_1050 = arith.constant 16 : index
          %swap3A_1051 = tpu.vector_load %arg11[%swap3A_1049, %swap3A_1050] {strides = array<i32>} : memref<80x128xf32, #tpu.memory_space<vmem>>, vector<16xf32>,
          tpu.vector_store %arg11[%swap3A_1049, %swap3A_1050], %mul3A_1048 {strides = array<i32>} : memref<80x128xf32, #tpu.memory_space<vmem>>, vector<16xf32>,
          %get3A_1052 = arith.index_cast %add3A_1033 : i32 to index
          %get3A_1053 = arith.constant 32 : index
          %get3A_1054 = tpu.vector_load %arg11[%get3A_1052, %get3A_1053] {strides = array<i32>} : memref<80x128xf32, #tpu.memory_space<vmem>>, vector<16xf32>,
          %mul3A_1055 = vector.broadcast %squeeze3A_1035 : f32 to vector<16xf32>
          %mul3A_1056 = arith.mulf %get3A_1054, %mul3A_1055 : vector<16xf32>
          %swap3A_1057 = arith.index_cast %add3A_1033 : i32 to index
          %swap3A_1058 = arith.constant 32 : index
          %swap3A_1059 = tpu.vector_load %arg11[%swap3A_1057, %swap3A_1058] {strides = array<i32>} : memref<80x128xf32, #tpu.memory_space<vmem>>, vector<16xf32>,
          tpu.vector_store %arg11[%swap3A_1057, %swap3A_1058], %mul3A_1056 {strides = array<i32>} : memref<80x128xf32, #tpu.memory_space<vmem>>, vector<16xf32>,
          %get3A_1060 = arith.index_cast %add3A_1033 : i32 to index
          %get3A_1061 = arith.constant 48 : index
          %get3A_1062 = tpu.vector_load %arg11[%get3A_1060, %get3A_1061] {strides = array<i32>} : memref<80x128xf32, #tpu.memory_space<vmem>>, vector<16xf32>,
          %mul3A_1063 = vector.broadcast %squeeze3A_1035 : f32 to vector<16xf32>
          %mul3A_1064 = arith.mulf %get3A_1062, %mul3A_1063 : vector<16xf32>
          %swap3A_1065 = arith.index_cast %add3A_1033 : i32 to index
          %swap3A_1066 = arith.constant 48 : index
          %swap3A_1067 = tpu.vector_load %arg11[%swap3A_1065, %swap3A_1066] {strides = array<i32>} : memref<80x128xf32, #tpu.memory_space<vmem>>, vector<16xf32>,
          tpu.vector_store %arg11[%swap3A_1065, %swap3A_1066], %mul3A_1064 {strides = array<i32>} : memref<80x128xf32, #tpu.memory_space<vmem>>, vector<16xf32>,
          %get3A_1068 = arith.index_cast %add3A_1033 : i32 to index
          %get3A_1069 = arith.constant 64 : index
          %get3A_1070 = tpu.vector_load %arg11[%get3A_1068, %get3A_1069] {strides = array<i32>} : memref<80x128xf32, #tpu.memory_space<vmem>>, vector<16xf32>,
          %mul3A_1071 = vector.broadcast %squeeze3A_1035 : f32 to vector<16xf32>
          %mul3A_1072 = arith.mulf %get3A_1070, %mul3A_1071 : vector<16xf32>
          %swap3A_1073 = arith.index_cast %add3A_1033 : i32 to index
          %swap3A_1074 = arith.constant 64 : index
          %swap3A_1075 = tpu.vector_load %arg11[%swap3A_1073, %swap3A_1074] {strides = array<i32>} : memref<80x128xf32, #tpu.memory_space<vmem>>, vector<16xf32>,
          tpu.vector_store %arg11[%swap3A_1073, %swap3A_1074], %mul3A_1072 {strides = array<i32>} : memref<80x128xf32, #tpu.memory_space<vmem>>, vector<16xf32>,
          %get3A_1076 = arith.index_cast %add3A_1033 : i32 to index
          %get3A_1077 = arith.constant 80 : index
          %get3A_1078 = tpu.vector_load %arg11[%get3A_1076, %get3A_1077] {strides = array<i32>} : memref<80x128xf32, #tpu.memory_space<vmem>>, vector<16xf32>,
          %mul3A_1079 = vector.broadcast %squeeze3A_1035 : f32 to vector<16xf32>
          %mul3A_1080 = arith.mulf %get3A_1078, %mul3A_1079 : vector<16xf32>
          %swap3A_1081 = arith.index_cast %add3A_1033 : i32 to index
          %swap3A_1082 = arith.constant 80 : index
          %swap3A_1083 = tpu.vector_load %arg11[%swap3A_1081, %swap3A_1082] {strides = array<i32>} : memref<80x128xf32, #tpu.memory_space<vmem>>, vector<16xf32>,
          tpu.vector_store %arg11[%swap3A_1081, %swap3A_1082], %mul3A_1080 {strides = array<i32>} : memref<80x128xf32, #tpu.memory_space<vmem>>, vector<16xf32>,
          %get3A_1084 = arith.index_cast %add3A_1033 : i32 to index
          %get3A_1085 = arith.constant 96 : index
          %get3A_1086 = tpu.vector_load %arg11[%get3A_1084, %get3A_1085] {strides = array<i32>} : memref<80x128xf32, #tpu.memory_space<vmem>>, vector<16xf32>,
          %mul3A_1087 = vector.broadcast %squeeze3A_1035 : f32 to vector<16xf32>
          %mul3A_1088 = arith.mulf %get3A_1086, %mul3A_1087 : vector<16xf32>
          %swap3A_1089 = arith.index_cast %add3A_1033 : i32 to index
          %swap3A_1090 = arith.constant 96 : index
          %swap3A_1091 = tpu.vector_load %arg11[%swap3A_1089, %swap3A_1090] {strides = array<i32>} : memref<80x128xf32, #tpu.memory_space<vmem>>, vector<16xf32>,
          tpu.vector_store %arg11[%swap3A_1089, %swap3A_1090], %mul3A_1088 {strides = array<i32>} : memref<80x128xf32, #tpu.memory_space<vmem>>, vector<16xf32>,
          %get3A_1092 = arith.index_cast %add3A_1033 : i32 to index
          %get3A_1093 = arith.constant 112 : index
          %get3A_1094 = tpu.vector_load %arg11[%get3A_1092, %get3A_1093] {strides = array<i32>} : memref<80x128xf32, #tpu.memory_space<vmem>>, vector<16xf32>,
          %mul3A_1095 = vector.broadcast %squeeze3A_1035 : f32 to vector<16xf32>
          %mul3A_1096 = arith.mulf %get3A_1094, %mul3A_1095 : vector<16xf32>
          %swap3A_1097 = arith.index_cast %add3A_1033 : i32 to index
          %swap3A_1098 = arith.constant 112 : index
          %swap3A_1099 = tpu.vector_load %arg11[%swap3A_1097, %swap3A_1098] {strides = array<i32>} : memref<80x128xf32, #tpu.memory_space<vmem>>, vector<16xf32>,
          tpu.vector_store %arg11[%swap3A_1097, %swap3A_1098], %mul3A_1096 {strides = array<i32>} : memref<80x128xf32, #tpu.memory_space<vmem>>, vector<16xf32>,
          %mul3A_1100 = arith.constant 16 : i32
          %mul3A_1101 = arith.muli %scan3A_48, %mul3A_1100 : i32
          %add3A_1102 = arith.constant 15 : i32
          %add3A_1103 = arith.addi %mul3A_1101, %add3A_1102 : i32
          %slice3A_1104 = vector.extract_strided_slice %get3A_52 {offsets = [15], sizes = [1], strides = [1]} : vector<16xf32> to vector<1xf32>
          %squeeze3A_1105 = vector.extract %slice3A_1104[0] : f32 from vector<1xf32>
          %get3A_1106 = arith.index_cast %add3A_1103 : i32 to index
          %get3A_1107 = arith.constant 0 : index
          %get3A_1108 = tpu.vector_load %arg11[%get3A_1106, %get3A_1107] {strides = array<i32>} : memref<80x128xf32, #tpu.memory_space<vmem>>, vector<16xf32>,
          %mul3A_1109 = vector.broadcast %squeeze3A_1105 : f32 to vector<16xf32>
          %mul3A_1110 = arith.mulf %get3A_1108, %mul3A_1109 : vector<16xf32>
          %swap3A_1111 = arith.index_cast %add3A_1103 : i32 to index
          %swap3A_1112 = arith.constant 0 : index
          %swap3A_1113 = tpu.vector_load %arg11[%swap3A_1111, %swap3A_1112] {strides = array<i32>} : memref<80x128xf32, #tpu.memory_space<vmem>>, vector<16xf32>,
          tpu.vector_store %arg11[%swap3A_1111, %swap3A_1112], %mul3A_1110 {strides = array<i32>} : memref<80x128xf32, #tpu.memory_space<vmem>>, vector<16xf32>,
          %get3A_1114 = arith.index_cast %add3A_1103 : i32 to index
          %get3A_1115 = arith.constant 16 : index
          %get3A_1116 = tpu.vector_load %arg11[%get3A_1114, %get3A_1115] {strides = array<i32>} : memref<80x128xf32, #tpu.memory_space<vmem>>, vector<16xf32>,
          %mul3A_1117 = vector.broadcast %squeeze3A_1105 : f32 to vector<16xf32>
          %mul3A_1118 = arith.mulf %get3A_1116, %mul3A_1117 : vector<16xf32>
          %swap3A_1119 = arith.index_cast %add3A_1103 : i32 to index
          %swap3A_1120 = arith.constant 16 : index
          %swap3A_1121 = tpu.vector_load %arg11[%swap3A_1119, %swap3A_1120] {strides = array<i32>} : memref<80x128xf32, #tpu.memory_space<vmem>>, vector<16xf32>,
          tpu.vector_store %arg11[%swap3A_1119, %swap3A_1120], %mul3A_1118 {strides = array<i32>} : memref<80x128xf32, #tpu.memory_space<vmem>>, vector<16xf32>,
          %get3A_1122 = arith.index_cast %add3A_1103 : i32 to index
          %get3A_1123 = arith.constant 32 : index
          %get3A_1124 = tpu.vector_load %arg11[%get3A_1122, %get3A_1123] {strides = array<i32>} : memref<80x128xf32, #tpu.memory_space<vmem>>, vector<16xf32>,
          %mul3A_1125 = vector.broadcast %squeeze3A_1105 : f32 to vector<16xf32>
          %mul3A_1126 = arith.mulf %get3A_1124, %mul3A_1125 : vector<16xf32>
          %swap3A_1127 = arith.index_cast %add3A_1103 : i32 to index
          %swap3A_1128 = arith.constant 32 : index
          %swap3A_1129 = tpu.vector_load %arg11[%swap3A_1127, %swap3A_1128] {strides = array<i32>} : memref<80x128xf32, #tpu.memory_space<vmem>>, vector<16xf32>,
          tpu.vector_store %arg11[%swap3A_1127, %swap3A_1128], %mul3A_1126 {strides = array<i32>} : memref<80x128xf32, #tpu.memory_space<vmem>>, vector<16xf32>,
          %get3A_1130 = arith.index_cast %add3A_1103 : i32 to index
          %get3A_1131 = arith.constant 48 : index
          %get3A_1132 = tpu.vector_load %arg11[%get3A_1130, %get3A_1131] {strides = array<i32>} : memref<80x128xf32, #tpu.memory_space<vmem>>, vector<16xf32>,
          %mul3A_1133 = vector.broadcast %squeeze3A_1105 : f32 to vector<16xf32>
          %mul3A_1134 = arith.mulf %get3A_1132, %mul3A_1133 : vector<16xf32>
          %swap3A_1135 = arith.index_cast %add3A_1103 : i32 to index
          %swap3A_1136 = arith.constant 48 : index
          %swap3A_1137 = tpu.vector_load %arg11[%swap3A_1135, %swap3A_1136] {strides = array<i32>} : memref<80x128xf32, #tpu.memory_space<vmem>>, vector<16xf32>,
          tpu.vector_store %arg11[%swap3A_1135, %swap3A_1136], %mul3A_1134 {strides = array<i32>} : memref<80x128xf32, #tpu.memory_space<vmem>>, vector<16xf32>,
          %get3A_1138 = arith.index_cast %add3A_1103 : i32 to index
          %get3A_1139 = arith.constant 64 : index
          %get3A_1140 = tpu.vector_load %arg11[%get3A_1138, %get3A_1139] {strides = array<i32>} : memref<80x128xf32, #tpu.memory_space<vmem>>, vector<16xf32>,
          %mul3A_1141 = vector.broadcast %squeeze3A_1105 : f32 to vector<16xf32>
          %mul3A_1142 = arith.mulf %get3A_1140, %mul3A_1141 : vector<16xf32>
          %swap3A_1143 = arith.index_cast %add3A_1103 : i32 to index
          %swap3A_1144 = arith.constant 64 : index
          %swap3A_1145 = tpu.vector_load %arg11[%swap3A_1143, %swap3A_1144] {strides = array<i32>} : memref<80x128xf32, #tpu.memory_space<vmem>>, vector<16xf32>,
          tpu.vector_store %arg11[%swap3A_1143, %swap3A_1144], %mul3A_1142 {strides = array<i32>} : memref<80x128xf32, #tpu.memory_space<vmem>>, vector<16xf32>,
          %get3A_1146 = arith.index_cast %add3A_1103 : i32 to index
          %get3A_1147 = arith.constant 80 : index
          %get3A_1148 = tpu.vector_load %arg11[%get3A_1146, %get3A_1147] {strides = array<i32>} : memref<80x128xf32, #tpu.memory_space<vmem>>, vector<16xf32>,
          %mul3A_1149 = vector.broadcast %squeeze3A_1105 : f32 to vector<16xf32>
          %mul3A_1150 = arith.mulf %get3A_1148, %mul3A_1149 : vector<16xf32>
          %swap3A_1151 = arith.index_cast %add3A_1103 : i32 to index
          %swap3A_1152 = arith.constant 80 : index
          %swap3A_1153 = tpu.vector_load %arg11[%swap3A_1151, %swap3A_1152] {strides = array<i32>} : memref<80x128xf32, #tpu.memory_space<vmem>>, vector<16xf32>,
          tpu.vector_store %arg11[%swap3A_1151, %swap3A_1152], %mul3A_1150 {strides = array<i32>} : memref<80x128xf32, #tpu.memory_space<vmem>>, vector<16xf32>,
          %get3A_1154 = arith.index_cast %add3A_1103 : i32 to index
          %get3A_1155 = arith.constant 96 : index
          %get3A_1156 = tpu.vector_load %arg11[%get3A_1154, %get3A_1155] {strides = array<i32>} : memref<80x128xf32, #tpu.memory_space<vmem>>, vector<16xf32>,
          %mul3A_1157 = vector.broadcast %squeeze3A_1105 : f32 to vector<16xf32>
          %mul3A_1158 = arith.mulf %get3A_1156, %mul3A_1157 : vector<16xf32>
          %swap3A_1159 = arith.index_cast %add3A_1103 : i32 to index
          %swap3A_1160 = arith.constant 96 : index
          %swap3A_1161 = tpu.vector_load %arg11[%swap3A_1159, %swap3A_1160] {strides = array<i32>} : memref<80x128xf32, #tpu.memory_space<vmem>>, vector<16xf32>,
          tpu.vector_store %arg11[%swap3A_1159, %swap3A_1160], %mul3A_1158 {strides = array<i32>} : memref<80x128xf32, #tpu.memory_space<vmem>>, vector<16xf32>,
          %get3A_1162 = arith.index_cast %add3A_1103 : i32 to index
          %get3A_1163 = arith.constant 112 : index
          %get3A_1164 = tpu.vector_load %arg11[%get3A_1162, %get3A_1163] {strides = array<i32>} : memref<80x128xf32, #tpu.memory_space<vmem>>, vector<16xf32>,
          %mul3A_1165 = vector.broadcast %squeeze3A_1105 : f32 to vector<16xf32>
          %mul3A_1166 = arith.mulf %get3A_1164, %mul3A_1165 : vector<16xf32>
          %swap3A_1167 = arith.index_cast %add3A_1103 : i32 to index
          %swap3A_1168 = arith.constant 112 : index
          %swap3A_1169 = tpu.vector_load %arg11[%swap3A_1167, %swap3A_1168] {strides = array<i32>} : memref<80x128xf32, #tpu.memory_space<vmem>>, vector<16xf32>,
          tpu.vector_store %arg11[%swap3A_1167, %swap3A_1168], %mul3A_1166 {strides = array<i32>} : memref<80x128xf32, #tpu.memory_space<vmem>>, vector<16xf32>,
          %scan3A_1170 = arith.constant 0 : i32
          scf.yield %scan3A_1170 : i32
        }
        %scan3A_47 = arith.constant 5 : i32
      } else {
      }
      "tpu.region"() ({
        %run_scoped3A = tpu.sem_alloc : memref<!tpu.dma_semaphore, #tpu.memory_space<semaphore_mem>>
        %dma_start3A_41 = arith.constant 0 : i32
        %dma_start3A_42 = arith.constant 0 : i32
        %dma_start3A_43 = tpu.memref_slice %arg7[%dma_start3A_41, %dma_start3A_42] : memref<10112x128xf32, #tpu.memory_space<vmem_shared>> -> memref<10112x128xf32, #tpu.memory_space<vmem_shared>>
        tpu.enqueue_indirect_dma source(%arg11 : memref<80x128xf32, #tpu.memory_space<vmem>>) target(%dma_start3A_43 : memref<10112x128xf32, #tpu.memory_space<vmem_shared>>) offsets(%arg9 : memref<80xi32, #tpu.memory_space<vmem>>) semaphore(%run_scoped3A : memref<!tpu.dma_semaphore, #tpu.memory_space<semaphore_mem>>) {add = true}
        %dma_wait3A_44 = arith.constant 0 : i32
        %dma_wait3A_45 = arith.constant 0 : i32
        %dma_wait3A_46 = tpu.memref_slice %arg7[%dma_wait3A_44, %dma_wait3A_45] : memref<10112x128xf32, #tpu.memory_space<vmem_shared>> -> memref<10112x128xf32, #tpu.memory_space<vmem_shared>>
        tpu.wait_indirect_dma semaphore(%run_scoped3A : memref<!tpu.dma_semaphore, #tpu.memory_space<semaphore_mem>>) src(%arg11 : memref<80x128xf32, #tpu.memory_space<vmem>>) dst(%dma_wait3A_46 : memref<10112x128xf32, #tpu.memory_space<vmem_shared>>)
        tpu.yield
      }) : () -> ()
      %scan3A_40 = arith.constant 0 : i32
      scf.yield %scan3A_40 : i32
    }
    %scan3A_25 = arith.constant 250 : i32
    %barrier3A_26 = arith.constant 0 : index
    tpu.barrier barrier_id(%barrier3A_26)
    %mul3A_27 = arith.constant 10112 : i32
    %mul3A_28 = arith.muli %arg0, %mul3A_27 : i32
    %add3A = arith.addi %mul3A_28, %mul3A_9 : i32
    "tpu.region"() ({
      %run_scoped3A = tpu.sem_alloc : memref<!tpu.dma_semaphore, #tpu.memory_space<semaphore_mem>>
      %dma_start3A = arith.constant 0 : i32
      %dma_start3A_29 = tpu.memref_slice %arg6[%add3A, %dma_start3A] : memref<20224x128xf32, #tpu.memory_space<hbm>> -> memref<632x128xf32, #tpu.memory_space<hbm>>
      %dma_start3A_30 = arith.constant 0 : i32
      %dma_start3A_31 = tpu.memref_slice %arg7[%mul3A_9, %dma_start3A_30] : memref<10112x128xf32, #tpu.memory_space<vmem_shared>> -> memref<632x128xf32, #tpu.memory_space<vmem_shared>>
      tpu.enqueue_dma source(%dma_start3A_31 : memref<632x128xf32, #tpu.memory_space<vmem_shared>>) target(%dma_start3A_29 : memref<632x128xf32, #tpu.memory_space<hbm>>) target_semaphore(%run_scoped3A : memref<!tpu.dma_semaphore, #tpu.memory_space<semaphore_mem>>)
      %dma_wait3A = arith.constant 0 : i32
      %dma_wait3A_32 = tpu.memref_slice %arg6[%add3A, %dma_wait3A] : memref<20224x128xf32, #tpu.memory_space<hbm>> -> memref<632x128xf32, #tpu.memory_space<hbm>>
      %dma_wait3A_33 = arith.constant 0 : i32
      %dma_wait3A_34 = tpu.memref_slice %arg7[%mul3A_9, %dma_wait3A_33] : memref<10112x128xf32, #tpu.memory_space<vmem_shared>> -> memref<632x128xf32, #tpu.memory_space<vmem_shared>>
      tpu.wait_dma2 semaphore(%run_scoped3A : memref<!tpu.dma_semaphore, #tpu.memory_space<semaphore_mem>>) src(%dma_wait3A_34 : memref<632x128xf32, #tpu.memory_space<vmem_shared>>) dst(%dma_wait3A_32 : memref<632x128xf32, #tpu.memory_space<hbm>>)
      tpu.yield
    }) : () -> ()
    return
  }
}

module attributes {stable_mosaic.version = 14 : i64} {
  func.func @body(%arg0: i32, %arg1: memref<1x1000x128xf32, #tpu.memory_space<vmem>>, %arg2: memref<1x1000x128xf32, #tpu.memory_space<vmem>>, %arg3: memref<1000x16xf32, #tpu.memory_space<vmem>>, %arg4: memref<1000x128xf32, #tpu.memory_space<vmem>>, %arg5: memref<2x128x128xf32, #tpu.memory_space<vmem>>, %arg6: memref<128x128xf32, #tpu.memory_space<vmem>>, %arg7: memref<1x128xf32, #tpu.memory_space<vmem>>, %arg8: memref<1000x128xf32, #tpu.memory_space<vmem>>) attributes {dimension_semantics = [#tpu.dimension_semantics<arbitrary>], iteration_bounds = array<i64: 10>, scalar_prefetch = 0 : i64, scratch_operands = 0 : i64, tpu.core_type = #tpu.core_type<tc>, window_params = [{transform_indices = @transform_0, window_bounds = array<i64: 1, 1000, 128>}, {transform_indices = @transform_1, window_bounds = array<i64: 1, 1000, 128>}, {transform_indices = @transform_2, window_bounds = array<i64: 1000, 16>}, {transform_indices = @transform_3, window_bounds = array<i64: 1000, 128>}, {pipeline_mode = #tpu.pipeline_mode<synchronous>, transform_indices = @transform_4, window_bounds = array<i64: 2, 128, 128>}, {pipeline_mode = #tpu.pipeline_mode<synchronous>, transform_indices = @transform_5, window_bounds = array<i64: 128, 128>}, {pipeline_mode = #tpu.pipeline_mode<synchronous>, transform_indices = @transform_6, window_bounds = array<i64: 1, 128>}, {transform_indices = @transform_7, window_bounds = array<i64: 1000, 128>}]} {
    %get3A = arith.constant 0 : index
    %get3A_0 = arith.constant 0 : index
    %get3A_1 = arith.constant 0 : index
    %get3A_2 = vector.load %arg1[%get3A, %get3A_0, %get3A_1] : memref<1x1000x128xf32, #tpu.memory_space<vmem>>, vector<1x1000x128xf32>
    %get3A_3 = vector.shape_cast %get3A_2 : vector<1x1000x128xf32> to vector<1000x128xf32>
    %get3A_4 = arith.constant 0 : index
    %get3A_5 = arith.constant 0 : index
    %get3A_6 = arith.constant 0 : index
    %get3A_7 = vector.load %arg2[%get3A_4, %get3A_5, %get3A_6] : memref<1x1000x128xf32, #tpu.memory_space<vmem>>, vector<1x1000x128xf32>
    %get3A_8 = vector.shape_cast %get3A_7 : vector<1x1000x128xf32> to vector<1000x128xf32>
    %sub3A = arith.subf %get3A_3, %get3A_8 : vector<1000x128xf32>
    %get3A_9 = arith.constant 0 : index
    %get3A_10 = arith.constant 0 : index
    %get3A_11 = arith.constant 0 : index
    %get3A_12 = vector.load %arg5[%get3A_9, %get3A_10, %get3A_11] : memref<2x128x128xf32, #tpu.memory_space<vmem>>, vector<1x128x128xf32>
    %get3A_13 = vector.shape_cast %get3A_12 : vector<1x128x128xf32> to vector<128x128xf32>
    %dot_general3A = arith.constant dense<0.000000e+00> : vector<1000x128xf32>
    %dot_general3A_14 = tpu.matmul %sub3A, %get3A_13, %dot_general3A {dimension_numbers = #tpu.dot_dimension_numbers<[1], [0], [0], [1], [0, 0, 1, 1], [], []>, transpose_lhs_hint = false} : vector<1000x128xf32>, vector<128x128xf32>, vector<1000x128xf32> -> vector<1000x128xf32>
    %get3A_15 = arith.constant 1 : index
    %get3A_16 = arith.constant 0 : index
    %get3A_17 = arith.constant 0 : index
    %get3A_18 = vector.load %arg5[%get3A_15, %get3A_16, %get3A_17] : memref<2x128x128xf32, #tpu.memory_space<vmem>>, vector<1x128x128xf32>
    %get3A_19 = vector.shape_cast %get3A_18 : vector<1x128x128xf32> to vector<128x128xf32>
    %dot_general3A_20 = arith.constant dense<0.000000e+00> : vector<1000x128xf32>
    %dot_general3A_21 = tpu.matmul %get3A_8, %get3A_19, %dot_general3A_20 {dimension_numbers = #tpu.dot_dimension_numbers<[1], [0], [0], [1], [0, 0, 1, 1], [], []>, transpose_lhs_hint = false} : vector<1000x128xf32>, vector<128x128xf32>, vector<1000x128xf32> -> vector<1000x128xf32>
    %add3A = arith.addf %dot_general3A_14, %dot_general3A_21 : vector<1000x128xf32>
    %get3A_22 = arith.constant 0 : index
    %get3A_23 = arith.constant 0 : index
    %get3A_24 = vector.load %arg3[%get3A_22, %get3A_23] : memref<1000x16xf32, #tpu.memory_space<vmem>>, vector<1000x16xf32>
    %reduce_sum3A = arith.constant dense<0.000000e+00> : vector<1000xf32>
    %reduce_sum3A_25 = vector.multi_reduction <add>, %get3A_24, %reduce_sum3A [1] : vector<1000x16xf32> to vector<1000xf32>
    %broadcast_in_dim3A = vector.shape_cast %reduce_sum3A_25 : vector<1000xf32> to vector<1000x1xf32>
    %max3A = arith.constant 1.000000e+00 : f32
    %max3A_26 = vector.broadcast %max3A : f32 to vector<1000x1xf32>
    %max3A_27 = arith.maximumf %broadcast_in_dim3A, %max3A_26 : vector<1000x1xf32>
    %div3A = vector.broadcast %max3A_27 : vector<1000x1xf32> to vector<1000x128xf32>
    %div3A_28 = arith.divf %add3A, %div3A : vector<1000x128xf32>
    %get3A_29 = arith.constant 0 : index
    %get3A_30 = arith.constant 0 : index
    %get3A_31 = vector.load %arg4[%get3A_29, %get3A_30] : memref<1000x128xf32, #tpu.memory_space<vmem>>, vector<1000x128xf32>
    %get3A_32 = arith.constant 0 : index
    %get3A_33 = arith.constant 0 : index
    %get3A_34 = vector.load %arg6[%get3A_32, %get3A_33] : memref<128x128xf32, #tpu.memory_space<vmem>>, vector<128x128xf32>
    %dot_general3A_35 = arith.constant dense<0.000000e+00> : vector<1000x128xf32>
    %dot_general3A_36 = tpu.matmul %get3A_31, %get3A_34, %dot_general3A_35 {dimension_numbers = #tpu.dot_dimension_numbers<[1], [0], [0], [1], [0, 0, 1, 1], [], []>, transpose_lhs_hint = false} : vector<1000x128xf32>, vector<128x128xf32>, vector<1000x128xf32> -> vector<1000x128xf32>
    %add3A_37 = arith.addf %div3A_28, %dot_general3A_36 : vector<1000x128xf32>
    %get3A_38 = arith.constant 0 : index
    %get3A_39 = arith.constant 0 : index
    %get3A_40 = vector.load %arg7[%get3A_38, %get3A_39] : memref<1x128xf32, #tpu.memory_space<vmem>>, vector<1x128xf32>
    %add3A_41 = vector.broadcast %get3A_40 : vector<1x128xf32> to vector<1000x128xf32>
    %add3A_42 = arith.addf %add3A_37, %add3A_41 : vector<1000x128xf32>
    %gt3A = arith.constant 0.000000e+00 : f32
    %gt3A_43 = vector.broadcast %gt3A : f32 to vector<1000x128xf32>
    %gt3A_44 = arith.cmpf ogt, %add3A_42, %gt3A_43 : vector<1000x128xf32>
    %min3A = arith.constant 0.000000e+00 : f32
    %min3A_45 = vector.broadcast %min3A : f32 to vector<1000x128xf32>
    %min3A_46 = arith.minimumf %add3A_42, %min3A_45 : vector<1000x128xf32>
    %exp3A = math.exp %min3A_46 : vector<1000x128xf32>
    %sub3A_47 = arith.constant 1.000000e+00 : f32
    %sub3A_48 = vector.broadcast %sub3A_47 : f32 to vector<1000x128xf32>
    %sub3A_49 = arith.subf %exp3A, %sub3A_48 : vector<1000x128xf32>
    %select_n3A = arith.select %gt3A_44, %add3A_42, %sub3A_49 : vector<1000x128xi1>, vector<1000x128xf32>
    %swap3A = arith.constant 0 : index
    %swap3A_50 = arith.constant 0 : index
    %swap3A_51 = vector.load %arg8[%swap3A, %swap3A_50] : memref<1000x128xf32, #tpu.memory_space<vmem>>, vector<1000x128xf32>
    tpu.vector_store %arg8[%swap3A, %swap3A_50], %select_n3A {strides = array<i32>} : memref<1000x128xf32, #tpu.memory_space<vmem>>, vector<1000x128xf32>,
    return
  }
  func.func @transform_0(%arg0: i32) -> (i32, i32, i32) {
    %c0_i32 = arith.constant 0 : i32
    %c0_i32_0 = arith.constant 0 : i32
    %c0_i32_1 = arith.constant 0 : i32
    return %c0_i32, %arg0, %c0_i32_0 : i32, i32, i32
  }
  func.func @transform_1(%arg0: i32) -> (i32, i32, i32) {
    %c1_i32 = arith.constant 1 : i32
    %c0_i32 = arith.constant 0 : i32
    %c0_i32_0 = arith.constant 0 : i32
    return %c1_i32, %arg0, %c0_i32 : i32, i32, i32
  }
  func.func @transform_2(%arg0: i32) -> (i32, i32) {
    %c0_i32 = arith.constant 0 : i32
    %c0_i32_0 = arith.constant 0 : i32
    return %arg0, %c0_i32 : i32, i32
  }
  func.func @transform_3(%arg0: i32) -> (i32, i32) {
    %c0_i32 = arith.constant 0 : i32
    %c0_i32_0 = arith.constant 0 : i32
    return %arg0, %c0_i32 : i32, i32
  }
  func.func @transform_4(%arg0: i32) -> (i32, i32, i32) {
    %c0_i32 = arith.constant 0 : i32
    %c0_i32_0 = arith.constant 0 : i32
    %c0_i32_1 = arith.constant 0 : i32
    %c0_i32_2 = arith.constant 0 : i32
    return %c0_i32, %c0_i32_0, %c0_i32_1 : i32, i32, i32
  }
  func.func @transform_5(%arg0: i32) -> (i32, i32) {
    %c0_i32 = arith.constant 0 : i32
    %c0_i32_0 = arith.constant 0 : i32
    %c0_i32_1 = arith.constant 0 : i32
    return %c0_i32, %c0_i32_0 : i32, i32
  }
  func.func @transform_6(%arg0: i32) -> (i32, i32) {
    %c0_i32 = arith.constant 0 : i32
    %c0_i32_0 = arith.constant 0 : i32
    %c0_i32_1 = arith.constant 0 : i32
    return %c0_i32, %c0_i32_0 : i32, i32
  }
  func.func @transform_7(%arg0: i32) -> (i32, i32) {
    %c0_i32 = arith.constant 0 : i32
    %c0_i32_0 = arith.constant 0 : i32
    return %arg0, %c0_i32 : i32, i32
  }
}

module attributes {stable_mosaic.version = 14 : i64} {
  func.func @body(%arg0: i32, %arg1: memref<1x1000x128xf32, #tpu.memory_space<vmem>>, %arg2: memref<1x1000x128xf32, #tpu.memory_space<vmem>>, %arg3: memref<1000x16xf32, #tpu.memory_space<vmem>>, %arg4: memref<1000x128xf32, #tpu.memory_space<vmem>>, %arg5: memref<2x128x64xf32, #tpu.memory_space<vmem>>, %arg6: memref<128x64xf32, #tpu.memory_space<vmem>>, %arg7: memref<1x64xf32, #tpu.memory_space<vmem>>, %arg8: memref<1000x64xf32, #tpu.memory_space<vmem>>) attributes {dimension_semantics = [#tpu.dimension_semantics<arbitrary>], iteration_bounds = array<i64: 10>, scalar_prefetch = 0 : i64, scratch_operands = 0 : i64, tpu.core_type = #tpu.core_type<tc>, window_params = [{transform_indices = @transform_0, window_bounds = array<i64: 1, 1000, 128>}, {transform_indices = @transform_1, window_bounds = array<i64: 1, 1000, 128>}, {transform_indices = @transform_2, window_bounds = array<i64: 1000, 16>}, {transform_indices = @transform_3, window_bounds = array<i64: 1000, 128>}, {pipeline_mode = #tpu.pipeline_mode<synchronous>, transform_indices = @transform_4, window_bounds = array<i64: 2, 128, 64>}, {pipeline_mode = #tpu.pipeline_mode<synchronous>, transform_indices = @transform_5, window_bounds = array<i64: 128, 64>}, {pipeline_mode = #tpu.pipeline_mode<synchronous>, transform_indices = @transform_6, window_bounds = array<i64: 1, 64>}, {transform_indices = @transform_7, window_bounds = array<i64: 1000, 64>}]} {
    %get3A = arith.constant 0 : index
    %get3A_0 = arith.constant 0 : index
    %get3A_1 = arith.constant 0 : index
    %get3A_2 = vector.load %arg1[%get3A, %get3A_0, %get3A_1] : memref<1x1000x128xf32, #tpu.memory_space<vmem>>, vector<1x1000x128xf32>
    %get3A_3 = vector.shape_cast %get3A_2 : vector<1x1000x128xf32> to vector<1000x128xf32>
    %get3A_4 = arith.constant 0 : index
    %get3A_5 = arith.constant 0 : index
    %get3A_6 = arith.constant 0 : index
    %get3A_7 = vector.load %arg2[%get3A_4, %get3A_5, %get3A_6] : memref<1x1000x128xf32, #tpu.memory_space<vmem>>, vector<1x1000x128xf32>
    %get3A_8 = vector.shape_cast %get3A_7 : vector<1x1000x128xf32> to vector<1000x128xf32>
    %sub3A = arith.subf %get3A_3, %get3A_8 : vector<1000x128xf32>
    %get3A_9 = arith.constant 0 : index
    %get3A_10 = arith.constant 0 : index
    %get3A_11 = arith.constant 0 : index
    %get3A_12 = vector.load %arg5[%get3A_9, %get3A_10, %get3A_11] : memref<2x128x64xf32, #tpu.memory_space<vmem>>, vector<1x128x64xf32>
    %get3A_13 = vector.shape_cast %get3A_12 : vector<1x128x64xf32> to vector<128x64xf32>
    %dot_general3A = arith.constant dense<0.000000e+00> : vector<1000x64xf32>
    %dot_general3A_14 = tpu.matmul %sub3A, %get3A_13, %dot_general3A {dimension_numbers = #tpu.dot_dimension_numbers<[1], [0], [0], [1], [0, 0, 1, 1], [], []>, transpose_lhs_hint = false} : vector<1000x128xf32>, vector<128x64xf32>, vector<1000x64xf32> -> vector<1000x64xf32>
    %get3A_15 = arith.constant 1 : index
    %get3A_16 = arith.constant 0 : index
    %get3A_17 = arith.constant 0 : index
    %get3A_18 = vector.load %arg5[%get3A_15, %get3A_16, %get3A_17] : memref<2x128x64xf32, #tpu.memory_space<vmem>>, vector<1x128x64xf32>
    %get3A_19 = vector.shape_cast %get3A_18 : vector<1x128x64xf32> to vector<128x64xf32>
    %dot_general3A_20 = arith.constant dense<0.000000e+00> : vector<1000x64xf32>
    %dot_general3A_21 = tpu.matmul %get3A_8, %get3A_19, %dot_general3A_20 {dimension_numbers = #tpu.dot_dimension_numbers<[1], [0], [0], [1], [0, 0, 1, 1], [], []>, transpose_lhs_hint = false} : vector<1000x128xf32>, vector<128x64xf32>, vector<1000x64xf32> -> vector<1000x64xf32>
    %add3A = arith.addf %dot_general3A_14, %dot_general3A_21 : vector<1000x64xf32>
    %get3A_22 = arith.constant 0 : index
    %get3A_23 = arith.constant 0 : index
    %get3A_24 = vector.load %arg3[%get3A_22, %get3A_23] : memref<1000x16xf32, #tpu.memory_space<vmem>>, vector<1000x16xf32>
    %reduce_sum3A = arith.constant dense<0.000000e+00> : vector<1000xf32>
    %reduce_sum3A_25 = vector.multi_reduction <add>, %get3A_24, %reduce_sum3A [1] : vector<1000x16xf32> to vector<1000xf32>
    %broadcast_in_dim3A = vector.shape_cast %reduce_sum3A_25 : vector<1000xf32> to vector<1000x1xf32>
    %max3A = arith.constant 1.000000e+00 : f32
    %max3A_26 = vector.broadcast %max3A : f32 to vector<1000x1xf32>
    %max3A_27 = arith.maximumf %broadcast_in_dim3A, %max3A_26 : vector<1000x1xf32>
    %div3A = vector.broadcast %max3A_27 : vector<1000x1xf32> to vector<1000x64xf32>
    %div3A_28 = arith.divf %add3A, %div3A : vector<1000x64xf32>
    %get3A_29 = arith.constant 0 : index
    %get3A_30 = arith.constant 0 : index
    %get3A_31 = vector.load %arg4[%get3A_29, %get3A_30] : memref<1000x128xf32, #tpu.memory_space<vmem>>, vector<1000x128xf32>
    %get3A_32 = arith.constant 0 : index
    %get3A_33 = arith.constant 0 : index
    %get3A_34 = vector.load %arg6[%get3A_32, %get3A_33] : memref<128x64xf32, #tpu.memory_space<vmem>>, vector<128x64xf32>
    %dot_general3A_35 = arith.constant dense<0.000000e+00> : vector<1000x64xf32>
    %dot_general3A_36 = tpu.matmul %get3A_31, %get3A_34, %dot_general3A_35 {dimension_numbers = #tpu.dot_dimension_numbers<[1], [0], [0], [1], [0, 0, 1, 1], [], []>, transpose_lhs_hint = false} : vector<1000x128xf32>, vector<128x64xf32>, vector<1000x64xf32> -> vector<1000x64xf32>
    %add3A_37 = arith.addf %div3A_28, %dot_general3A_36 : vector<1000x64xf32>
    %get3A_38 = arith.constant 0 : index
    %get3A_39 = arith.constant 0 : index
    %get3A_40 = vector.load %arg7[%get3A_38, %get3A_39] : memref<1x64xf32, #tpu.memory_space<vmem>>, vector<1x64xf32>
    %add3A_41 = vector.broadcast %get3A_40 : vector<1x64xf32> to vector<1000x64xf32>
    %add3A_42 = arith.addf %add3A_37, %add3A_41 : vector<1000x64xf32>
    %swap3A = arith.constant 0 : index
    %swap3A_43 = arith.constant 0 : index
    %swap3A_44 = vector.load %arg8[%swap3A, %swap3A_43] : memref<1000x64xf32, #tpu.memory_space<vmem>>, vector<1000x64xf32>
    tpu.vector_store %arg8[%swap3A, %swap3A_43], %add3A_42 {strides = array<i32>} : memref<1000x64xf32, #tpu.memory_space<vmem>>, vector<1000x64xf32>,
    return
  }
  func.func @transform_0(%arg0: i32) -> (i32, i32, i32) {
    %c0_i32 = arith.constant 0 : i32
    %c0_i32_0 = arith.constant 0 : i32
    %c0_i32_1 = arith.constant 0 : i32
    return %c0_i32, %arg0, %c0_i32_0 : i32, i32, i32
  }
  func.func @transform_1(%arg0: i32) -> (i32, i32, i32) {
    %c1_i32 = arith.constant 1 : i32
    %c0_i32 = arith.constant 0 : i32
    %c0_i32_0 = arith.constant 0 : i32
    return %c1_i32, %arg0, %c0_i32 : i32, i32, i32
  }
  func.func @transform_2(%arg0: i32) -> (i32, i32) {
    %c0_i32 = arith.constant 0 : i32
    %c0_i32_0 = arith.constant 0 : i32
    return %arg0, %c0_i32 : i32, i32
  }
  func.func @transform_3(%arg0: i32) -> (i32, i32) {
    %c0_i32 = arith.constant 0 : i32
    %c0_i32_0 = arith.constant 0 : i32
    return %arg0, %c0_i32 : i32, i32
  }
  func.func @transform_4(%arg0: i32) -> (i32, i32, i32) {
    %c0_i32 = arith.constant 0 : i32
    %c0_i32_0 = arith.constant 0 : i32
    %c0_i32_1 = arith.constant 0 : i32
    %c0_i32_2 = arith.constant 0 : i32
    return %c0_i32, %c0_i32_0, %c0_i32_1 : i32, i32, i32
  }
  func.func @transform_5(%arg0: i32) -> (i32, i32) {
    %c0_i32 = arith.constant 0 : i32
    %c0_i32_0 = arith.constant 0 : i32
    %c0_i32_1 = arith.constant 0 : i32
    return %c0_i32, %c0_i32_0 : i32, i32
  }
  func.func @transform_6(%arg0: i32) -> (i32, i32) {
    %c0_i32 = arith.constant 0 : i32
    %c0_i32_0 = arith.constant 0 : i32
    %c0_i32_1 = arith.constant 0 : i32
    return %c0_i32, %c0_i32_0 : i32, i32
  }
  func.func @transform_7(%arg0: i32) -> (i32, i32) {
    %c0_i32 = arith.constant 0 : i32
    %c0_i32_0 = arith.constant 0 : i32
    return %arg0, %c0_i32 : i32, i32
  }
}

</mosaic_0001>

<sc_bundles>
// kernel: kernel.6.cloned.1.call-start
scs
__scs_entry_jumppad:
0x0: {  	(pc) =	sbr.rel $0x88, $3  }
0x1: {  	(tag) =	ssettag $0x0;
	lr =	simm.s32 $0x1  }
0x2: {  	[smem:$0x3F98] =	sst lr;
	_ =	strace $0xD0000000  }
0x3: {  	_ = 	snop  }
0x4: {  	_ = 	snop  }
0x5: {  	_ = 	snop  }
0x6: {  	_ = 	snop  }
0x7: {  	_ = 	snop  }
__scs_overlays_trampoline_lowered:
0x8: {  	[smem:$0x3FA7] =	sst s0  }
0x9: {  	[smem:$0x3FA8] =	sst s1  }
0xa: {  	[smem:$0x3FA9] =	sst s2  }
0xb: {  	[smem:$0x3FAA] =	sst s3  }
0xc: {  	[smem:$0x3FAB] =	sst s4  }
0xd: {  	[smem:$0x3FAC] =	sst s5  }
0xe: {  	[smem:$0x3FAD] =	sst s6  }
0xf: {  	[smem:$0x3FAE] =	sst s7  }
0x10: {  	[smem:$0x3FAF] =	sst s8  }
0x11: {  	[smem:$0x3FB0] =	sst s9;
	s0 =	simm.s32 @!p0 $0x0  }
0x12: {  	s1 =	sld [smem:$0x3F96];
	s0 =	simm.s32 @p0 $0x1  }
0x13: {  	[smem:$0x3FB1] =	sst s0;
	s0 =	simm.s32 @!p1 $0x0  }
0x14: {  	s2 =	sld [smem:$0x3F95];
	s0 =	simm.s32 @p1 $0x1  }
0x15: {  	[smem:$0x3FB2] =	sst s0;
	s0 =	simm.s32 @!p2 $0x0  }
0x16: {  	s3 =	sld [smem:$0x3FDB];
	s0 =	simm.s32 @p2 $0x1  }
0x17: {  	s4 =	simm.s32 $0x1BF5;
	[smem:$0x3FB4] =	sst s0  }
0x18: {  	s0 =	sld [smem:$0x3F97];
	_ =	swait.ge [sflag:s4], $0x0  }
0x19: {  	s7 =	sld [smem:$0x3F98]  }
0x1a: {  	s8 =	sadd.s32 $0xFFFFE003, lr  }
0x1b: {  	s9 =	sadd.s32 $0xFFFFFEF7, lr;
	s5 =	simm.s32 $0xFFFFFFFF;
	p2 =	slt.u32 s8, $0xFFFFF086  }
0x1c: {  	p1 =	slt.u32 s9, $0xF7A;
	s5 =	simm.s32 @!p2 $0x0  }
0x1d: {  	s5 =	simm.s32 @p1 $0x1;
	p0 =	seq.s32 s7, s2  }
0x1e: {  	s7 =	smul.u32 @!p0 $0xF7A, s2;
	p2 =	seq.s32 @!p0 s5, $0x0  }
0x1f: {  	s9 =	smul.u32 $0xF7A, s1;
	s8 =	simm.s32 @!p0 $0x1BF5;
	p2 =	por !p2, p0  }
0x20: {  	[sflag:s8] =	ssyncset.s32 @!p0 $0xFFFFF086;
	s6 =	sadd.s32 @!p0 s3, s7;
	s7 =	simm.s32 @!p0 $0x108  }
0x21: {  	s3 =	sadd.s32 s3, s9;
	s6 =	sadd.s32 @!p0 $0x88, s6;
	s7 =	simm.s32 @p2 $0x1082  }
0x22: {  	[simem:s7], [sflag:s8] =	dma.local @!p0 [hbm:s6], $0xF7A  }
0x23: {  	s9 =	sor.u32 $0xD0000000, s2;
	s6 =	simm.s32 $0x108;
	_ =	swait.ge @!p0 [sflag:s8], $0x0  }
0x24: {  	s3 =	sadd.s32 $0x88, s3;
	s6 =	simm.s32 @!p1 $0x1082;
	[sflag:s4] =	ssyncset.s32 $0xFFFFF086  }
0x25: {  	[simem:s6], [sflag:s4] =	dma.local [hbm:s3], $0xF7A  }
0x26: {  	[smem:$0x3F98] =	sst s1;
	(tag) =	ssettag s2;
	_ =	strace s9  }
0x27: {  	s1 =	sld [smem:$0x3FA8]  }
0x28: {  	s2 =	sld [smem:$0x3FA9]  }
0x29: {  	s4 =	sld [smem:$0x3FAB]  }
0x2a: {  	p0 =	seq.s32 s5, $0x0;
	s5 =	sld [smem:$0x3FAC]  }
0x2b: {  	s6 =	sld [smem:$0x3FAD]  }
0x2c: {  	s7 =	sld [smem:$0x3FAE]  }
0x2d: {  	s3 =	simm.s32 $0x108;
	s8 =	sld [smem:$0x3FAF]  }
0x2e: {  	s3 =	simm.s32 @!p0 $0x1082;
	s9 =	sld [smem:$0x3FB0]  }
0x2f: {  	lr =	sadd.s32 s0, s3;
	s0 =	sld [smem:$0x3FA7]  }
0x30: {  	s3 =	sld [smem:$0x3FAA]  }
0x31: {  	[smem:$0x3FB3] =	sst s10  }
0x32: {  	s10 =	sld [smem:$0x3FB1];
	_ =	sdelay $0x3  }
0x33: {  	p0 =	seq.s32 s10, $0x1;
	s10 =	sld [smem:$0x3FB3];
	_ =	sdelay $0x3  }
0x34: {  	[smem:$0x3FB3] =	sst s10  }
0x35: {  	s10 =	sld [smem:$0x3FB2];
	_ =	sdelay $0x3  }
0x36: {  	p1 =	seq.s32 s10, $0x1;
	s10 =	sld [smem:$0x3FB3];
	_ =	sdelay $0x3  }
0x37: {  	[smem:$0x3FB3] =	sst s10  }
0x38: {  	s10 =	sld [smem:$0x3FB4]  }
0x39: {  	_ = 	snop;
	(pc) =	sbr.ind lr, $3  }
0x3a: {  	_ = 	snop  }
0x3b: {  	_ = 	snop  }
0x3c: {  	p2 =	seq.s32 s10, $0x1;
	s10 =	sld [smem:$0x3FB3]  }
0x3d: {  	_ =	shalt  }
0x3e: {  	_ =	shalt  }
0x3f: {  	_ =	shalt  }
0x40: {  	_ =	shalt  }
0x41: {  	_ =	shalt  }
0x42: {  	_ =	shalt  }
0x43: {  	_ =	shalt  }
0x44: {  	_ =	shalt  }
0x45: {  	_ =	shalt  }
0x46: {  	_ =	shalt  }
0x47: {  	_ =	shalt  }
0x48: {  	_ =	shalt  }
0x49: {  	_ =	shalt  }
0x4a: {  	_ =	shalt  }
0x4b: {  	_ =	shalt  }
0x4c: {  	_ =	shalt  }
0x4d: {  	_ =	shalt  }
0x4e: {  	_ =	shalt  }
0x4f: {  	_ =	shalt  }
0x50: {  	_ =	shalt  }
0x51: {  	_ =	shalt  }
0x52: {  	_ =	shalt  }
0x53: {  	_ =	shalt  }
0x54: {  	_ =	shalt  }
0x55: {  	_ =	shalt  }
0x56: {  	_ =	shalt  }
0x57: {  	_ =	shalt  }
0x58: {  	_ =	shalt  }
0x59: {  	_ =	shalt  }
0x5a: {  	_ =	shalt  }
0x5b: {  	_ =	shalt  }
0x5c: {  	_ =	shalt  }
0x5d: {  	_ =	shalt  }
0x5e: {  	_ =	shalt  }
0x5f: {  	_ =	shalt  }
0x60: {  	_ =	shalt  }
0x61: {  	_ =	shalt  }
0x62: {  	_ =	shalt  }
0x63: {  	_ =	shalt  }
0x64: {  	_ =	shalt  }
0x65: {  	_ =	shalt  }
0x66: {  	_ =	shalt  }
0x67: {  	_ =	shalt  }
0x68: {  	_ =	shalt  }
0x69: {  	_ =	shalt  }
0x6a: {  	_ =	shalt  }
0x6b: {  	_ =	shalt  }
0x6c: {  	_ =	shalt  }
0x6d: {  	_ =	shalt  }
0x6e: {  	_ =	shalt  }
0x6f: {  	_ =	shalt  }
0x70: {  	_ =	shalt  }
0x71: {  	_ =	shalt  }
0x72: {  	_ =	shalt  }
0x73: {  	_ =	shalt  }
0x74: {  	_ =	shalt  }
0x75: {  	_ =	shalt  }
0x76: {  	_ =	shalt  }
0x77: {  	_ =	shalt  }
0x78: {  	_ =	shalt  }
0x79: {  	_ =	shalt  }
0x7a: {  	_ =	shalt  }
0x7b: {  	_ =	shalt  }
0x7c: {  	_ =	shalt  }
0x7d: {  	_ =	shalt  }
0x7e: {  	_ =	shalt  }
0x7f: {  	_ =	shalt  }
0x80: {  	_ =	shalt  }
0x81: {  	_ =	shalt  }
0x82: {  	_ =	shalt  }
0x83: {  	_ =	shalt  }
0x84: {  	_ =	shalt  }
0x85: {  	_ =	shalt  }
0x86: {  	_ =	shalt  }
0x87: {  	_ =	shalt  }
.Lfunc_end0:
.L_simem_size_0:
called_computation_lowered:
.L_overlay_start_0:
0x88: {  	s2 =	sld [smem:$0x3FD9]  }
0x89: {  	s3 =	sld [smem:$0x3FFE];
	_ =	sdelay $0x1  }
0x8a: {  	s1 =	srdreg.scid  }
0x8b: {  	s0 =	sand.u32 $0x1, s1  }
0x8c: {  	s17 =	sshll.u32 s0, $0xA;
	s2 =	sadd.s32 s3, s2  }
0x8d: {  	s2 =	sadd.s32 s2, s17  }
0x8e: {  	[smem:$0x3FBF] =	sst s2  }
0x8f: {  	_ = 	snop  }
0x90: {  	s2 =	sld [smem:$0x3FC9]  }
0x91: {  	s18 =	sld [smem:$0x3FD0];
	(tm) =	ssettm $0x1  }
0x92: {  	s4 =	sld [smem:$0x3FFB];
	_ =	sdelay $0x3  }
0x93: {  	_ =	strace s4  }
0x94: {  	s4 =	sld [smem:$0x3FFC];
	_ =	sdelay $0x3  }
0x95: {  	_ =	strace s4  }
0x96: {  	s4 =	sld [smem:$0x3FFD];
	_ =	sdelay $0x3  }
0x97: {  	_ =	strace s4  }
0x98: {  	_ =	strace $0x8FFFFFFF  }
0x99: {  	s19 =	sld [smem:$0x3FDB];
	_ =	sdelay $0x1  }
0x9a: {  	s5 =	simm.s32 $_scs_section_size  }
0x9b: {  	s6 =	simm.s32 $_size__tile_overlayer_lowered;
	s7 =	simm.s32 $_tile_overlayer_lowered  }
0x9c: {  	s22 =	simm.s32 $0x1BFF;
	s21 =	sshll.u32 s7, $0x1;
	s4 =	sadd.s32 s5, s19  }
0x9d: {  	s8 =	simm.s32 $0x0;
	s20 =	sshll.u32 s6, $0x1;
	s6 =	sadd.s32 s21, s4  }
0x9e: {  	[timem:s8], [sflag:s22] =	dma.local [hbm:s6], s20  }
0x9f: {  	_ =	swait.ge [sflag:s22], s20  }
0xa0: {  	s5 =	ssub.s32 $0x0, s20;
	[sflag:s22] =	ssyncset.done $0x0  }
0xa1: {  	[sflag:s22] =	ssyncadd.s32 s5;
	_ =	sdelay $0x1  }
0xa2: {  	s23 =	simm.s32 $0x1B8B  }
0xa3: {  	_ =	swait.ge [sflag:s23], $0x1  }
0xa4: {  	[sflag:s23] =	ssyncset.done $0x0  }
0xa5: {  	s25 =	simm.s32 $0x1B8E;
	s24 =	sld [smem:$0x3FFE];
	[sflag:s23] =	ssyncadd.s32 $0xFFFFFFFF  }
0xa6: {  	s26 =	simm.s32 $execute0_lowered;
	[smem:$0x3FD2] =	sst s25  }
0xa7: {  	s6 =	sshll.u32 s26, $0x1;
	_ =	strace $0x80000046;
	[dreg:$0x1] =	wrdreg $0xFFFFFFFF  }
0xa8: {  	s28 =	simm.s32 $_size_execute0_lowered;
	s4 =	sadd.s32 s4, s6;
	[dreg:$0x0] =	wrdreg $0x0  }
0xa9: {  	s6 =	sshll.u32 s28, $0x1;
	[dreg:$0x2] =	wrdreg s4  }
0xaa: {  	[dreg:$0x3] =	wrdreg s6  }
0xab: {  	[dreg:$0x4] =	wrdreg $0xC0  }
0xac: {  	_ =	task [dreg:s8], $0x5FFFF  }
0xad: {  	[dreg:$0x1] =	wrdreg $0xFFFFFFFF  }
0xae: {  	[dreg:$0x0] =	wrdreg $0x60  }
0xaf: {  	[dreg:$0x2] =	wrdreg s2  }
0xb0: {  	[dreg:$0x3] =	wrdreg s24  }
0xb1: {  	[dreg:$0x4] =	wrdreg s18  }
0xb2: {  	[dreg:$0x5] =	wrdreg $0x0  }
0xb3: {  	[dreg:$0x6] =	wrdreg $0x9  }
0xb4: {  	_ =	task.clear_ibuf [dreg:s8], $0x7FFFF;
	_ =	strace $0x90000046  }
0xb5: {  	s29 =	simm.s32 $0x9;
	_ =	strace $0x80000048  }
0xb6: {  	_ =	swait.ge [sflag:s29], $0x1  }
0xb7: {  	[sflag:s29] =	ssyncadd.s32 $0xFFFFFFFF  }
0xb8: {  	_ =	strace $0x90000048  }
0xb9: {  	_ =	sfence  }
0xba: {  	s30 =	sld [smem:$0x0];
	_ =	sdelay $0x2  }
0xbb: {  	s31 =	sshll.u32 s1, $0xD;
	s1 =	sshrl.u32 s1, $0x2  }
0xbc: {  	s3 =	sand.u32 $0x4000, s31;
	s1 =	sadd.s32 s1, s30  }
0xbd: {  	s0 =	sor.u32 s3, s0;
	s1 =	sshll.u32 s1, $0x11  }
0xbe: {  	s0 =	sor.u32 s1, s0  }
0xbf: {  	s0 =	sadd.s32 $0x8F2B, s0  }
0xc0: {  	[sflag:s0] =	ssyncadd.remote.s32 $0x1  }
0xc1: {  	_ =	sfence.sel $0xFFFF  }
0xc2: {  	[dreg:$0x0] =	wrdreg $0xFFFFFFFF;
	(pc) =	sbr.abs _section_cstart, $3  }
0xc3: {  	[dreg:$0x1] =	wrdreg $0xFFFFFFFF  }
0xc4: {  	_ =	task.clear_ibuf [dreg:s8], $0x2FFFF;
	_ =	strace $0x9FFFFFFF  }
0xc5: {  	(tm) =	ssettm $0x7FFFFFFF  }
tec
execute0_lowered:
.L_overlay_start_1:
0x0: {  	(tag) =	ssettag $0x1  }
0x1: {  	s1 =	rddreg [dreg:$0x0]  }
0x2: {  	s8 =	rddreg [dreg:$0x1]  }
0x3: {  	s2 =	rddreg [dreg:$0x2]  }
0x4: {  	s4 =	rddreg [dreg:$0x3]  }
0x5: {  	s0 =	rddreg [dreg:$0x4]  }
0x6: {  	s5 =	simm.s32 $0x0;
	s6 =	srdreg.scid;
	s3 =	stileid.u32  }
0x7: {  	s15 =	simm.s32 $0x13C00;
	s16 =	simm.s32 $0x13C80;
	s17 =	simm.s32 $0x13D00  }
0x8: {  	s18 =	simm.s32 $0x50;
	s19 =	simm.s32 $0x13D80;
	s20 =	simm.s32 $0x1  }
0x9: {  	s21 =	simm.s32 $0x16980;
	[smem:$0x7FF] =	sst s5;
	s9 =	smul.u32 $0x2780, s3  }
0xa: {  	s22 =	sand.u32 $0x1, s6;
	s6 =	sadd.s32 $0x1800, s8;
	s11 =	smul.u32 $0x4F000, s3  }
0xb: {  	s7 =	sadd.s32 $0xB600, s8;
	s30 =	smul.u32 $0x4F0, s3;
	_ =	strace $0x80000047  }
0xc: {  	s10 =	smul.u32 $0x27800, s22;
	s12 =	ssub.s32 $0x2, s22;
	p0 =	seq.s32 s22, $0x0  }
.Ltmp0:
0xd: {  	p1 =	sne.s32 s22, $0x0;
	s31 =	sshrl.u32 s12, $0x1;
	(pc) =	sbr.rel .LBB2_1-.Ltmp0, $4  }
0xe: {  	s11 =	sshrl.u32 s11, $0x2;
	s14 =	sadd.s32 s30, s8;
	s9 =	sadd.s32 s9, s10  }
0xf: {  	s12 =	ssub.s32 s12, s31;
	s13 =	sadd.s32 s9, s8;
	s8 =	sadd.s32 s11, s4  }
0x10: {  	s9 =	smul.u32 $0x4E20, s3;
	s11 =	sadd.s32 $0x15400, s14;
	s12 =	smax.u32 s12, $0x1  }
0x11: {  	v0 =	vimm.f32 $0.0e+00;
	v1 =	vimm.f32 $1.000000000e+00;
	s14 =	simm.s32 $0x2;
	s10 =	sadd.s32 $0x1A400, s13;
	s13 =	simm.s32 $0x16580  }
.LBB2_12:
0x12: {  	s22 =	sshll.u32 s3, $0x6  }
0x13: {  	[bflag:$0x0] =	sbarrier.arrive $0xFFFF;
	s23 =	sshrl.u32 s8, $0x3;
	s22 =	sor.u32 $0x1C02, s22  }
0x14: {  	[hbm:s10], [sflag:s22] =	dma.local [spmem:s23], $0x2780  }
0x15: {  	s5 =	sadd.s32 $0x1, s5;
	_ =	swait.ge [sflag:s14], $0x2780  }
0x16: {  	p2 =	sne.s32 s5, s12;
	[sflag:s14] =	ssyncset.done $0x0  }
0x17: {  	s22 =	simm.s32 @!p1 $0x0;
	s23 =	simm.s32 @!p1 $0x16980;
	[sflag:s14] =	ssyncadd.s32 $0xFFFFD880  }
0x18: {  	[hbm4b:s11+s22] =	stream.linear.scatter @!p1 [tilespmem:s23], [sflag:$0x2], $0x2780, $0x38;
	[tilespmem:$0x19100] =	vst v63  }
.Ltmp1:
0x19: {  	_ = 	snop;
	(pc) =	sbr.rel @!p2 .LBB2_13-.Ltmp1, $4  }
0x1a: {  	s22 =	simm.s32 @!p1 $0x2  }
0x1b: {  	_ =	swait.ge @!p1 [sflag:s22], $0x2780  }
0x1c: {  	[sflag:s22] =	ssyncset.done @!p1 $0x0  }
0x1d: {  	[sflag:s22] =	ssyncadd.s32 @!p1 $0xFFFFD880  }
.LBB2_1:
0x1e: {  	[tilespmem:$0x16580] =	vst v0  }
0x1f: {  	[tilespmem:$0x16590] =	vst v0  }
0x20: {  	[tilespmem:$0x165A0] =	vst v0  }
0x21: {  	[tilespmem:$0x165B0] =	vst v0  }
0x22: {  	[tilespmem:$0x165C0] =	vst v0  }
0x23: {  	[tilespmem:$0x165D0] =	vst v0  }
0x24: {  	[tilespmem:$0x165E0] =	vst v0  }
0x25: {  	[tilespmem:$0x165F0] =	vst v0  }
0x26: {  	[tilespmem:$0x16600] =	vst v0  }
0x27: {  	[tilespmem:$0x16610] =	vst v0  }
0x28: {  	[tilespmem:$0x16620] =	vst v0  }
0x29: {  	[tilespmem:$0x16630] =	vst v0  }
0x2a: {  	[tilespmem:$0x16640] =	vst v0  }
0x2b: {  	[tilespmem:$0x16650] =	vst v0  }
0x2c: {  	[tilespmem:$0x16660] =	vst v0  }
0x2d: {  	[tilespmem:$0x16670] =	vst v0  }
0x2e: {  	[tilespmem:$0x16680] =	vst v0  }
0x2f: {  	[tilespmem:$0x16690] =	vst v0  }
0x30: {  	[tilespmem:$0x166A0] =	vst v0  }
0x31: {  	[tilespmem:$0x166B0] =	vst v0  }
0x32: {  	[tilespmem:$0x166C0] =	vst v0  }
0x33: {  	[tilespmem:$0x166D0] =	vst v0  }
0x34: {  	[tilespmem:$0x166E0] =	vst v0  }
0x35: {  	[tilespmem:$0x166F0] =	vst v0  }
0x36: {  	[tilespmem:$0x16700] =	vst v0  }
0x37: {  	[tilespmem:$0x16710] =	vst v0  }
0x38: {  	[tilespmem:$0x16720] =	vst v0  }
0x39: {  	[tilespmem:$0x16730] =	vst v0  }
0x3a: {  	[tilespmem:$0x16740] =	vst v0  }
0x3b: {  	[tilespmem:$0x16750] =	vst v0  }
0x3c: {  	[tilespmem:$0x16760] =	vst v0  }
0x3d: {  	[tilespmem:$0x16770] =	vst v0  }
0x3e: {  	[tilespmem:$0x16780] =	vst v0  }
0x3f: {  	[tilespmem:$0x16790] =	vst v0  }
0x40: {  	[tilespmem:$0x167A0] =	vst v0  }
0x41: {  	[tilespmem:$0x167B0] =	vst v0  }
0x42: {  	[tilespmem:$0x167C0] =	vst v0  }
0x43: {  	[tilespmem:$0x167D0] =	vst v0  }
0x44: {  	[tilespmem:$0x167E0] =	vst v0  }
0x45: {  	[tilespmem:$0x167F0] =	vst v0  }
0x46: {  	[tilespmem:$0x16800] =	vst v0  }
0x47: {  	[tilespmem:$0x16810] =	vst v0  }
0x48: {  	[tilespmem:$0x16820] =	vst v0  }
0x49: {  	[tilespmem:$0x16830] =	vst v0  }
0x4a: {  	[tilespmem:$0x16840] =	vst v0  }
0x4b: {  	[tilespmem:$0x16850] =	vst v0  }
0x4c: {  	[tilespmem:$0x16860] =	vst v0  }
0x4d: {  	[tilespmem:$0x16870] =	vst v0  }
0x4e: {  	[tilespmem:$0x16880] =	vst v0  }
0x4f: {  	[tilespmem:$0x16890] =	vst v0  }
0x50: {  	[tilespmem:$0x168A0] =	vst v0  }
0x51: {  	[tilespmem:$0x168B0] =	vst v0  }
0x52: {  	[tilespmem:$0x168C0] =	vst v0  }
0x53: {  	[tilespmem:$0x168D0] =	vst v0  }
0x54: {  	[tilespmem:$0x168E0] =	vst v0  }
0x55: {  	[tilespmem:$0x168F0] =	vst v0  }
0x56: {  	[tilespmem:$0x16900] =	vst v0  }
0x57: {  	[tilespmem:$0x16910] =	vst v0  }
0x58: {  	[tilespmem:$0x16920] =	vst v0  }
0x59: {  	[tilespmem:$0x16930] =	vst v0  }
0x5a: {  	[tilespmem:$0x16940] =	vst v0  }
0x5b: {  	[tilespmem:$0x16950] =	vst v0  }
0x5c: {  	[tilespmem:$0x16960] =	vst v0  }
0x5d: {  	[tilespmem:$0x16970] =	vst v0;
	s22 =	simm.s32 $0x0  }
.LBB2_2:
0x5e: {  	p2 =	sne.s32 s22, $0x9DC0  }
.Ltmp2:
0x5f: {  	_ = 	snop;
	(pc) =	sbr.rel @p2 .LBB2_2-.Ltmp2, $3  }
0x60: {  	_ =	sdelay $0x1  }
0x61: {  	s23 =	sshra.s32 s22, $0x2  }
0x62: {  	s22 =	sadd.s32 $0x40, s22;
	[tilespmem:s23+$0x16980] =	vst v0  }
0x63: {  	s22 =	sadd.s32 $0x0, s8  }
0x64: {  	[spmem:s22] =	stream.linear.scatter [tilespmem:s13], [sflag:$0x2], $0x400, $0x38;
	[tilespmem:$0x19100] =	vst v63  }
0x65: {  	s22 =	simm.s32 $0x1000;
	_ =	swait.ge [sflag:s14], $0x400  }
.LBB2_4:
0x66: {  	s23 =	sshra.s32 s22, $0x2;
	[sflag:s14] =	ssyncset.done $0x0;
	p2 =	sne.s32 s22, $0x4E000  }
.Ltmp3:
0x67: {  	s23 =	sadd.s32 s23, s8;
	[sflag:s14] =	ssyncadd.s32 $0xFFFFFC00;
	(pc) =	sbr.rel @p2 .LBB2_4-.Ltmp3, $3  }
0x68: {  	[spmem:s23] =	stream.linear.scatter [tilespmem:s13], [sflag:$0x2], $0x400, $0x38;
	[tilespmem:$0x19100] =	vst v63  }
0x69: {  	s22 =	sadd.s32 $0x1000, s22;
	_ =	sdelay $0x1  }
0x6a: {  	_ =	swait.ge [sflag:s14], $0x400  }
.Ltmp4:
0x6b: {  	(pc) =	sbr.rel .LBB2_6-.Ltmp4, $4  }
0x6c: {  	[sflag:s14] =	ssyncset.done $0x0  }
0x6d: {  	[sflag:s14] =	ssyncadd.s32 $0xFFFFFC00  }
0x6e: {  	[bflag:$0x0] =	sbarrier.arrive $0xFFFF  }
0x6f: {  	s22 =	simm.s32 $0x0;
	s23 =	simm.s32 $0x0  }
.LBB2_10:
0x70: {  	[spmem:s4] =	stream.indirect.scatter.add.f32 [tilespmem:s19], [sflag:$0x2], $0x80, s16, s18, $0xb8;
	[tilespmem:$0x19100] =	vst v63  }
0x71: {  	_ =	swait.ge [sflag:s14], $0x2800  }
0x72: {  	[sflag:s14] =	ssyncset.done $0x0  }
0x73: {  	[sflag:s14] =	ssyncadd.s32 $0xFFFFD800  }
0x74: {  	v2 =	vld [tilespmem:$0x13C80];
	_ =	sdelay $0x7  }
0x75: {  	[tilespmem:v2+s21+$0x0] =	vst.idx.add.f32.msk $0xffff, v1  }
0x76: {  	v2 =	vld [tilespmem:$0x13C90];
	_ =	sdelay $0x7  }
0x77: {  	[tilespmem:v2+s21+$0x0] =	vst.idx.add.f32.msk $0xffff, v1  }
0x78: {  	v2 =	vld [tilespmem:$0x13CA0];
	_ =	sdelay $0x7  }
0x79: {  	[tilespmem:v2+s21+$0x0] =	vst.idx.add.f32.msk $0xffff, v1  }
0x7a: {  	v2 =	vld [tilespmem:$0x13CB0];
	_ =	sdelay $0x7  }
0x7b: {  	[tilespmem:v2+s21+$0x0] =	vst.idx.add.f32.msk $0xffff, v1  }
0x7c: {  	v2 =	vld [tilespmem:$0x13CC0];
	_ =	sdelay $0x7  }
0x7d: {  	[tilespmem:v2+s21+$0x0] =	vst.idx.add.f32.msk $0xffff, v1  }
.LBB2_11:
0x7e: {  	s23 =	sadd.s32 $0x1, s23  }
0x7f: {  	p2 =	sne.s32 s23, $0xFA  }
.Ltmp5:
0x80: {  	_ = 	snop;
	(pc) =	sbr.rel @!p2 .LBB2_12-.Ltmp5, $1  }
0x81: {  	_ =	sdelay $0x3  }
.LBB2_6:
0x82: {  	s24 =	smul.u32 $0x50, s23;
	_ =	sdelay $0x1  }
0x83: {  	s24 =	sadd.s32 s9, s24  }
0x84: {  	s24 =	sshrl.u32 s24, $0x3  }
0x85: {  	s25 =	sadd.s32 s6, s24  }
0x86: {  	[tilespmem:s15], [sflag:$0x2] =	stream.linear.gather [hbm4b:s25+s22], $0x50, $0x38;
	[tilespmem:$0x19100] =	vst v63  }
0x87: {  	_ =	swait.ge [sflag:s14], $0x50  }
0x88: {  	[sflag:s14] =	ssyncset.done $0x0  }
0x89: {  	s31 =	sadd.s32 s2, s24;
	[sflag:s14] =	ssyncadd.s32 $0xFFFFFFB0  }
0x8a: {  	[tilespmem:s16], [sflag:$0x2] =	stream.linear.gather [hbm4b:s31+s22], $0x50, $0x38;
	[tilespmem:$0x19100] =	vst v63  }
0x8b: {  	_ =	swait.ge [sflag:s14], $0x50  }
0x8c: {  	[sflag:s14] =	ssyncset.done $0x0  }
0x8d: {  	s24 =	sadd.s32 s7, s24;
	[sflag:s14] =	ssyncadd.s32 $0xFFFFFFB0  }
0x8e: {  	[tilespmem:s17], [sflag:$0x2] =	stream.linear.gather [hbm4b:s24+s22], $0x50, $0x38;
	[tilespmem:$0x19100] =	vst v63  }
0x8f: {  	_ =	swait.ge [sflag:s14], $0x50  }
0x90: {  	[sflag:s14] =	ssyncset.done $0x0  }
.Ltmp6:
0x91: {  	[sflag:s14] =	ssyncadd.s32 $0xFFFFFFB0;
	(pc) =	sbr.rel @p0 .LBB2_10-.Ltmp6, $4  }
0x92: {  	[tilespmem:s19], [sflag:$0x1] =	stream.indirect.gather [hbm4b:s1+s18], $0x80, s15, s18, $0xb8;
	[tilespmem:$0x19100] =	vst v63  }
0x93: {  	_ =	swait.ge [sflag:s20], $0x2800  }
0x94: {  	[sflag:s20] =	ssyncset.done $0x0  }
0x95: {  	[sflag:s20] =	ssyncadd.s32 $0xFFFFD800  }
0x96: {  	s24 =	simm.s32 $0x0  }
0x97: {  	s25 =	simm.s32 $0x0;
	s24 =	sand.u32 $0x3FFFFFF0, s24  }
0x98: {  	v2 =	vld [tilespmem:s24+$0x13D00];
	s24 =	sand.u32 $0x3FFFF800, s25  }
0x99: {  	v8 =	vld [tilespmem:s24+$0x13E40]  }
0x9a: {  	v4 =	vld [tilespmem:s24+$0x13DA0]  }
0x9b: {  	v5 =	vld [tilespmem:s24+$0x13DB0]  }
0x9c: {  	v11 =	vld [tilespmem:s24+$0x13DE0]  }
0x9d: {  	v12 =	vld [tilespmem:s24+$0x13DF0];
	v3 =	vbroadcast v2, $0x0  }
0x9e: {  	v13 =	vld [tilespmem:s24+$0x13E00]  }
0x9f: {  	v14 =	vld [tilespmem:s24+$0x13E10];
	v4 =	vmul.f32 v4, v3  }
0xa0: {  	v15 =	vld [tilespmem:s24+$0x13E20];
	v5 =	vmul.f32 v5, v3  }
0xa1: {  	v10 =	vld [tilespmem:s24+$0x13E30];
	v21 =	vbroadcast v2, $0x1;
	v20 =	vmul.f32 v11, v3;
	[tilespmem:s24+$0x13DA0] =	vst v4  }
0xa2: {  	v9 =	vld [tilespmem:s24+$0x13E50];
	v12 =	vmul.f32 v12, v3;
	[tilespmem:s24+$0x13DB0] =	vst v5  }
0xa3: {  	v7 =	vld [tilespmem:s24+$0x142F0];
	v13 =	vmul.f32 v13, v21;
	[tilespmem:s24+$0x13DE0] =	vst v20  }
0xa4: {  	v23 =	vld [tilespmem:s24+$0x13E70];
	v14 =	vmul.f32 v14, v21;
	[tilespmem:s24+$0x13DF0] =	vst v12  }
0xa5: {  	v24 =	vld [tilespmem:s24+$0x13E80];
	v15 =	vmul.f32 v15, v21;
	[tilespmem:s24+$0x13E00] =	vst v13  }
0xa6: {  	v25 =	vld [tilespmem:s24+$0x13E90];
	v10 =	vmul.f32 v10, v21;
	[tilespmem:s24+$0x13E10] =	vst v14  }
0xa7: {  	v22 =	vld [tilespmem:s24+$0x13E60];
	v8 =	vmul.f32 v8, v21;
	[tilespmem:s24+$0x13E20] =	vst v15  }
0xa8: {  	v26 =	vld [tilespmem:s24+$0x13EA0];
	v16 =	vbroadcast v2, $0x2;
	v9 =	vmul.f32 v9, v21;
	[tilespmem:s24+$0x13E30] =	vst v10  }
0xa9: {  	v27 =	vld [tilespmem:s24+$0x13EB0];
	v11 =	vmul.f32 v23, v21;
	[tilespmem:s24+$0x13E40] =	vst v8  }
0xaa: {  	v28 =	vld [tilespmem:s24+$0x13EC0];
	v6 =	vbroadcast v2, $0xA;
	v30 =	vmul.f32 v24, v16;
	[tilespmem:s24+$0x13E50] =	vst v9  }
0xab: {  	v29 =	vld [tilespmem:s24+$0x13ED0];
	v32 =	vmul.f32 v25, v16;
	[tilespmem:s24+$0x13E70] =	vst v11  }
0xac: {  	v31 =	vld [tilespmem:s24+$0x13EE0];
	v4 =	vmul.f32 v7, v6;
	[tilespmem:s24+$0x13E80] =	vst v30  }
0xad: {  	v33 =	vld [tilespmem:s24+$0x13EF0];
	v12 =	vmul.f32 v22, v21;
	[tilespmem:s24+$0x13E90] =	vst v32  }
0xae: {  	v34 =	vld [tilespmem:s24+$0x13F00];
	v10 =	vmul.f32 v26, v16;
	[tilespmem:s24+$0x142F0] =	vst v4  }
0xaf: {  	v35 =	vld [tilespmem:s24+$0x13F10];
	v8 =	vmul.f32 v27, v16;
	[tilespmem:s24+$0x13E60] =	vst v12  }
0xb0: {  	v36 =	vld [tilespmem:s24+$0x13F20];
	v9 =	vmul.f32 v28, v16;
	[tilespmem:s24+$0x13EA0] =	vst v10  }
0xb1: {  	v37 =	vld [tilespmem:s24+$0x13F30];
	v39 =	vbroadcast v2, $0x3;
	v11 =	vmul.f32 v31, v16;
	[tilespmem:s24+$0x13EB0] =	vst v8  }
0xb2: {  	v38 =	vld [tilespmem:s24+$0x13F40];
	v13 =	vmul.f32 v33, v16;
	[tilespmem:s24+$0x13EC0] =	vst v9  }
0xb3: {  	v40 =	vld [tilespmem:s24+$0x13F50];
	v14 =	vmul.f32 v34, v39;
	[tilespmem:s24+$0x13EE0] =	vst v11  }
0xb4: {  	v41 =	vld [tilespmem:s24+$0x13F60];
	v12 =	vmul.f32 v29, v16;
	[tilespmem:s24+$0x13EF0] =	vst v13  }
0xb5: {  	v42 =	vld [tilespmem:s24+$0x13F70];
	v10 =	vmul.f32 v35, v39;
	[tilespmem:s24+$0x13F00] =	vst v14  }
0xb6: {  	v43 =	vld [tilespmem:s24+$0x13F80];
	v8 =	vmul.f32 v36, v39;
	[tilespmem:s24+$0x13ED0] =	vst v12  }
0xb7: {  	v44 =	vld [tilespmem:s24+$0x13F90];
	v9 =	vmul.f32 v37, v39;
	[tilespmem:s24+$0x13F10] =	vst v10  }
0xb8: {  	v45 =	vld [tilespmem:s24+$0x13FA0];
	v11 =	vmul.f32 v40, v39;
	[tilespmem:s24+$0x13F20] =	vst v8  }
0xb9: {  	v46 =	vld [tilespmem:s24+$0x13FB0];
	v13 =	vmul.f32 v41, v39;
	[tilespmem:s24+$0x13F30] =	vst v9  }
0xba: {  	v47 =	vld [tilespmem:s24+$0x13FC0];
	v48 =	vbroadcast v2, $0x4;
	v14 =	vmul.f32 v42, v39;
	[tilespmem:s24+$0x13F50] =	vst v11  }
0xbb: {  	v49 =	vld [tilespmem:s24+$0x13FD0];
	v12 =	vmul.f32 v38, v39;
	[tilespmem:s24+$0x13F60] =	vst v13  }
0xbc: {  	v50 =	vld [tilespmem:s24+$0x13FE0];
	v10 =	vmul.f32 v43, v48;
	[tilespmem:s24+$0x13F70] =	vst v14  }
0xbd: {  	v51 =	vld [tilespmem:s24+$0x13FF0];
	v8 =	vmul.f32 v44, v48;
	[tilespmem:s24+$0x13F40] =	vst v12  }
0xbe: {  	v52 =	vld [tilespmem:s24+$0x14000];
	v9 =	vmul.f32 v45, v48;
	[tilespmem:s24+$0x13F80] =	vst v10  }
0xbf: {  	v53 =	vld [tilespmem:s24+$0x14010];
	v11 =	vmul.f32 v47, v48;
	[tilespmem:s24+$0x13F90] =	vst v8  }
0xc0: {  	v54 =	vld [tilespmem:s24+$0x14020];
	v13 =	vmul.f32 v49, v48;
	[tilespmem:s24+$0x13FA0] =	vst v9  }
0xc1: {  	v55 =	vld [tilespmem:s24+$0x14030];
	v14 =	vmul.f32 v50, v48;
	[tilespmem:s24+$0x13FC0] =	vst v11  }
0xc2: {  	v56 =	vld [tilespmem:s24+$0x14040];
	v57 =	vbroadcast v2, $0x5;
	v12 =	vmul.f32 v46, v48;
	[tilespmem:s24+$0x13FD0] =	vst v13  }
0xc3: {  	v58 =	vld [tilespmem:s24+$0x14050];
	v10 =	vmul.f32 v51, v48;
	[tilespmem:s24+$0x13FE0] =	vst v14  }
0xc4: {  	v59 =	vld [tilespmem:s24+$0x14060];
	v8 =	vmul.f32 v52, v57;
	[tilespmem:s24+$0x13FB0] =	vst v12  }
0xc5: {  	v60 =	vld [tilespmem:s24+$0x14070];
	v9 =	vmul.f32 v53, v57;
	[tilespmem:s24+$0x13FF0] =	vst v10  }
0xc6: {  	v61 =	vld [tilespmem:s24+$0x14080];
	v11 =	vmul.f32 v55, v57;
	[tilespmem:s24+$0x14000] =	vst v8  }
0xc7: {  	v62 =	vld [tilespmem:s24+$0x14090];
	v13 =	vmul.f32 v56, v57;
	[tilespmem:s24+$0x14010] =	vst v9  }
0xc8: {  	v63 =	vld [tilespmem:s24+$0x140A0];
	v14 =	vmul.f32 v58, v57;
	[tilespmem:s24+$0x14030] =	vst v11  }
0xc9: {  	v20 =	vld [tilespmem:s24+$0x140B0];
	v12 =	vmul.f32 v54, v57;
	[tilespmem:s24+$0x14040] =	vst v13  }
0xca: {  	v21 =	vld [tilespmem:s24+$0x140C0];
	v22 =	vbroadcast v2, $0x6;
	v10 =	vmul.f32 v59, v57;
	[tilespmem:s24+$0x14050] =	vst v14  }
0xcb: {  	v23 =	vld [tilespmem:s24+$0x140D0];
	v8 =	vmul.f32 v60, v57;
	[tilespmem:s24+$0x14020] =	vst v12  }
0xcc: {  	v24 =	vld [tilespmem:s24+$0x140E0];
	v9 =	vmul.f32 v61, v22;
	[tilespmem:s24+$0x14060] =	vst v10  }
0xcd: {  	v25 =	vld [tilespmem:s24+$0x140F0];
	v11 =	vmul.f32 v63, v22;
	[tilespmem:s24+$0x14070] =	vst v8  }
0xce: {  	v5 =	vld [tilespmem:s24+$0x14300];
	v13 =	vmul.f32 v20, v22;
	[tilespmem:s24+$0x14080] =	vst v9  }
0xcf: {  	v27 =	vld [tilespmem:s24+$0x14110];
	v14 =	vmul.f32 v21, v22;
	[tilespmem:s24+$0x140A0] =	vst v11  }
0xd0: {  	v28 =	vld [tilespmem:s24+$0x14120];
	v12 =	vmul.f32 v62, v22;
	[tilespmem:s24+$0x140B0] =	vst v13  }
0xd1: {  	v29 =	vld [tilespmem:s24+$0x14130];
	v10 =	vmul.f32 v23, v22;
	[tilespmem:s24+$0x140C0] =	vst v14  }
0xd2: {  	v31 =	vbroadcast v2, $0x7;
	v53 =	vld [tilespmem:s24+$0x14280];
	v8 =	vmul.f32 v24, v22;
	[tilespmem:s24+$0x14090] =	vst v12  }
0xd3: {  	v58 =	vld [tilespmem:s24+$0x142D0];
	v9 =	vmul.f32 v25, v22;
	[tilespmem:s24+$0x140D0] =	vst v10  }
0xd4: {  	v26 =	vld [tilespmem:s24+$0x14100];
	v11 =	vmul.f32 v27, v31;
	[tilespmem:s24+$0x140E0] =	vst v8  }
0xd5: {  	v30 =	vld [tilespmem:s24+$0x14140];
	v13 =	vmul.f32 v28, v31;
	[tilespmem:s24+$0x140F0] =	vst v9  }
0xd6: {  	v32 =	vld [tilespmem:s24+$0x14150];
	v14 =	vmul.f32 v29, v31;
	[tilespmem:s24+$0x14110] =	vst v11  }
0xd7: {  	v33 =	vld [tilespmem:s24+$0x14160];
	v59 =	vmul.f32 v53, v6;
	[tilespmem:s24+$0x14120] =	vst v13  }
0xd8: {  	v35 =	vld [tilespmem:s24+$0x14180];
	v21 =	vmul.f32 v58, v6;
	[tilespmem:s24+$0x14130] =	vst v14  }
0xd9: {  	v36 =	vld [tilespmem:s24+$0x14190];
	v12 =	vmul.f32 v26, v31;
	[tilespmem:s24+$0x14280] =	vst v59  }
0xda: {  	v37 =	vld [tilespmem:s24+$0x141A0];
	v10 =	vmul.f32 v30, v31;
	[tilespmem:s24+$0x142D0] =	vst v21  }
0xdb: {  	v7 =	vld [tilespmem:s24+$0x14310];
	v40 =	vbroadcast v2, $0x8;
	v8 =	vmul.f32 v32, v31;
	[tilespmem:s24+$0x14100] =	vst v12  }
0xdc: {  	v34 =	vld [tilespmem:s24+$0x14170];
	v9 =	vmul.f32 v33, v31;
	[tilespmem:s24+$0x14140] =	vst v10  }
0xdd: {  	v57 =	vld [tilespmem:s24+$0x142C0];
	v11 =	vmul.f32 v35, v40;
	[tilespmem:s24+$0x14150] =	vst v8  }
0xde: {  	v61 =	vld [tilespmem:s24+$0x13D80];
	v24 =	vbroadcast v2, $0xB;
	v13 =	vmul.f32 v36, v40;
	[tilespmem:s24+$0x14160] =	vst v9  }
0xdf: {  	v4 =	vld [tilespmem:s24+$0x14550];
	v14 =	vmul.f32 v37, v40;
	[tilespmem:s24+$0x14180] =	vst v11  }
0xe0: {  	v38 =	vld [tilespmem:s24+$0x141B0];
	v5 =	vmul.f32 v5, v24;
	[tilespmem:s24+$0x14190] =	vst v13  }
0xe1: {  	v39 =	vld [tilespmem:s24+$0x141C0];
	v7 =	vmul.f32 v7, v24;
	[tilespmem:s24+$0x141A0] =	vst v14  }
0xe2: {  	v41 =	vld [tilespmem:s24+$0x141D0];
	v19 =	vmul.f32 v57, v6;
	[tilespmem:s24+$0x14300] =	vst v5  }
0xe3: {  	v43 =	vld [tilespmem:s24+$0x141F0];
	v25 =	vmul.f32 v3, v61;
	[tilespmem:s24+$0x14310] =	vst v7  }
0xe4: {  	v44 =	vld [tilespmem:s24+$0x14200];
	v12 =	vmul.f32 v34, v31;
	[tilespmem:s24+$0x142C0] =	vst v19  }
0xe5: {  	v45 =	vld [tilespmem:s24+$0x14210];
	v10 =	vmul.f32 v38, v40;
	[tilespmem:s24+$0x13D80] =	vst v25  }
0xe6: {  	v27 =	vld [tilespmem:s24+$0x14350];
	v8 =	vmul.f32 v39, v40;
	[tilespmem:s24+$0x14170] =	vst v12  }
0xe7: {  	v49 =	vbroadcast v2, $0x9;
	v29 =	vld [tilespmem:s24+$0x14370];
	v9 =	vmul.f32 v41, v40;
	[tilespmem:s24+$0x141B0] =	vst v10  }
0xe8: {  	v42 =	vld [tilespmem:s24+$0x141E0];
	v11 =	vmul.f32 v43, v40;
	[tilespmem:s24+$0x141C0] =	vst v8  }
0xe9: {  	v46 =	vld [tilespmem:s24+$0x14220];
	v13 =	vmul.f32 v44, v49;
	[tilespmem:s24+$0x141D0] =	vst v9  }
0xea: {  	v47 =	vld [tilespmem:s24+$0x14230];
	v14 =	vmul.f32 v45, v49;
	[tilespmem:s24+$0x141F0] =	vst v11  }
0xeb: {  	v48 =	vld [tilespmem:s24+$0x14240];
	v32 =	vmul.f32 v27, v24;
	[tilespmem:s24+$0x14200] =	vst v13  }
0xec: {  	v51 =	vld [tilespmem:s24+$0x14260];
	v7 =	vmul.f32 v29, v24;
	[tilespmem:s24+$0x14210] =	vst v14  }
0xed: {  	v52 =	vld [tilespmem:s24+$0x14270];
	v12 =	vmul.f32 v42, v40;
	[tilespmem:s24+$0x14350] =	vst v32  }
0xee: {  	v10 =	vmul.f32 v46, v49;
	[tilespmem:s24+$0x14370] =	vst v7  }
0xef: {  	v28 =	vld [tilespmem:s24+$0x14360];
	v8 =	vmul.f32 v47, v49;
	[tilespmem:s24+$0x141E0] =	vst v12  }
0xf0: {  	v30 =	vld [tilespmem:s24+$0x14380];
	v9 =	vmul.f32 v48, v49;
	[tilespmem:s24+$0x14220] =	vst v10  }
0xf1: {  	v50 =	vld [tilespmem:s24+$0x14250];
	v5 =	vbroadcast v2, $0xF;
	v11 =	vmul.f32 v51, v49;
	[tilespmem:s24+$0x14230] =	vst v8  }
0xf2: {  	v54 =	vld [tilespmem:s24+$0x14290];
	v13 =	vmul.f32 v52, v49;
	[tilespmem:s24+$0x14240] =	vst v9  }
0xf3: {  	v55 =	vld [tilespmem:s24+$0x142A0];
	v35 =	vbroadcast v2, $0xC;
	v4 =	vmul.f32 v4, v5;
	[tilespmem:s24+$0x14260] =	vst v11  }
0xf4: {  	v56 =	vld [tilespmem:s24+$0x142B0];
	v40 =	vmul.f32 v28, v24;
	[tilespmem:s24+$0x14270] =	vst v13  }
0xf5: {  	v60 =	vld [tilespmem:s24+$0x142E0];
	v16 =	vmul.f32 v30, v35;
	[tilespmem:s24+$0x14550] =	vst v4  }
0xf6: {  	v62 =	vld [tilespmem:s24+$0x13D90];
	v12 =	vmul.f32 v50, v49;
	[tilespmem:s24+$0x14360] =	vst v40  }
0xf7: {  	v63 =	vld [tilespmem:s24+$0x13DC0];
	v10 =	vmul.f32 v54, v6;
	[tilespmem:s24+$0x14380] =	vst v16  }
0xf8: {  	v20 =	vld [tilespmem:s24+$0x13DD0];
	v8 =	vmul.f32 v55, v6;
	[tilespmem:s24+$0x14250] =	vst v12  }
0xf9: {  	v33 =	vld [tilespmem:s24+$0x143B0];
	v9 =	vmul.f32 v56, v6;
	[tilespmem:s24+$0x14290] =	vst v10  }
0xfa: {  	v61 =	vld [tilespmem:s24+$0x14570];
	v6 =	vmul.f32 v60, v6;
	[tilespmem:s24+$0x142A0] =	vst v8  }
0xfb: {  	v38 =	vld [tilespmem:s24+$0x143F0];
	v13 =	vmul.f32 v62, v3;
	[tilespmem:s24+$0x142B0] =	vst v9  }
0xfc: {  	v22 =	vld [tilespmem:s24+$0x14320];
	v4 =	vmul.f32 v63, v3;
	[tilespmem:s24+$0x142E0] =	vst v6  }
0xfd: {  	v23 =	vld [tilespmem:s24+$0x14330];
	v3 =	vmul.f32 v20, v3;
	[tilespmem:s24+$0x13D90] =	vst v13  }
0xfe: {  	v26 =	vld [tilespmem:s24+$0x14340];
	v62 =	vmul.f32 v33, v35;
	[tilespmem:s24+$0x13DC0] =	vst v4  }
0xff: {  	v31 =	vld [tilespmem:s24+$0x14390];
	v63 =	vmul.f32 v61, v5;
	[tilespmem:s24+$0x13DD0] =	vst v3  }
0x100: {  	v34 =	vld [tilespmem:s24+$0x143C0];
	v16 =	vmul.f32 v38, v35;
	[tilespmem:s24+$0x143B0] =	vst v62  }
0x101: {  	v41 =	vld [tilespmem:s24+$0x14420];
	v8 =	vmul.f32 v22, v24;
	[tilespmem:s24+$0x14570] =	vst v63  }
0x102: {  	v46 =	vld [tilespmem:s24+$0x14460];
	v9 =	vmul.f32 v23, v24;
	[tilespmem:s24+$0x143F0] =	vst v16  }
0x103: {  	v6 =	vmul.f32 v26, v24;
	v3 =	vld [tilespmem:s24+$0x14410];
	[tilespmem:s24+$0x14320] =	vst v8  }
0x104: {  	v36 =	vld [tilespmem:s24+$0x143D0];
	v44 =	vbroadcast v2, $0xD;
	v10 =	vmul.f32 v31, v35;
	[tilespmem:s24+$0x14330] =	vst v9  }
0x105: {  	v37 =	vld [tilespmem:s24+$0x143E0];
	v13 =	vmul.f32 v34, v35;
	[tilespmem:s24+$0x14340] =	vst v6  }
0x106: {  	v39 =	vld [tilespmem:s24+$0x14400];
	v12 =	vmul.f32 v41, v44;
	[tilespmem:s24+$0x14390] =	vst v10  }
0x107: {  	v42 =	vld [tilespmem:s24+$0x14430];
	v51 =	vmul.f32 v46, v44;
	[tilespmem:s24+$0x143C0] =	vst v13  }
0x108: {  	v48 =	vld [tilespmem:s24+$0x14490];
	[tilespmem:s24+$0x14420] =	vst v12;
	v3 =	vmul.f32 v3, v44  }
0x109: {  	v49 =	vld [tilespmem:s24+$0x144A0];
	v9 =	vmul.f32 v36, v35;
	[tilespmem:s24+$0x14460] =	vst v51  }
0x10a: {  	v6 =	vmul.f32 v37, v35;
	[tilespmem:s24+$0x14410] =	vst v3;
	v3 =	vld [tilespmem:s24+$0x14480]  }
0x10b: {  	v2 =	vbroadcast v2, $0xE;
	v50 =	vld [tilespmem:s24+$0x144B0];
	v10 =	vmul.f32 v39, v44;
	[tilespmem:s24+$0x143D0] =	vst v9  }
0x10c: {  	v45 =	vld [tilespmem:s24+$0x14450];
	v13 =	vmul.f32 v42, v44;
	[tilespmem:s24+$0x143E0] =	vst v6  }
0x10d: {  	v47 =	vld [tilespmem:s24+$0x14470];
	v12 =	vmul.f32 v48, v2;
	[tilespmem:s24+$0x14400] =	vst v10  }
0x10e: {  	v43 =	vld [tilespmem:s24+$0x14440];
	v11 =	vmul.f32 v49, v2;
	[tilespmem:s24+$0x14430] =	vst v13  }
0x10f: {  	v55 =	vld [tilespmem:s24+$0x14500];
	[tilespmem:s24+$0x14490] =	vst v12;
	v3 =	vmul.f32 v3, v2  }
0x110: {  	v57 =	vld [tilespmem:s24+$0x14520];
	v7 =	vmul.f32 v50, v2;
	[tilespmem:s24+$0x144A0] =	vst v11  }
0x111: {  	v6 =	vmul.f32 v45, v44;
	[tilespmem:s24+$0x14480] =	vst v3;
	v3 =	vld [tilespmem:s24+$0x144F0]  }
0x112: {  	v52 =	vld [tilespmem:s24+$0x144C0];
	v10 =	vmul.f32 v47, v44;
	[tilespmem:s24+$0x144B0] =	vst v7  }
0x113: {  	v56 =	vld [tilespmem:s24+$0x14510];
	v9 =	vmul.f32 v43, v44;
	[tilespmem:s24+$0x14450] =	vst v6  }
0x114: {  	v54 =	vld [tilespmem:s24+$0x144E0];
	v12 =	vmul.f32 v55, v5;
	[tilespmem:s24+$0x14470] =	vst v10  }
0x115: {  	v58 =	vld [tilespmem:s24+$0x14530];
	v7 =	vmul.f32 v57, v5;
	[tilespmem:s24+$0x14440] =	vst v9  }
0x116: {  	v53 =	vld [tilespmem:s24+$0x144D0];
	[tilespmem:s24+$0x14500] =	vst v12;
	v3 =	vmul.f32 v3, v2  }
0x117: {  	v59 =	vld [tilespmem:s24+$0x14540];
	v6 =	vmul.f32 v52, v2;
	[tilespmem:s24+$0x14520] =	vst v7  }
0x118: {  	v60 =	vld [tilespmem:s24+$0x14560];
	[tilespmem:s24+$0x144F0] =	vst v3;
	v3 =	vmul.f32 v56, v5  }
0x119: {  	v10 =	vmul.f32 v54, v2;
	[tilespmem:s24+$0x144C0] =	vst v6  }
0x11a: {  	v4 =	vld [tilespmem:s24+$0x143A0];
	[tilespmem:s24+$0x14510] =	vst v3;
	v3 =	vmul.f32 v58, v5  }
0x11b: {  	[tilespmem:s24+$0x144E0] =	vst v10;
	v2 =	vmul.f32 v53, v2  }
0x11c: {  	[tilespmem:s24+$0x14530] =	vst v3;
	v3 =	vmul.f32 v59, v5  }
0x11d: {  	[tilespmem:s24+$0x144D0] =	vst v2;
	v5 =	vmul.f32 v60, v5  }
0x11e: {  	[tilespmem:s24+$0x14540] =	vst v3  }
0x11f: {  	s25 =	simm.s32 $0x1;
	v3 =	vmul.f32 v4, v35;
	[tilespmem:s24+$0x14560] =	vst v5  }
.LBB2_8:
0x120: {  	s26 =	sshll.u32 s25, $0x4  }
0x121: {  	p2 =	sne.s32 s25, $0x4;
	[tilespmem:s24+$0x143A0] =	vst v3;
	s24 =	smov.u32 s25;
	s25 =	sadd.s32 $0x1, s25  }
0x122: {  	s26 =	sand.u32 $0x3FFFFFF0, s26  }
0x123: {  	s24 =	sshll.u32 s24, $0xB;
	v2 =	vld [tilespmem:s26+$0x13D00]  }
0x124: {  	s24 =	sand.u32 $0x3FFFF800, s24  }
0x125: {  	v9 =	vld [tilespmem:s24+$0x13E40]  }
0x126: {  	v10 =	vld [tilespmem:s24+$0x13E50]  }
0x127: {  	v11 =	vld [tilespmem:s24+$0x13E30]  }
0x128: {  	v3 =	vbroadcast v2, $0x0;
	v4 =	vld [tilespmem:s24+$0x13DA0];
	v8 =	vbroadcast v2, $0x4  }
0x129: {  	v6 =	vld [tilespmem:s24+$0x13DB0]  }
0x12a: {  	v7 =	vld [tilespmem:s24+$0x142F0]  }
0x12b: {  	v12 =	vld [tilespmem:s24+$0x13DE0]  }
0x12c: {  	v13 =	vld [tilespmem:s24+$0x13DF0]  }
0x12d: {  	v5 =	vbroadcast v2, $0xA;
	v4 =	vmul.f32 v4, v3;
	v14 =	vld [tilespmem:s24+$0x13E00]  }
0x12e: {  	v6 =	vmul.f32 v6, v3;
	v15 =	vld [tilespmem:s24+$0x13E10]  }
0x12f: {  	[tilespmem:s24+$0x13DA0] =	vst v4;
	v16 =	vld [tilespmem:s24+$0x13E20];
	v4 =	vmul.f32 v7, v5  }
0x130: {  	[tilespmem:s24+$0x13DB0] =	vst v6;
	v7 =	vmul.f32 v12, v3;
	v12 =	vbroadcast v2, $0x1;
	v6 =	vld [tilespmem:s24+$0x14300]  }
0x131: {  	v13 =	vmul.f32 v13, v3;
	[tilespmem:s24+$0x142F0] =	vst v4;
	v4 =	vld [tilespmem:s24+$0x14550]  }
0x132: {  	[tilespmem:s24+$0x13DE0] =	vst v7;
	v14 =	vmul.f32 v14, v12;
	v7 =	vld [tilespmem:s24+$0x14310]  }
0x133: {  	[tilespmem:s24+$0x13DF0] =	vst v13;
	v13 =	vmul.f32 v15, v12;
	v15 =	vld [tilespmem:s24+$0x13E60]  }
0x134: {  	[tilespmem:s24+$0x13E00] =	vst v14;
	v14 =	vmul.f32 v16, v12;
	v16 =	vld [tilespmem:s24+$0x13E70]  }
0x135: {  	v11 =	vmul.f32 v11, v12;
	[tilespmem:s24+$0x13E10] =	vst v13;
	v13 =	vld [tilespmem:s24+$0x13E80]  }
0x136: {  	v9 =	vmul.f32 v9, v12;
	[tilespmem:s24+$0x13E20] =	vst v14;
	v14 =	vld [tilespmem:s24+$0x13E90]  }
0x137: {  	v10 =	vmul.f32 v10, v12;
	[tilespmem:s24+$0x13E30] =	vst v11;
	v11 =	vld [tilespmem:s24+$0x13EA0]  }
0x138: {  	[tilespmem:s24+$0x13E40] =	vst v9;
	v9 =	vmul.f32 v15, v12;
	v15 =	vbroadcast v2, $0x2;
	v17 =	vld [tilespmem:s24+$0x13EB0]  }
0x139: {  	[tilespmem:s24+$0x13E50] =	vst v10;
	v10 =	vmul.f32 v16, v12;
	v12 =	vld [tilespmem:s24+$0x13EC0]  }
0x13a: {  	[tilespmem:s24+$0x13E60] =	vst v9;
	v9 =	vmul.f32 v13, v15;
	v13 =	vld [tilespmem:s24+$0x13ED0]  }
0x13b: {  	[tilespmem:s24+$0x13E70] =	vst v10;
	v10 =	vmul.f32 v14, v15;
	v14 =	vld [tilespmem:s24+$0x13EE0]  }
0x13c: {  	[tilespmem:s24+$0x13E80] =	vst v9;
	v9 =	vmul.f32 v11, v15;
	v11 =	vld [tilespmem:s24+$0x13EF0]  }
0x13d: {  	[tilespmem:s24+$0x13E90] =	vst v10;
	v10 =	vmul.f32 v17, v15;
	v16 =	vld [tilespmem:s24+$0x13F00]  }
0x13e: {  	[tilespmem:s24+$0x13EA0] =	vst v9;
	v9 =	vmul.f32 v12, v15;
	v12 =	vld [tilespmem:s24+$0x13F10]  }
0x13f: {  	[tilespmem:s24+$0x13EB0] =	vst v10;
	v10 =	vmul.f32 v13, v15;
	v13 =	vld [tilespmem:s24+$0x13F20]  }
0x140: {  	[tilespmem:s24+$0x13EC0] =	vst v9;
	v9 =	vmul.f32 v14, v15;
	v14 =	vbroadcast v2, $0x3;
	v17 =	vld [tilespmem:s24+$0x13F30]  }
0x141: {  	[tilespmem:s24+$0x13ED0] =	vst v10;
	v10 =	vmul.f32 v11, v15;
	v11 =	vld [tilespmem:s24+$0x13F40]  }
0x142: {  	[tilespmem:s24+$0x13EE0] =	vst v9;
	v9 =	vmul.f32 v16, v14;
	v15 =	vld [tilespmem:s24+$0x13F50]  }
0x143: {  	[tilespmem:s24+$0x13EF0] =	vst v10;
	v10 =	vmul.f32 v12, v14;
	v12 =	vld [tilespmem:s24+$0x13F60]  }
0x144: {  	[tilespmem:s24+$0x13F00] =	vst v9;
	v9 =	vmul.f32 v13, v14;
	v13 =	vld [tilespmem:s24+$0x13F70]  }
0x145: {  	[tilespmem:s24+$0x13F10] =	vst v10;
	v10 =	vmul.f32 v17, v14;
	v16 =	vld [tilespmem:s24+$0x13F80]  }
0x146: {  	[tilespmem:s24+$0x13F20] =	vst v9;
	v9 =	vmul.f32 v11, v14;
	v11 =	vld [tilespmem:s24+$0x13F90]  }
0x147: {  	[tilespmem:s24+$0x13F30] =	vst v10;
	v10 =	vmul.f32 v15, v14;
	v15 =	vld [tilespmem:s24+$0x13FA0]  }
0x148: {  	[tilespmem:s24+$0x13F40] =	vst v9;
	v9 =	vmul.f32 v12, v14;
	v12 =	vld [tilespmem:s24+$0x13FB0]  }
0x149: {  	[tilespmem:s24+$0x13F50] =	vst v10;
	v10 =	vmul.f32 v13, v14;
	v13 =	vld [tilespmem:s24+$0x13FC0]  }
0x14a: {  	[tilespmem:s24+$0x13F60] =	vst v9;
	v9 =	vmul.f32 v16, v8;
	v14 =	vld [tilespmem:s24+$0x13FD0]  }
0x14b: {  	[tilespmem:s24+$0x13F70] =	vst v10;
	v10 =	vmul.f32 v11, v8;
	v11 =	vld [tilespmem:s24+$0x13FE0]  }
0x14c: {  	[tilespmem:s24+$0x13F80] =	vst v9;
	v9 =	vmul.f32 v15, v8;
	v15 =	vld [tilespmem:s24+$0x13FF0]  }
0x14d: {  	[tilespmem:s24+$0x13F90] =	vst v10;
	v10 =	vmul.f32 v12, v8;
	v12 =	vld [tilespmem:s24+$0x14000]  }
0x14e: {  	[tilespmem:s24+$0x13FA0] =	vst v9;
	v9 =	vmul.f32 v13, v8;
	v13 =	vld [tilespmem:s24+$0x14010]  }
0x14f: {  	[tilespmem:s24+$0x13FB0] =	vst v10;
	v10 =	vmul.f32 v14, v8;
	v14 =	vld [tilespmem:s24+$0x14020]  }
0x150: {  	[tilespmem:s24+$0x13FC0] =	vst v9;
	v9 =	vmul.f32 v11, v8;
	v11 =	vbroadcast v2, $0x5;
	v16 =	vld [tilespmem:s24+$0x14030]  }
0x151: {  	[tilespmem:s24+$0x13FD0] =	vst v10;
	v8 =	vmul.f32 v15, v8;
	v10 =	vld [tilespmem:s24+$0x14040]  }
0x152: {  	[tilespmem:s24+$0x13FE0] =	vst v9;
	v9 =	vmul.f32 v12, v11;
	v12 =	vld [tilespmem:s24+$0x14050]  }
0x153: {  	[tilespmem:s24+$0x13FF0] =	vst v8;
	v8 =	vmul.f32 v13, v11;
	v13 =	vld [tilespmem:s24+$0x14060]  }
0x154: {  	[tilespmem:s24+$0x14000] =	vst v9;
	v9 =	vmul.f32 v14, v11;
	v14 =	vld [tilespmem:s24+$0x14070]  }
0x155: {  	[tilespmem:s24+$0x14010] =	vst v8;
	v8 =	vmul.f32 v16, v11;
	v15 =	vld [tilespmem:s24+$0x14080]  }
0x156: {  	[tilespmem:s24+$0x14020] =	vst v9;
	v9 =	vmul.f32 v10, v11;
	v10 =	vld [tilespmem:s24+$0x14090]  }
0x157: {  	[tilespmem:s24+$0x14030] =	vst v8;
	v8 =	vmul.f32 v12, v11;
	v12 =	vld [tilespmem:s24+$0x140A0]  }
0x158: {  	[tilespmem:s24+$0x14040] =	vst v9;
	v9 =	vmul.f32 v13, v11;
	v13 =	vbroadcast v2, $0x6;
	v16 =	vld [tilespmem:s24+$0x140B0]  }
0x159: {  	[tilespmem:s24+$0x14050] =	vst v8;
	v8 =	vmul.f32 v14, v11;
	v11 =	vld [tilespmem:s24+$0x140C0]  }
0x15a: {  	[tilespmem:s24+$0x14060] =	vst v9;
	v9 =	vmul.f32 v15, v13;
	v14 =	vld [tilespmem:s24+$0x140D0]  }
0x15b: {  	[tilespmem:s24+$0x14070] =	vst v8;
	v8 =	vmul.f32 v10, v13;
	v10 =	vld [tilespmem:s24+$0x140E0]  }
0x15c: {  	[tilespmem:s24+$0x14080] =	vst v9;
	v9 =	vmul.f32 v12, v13;
	v12 =	vld [tilespmem:s24+$0x140F0]  }
0x15d: {  	[tilespmem:s24+$0x14090] =	vst v8;
	v8 =	vmul.f32 v16, v13;
	v15 =	vld [tilespmem:s24+$0x14100]  }
0x15e: {  	[tilespmem:s24+$0x140A0] =	vst v9;
	v9 =	vmul.f32 v11, v13;
	v11 =	vld [tilespmem:s24+$0x14110]  }
0x15f: {  	[tilespmem:s24+$0x140B0] =	vst v8;
	v8 =	vmul.f32 v14, v13;
	v14 =	vld [tilespmem:s24+$0x14120]  }
0x160: {  	[tilespmem:s24+$0x140C0] =	vst v9;
	v9 =	vmul.f32 v10, v13;
	v10 =	vbroadcast v2, $0x7;
	v16 =	vld [tilespmem:s24+$0x14130]  }
0x161: {  	[tilespmem:s24+$0x140D0] =	vst v8;
	v8 =	vmul.f32 v12, v13;
	v12 =	vld [tilespmem:s24+$0x14140]  }
0x162: {  	[tilespmem:s24+$0x140E0] =	vst v9;
	v9 =	vmul.f32 v15, v10;
	v13 =	vld [tilespmem:s24+$0x14150]  }
0x163: {  	[tilespmem:s24+$0x140F0] =	vst v8;
	v8 =	vmul.f32 v11, v10;
	v11 =	vld [tilespmem:s24+$0x14160]  }
0x164: {  	[tilespmem:s24+$0x14100] =	vst v9;
	v9 =	vmul.f32 v14, v10;
	v14 =	vld [tilespmem:s24+$0x14170]  }
0x165: {  	[tilespmem:s24+$0x14110] =	vst v8;
	v8 =	vmul.f32 v16, v10;
	v15 =	vld [tilespmem:s24+$0x14180]  }
0x166: {  	[tilespmem:s24+$0x14120] =	vst v9;
	v9 =	vmul.f32 v12, v10;
	v12 =	vld [tilespmem:s24+$0x14190]  }
0x167: {  	[tilespmem:s24+$0x14130] =	vst v8;
	v8 =	vmul.f32 v13, v10;
	v13 =	vld [tilespmem:s24+$0x141A0]  }
0x168: {  	[tilespmem:s24+$0x14140] =	vst v9;
	v9 =	vmul.f32 v11, v10;
	v11 =	vbroadcast v2, $0x8;
	v16 =	vld [tilespmem:s24+$0x141B0]  }
0x169: {  	[tilespmem:s24+$0x14150] =	vst v8;
	v8 =	vmul.f32 v14, v10;
	v10 =	vld [tilespmem:s24+$0x141C0]  }
0x16a: {  	[tilespmem:s24+$0x14160] =	vst v9;
	v9 =	vmul.f32 v15, v11;
	v14 =	vld [tilespmem:s24+$0x141D0]  }
0x16b: {  	[tilespmem:s24+$0x14170] =	vst v8;
	v8 =	vmul.f32 v12, v11;
	v12 =	vld [tilespmem:s24+$0x141E0]  }
0x16c: {  	[tilespmem:s24+$0x14180] =	vst v9;
	v9 =	vmul.f32 v13, v11;
	v13 =	vld [tilespmem:s24+$0x141F0]  }
0x16d: {  	[tilespmem:s24+$0x14190] =	vst v8;
	v8 =	vmul.f32 v16, v11;
	v15 =	vld [tilespmem:s24+$0x14200]  }
0x16e: {  	[tilespmem:s24+$0x141A0] =	vst v9;
	v9 =	vmul.f32 v10, v11;
	v10 =	vld [tilespmem:s24+$0x14210]  }
0x16f: {  	[tilespmem:s24+$0x141B0] =	vst v8;
	v8 =	vmul.f32 v14, v11;
	v14 =	vld [tilespmem:s24+$0x14220]  }
0x170: {  	[tilespmem:s24+$0x141C0] =	vst v9;
	v9 =	vmul.f32 v12, v11;
	v12 =	vbroadcast v2, $0x9;
	v16 =	vld [tilespmem:s24+$0x14230]  }
0x171: {  	[tilespmem:s24+$0x141D0] =	vst v8;
	v8 =	vmul.f32 v13, v11;
	v11 =	vld [tilespmem:s24+$0x14240]  }
0x172: {  	[tilespmem:s24+$0x141E0] =	vst v9;
	v9 =	vmul.f32 v15, v12;
	v13 =	vld [tilespmem:s24+$0x14250]  }
0x173: {  	[tilespmem:s24+$0x141F0] =	vst v8;
	v8 =	vmul.f32 v10, v12;
	v10 =	vld [tilespmem:s24+$0x14260]  }
0x174: {  	[tilespmem:s24+$0x14200] =	vst v9;
	v9 =	vmul.f32 v14, v12;
	v14 =	vld [tilespmem:s24+$0x14270]  }
0x175: {  	[tilespmem:s24+$0x14210] =	vst v8;
	v8 =	vmul.f32 v16, v12;
	v15 =	vld [tilespmem:s24+$0x14280]  }
0x176: {  	[tilespmem:s24+$0x14220] =	vst v9;
	v9 =	vmul.f32 v11, v12;
	v11 =	vld [tilespmem:s24+$0x14290]  }
0x177: {  	[tilespmem:s24+$0x14230] =	vst v8;
	v8 =	vmul.f32 v13, v12;
	v13 =	vld [tilespmem:s24+$0x142A0]  }
0x178: {  	[tilespmem:s24+$0x14240] =	vst v9;
	v9 =	vmul.f32 v10, v12;
	v10 =	vld [tilespmem:s24+$0x142B0]  }
0x179: {  	[tilespmem:s24+$0x14250] =	vst v8;
	v8 =	vmul.f32 v14, v12;
	v12 =	vld [tilespmem:s24+$0x142C0]  }
0x17a: {  	[tilespmem:s24+$0x14260] =	vst v9;
	v9 =	vmul.f32 v15, v5;
	v14 =	vld [tilespmem:s24+$0x142D0]  }
0x17b: {  	[tilespmem:s24+$0x14270] =	vst v8;
	v8 =	vmul.f32 v11, v5;
	v11 =	vld [tilespmem:s24+$0x142E0]  }
0x17c: {  	v15 =	vld [tilespmem:s24+$0x13D80];
	[tilespmem:s24+$0x14280] =	vst v9;
	v9 =	vmul.f32 v13, v5  }
0x17d: {  	v13 =	vld [tilespmem:s24+$0x13D90];
	[tilespmem:s24+$0x14290] =	vst v8;
	v8 =	vmul.f32 v10, v5  }
0x17e: {  	v10 =	vld [tilespmem:s24+$0x13DC0];
	[tilespmem:s24+$0x142A0] =	vst v9;
	v9 =	vmul.f32 v12, v5  }
0x17f: {  	v12 =	vld [tilespmem:s24+$0x13DD0];
	[tilespmem:s24+$0x142B0] =	vst v8;
	v8 =	vmul.f32 v14, v5  }
0x180: {  	[tilespmem:s24+$0x142C0] =	vst v9;
	v9 =	vmul.f32 v11, v5;
	v11 =	vbroadcast v2, $0xB;
	v14 =	vld [tilespmem:s24+$0x14320]  }
0x181: {  	v5 =	vbroadcast v2, $0xF;
	v15 =	vmul.f32 v3, v15;
	[tilespmem:s24+$0x142D0] =	vst v8;
	v8 =	vld [tilespmem:s24+$0x14330]  }
0x182: {  	v13 =	vmul.f32 v13, v3;
	[tilespmem:s24+$0x142E0] =	vst v9;
	v6 =	vmul.f32 v6, v11;
	v9 =	vld [tilespmem:s24+$0x14340]  }
0x183: {  	v7 =	vmul.f32 v7, v11;
	[tilespmem:s24+$0x13D80] =	vst v15;
	v10 =	vmul.f32 v10, v3;
	v15 =	vld [tilespmem:s24+$0x14350]  }
0x184: {  	v4 =	vmul.f32 v4, v5;
	v12 =	vmul.f32 v12, v3;
	[tilespmem:s24+$0x14300] =	vst v6;
	v3 =	vld [tilespmem:s24+$0x14360]  }
0x185: {  	[tilespmem:s24+$0x14310] =	vst v7;
	v6 =	vmul.f32 v14, v11;
	v7 =	vld [tilespmem:s24+$0x14370]  }
0x186: {  	v8 =	vmul.f32 v8, v11;
	v14 =	vld [tilespmem:s24+$0x14380];
	[tilespmem:s24+$0x14550] =	vst v4  }
0x187: {  	[tilespmem:s24+$0x13D90] =	vst v13;
	v4 =	vmul.f32 v9, v11;
	v9 =	vld [tilespmem:s24+$0x14390]  }
0x188: {  	[tilespmem:s24+$0x13DC0] =	vst v10;
	v10 =	vmul.f32 v15, v11;
	v13 =	vld [tilespmem:s24+$0x143A0]  }
0x189: {  	v15 =	vbroadcast v2, $0xC;
	[tilespmem:s24+$0x14320] =	vst v6;
	v6 =	vmul.f32 v3, v11;
	v16 =	vld [tilespmem:s24+$0x143B0]  }
0x18a: {  	[tilespmem:s24+$0x14350] =	vst v10;
	v7 =	vmul.f32 v7, v11;
	v10 =	vld [tilespmem:s24+$0x143C0]  }
0x18b: {  	[tilespmem:s24+$0x14330] =	vst v8;
	v3 =	vmul.f32 v14, v15;
	v8 =	vld [tilespmem:s24+$0x143D0]  }
0x18c: {  	[tilespmem:s24+$0x14340] =	vst v4;
	v4 =	vmul.f32 v9, v15;
	v9 =	vld [tilespmem:s24+$0x143E0]  }
0x18d: {  	[tilespmem:s24+$0x14380] =	vst v3;
	v3 =	vmul.f32 v13, v15;
	v11 =	vld [tilespmem:s24+$0x143F0]  }
0x18e: {  	[tilespmem:s24+$0x14390] =	vst v4;
	v4 =	vld [tilespmem:s24+$0x14400]  }
0x18f: {  	[tilespmem:s24+$0x13DD0] =	vst v12;
	v10 =	vmul.f32 v10, v15;
	v12 =	vld [tilespmem:s24+$0x14410]  }
0x190: {  	[tilespmem:s24+$0x14360] =	vst v6;
	v6 =	vmul.f32 v8, v15;
	v8 =	vld [tilespmem:s24+$0x14420]  }
0x191: {  	[tilespmem:s24+$0x143C0] =	vst v10;
	v9 =	vmul.f32 v9, v15;
	v10 =	vbroadcast v2, $0xD;
	v13 =	vld [tilespmem:s24+$0x14430]  }
0x192: {  	[tilespmem:s24+$0x143D0] =	vst v6;
	v6 =	vmul.f32 v11, v15;
	v11 =	vld [tilespmem:s24+$0x14440]  }
0x193: {  	[tilespmem:s24+$0x143E0] =	vst v9;
	v4 =	vmul.f32 v4, v10;
	v9 =	vld [tilespmem:s24+$0x14450]  }
0x194: {  	[tilespmem:s24+$0x143F0] =	vst v6;
	v6 =	vmul.f32 v12, v10;
	v12 =	vld [tilespmem:s24+$0x14460]  }
0x195: {  	[tilespmem:s24+$0x14400] =	vst v4;
	v4 =	vmul.f32 v8, v10;
	v8 =	vld [tilespmem:s24+$0x14470]  }
0x196: {  	[tilespmem:s24+$0x14410] =	vst v6;
	v6 =	vmul.f32 v13, v10;
	v13 =	vld [tilespmem:s24+$0x14480]  }
0x197: {  	[tilespmem:s24+$0x14420] =	vst v4;
	v4 =	vmul.f32 v11, v10;
	v11 =	vld [tilespmem:s24+$0x14490]  }
0x198: {  	[tilespmem:s24+$0x14430] =	vst v6;
	v6 =	vmul.f32 v9, v10;
	v9 =	vld [tilespmem:s24+$0x144A0]  }
0x199: {  	v2 =	vbroadcast v2, $0xE;
	[tilespmem:s24+$0x14370] =	vst v7;
	v7 =	vmul.f32 v12, v10;
	v12 =	vld [tilespmem:s24+$0x144B0]  }
0x19a: {  	[tilespmem:s24+$0x14450] =	vst v6;
	v6 =	vmul.f32 v8, v10;
	v8 =	vld [tilespmem:s24+$0x144C0]  }
0x19b: {  	[tilespmem:s24+$0x14460] =	vst v7;
	v7 =	vmul.f32 v13, v2;
	v10 =	vld [tilespmem:s24+$0x144D0]  }
0x19c: {  	[tilespmem:s24+$0x14470] =	vst v6;
	v6 =	vmul.f32 v11, v2;
	v11 =	vld [tilespmem:s24+$0x144E0]  }
0x19d: {  	[tilespmem:s24+$0x14480] =	vst v7;
	v7 =	vmul.f32 v9, v2;
	v9 =	vld [tilespmem:s24+$0x144F0]  }
0x19e: {  	[tilespmem:s24+$0x14490] =	vst v6;
	v6 =	vmul.f32 v12, v2;
	v12 =	vld [tilespmem:s24+$0x14500]  }
0x19f: {  	[tilespmem:s24+$0x144A0] =	vst v7;
	v7 =	vmul.f32 v8, v2;
	v8 =	vld [tilespmem:s24+$0x14510]  }
0x1a0: {  	[tilespmem:s24+$0x144B0] =	vst v6;
	v6 =	vmul.f32 v10, v2;
	v10 =	vld [tilespmem:s24+$0x14520]  }
0x1a1: {  	[tilespmem:s24+$0x144C0] =	vst v7;
	v7 =	vmul.f32 v11, v2;
	v11 =	vld [tilespmem:s24+$0x14530]  }
0x1a2: {  	[tilespmem:s24+$0x14440] =	vst v4;
	v2 =	vmul.f32 v9, v2;
	v4 =	vld [tilespmem:s24+$0x14540]  }
0x1a3: {  	[tilespmem:s24+$0x144E0] =	vst v7;
	v7 =	vmul.f32 v12, v5;
	v9 =	vld [tilespmem:s24+$0x14560]  }
0x1a4: {  	[tilespmem:s24+$0x144F0] =	vst v2;
	v2 =	vmul.f32 v8, v5;
	v8 =	vld [tilespmem:s24+$0x14570]  }
0x1a5: {  	[tilespmem:s24+$0x14500] =	vst v7;
	v7 =	vmul.f32 v10, v5  }
0x1a6: {  	[tilespmem:s24+$0x14510] =	vst v2;
	v2 =	vmul.f32 v11, v5  }
0x1a7: {  	v10 =	vmul.f32 v16, v15;
	[tilespmem:s24+$0x14520] =	vst v7  }
0x1a8: {  	[tilespmem:s24+$0x14530] =	vst v2;
	v2 =	vmul.f32 v4, v5  }
.Ltmp7:
0x1a9: {  	[tilespmem:s24+$0x143B0] =	vst v10;
	v4 =	vmul.f32 v8, v5;
	(pc) =	sbr.rel @p2 .LBB2_8-.Ltmp7, $4  }
0x1aa: {  	[tilespmem:s24+$0x14540] =	vst v2  }
0x1ab: {  	v2 =	vmul.f32 v9, v5;
	[tilespmem:s24+$0x14570] =	vst v4  }
0x1ac: {  	[tilespmem:s24+$0x144D0] =	vst v6  }
0x1ad: {  	[tilespmem:s24+$0x14560] =	vst v2  }
.Ltmp8:
0x1ae: {  	[tilespmem:s24+$0x143A0] =	vst v3;
	(pc) =	sbr.rel .LBB2_11-.Ltmp8, $4  }
0x1af: {  	[spmem:s4] =	stream.indirect.scatter.add.f32 [tilespmem:s19], [sflag:$0x2], $0x80, s16, s18, $0xb8;
	[tilespmem:$0x19100] =	vst v63  }
0x1b0: {  	_ =	swait.ge [sflag:s14], $0x2800  }
0x1b1: {  	[sflag:s14] =	ssyncset.done $0x0  }
0x1b2: {  	[sflag:s14] =	ssyncadd.s32 $0xFFFFD800  }
.LBB2_13:
0x1b3: {  	_ =	sfence.sel $0x180000  }
0x1b4: {  	[bflag:$0x0] =	sbarrier.arrive $0xFFFF  }
0x1b5: {  	p0 =	sne.s32 s3, $0x0;
	_ =	strace $0x90000047  }
0x1b6: {  	s0 =	sadd.s32 @!p0 $0x100000, s0;
	[bflag:$0x2] =	sbarrier.arrive $0xFFFF  }
0x1b7: {  	[sflag:s0] =	ssyncadd.tile.s32 @!p0 $0x1;
	_ =	shalt  }
.Lfunc_end2:
_tile_overlayer_lowered:
.L_overlay_start_2:
0x1b8: {  	(tag) =	ssettag $0x2  }
0x1b9: {  	s0 =	rddreg [dreg:$0x0];
	s2 =	stileid.u32  }
0x1ba: {  	s1 =	rddreg [dreg:$0x1];
	p0 =	sne.s32 s2, $0x0  }
0x1bb: {  	s3 =	rddreg [dreg:$0x2];
	[bflag:$0x3] =	sbarrier.arrive $0xFFFF;
	s2 =	simm.s32 @!p0 $0x1C02  }
0x1bc: {  	[timem:s3], [sflag:s2] =	dma.local @!p0 [hbm:s0], s1  }
0x1bd: {  	s0 =	simm.s32 @!p0 $0x2  }
0x1be: {  	_ =	swait.ge @!p0 [sflag:s0], s1  }
0x1bf: {  	s1 =	ssub.s32 @!p0 $0x0, s1;
	[sflag:s0] =	ssyncset.done @!p0 $0x0  }
0x1c0: {  	[sflag:s0] =	ssyncadd.s32 @!p0 s1  }
0x1c1: {  	[bflag:$0x3] =	sbarrier.arrive $0xFFFF  }
0x1c2: {  	_ =	shalt  }

// kernel: kernel.9.cloned.1.call-start
scs
__scs_entry_jumppad:
0x0: {  	(pc) =	sbr.rel $0x88, $3  }
0x1: {  	(tag) =	ssettag $0x0;
	lr =	simm.s32 $0x1  }
0x2: {  	[smem:$0x3F98] =	sst lr;
	_ =	strace $0xD0000000  }
0x3: {  	_ = 	snop  }
0x4: {  	_ = 	snop  }
0x5: {  	_ = 	snop  }
0x6: {  	_ = 	snop  }
0x7: {  	_ = 	snop  }
__scs_overlays_trampoline_lowered:
0x8: {  	[smem:$0x3FA7] =	sst s0  }
0x9: {  	[smem:$0x3FA8] =	sst s1  }
0xa: {  	[smem:$0x3FA9] =	sst s2  }
0xb: {  	[smem:$0x3FAA] =	sst s3  }
0xc: {  	[smem:$0x3FAB] =	sst s4  }
0xd: {  	[smem:$0x3FAC] =	sst s5  }
0xe: {  	[smem:$0x3FAD] =	sst s6  }
0xf: {  	[smem:$0x3FAE] =	sst s7  }
0x10: {  	[smem:$0x3FAF] =	sst s8  }
0x11: {  	[smem:$0x3FB0] =	sst s9;
	s0 =	simm.s32 @!p0 $0x0  }
0x12: {  	s1 =	sld [smem:$0x3F96];
	s0 =	simm.s32 @p0 $0x1  }
0x13: {  	[smem:$0x3FB1] =	sst s0;
	s0 =	simm.s32 @!p1 $0x0  }
0x14: {  	s2 =	sld [smem:$0x3F95];
	s0 =	simm.s32 @p1 $0x1  }
0x15: {  	[smem:$0x3FB2] =	sst s0;
	s0 =	simm.s32 @!p2 $0x0  }
0x16: {  	s3 =	sld [smem:$0x3FDB];
	s0 =	simm.s32 @p2 $0x1  }
0x17: {  	s4 =	simm.s32 $0x1BF5;
	[smem:$0x3FB4] =	sst s0  }
0x18: {  	s0 =	sld [smem:$0x3F97];
	_ =	swait.ge [sflag:s4], $0x0  }
0x19: {  	s7 =	sld [smem:$0x3F98]  }
0x1a: {  	s8 =	sadd.s32 $0xFFFFE003, lr  }
0x1b: {  	s9 =	sadd.s32 $0xFFFFFEF7, lr;
	s5 =	simm.s32 $0xFFFFFFFF;
	p2 =	slt.u32 s8, $0xFFFFF086  }
0x1c: {  	p1 =	slt.u32 s9, $0xF7A;
	s5 =	simm.s32 @!p2 $0x0  }
0x1d: {  	s5 =	simm.s32 @p1 $0x1;
	p0 =	seq.s32 s7, s2  }
0x1e: {  	s7 =	smul.u32 @!p0 $0xF7A, s2;
	p2 =	seq.s32 @!p0 s5, $0x0  }
0x1f: {  	s9 =	smul.u32 $0xF7A, s1;
	s8 =	simm.s32 @!p0 $0x1BF5;
	p2 =	por !p2, p0  }
0x20: {  	[sflag:s8] =	ssyncset.s32 @!p0 $0xFFFFF086;
	s6 =	sadd.s32 @!p0 s3, s7;
	s7 =	simm.s32 @!p0 $0x108  }
0x21: {  	s3 =	sadd.s32 s3, s9;
	s6 =	sadd.s32 @!p0 $0x88, s6;
	s7 =	simm.s32 @p2 $0x1082  }
0x22: {  	[simem:s7], [sflag:s8] =	dma.local @!p0 [hbm:s6], $0xF7A  }
0x23: {  	s9 =	sor.u32 $0xD0000000, s2;
	s6 =	simm.s32 $0x108;
	_ =	swait.ge @!p0 [sflag:s8], $0x0  }
0x24: {  	s3 =	sadd.s32 $0x88, s3;
	s6 =	simm.s32 @!p1 $0x1082;
	[sflag:s4] =	ssyncset.s32 $0xFFFFF086  }
0x25: {  	[simem:s6], [sflag:s4] =	dma.local [hbm:s3], $0xF7A  }
0x26: {  	[smem:$0x3F98] =	sst s1;
	(tag) =	ssettag s2;
	_ =	strace s9  }
0x27: {  	s1 =	sld [smem:$0x3FA8]  }
0x28: {  	s2 =	sld [smem:$0x3FA9]  }
0x29: {  	s4 =	sld [smem:$0x3FAB]  }
0x2a: {  	p0 =	seq.s32 s5, $0x0;
	s5 =	sld [smem:$0x3FAC]  }
0x2b: {  	s6 =	sld [smem:$0x3FAD]  }
0x2c: {  	s7 =	sld [smem:$0x3FAE]  }
0x2d: {  	s3 =	simm.s32 $0x108;
	s8 =	sld [smem:$0x3FAF]  }
0x2e: {  	s3 =	simm.s32 @!p0 $0x1082;
	s9 =	sld [smem:$0x3FB0]  }
0x2f: {  	lr =	sadd.s32 s0, s3;
	s0 =	sld [smem:$0x3FA7]  }
0x30: {  	s3 =	sld [smem:$0x3FAA]  }
0x31: {  	[smem:$0x3FB3] =	sst s10  }
0x32: {  	s10 =	sld [smem:$0x3FB1];
	_ =	sdelay $0x3  }
0x33: {  	p0 =	seq.s32 s10, $0x1;
	s10 =	sld [smem:$0x3FB3];
	_ =	sdelay $0x3  }
0x34: {  	[smem:$0x3FB3] =	sst s10  }
0x35: {  	s10 =	sld [smem:$0x3FB2];
	_ =	sdelay $0x3  }
0x36: {  	p1 =	seq.s32 s10, $0x1;
	s10 =	sld [smem:$0x3FB3];
	_ =	sdelay $0x3  }
0x37: {  	[smem:$0x3FB3] =	sst s10  }
0x38: {  	s10 =	sld [smem:$0x3FB4]  }
0x39: {  	_ = 	snop;
	(pc) =	sbr.ind lr, $3  }
0x3a: {  	_ = 	snop  }
0x3b: {  	_ = 	snop  }
0x3c: {  	p2 =	seq.s32 s10, $0x1;
	s10 =	sld [smem:$0x3FB3]  }
0x3d: {  	_ =	shalt  }
0x3e: {  	_ =	shalt  }
0x3f: {  	_ =	shalt  }
0x40: {  	_ =	shalt  }
0x41: {  	_ =	shalt  }
0x42: {  	_ =	shalt  }
0x43: {  	_ =	shalt  }
0x44: {  	_ =	shalt  }
0x45: {  	_ =	shalt  }
0x46: {  	_ =	shalt  }
0x47: {  	_ =	shalt  }
0x48: {  	_ =	shalt  }
0x49: {  	_ =	shalt  }
0x4a: {  	_ =	shalt  }
0x4b: {  	_ =	shalt  }
0x4c: {  	_ =	shalt  }
0x4d: {  	_ =	shalt  }
0x4e: {  	_ =	shalt  }
0x4f: {  	_ =	shalt  }
0x50: {  	_ =	shalt  }
0x51: {  	_ =	shalt  }
0x52: {  	_ =	shalt  }
0x53: {  	_ =	shalt  }
0x54: {  	_ =	shalt  }
0x55: {  	_ =	shalt  }
0x56: {  	_ =	shalt  }
0x57: {  	_ =	shalt  }
0x58: {  	_ =	shalt  }
0x59: {  	_ =	shalt  }
0x5a: {  	_ =	shalt  }
0x5b: {  	_ =	shalt  }
0x5c: {  	_ =	shalt  }
0x5d: {  	_ =	shalt  }
0x5e: {  	_ =	shalt  }
0x5f: {  	_ =	shalt  }
0x60: {  	_ =	shalt  }
0x61: {  	_ =	shalt  }
0x62: {  	_ =	shalt  }
0x63: {  	_ =	shalt  }
0x64: {  	_ =	shalt  }
0x65: {  	_ =	shalt  }
0x66: {  	_ =	shalt  }
0x67: {  	_ =	shalt  }
0x68: {  	_ =	shalt  }
0x69: {  	_ =	shalt  }
0x6a: {  	_ =	shalt  }
0x6b: {  	_ =	shalt  }
0x6c: {  	_ =	shalt  }
0x6d: {  	_ =	shalt  }
0x6e: {  	_ =	shalt  }
0x6f: {  	_ =	shalt  }
0x70: {  	_ =	shalt  }
0x71: {  	_ =	shalt  }
0x72: {  	_ =	shalt  }
0x73: {  	_ =	shalt  }
0x74: {  	_ =	shalt  }
0x75: {  	_ =	shalt  }
0x76: {  	_ =	shalt  }
0x77: {  	_ =	shalt  }
0x78: {  	_ =	shalt  }
0x79: {  	_ =	shalt  }
0x7a: {  	_ =	shalt  }
0x7b: {  	_ =	shalt  }
0x7c: {  	_ =	shalt  }
0x7d: {  	_ =	shalt  }
0x7e: {  	_ =	shalt  }
0x7f: {  	_ =	shalt  }
0x80: {  	_ =	shalt  }
0x81: {  	_ =	shalt  }
0x82: {  	_ =	shalt  }
0x83: {  	_ =	shalt  }
0x84: {  	_ =	shalt  }
0x85: {  	_ =	shalt  }
0x86: {  	_ =	shalt  }
0x87: {  	_ =	shalt  }
.Lfunc_end0:
.L_simem_size_0:
called_computation.1_lowered:
.L_overlay_start_0:
0x88: {  	s2 =	sld [smem:$0x3FD9]  }
0x89: {  	s3 =	sld [smem:$0x3FFE];
	_ =	sdelay $0x1  }
0x8a: {  	s1 =	srdreg.scid  }
0x8b: {  	s0 =	sand.u32 $0x1, s1  }
0x8c: {  	s17 =	sshll.u32 s0, $0xA;
	s2 =	sadd.s32 s3, s2  }
0x8d: {  	s2 =	sadd.s32 s2, s17  }
0x8e: {  	[smem:$0x3FBF] =	sst s2  }
0x8f: {  	_ = 	snop  }
0x90: {  	s2 =	sld [smem:$0x3FD0];
	(tm) =	ssettm $0x1  }
0x91: {  	s18 =	sld [smem:$0x3FFB];
	_ =	sdelay $0x3  }
0x92: {  	_ =	strace s18  }
0x93: {  	s3 =	sld [smem:$0x3FFC];
	_ =	sdelay $0x3  }
0x94: {  	_ =	strace s3  }
0x95: {  	s3 =	sld [smem:$0x3FFD];
	_ =	sdelay $0x3  }
0x96: {  	_ =	strace s3  }
0x97: {  	_ =	strace $0x8FFFFFFF  }
0x98: {  	s19 =	sld [smem:$0x3FDB];
	_ =	sdelay $0x1  }
0x99: {  	s4 =	simm.s32 $_scs_section_size  }
0x9a: {  	s5 =	simm.s32 $_size__tile_overlayer_lowered;
	s6 =	simm.s32 $_tile_overlayer_lowered  }
0x9b: {  	s22 =	simm.s32 $0x1BFF;
	s21 =	sshll.u32 s6, $0x1;
	s3 =	sadd.s32 s4, s19  }
0x9c: {  	s7 =	simm.s32 $0x0;
	s20 =	sshll.u32 s5, $0x1;
	s5 =	sadd.s32 s21, s3  }
0x9d: {  	[timem:s7], [sflag:s22] =	dma.local [hbm:s5], s20  }
0x9e: {  	_ =	swait.ge [sflag:s22], s20  }
0x9f: {  	s4 =	ssub.s32 $0x0, s20;
	[sflag:s22] =	ssyncset.done $0x0  }
0xa0: {  	[sflag:s22] =	ssyncadd.s32 s4;
	_ =	sdelay $0x1  }
0xa1: {  	s23 =	simm.s32 $0x1B8B  }
0xa2: {  	_ =	swait.ge [sflag:s23], $0x1  }
0xa3: {  	[sflag:s23] =	ssyncset.done $0x0  }
0xa4: {  	s25 =	simm.s32 $0x1B8E;
	s24 =	sld [smem:$0x3FFE];
	[sflag:s23] =	ssyncadd.s32 $0xFFFFFFFF  }
0xa5: {  	s26 =	simm.s32 $execute0_lowered;
	[smem:$0x3FD2] =	sst s25  }
0xa6: {  	s5 =	sshll.u32 s26, $0x1;
	_ =	strace $0x80000049;
	[dreg:$0x1] =	wrdreg $0xFFFFFFFF  }
0xa7: {  	s28 =	simm.s32 $_size_execute0_lowered;
	s3 =	sadd.s32 s3, s5;
	[dreg:$0x0] =	wrdreg $0x0  }
0xa8: {  	s5 =	sshll.u32 s28, $0x1;
	[dreg:$0x2] =	wrdreg s3  }
0xa9: {  	[dreg:$0x3] =	wrdreg s5  }
0xaa: {  	[dreg:$0x4] =	wrdreg $0xC0  }
0xab: {  	_ =	task [dreg:s7], $0x5FFFF  }
0xac: {  	[dreg:$0x1] =	wrdreg $0xFFFFFFFF  }
0xad: {  	[dreg:$0x0] =	wrdreg $0x60  }
0xae: {  	[dreg:$0x2] =	wrdreg s24  }
0xaf: {  	[dreg:$0x3] =	wrdreg s2  }
0xb0: {  	[dreg:$0x4] =	wrdreg $0x0  }
0xb1: {  	[dreg:$0x5] =	wrdreg $0x9  }
0xb2: {  	_ =	task.clear_ibuf [dreg:s7], $0x6FFFF;
	_ =	strace $0x90000049  }
0xb3: {  	s29 =	simm.s32 $0x9;
	_ =	strace $0x8000004B  }
0xb4: {  	_ =	swait.ge [sflag:s29], $0x1  }
0xb5: {  	[sflag:s29] =	ssyncadd.s32 $0xFFFFFFFF  }
0xb6: {  	_ =	strace $0x9000004B  }
0xb7: {  	_ =	sfence  }
0xb8: {  	s30 =	sld [smem:$0x0];
	_ =	sdelay $0x2  }
0xb9: {  	s31 =	sshll.u32 s1, $0xD;
	s1 =	sshrl.u32 s1, $0x2  }
0xba: {  	s3 =	sand.u32 $0x4000, s31;
	s1 =	sadd.s32 s1, s30  }
0xbb: {  	s0 =	sor.u32 s3, s0;
	s1 =	sshll.u32 s1, $0x11  }
0xbc: {  	s0 =	sor.u32 s1, s0  }
0xbd: {  	s0 =	sadd.s32 $0x8F2B, s0  }
0xbe: {  	[sflag:s0] =	ssyncadd.remote.s32 $0x1  }
0xbf: {  	_ =	sfence.sel $0xFFFF  }
0xc0: {  	[dreg:$0x0] =	wrdreg $0xFFFFFFFF;
	(pc) =	sbr.abs _section_cstart, $3  }
0xc1: {  	[dreg:$0x1] =	wrdreg $0xFFFFFFFF  }
0xc2: {  	_ =	task.clear_ibuf [dreg:s7], $0x2FFFF;
	_ =	strace $0x9FFFFFFF  }
0xc3: {  	(tm) =	ssettm $0x7FFFFFFF  }
tec
execute0_lowered:
.L_overlay_start_1:
0x0: {  	(tag) =	ssettag $0x1  }
0x1: {  	s8 =	rddreg [dreg:$0x0]  }
0x2: {  	s2 =	rddreg [dreg:$0x1]  }
0x3: {  	s3 =	rddreg [dreg:$0x2]  }
0x4: {  	s0 =	rddreg [dreg:$0x3]  }
0x5: {  	s5 =	srdreg.scid;
	s1 =	stileid.u32  }
0x6: {  	s4 =	simm.s32 $0x0;
	s15 =	simm.s32 $0x13C80;
	s16 =	simm.s32 $0x13D00  }
0x7: {  	s17 =	simm.s32 $0x50;
	s18 =	simm.s32 $0x13D80;
	s19 =	simm.s32 $0x1  }
0x8: {  	s14 =	sand.u32 $0x1, s5;
	s9 =	smul.u32 $0x2780, s1;
	[smem:$0x7FF] =	sst s4  }
0x9: {  	s5 =	sadd.s32 $0x15400, s8;
	s11 =	smul.u32 $0x4F000, s1;
	s6 =	sadd.s32 $0x1800, s8  }
0xa: {  	s7 =	sadd.s32 $0xB600, s8;
	s20 =	sshll.u32 s1, $0x6;
	s10 =	smul.u32 $0x27800, s14  }
0xb: {  	_ =	strace $0x8000004A;
	s12 =	ssub.s32 $0x2, s14;
	p0 =	seq.s32 s14, $0x0  }
.Ltmp0:
0xc: {  	s14 =	simm.s32 $0x13C00;
	s20 =	sor.u32 $0x1C02, s20;
	(pc) =	sbr.rel .LBB2_1-.Ltmp0, $4  }
0xd: {  	s31 =	sshrl.u32 s12, $0x1;
	s11 =	sshrl.u32 s11, $0x2;
	s9 =	sadd.s32 s9, s10  }
0xe: {  	s12 =	ssub.s32 s12, s31;
	s13 =	sadd.s32 s9, s8;
	s8 =	sadd.s32 s11, s3  }
0xf: {  	s9 =	smul.u32 $0x4E20, s1;
	s11 =	smax.u32 s12, $0x1;
	s12 =	simm.s32 $0x16580  }
0x10: {  	v0 =	vimm.f32 $0.0e+00;
	s10 =	sadd.s32 $0x3C600, s13;
	s13 =	simm.s32 $0x2;
	s21 =	sshrl.u32 s8, $0x3  }
.LBB2_9:
0x11: {  	s4 =	sadd.s32 $0x1, s4  }
0x12: {  	p1 =	sne.s32 s4, s11  }
.Ltmp1:
0x13: {  	[bflag:$0x0] =	sbarrier.arrive $0xFFFF;
	(pc) =	sbr.rel @!p1 .LBB2_10-.Ltmp1, $4  }
0x14: {  	[hbm:s10], [sflag:s20] =	dma.local [spmem:s21], $0x2780  }
0x15: {  	_ =	swait.ge [sflag:s13], $0x2780  }
0x16: {  	[sflag:s13] =	ssyncset.done $0x0  }
0x17: {  	[sflag:s13] =	ssyncadd.s32 $0xFFFFD880  }
.LBB2_1:
0x18: {  	[tilespmem:$0x16580] =	vst v0  }
0x19: {  	[tilespmem:$0x16590] =	vst v0  }
0x1a: {  	[tilespmem:$0x165A0] =	vst v0  }
0x1b: {  	[tilespmem:$0x165B0] =	vst v0  }
0x1c: {  	[tilespmem:$0x165C0] =	vst v0  }
0x1d: {  	[tilespmem:$0x165D0] =	vst v0  }
0x1e: {  	[tilespmem:$0x165E0] =	vst v0  }
0x1f: {  	[tilespmem:$0x165F0] =	vst v0  }
0x20: {  	[tilespmem:$0x16600] =	vst v0  }
0x21: {  	[tilespmem:$0x16610] =	vst v0  }
0x22: {  	[tilespmem:$0x16620] =	vst v0  }
0x23: {  	[tilespmem:$0x16630] =	vst v0  }
0x24: {  	[tilespmem:$0x16640] =	vst v0  }
0x25: {  	[tilespmem:$0x16650] =	vst v0  }
0x26: {  	[tilespmem:$0x16660] =	vst v0  }
0x27: {  	[tilespmem:$0x16670] =	vst v0  }
0x28: {  	[tilespmem:$0x16680] =	vst v0  }
0x29: {  	[tilespmem:$0x16690] =	vst v0  }
0x2a: {  	[tilespmem:$0x166A0] =	vst v0  }
0x2b: {  	[tilespmem:$0x166B0] =	vst v0  }
0x2c: {  	[tilespmem:$0x166C0] =	vst v0  }
0x2d: {  	[tilespmem:$0x166D0] =	vst v0  }
0x2e: {  	[tilespmem:$0x166E0] =	vst v0  }
0x2f: {  	[tilespmem:$0x166F0] =	vst v0  }
0x30: {  	[tilespmem:$0x16700] =	vst v0  }
0x31: {  	[tilespmem:$0x16710] =	vst v0  }
0x32: {  	[tilespmem:$0x16720] =	vst v0  }
0x33: {  	[tilespmem:$0x16730] =	vst v0  }
0x34: {  	[tilespmem:$0x16740] =	vst v0  }
0x35: {  	[tilespmem:$0x16750] =	vst v0  }
0x36: {  	[tilespmem:$0x16760] =	vst v0  }
0x37: {  	[tilespmem:$0x16770] =	vst v0  }
0x38: {  	[tilespmem:$0x16780] =	vst v0  }
0x39: {  	[tilespmem:$0x16790] =	vst v0  }
0x3a: {  	[tilespmem:$0x167A0] =	vst v0  }
0x3b: {  	[tilespmem:$0x167B0] =	vst v0  }
0x3c: {  	[tilespmem:$0x167C0] =	vst v0  }
0x3d: {  	[tilespmem:$0x167D0] =	vst v0  }
0x3e: {  	[tilespmem:$0x167E0] =	vst v0  }
0x3f: {  	[tilespmem:$0x167F0] =	vst v0  }
0x40: {  	[tilespmem:$0x16800] =	vst v0  }
0x41: {  	[tilespmem:$0x16810] =	vst v0  }
0x42: {  	[tilespmem:$0x16820] =	vst v0  }
0x43: {  	[tilespmem:$0x16830] =	vst v0  }
0x44: {  	[tilespmem:$0x16840] =	vst v0  }
0x45: {  	[tilespmem:$0x16850] =	vst v0  }
0x46: {  	[tilespmem:$0x16860] =	vst v0  }
0x47: {  	[tilespmem:$0x16870] =	vst v0  }
0x48: {  	[tilespmem:$0x16880] =	vst v0  }
0x49: {  	[tilespmem:$0x16890] =	vst v0  }
0x4a: {  	[tilespmem:$0x168A0] =	vst v0  }
0x4b: {  	[tilespmem:$0x168B0] =	vst v0  }
0x4c: {  	[tilespmem:$0x168C0] =	vst v0  }
0x4d: {  	[tilespmem:$0x168D0] =	vst v0  }
0x4e: {  	[tilespmem:$0x168E0] =	vst v0  }
0x4f: {  	[tilespmem:$0x168F0] =	vst v0  }
0x50: {  	[tilespmem:$0x16900] =	vst v0  }
0x51: {  	[tilespmem:$0x16910] =	vst v0  }
0x52: {  	[tilespmem:$0x16920] =	vst v0  }
0x53: {  	[tilespmem:$0x16930] =	vst v0  }
0x54: {  	[tilespmem:$0x16940] =	vst v0  }
0x55: {  	[tilespmem:$0x16950] =	vst v0  }
0x56: {  	[tilespmem:$0x16960] =	vst v0  }
0x57: {  	[tilespmem:$0x16970] =	vst v0;
	s22 =	sadd.s32 $0x0, s8  }
0x58: {  	[spmem:s22] =	stream.linear.scatter [tilespmem:s12], [sflag:$0x2], $0x400, $0x38;
	[tilespmem:$0x16980] =	vst v63  }
0x59: {  	s22 =	simm.s32 $0x1000;
	_ =	swait.ge [sflag:s13], $0x400  }
.LBB2_2:
0x5a: {  	s23 =	sshra.s32 s22, $0x2;
	[sflag:s13] =	ssyncset.done $0x0;
	p1 =	sne.s32 s22, $0x4E000  }
.Ltmp2:
0x5b: {  	s23 =	sadd.s32 s23, s8;
	[sflag:s13] =	ssyncadd.s32 $0xFFFFFC00;
	(pc) =	sbr.rel @p1 .LBB2_2-.Ltmp2, $3  }
0x5c: {  	[spmem:s23] =	stream.linear.scatter [tilespmem:s12], [sflag:$0x2], $0x400, $0x38;
	[tilespmem:$0x16980] =	vst v63  }
0x5d: {  	s22 =	sadd.s32 $0x1000, s22;
	_ =	sdelay $0x1  }
0x5e: {  	_ =	swait.ge [sflag:s13], $0x400  }
.Ltmp3:
0x5f: {  	(pc) =	sbr.rel .LBB2_4-.Ltmp3, $4  }
0x60: {  	[sflag:s13] =	ssyncset.done $0x0  }
0x61: {  	[sflag:s13] =	ssyncadd.s32 $0xFFFFFC00  }
0x62: {  	[bflag:$0x0] =	sbarrier.arrive $0xFFFF  }
0x63: {  	s22 =	simm.s32 $0x0;
	s23 =	simm.s32 $0x0  }
.LBB2_8:
0x64: {  	s23 =	sadd.s32 $0x1, s23  }
0x65: {  	p1 =	sne.s32 s23, $0xFA  }
.Ltmp4:
0x66: {  	_ = 	snop;
	(pc) =	sbr.rel @!p1 .LBB2_9-.Ltmp4, $4  }
0x67: {  	[spmem:s3] =	stream.indirect.scatter.add.f32 [tilespmem:s18], [sflag:$0x2], $0x80, s15, s17, $0xb8;
	[tilespmem:$0x16980] =	vst v63  }
0x68: {  	_ =	swait.ge [sflag:s13], $0x2800  }
0x69: {  	[sflag:s13] =	ssyncset.done $0x0  }
0x6a: {  	[sflag:s13] =	ssyncadd.s32 $0xFFFFD800  }
.LBB2_4:
0x6b: {  	s24 =	smul.u32 $0x50, s23;
	_ =	sdelay $0x1  }
0x6c: {  	s24 =	sadd.s32 s9, s24  }
0x6d: {  	s24 =	sshrl.u32 s24, $0x3  }
0x6e: {  	s25 =	sadd.s32 s6, s24  }
0x6f: {  	[tilespmem:s14], [sflag:$0x2] =	stream.linear.gather [hbm4b:s25+s22], $0x50, $0x38;
	[tilespmem:$0x16980] =	vst v63  }
0x70: {  	_ =	swait.ge [sflag:s13], $0x50  }
0x71: {  	[sflag:s13] =	ssyncset.done $0x0  }
0x72: {  	s31 =	sadd.s32 s2, s24;
	[sflag:s13] =	ssyncadd.s32 $0xFFFFFFB0  }
0x73: {  	[tilespmem:s15], [sflag:$0x2] =	stream.linear.gather [hbm4b:s31+s22], $0x50, $0x38;
	[tilespmem:$0x16980] =	vst v63  }
0x74: {  	_ =	swait.ge [sflag:s13], $0x50  }
0x75: {  	[sflag:s13] =	ssyncset.done $0x0  }
0x76: {  	s24 =	sadd.s32 s7, s24;
	[sflag:s13] =	ssyncadd.s32 $0xFFFFFFB0  }
0x77: {  	[tilespmem:s16], [sflag:$0x2] =	stream.linear.gather [hbm4b:s24+s22], $0x50, $0x38;
	[tilespmem:$0x16980] =	vst v63  }
0x78: {  	_ =	swait.ge [sflag:s13], $0x50  }
0x79: {  	[sflag:s13] =	ssyncset.done $0x0  }
.Ltmp5:
0x7a: {  	[sflag:s13] =	ssyncadd.s32 $0xFFFFFFB0;
	(pc) =	sbr.rel @p0 .LBB2_8-.Ltmp5, $4  }
0x7b: {  	[tilespmem:s18], [sflag:$0x1] =	stream.indirect.gather [hbm4b:s5+s17], $0x80, s14, s17, $0xb8;
	[tilespmem:$0x16980] =	vst v63  }
0x7c: {  	_ =	swait.ge [sflag:s19], $0x2800  }
0x7d: {  	[sflag:s19] =	ssyncset.done $0x0  }
0x7e: {  	[sflag:s19] =	ssyncadd.s32 $0xFFFFD800  }
0x7f: {  	s24 =	simm.s32 $0x0  }
0x80: {  	s24 =	sand.u32 $0x3FFFFFF0, s24  }
0x81: {  	s25 =	simm.s32 $0x0;
	v1 =	vld [tilespmem:s24+$0x13D00]  }
0x82: {  	s24 =	sand.u32 $0x3FFFF800, s25  }
0x83: {  	v3 =	vld [tilespmem:s24+$0x13DA0]  }
0x84: {  	v4 =	vld [tilespmem:s24+$0x13DB0]  }
0x85: {  	v10 =	vld [tilespmem:s24+$0x13DE0]  }
0x86: {  	v11 =	vld [tilespmem:s24+$0x13DF0];
	v2 =	vbroadcast v1, $0x0  }
0x87: {  	v12 =	vld [tilespmem:s24+$0x13E00]  }
0x88: {  	v13 =	vld [tilespmem:s24+$0x13E10];
	v3 =	vmul.f32 v3, v2  }
0x89: {  	v14 =	vld [tilespmem:s24+$0x13E20];
	v4 =	vmul.f32 v4, v2  }
0x8a: {  	v9 =	vld [tilespmem:s24+$0x13E30];
	v23 =	vbroadcast v1, $0x1;
	v22 =	vmul.f32 v10, v2;
	[tilespmem:s24+$0x13DA0] =	vst v3  }
0x8b: {  	v7 =	vld [tilespmem:s24+$0x13E40];
	v11 =	vmul.f32 v11, v2;
	[tilespmem:s24+$0x13DB0] =	vst v4  }
0x8c: {  	v8 =	vld [tilespmem:s24+$0x13E50];
	v12 =	vmul.f32 v12, v23;
	[tilespmem:s24+$0x13DE0] =	vst v22  }
0x8d: {  	v25 =	vld [tilespmem:s24+$0x13E70];
	v13 =	vmul.f32 v13, v23;
	[tilespmem:s24+$0x13DF0] =	vst v11  }
0x8e: {  	v26 =	vld [tilespmem:s24+$0x13E80];
	v14 =	vmul.f32 v14, v23;
	[tilespmem:s24+$0x13E00] =	vst v12  }
0x8f: {  	v27 =	vld [tilespmem:s24+$0x13E90];
	v9 =	vmul.f32 v9, v23;
	[tilespmem:s24+$0x13E10] =	vst v13  }
0x90: {  	v6 =	vld [tilespmem:s24+$0x142F0];
	v7 =	vmul.f32 v7, v23;
	[tilespmem:s24+$0x13E20] =	vst v14  }
0x91: {  	v24 =	vld [tilespmem:s24+$0x13E60];
	v15 =	vbroadcast v1, $0x2;
	v8 =	vmul.f32 v8, v23;
	[tilespmem:s24+$0x13E30] =	vst v9  }
0x92: {  	v28 =	vld [tilespmem:s24+$0x13EA0];
	v10 =	vmul.f32 v25, v23;
	[tilespmem:s24+$0x13E40] =	vst v7  }
0x93: {  	v29 =	vld [tilespmem:s24+$0x13EB0];
	v5 =	vbroadcast v1, $0xA;
	v32 =	vmul.f32 v26, v15;
	[tilespmem:s24+$0x13E50] =	vst v8  }
0x94: {  	v30 =	vld [tilespmem:s24+$0x13EC0];
	v34 =	vmul.f32 v27, v15;
	[tilespmem:s24+$0x13E70] =	vst v10  }
0x95: {  	v33 =	vld [tilespmem:s24+$0x13EE0];
	v3 =	vmul.f32 v6, v5;
	[tilespmem:s24+$0x13E80] =	vst v32  }
0x96: {  	v35 =	vld [tilespmem:s24+$0x13EF0];
	v11 =	vmul.f32 v24, v23;
	[tilespmem:s24+$0x13E90] =	vst v34  }
0x97: {  	v36 =	vld [tilespmem:s24+$0x13F00];
	v9 =	vmul.f32 v28, v15;
	[tilespmem:s24+$0x142F0] =	vst v3  }
0x98: {  	v31 =	vld [tilespmem:s24+$0x13ED0];
	v7 =	vmul.f32 v29, v15;
	[tilespmem:s24+$0x13E60] =	vst v11  }
0x99: {  	v37 =	vld [tilespmem:s24+$0x13F10];
	v8 =	vmul.f32 v30, v15;
	[tilespmem:s24+$0x13EA0] =	vst v9  }
0x9a: {  	v38 =	vld [tilespmem:s24+$0x13F20];
	v41 =	vbroadcast v1, $0x3;
	v10 =	vmul.f32 v33, v15;
	[tilespmem:s24+$0x13EB0] =	vst v7  }
0x9b: {  	v39 =	vld [tilespmem:s24+$0x13F30];
	v12 =	vmul.f32 v35, v15;
	[tilespmem:s24+$0x13EC0] =	vst v8  }
0x9c: {  	v42 =	vld [tilespmem:s24+$0x13F50];
	v13 =	vmul.f32 v36, v41;
	[tilespmem:s24+$0x13EE0] =	vst v10  }
0x9d: {  	v43 =	vld [tilespmem:s24+$0x13F60];
	v11 =	vmul.f32 v31, v15;
	[tilespmem:s24+$0x13EF0] =	vst v12  }
0x9e: {  	v44 =	vld [tilespmem:s24+$0x13F70];
	v9 =	vmul.f32 v37, v41;
	[tilespmem:s24+$0x13F00] =	vst v13  }
0x9f: {  	v40 =	vld [tilespmem:s24+$0x13F40];
	v7 =	vmul.f32 v38, v41;
	[tilespmem:s24+$0x13ED0] =	vst v11  }
0xa0: {  	v45 =	vld [tilespmem:s24+$0x13F80];
	v8 =	vmul.f32 v39, v41;
	[tilespmem:s24+$0x13F10] =	vst v9  }
0xa1: {  	v46 =	vld [tilespmem:s24+$0x13F90];
	v10 =	vmul.f32 v42, v41;
	[tilespmem:s24+$0x13F20] =	vst v7  }
0xa2: {  	v47 =	vld [tilespmem:s24+$0x13FA0];
	v12 =	vmul.f32 v43, v41;
	[tilespmem:s24+$0x13F30] =	vst v8  }
0xa3: {  	v49 =	vld [tilespmem:s24+$0x13FC0];
	v50 =	vbroadcast v1, $0x4;
	v13 =	vmul.f32 v44, v41;
	[tilespmem:s24+$0x13F50] =	vst v10  }
0xa4: {  	v51 =	vld [tilespmem:s24+$0x13FD0];
	v11 =	vmul.f32 v40, v41;
	[tilespmem:s24+$0x13F60] =	vst v12  }
0xa5: {  	v52 =	vld [tilespmem:s24+$0x13FE0];
	v9 =	vmul.f32 v45, v50;
	[tilespmem:s24+$0x13F70] =	vst v13  }
0xa6: {  	v48 =	vld [tilespmem:s24+$0x13FB0];
	v7 =	vmul.f32 v46, v50;
	[tilespmem:s24+$0x13F40] =	vst v11  }
0xa7: {  	v53 =	vld [tilespmem:s24+$0x13FF0];
	v8 =	vmul.f32 v47, v50;
	[tilespmem:s24+$0x13F80] =	vst v9  }
0xa8: {  	v54 =	vld [tilespmem:s24+$0x14000];
	v10 =	vmul.f32 v49, v50;
	[tilespmem:s24+$0x13F90] =	vst v7  }
0xa9: {  	v55 =	vld [tilespmem:s24+$0x14010];
	v12 =	vmul.f32 v51, v50;
	[tilespmem:s24+$0x13FA0] =	vst v8  }
0xaa: {  	v57 =	vld [tilespmem:s24+$0x14030];
	v13 =	vmul.f32 v52, v50;
	[tilespmem:s24+$0x13FC0] =	vst v10  }
0xab: {  	v58 =	vld [tilespmem:s24+$0x14040];
	v59 =	vbroadcast v1, $0x5;
	v11 =	vmul.f32 v48, v50;
	[tilespmem:s24+$0x13FD0] =	vst v12  }
0xac: {  	v60 =	vld [tilespmem:s24+$0x14050];
	v9 =	vmul.f32 v53, v50;
	[tilespmem:s24+$0x13FE0] =	vst v13  }
0xad: {  	v56 =	vld [tilespmem:s24+$0x14020];
	v7 =	vmul.f32 v54, v59;
	[tilespmem:s24+$0x13FB0] =	vst v11  }
0xae: {  	v61 =	vld [tilespmem:s24+$0x14060];
	v8 =	vmul.f32 v55, v59;
	[tilespmem:s24+$0x13FF0] =	vst v9  }
0xaf: {  	v62 =	vld [tilespmem:s24+$0x14070];
	v10 =	vmul.f32 v57, v59;
	[tilespmem:s24+$0x14000] =	vst v7  }
0xb0: {  	v63 =	vld [tilespmem:s24+$0x14080];
	v12 =	vmul.f32 v58, v59;
	[tilespmem:s24+$0x14010] =	vst v8  }
0xb1: {  	v19 =	vld [tilespmem:s24+$0x140A0];
	v13 =	vmul.f32 v60, v59;
	[tilespmem:s24+$0x14030] =	vst v10  }
0xb2: {  	v20 =	vld [tilespmem:s24+$0x140B0];
	v11 =	vmul.f32 v56, v59;
	[tilespmem:s24+$0x14040] =	vst v12  }
0xb3: {  	v21 =	vld [tilespmem:s24+$0x140C0];
	v22 =	vbroadcast v1, $0x6;
	v9 =	vmul.f32 v61, v59;
	[tilespmem:s24+$0x14050] =	vst v13  }
0xb4: {  	v18 =	vld [tilespmem:s24+$0x14090];
	v7 =	vmul.f32 v62, v59;
	[tilespmem:s24+$0x14020] =	vst v11  }
0xb5: {  	v23 =	vld [tilespmem:s24+$0x140D0];
	v8 =	vmul.f32 v63, v22;
	[tilespmem:s24+$0x14060] =	vst v9  }
0xb6: {  	v24 =	vld [tilespmem:s24+$0x140E0];
	v10 =	vmul.f32 v19, v22;
	[tilespmem:s24+$0x14070] =	vst v7  }
0xb7: {  	v25 =	vld [tilespmem:s24+$0x140F0];
	v12 =	vmul.f32 v20, v22;
	[tilespmem:s24+$0x14080] =	vst v8  }
0xb8: {  	v27 =	vld [tilespmem:s24+$0x14110];
	v13 =	vmul.f32 v21, v22;
	[tilespmem:s24+$0x140A0] =	vst v10  }
0xb9: {  	v28 =	vld [tilespmem:s24+$0x14120];
	v11 =	vmul.f32 v18, v22;
	[tilespmem:s24+$0x140B0] =	vst v12  }
0xba: {  	v29 =	vld [tilespmem:s24+$0x14130];
	v9 =	vmul.f32 v23, v22;
	[tilespmem:s24+$0x140C0] =	vst v13  }
0xbb: {  	v31 =	vbroadcast v1, $0x7;
	v53 =	vld [tilespmem:s24+$0x14280];
	v7 =	vmul.f32 v24, v22;
	[tilespmem:s24+$0x14090] =	vst v11  }
0xbc: {  	v57 =	vld [tilespmem:s24+$0x142C0];
	v8 =	vmul.f32 v25, v22;
	[tilespmem:s24+$0x140D0] =	vst v9  }
0xbd: {  	v58 =	vld [tilespmem:s24+$0x142D0];
	v10 =	vmul.f32 v27, v31;
	[tilespmem:s24+$0x140E0] =	vst v7  }
0xbe: {  	v26 =	vld [tilespmem:s24+$0x14100];
	v12 =	vmul.f32 v28, v31;
	[tilespmem:s24+$0x140F0] =	vst v8  }
0xbf: {  	v30 =	vld [tilespmem:s24+$0x14140];
	v13 =	vmul.f32 v29, v31;
	[tilespmem:s24+$0x14110] =	vst v10  }
0xc0: {  	v32 =	vld [tilespmem:s24+$0x14150];
	v59 =	vmul.f32 v53, v5;
	[tilespmem:s24+$0x14120] =	vst v12  }
0xc1: {  	v33 =	vld [tilespmem:s24+$0x14160];
	v18 =	vmul.f32 v57, v5;
	[tilespmem:s24+$0x14130] =	vst v13  }
0xc2: {  	v35 =	vld [tilespmem:s24+$0x14180];
	v20 =	vmul.f32 v58, v5;
	[tilespmem:s24+$0x14280] =	vst v59  }
0xc3: {  	v36 =	vld [tilespmem:s24+$0x14190];
	v11 =	vmul.f32 v26, v31;
	[tilespmem:s24+$0x142C0] =	vst v18  }
0xc4: {  	v37 =	vld [tilespmem:s24+$0x141A0];
	v9 =	vmul.f32 v30, v31;
	[tilespmem:s24+$0x142D0] =	vst v20  }
0xc5: {  	v4 =	vld [tilespmem:s24+$0x14300];
	v40 =	vbroadcast v1, $0x8;
	v7 =	vmul.f32 v32, v31;
	[tilespmem:s24+$0x14100] =	vst v11  }
0xc6: {  	v6 =	vld [tilespmem:s24+$0x14310];
	v8 =	vmul.f32 v33, v31;
	[tilespmem:s24+$0x14140] =	vst v9  }
0xc7: {  	v3 =	vld [tilespmem:s24+$0x14550];
	v10 =	vmul.f32 v35, v40;
	[tilespmem:s24+$0x14150] =	vst v7  }
0xc8: {  	v61 =	vld [tilespmem:s24+$0x13D80];
	v23 =	vbroadcast v1, $0xB;
	v12 =	vmul.f32 v36, v40;
	[tilespmem:s24+$0x14160] =	vst v8  }
0xc9: {  	v34 =	vld [tilespmem:s24+$0x14170];
	v13 =	vmul.f32 v37, v40;
	[tilespmem:s24+$0x14180] =	vst v10  }
0xca: {  	v38 =	vld [tilespmem:s24+$0x141B0];
	v27 =	vbroadcast v1, $0xF;
	v4 =	vmul.f32 v4, v23;
	[tilespmem:s24+$0x14190] =	vst v12  }
0xcb: {  	v39 =	vld [tilespmem:s24+$0x141C0];
	v6 =	vmul.f32 v6, v23;
	[tilespmem:s24+$0x141A0] =	vst v13  }
0xcc: {  	v41 =	vld [tilespmem:s24+$0x141D0];
	v3 =	vmul.f32 v3, v27;
	[tilespmem:s24+$0x14300] =	vst v4  }
0xcd: {  	v43 =	vld [tilespmem:s24+$0x141F0];
	v24 =	vmul.f32 v2, v61;
	[tilespmem:s24+$0x14310] =	vst v6  }
0xce: {  	v44 =	vld [tilespmem:s24+$0x14200];
	v11 =	vmul.f32 v34, v31;
	[tilespmem:s24+$0x14550] =	vst v3  }
0xcf: {  	v45 =	vld [tilespmem:s24+$0x14210];
	v9 =	vmul.f32 v38, v40;
	[tilespmem:s24+$0x13D80] =	vst v24  }
0xd0: {  	v63 =	vld [tilespmem:s24+$0x13DC0];
	v7 =	vmul.f32 v39, v40;
	[tilespmem:s24+$0x14170] =	vst v11  }
0xd1: {  	v49 =	vbroadcast v1, $0x9;
	v29 =	vld [tilespmem:s24+$0x14370];
	v8 =	vmul.f32 v41, v40;
	[tilespmem:s24+$0x141B0] =	vst v9  }
0xd2: {  	v42 =	vld [tilespmem:s24+$0x141E0];
	v10 =	vmul.f32 v43, v40;
	[tilespmem:s24+$0x141C0] =	vst v7  }
0xd3: {  	v46 =	vld [tilespmem:s24+$0x14220];
	v12 =	vmul.f32 v44, v49;
	[tilespmem:s24+$0x141D0] =	vst v8  }
0xd4: {  	v47 =	vld [tilespmem:s24+$0x14230];
	v13 =	vmul.f32 v45, v49;
	[tilespmem:s24+$0x141F0] =	vst v10  }
0xd5: {  	v48 =	vld [tilespmem:s24+$0x14240];
	v3 =	vmul.f32 v63, v2;
	[tilespmem:s24+$0x14200] =	vst v12  }
0xd6: {  	v51 =	vld [tilespmem:s24+$0x14260];
	v6 =	vmul.f32 v29, v23;
	[tilespmem:s24+$0x14210] =	vst v13  }
0xd7: {  	v52 =	vld [tilespmem:s24+$0x14270];
	v11 =	vmul.f32 v42, v40;
	[tilespmem:s24+$0x13DC0] =	vst v3  }
0xd8: {  	v28 =	vld [tilespmem:s24+$0x14360];
	v9 =	vmul.f32 v46, v49;
	[tilespmem:s24+$0x14370] =	vst v6  }
0xd9: {  	v26 =	vld [tilespmem:s24+$0x14350];
	v7 =	vmul.f32 v47, v49;
	[tilespmem:s24+$0x141E0] =	vst v11  }
0xda: {  	v30 =	vld [tilespmem:s24+$0x14380];
	v8 =	vmul.f32 v48, v49;
	[tilespmem:s24+$0x14220] =	vst v9  }
0xdb: {  	v50 =	vld [tilespmem:s24+$0x14250];
	v10 =	vmul.f32 v51, v49;
	[tilespmem:s24+$0x14230] =	vst v7  }
0xdc: {  	v54 =	vld [tilespmem:s24+$0x14290];
	v12 =	vmul.f32 v52, v49;
	[tilespmem:s24+$0x14240] =	vst v8  }
0xdd: {  	v55 =	vld [tilespmem:s24+$0x142A0];
	v35 =	vbroadcast v1, $0xC;
	v40 =	vmul.f32 v28, v23;
	[tilespmem:s24+$0x14260] =	vst v10  }
0xde: {  	v56 =	vld [tilespmem:s24+$0x142B0];
	v32 =	vmul.f32 v26, v23;
	[tilespmem:s24+$0x14270] =	vst v12  }
0xdf: {  	v60 =	vld [tilespmem:s24+$0x142E0];
	v15 =	vmul.f32 v30, v35;
	[tilespmem:s24+$0x14360] =	vst v40  }
0xe0: {  	v62 =	vld [tilespmem:s24+$0x13D90];
	v11 =	vmul.f32 v50, v49;
	[tilespmem:s24+$0x14350] =	vst v32  }
0xe1: {  	v19 =	vld [tilespmem:s24+$0x13DD0];
	v9 =	vmul.f32 v54, v5;
	[tilespmem:s24+$0x14380] =	vst v15  }
0xe2: {  	v33 =	vld [tilespmem:s24+$0x143B0];
	v7 =	vmul.f32 v55, v5;
	[tilespmem:s24+$0x14250] =	vst v11  }
0xe3: {  	v61 =	vld [tilespmem:s24+$0x14570];
	v8 =	vmul.f32 v56, v5;
	[tilespmem:s24+$0x14290] =	vst v9  }
0xe4: {  	v38 =	vld [tilespmem:s24+$0x143F0];
	v5 =	vmul.f32 v60, v5;
	[tilespmem:s24+$0x142A0] =	vst v7  }
0xe5: {  	v21 =	vld [tilespmem:s24+$0x14320];
	v12 =	vmul.f32 v62, v2;
	[tilespmem:s24+$0x142B0] =	vst v8  }
0xe6: {  	v22 =	vld [tilespmem:s24+$0x14330];
	v2 =	vmul.f32 v19, v2;
	[tilespmem:s24+$0x142E0] =	vst v5  }
0xe7: {  	v25 =	vld [tilespmem:s24+$0x14340];
	v62 =	vmul.f32 v33, v35;
	[tilespmem:s24+$0x13D90] =	vst v12  }
0xe8: {  	v31 =	vld [tilespmem:s24+$0x14390];
	v63 =	vmul.f32 v61, v27;
	[tilespmem:s24+$0x13DD0] =	vst v2  }
0xe9: {  	v34 =	vld [tilespmem:s24+$0x143C0];
	v15 =	vmul.f32 v38, v35;
	[tilespmem:s24+$0x143B0] =	vst v62  }
0xea: {  	v41 =	vld [tilespmem:s24+$0x14420];
	v7 =	vmul.f32 v21, v23;
	[tilespmem:s24+$0x14570] =	vst v63  }
0xeb: {  	v46 =	vld [tilespmem:s24+$0x14460];
	v8 =	vmul.f32 v22, v23;
	[tilespmem:s24+$0x143F0] =	vst v15  }
0xec: {  	v36 =	vld [tilespmem:s24+$0x143D0];
	v5 =	vmul.f32 v25, v23;
	[tilespmem:s24+$0x14320] =	vst v7  }
0xed: {  	v44 =	vbroadcast v1, $0xD;
	v9 =	vmul.f32 v31, v35;
	v2 =	vld [tilespmem:s24+$0x14410];
	[tilespmem:s24+$0x14330] =	vst v8  }
0xee: {  	v37 =	vld [tilespmem:s24+$0x143E0];
	v12 =	vmul.f32 v34, v35;
	[tilespmem:s24+$0x14340] =	vst v5  }
0xef: {  	v39 =	vld [tilespmem:s24+$0x14400];
	v11 =	vmul.f32 v41, v44;
	[tilespmem:s24+$0x14390] =	vst v9  }
0xf0: {  	v42 =	vld [tilespmem:s24+$0x14430];
	v51 =	vmul.f32 v46, v44;
	[tilespmem:s24+$0x143C0] =	vst v12  }
0xf1: {  	v48 =	vld [tilespmem:s24+$0x14490];
	v8 =	vmul.f32 v36, v35;
	[tilespmem:s24+$0x14420] =	vst v11  }
0xf2: {  	v49 =	vld [tilespmem:s24+$0x144A0];
	[tilespmem:s24+$0x14460] =	vst v51;
	v2 =	vmul.f32 v2, v44  }
0xf3: {  	v50 =	vld [tilespmem:s24+$0x144B0];
	v5 =	vmul.f32 v37, v35;
	[tilespmem:s24+$0x143D0] =	vst v8  }
0xf4: {  	v1 =	vbroadcast v1, $0xE;
	v9 =	vmul.f32 v39, v44;
	[tilespmem:s24+$0x14410] =	vst v2;
	v2 =	vld [tilespmem:s24+$0x14480]  }
0xf5: {  	v60 =	vld [tilespmem:s24+$0x14560];
	v12 =	vmul.f32 v42, v44;
	[tilespmem:s24+$0x143E0] =	vst v5  }
0xf6: {  	v45 =	vld [tilespmem:s24+$0x14450];
	v11 =	vmul.f32 v48, v1;
	[tilespmem:s24+$0x14400] =	vst v9  }
0xf7: {  	v47 =	vld [tilespmem:s24+$0x14470];
	v10 =	vmul.f32 v49, v1;
	[tilespmem:s24+$0x14430] =	vst v12  }
0xf8: {  	v43 =	vld [tilespmem:s24+$0x14440];
	v6 =	vmul.f32 v50, v1;
	[tilespmem:s24+$0x14490] =	vst v11  }
0xf9: {  	v55 =	vld [tilespmem:s24+$0x14500];
	[tilespmem:s24+$0x144A0] =	vst v10;
	v2 =	vmul.f32 v2, v1  }
0xfa: {  	v57 =	vld [tilespmem:s24+$0x14520];
	v4 =	vmul.f32 v60, v27;
	[tilespmem:s24+$0x144B0] =	vst v6  }
0xfb: {  	v5 =	vmul.f32 v45, v44;
	[tilespmem:s24+$0x14480] =	vst v2;
	v2 =	vld [tilespmem:s24+$0x144F0]  }
0xfc: {  	v52 =	vld [tilespmem:s24+$0x144C0];
	v9 =	vmul.f32 v47, v44;
	[tilespmem:s24+$0x14560] =	vst v4  }
0xfd: {  	v56 =	vld [tilespmem:s24+$0x14510];
	v8 =	vmul.f32 v43, v44;
	[tilespmem:s24+$0x14450] =	vst v5  }
0xfe: {  	v54 =	vld [tilespmem:s24+$0x144E0];
	v11 =	vmul.f32 v55, v27;
	[tilespmem:s24+$0x14470] =	vst v9  }
0xff: {  	v58 =	vld [tilespmem:s24+$0x14530];
	v6 =	vmul.f32 v57, v27;
	[tilespmem:s24+$0x14440] =	vst v8  }
0x100: {  	v53 =	vld [tilespmem:s24+$0x144D0];
	[tilespmem:s24+$0x14500] =	vst v11;
	v2 =	vmul.f32 v2, v1  }
0x101: {  	v59 =	vld [tilespmem:s24+$0x14540];
	v5 =	vmul.f32 v52, v1;
	[tilespmem:s24+$0x14520] =	vst v6  }
0x102: {  	[tilespmem:s24+$0x144F0] =	vst v2;
	v2 =	vmul.f32 v56, v27  }
0x103: {  	v3 =	vld [tilespmem:s24+$0x143A0];
	v9 =	vmul.f32 v54, v1;
	[tilespmem:s24+$0x144C0] =	vst v5  }
0x104: {  	[tilespmem:s24+$0x14510] =	vst v2;
	v2 =	vmul.f32 v58, v27  }
0x105: {  	[tilespmem:s24+$0x144E0] =	vst v9;
	v1 =	vmul.f32 v53, v1  }
0x106: {  	[tilespmem:s24+$0x14530] =	vst v2;
	v2 =	vmul.f32 v59, v27  }
0x107: {  	[tilespmem:s24+$0x144D0] =	vst v1  }
0x108: {  	s25 =	simm.s32 $0x1;
	[tilespmem:s24+$0x14540] =	vst v2;
	v2 =	vmul.f32 v3, v35  }
.LBB2_6:
0x109: {  	s26 =	sshll.u32 s25, $0x4  }
0x10a: {  	p1 =	sne.s32 s25, $0x4;
	[tilespmem:s24+$0x143A0] =	vst v2;
	s24 =	smov.u32 s25;
	s25 =	sadd.s32 $0x1, s25  }
0x10b: {  	s26 =	sand.u32 $0x3FFFFFF0, s26  }
0x10c: {  	s24 =	sshll.u32 s24, $0xB;
	v1 =	vld [tilespmem:s26+$0x13D00]  }
0x10d: {  	s24 =	sand.u32 $0x3FFFF800, s24  }
0x10e: {  	v8 =	vld [tilespmem:s24+$0x13E40]  }
0x10f: {  	v9 =	vld [tilespmem:s24+$0x13E50]  }
0x110: {  	v10 =	vld [tilespmem:s24+$0x13E30]  }
0x111: {  	v2 =	vbroadcast v1, $0x0;
	v3 =	vld [tilespmem:s24+$0x13DA0];
	v7 =	vbroadcast v1, $0x4  }
0x112: {  	v5 =	vld [tilespmem:s24+$0x13DB0]  }
0x113: {  	v6 =	vld [tilespmem:s24+$0x142F0]  }
0x114: {  	v11 =	vld [tilespmem:s24+$0x13DE0]  }
0x115: {  	v12 =	vld [tilespmem:s24+$0x13DF0]  }
0x116: {  	v4 =	vbroadcast v1, $0xA;
	v3 =	vmul.f32 v3, v2;
	v13 =	vld [tilespmem:s24+$0x13E00]  }
0x117: {  	v5 =	vmul.f32 v5, v2;
	v14 =	vld [tilespmem:s24+$0x13E10]  }
0x118: {  	[tilespmem:s24+$0x13DA0] =	vst v3;
	v15 =	vld [tilespmem:s24+$0x13E20];
	v3 =	vmul.f32 v6, v4  }
0x119: {  	[tilespmem:s24+$0x13DB0] =	vst v5;
	v6 =	vmul.f32 v11, v2;
	v11 =	vbroadcast v1, $0x1;
	v5 =	vld [tilespmem:s24+$0x14300]  }
0x11a: {  	v12 =	vmul.f32 v12, v2;
	[tilespmem:s24+$0x142F0] =	vst v3;
	v3 =	vld [tilespmem:s24+$0x14550]  }
0x11b: {  	[tilespmem:s24+$0x13DE0] =	vst v6;
	v13 =	vmul.f32 v13, v11;
	v6 =	vld [tilespmem:s24+$0x14310]  }
0x11c: {  	[tilespmem:s24+$0x13DF0] =	vst v12;
	v12 =	vmul.f32 v14, v11;
	v14 =	vld [tilespmem:s24+$0x13E60]  }
0x11d: {  	[tilespmem:s24+$0x13E00] =	vst v13;
	v13 =	vmul.f32 v15, v11;
	v15 =	vld [tilespmem:s24+$0x13E70]  }
0x11e: {  	v10 =	vmul.f32 v10, v11;
	[tilespmem:s24+$0x13E10] =	vst v12;
	v12 =	vld [tilespmem:s24+$0x13E80]  }
0x11f: {  	v8 =	vmul.f32 v8, v11;
	[tilespmem:s24+$0x13E20] =	vst v13;
	v13 =	vld [tilespmem:s24+$0x13E90]  }
0x120: {  	v9 =	vmul.f32 v9, v11;
	[tilespmem:s24+$0x13E30] =	vst v10;
	v10 =	vld [tilespmem:s24+$0x13EA0]  }
0x121: {  	[tilespmem:s24+$0x13E40] =	vst v8;
	v8 =	vmul.f32 v14, v11;
	v14 =	vbroadcast v1, $0x2;
	v16 =	vld [tilespmem:s24+$0x13EB0]  }
0x122: {  	[tilespmem:s24+$0x13E50] =	vst v9;
	v9 =	vmul.f32 v15, v11;
	v11 =	vld [tilespmem:s24+$0x13EC0]  }
0x123: {  	[tilespmem:s24+$0x13E60] =	vst v8;
	v8 =	vmul.f32 v12, v14;
	v12 =	vld [tilespmem:s24+$0x13ED0]  }
0x124: {  	[tilespmem:s24+$0x13E70] =	vst v9;
	v9 =	vmul.f32 v13, v14;
	v13 =	vld [tilespmem:s24+$0x13EE0]  }
0x125: {  	[tilespmem:s24+$0x13E80] =	vst v8;
	v8 =	vmul.f32 v10, v14;
	v10 =	vld [tilespmem:s24+$0x13EF0]  }
0x126: {  	[tilespmem:s24+$0x13E90] =	vst v9;
	v9 =	vmul.f32 v16, v14;
	v15 =	vld [tilespmem:s24+$0x13F00]  }
0x127: {  	[tilespmem:s24+$0x13EA0] =	vst v8;
	v8 =	vmul.f32 v11, v14;
	v11 =	vld [tilespmem:s24+$0x13F10]  }
0x128: {  	[tilespmem:s24+$0x13EB0] =	vst v9;
	v9 =	vmul.f32 v12, v14;
	v12 =	vld [tilespmem:s24+$0x13F20]  }
0x129: {  	[tilespmem:s24+$0x13EC0] =	vst v8;
	v8 =	vmul.f32 v13, v14;
	v13 =	vbroadcast v1, $0x3;
	v16 =	vld [tilespmem:s24+$0x13F30]  }
0x12a: {  	[tilespmem:s24+$0x13ED0] =	vst v9;
	v9 =	vmul.f32 v10, v14;
	v10 =	vld [tilespmem:s24+$0x13F40]  }
0x12b: {  	[tilespmem:s24+$0x13EE0] =	vst v8;
	v8 =	vmul.f32 v15, v13;
	v14 =	vld [tilespmem:s24+$0x13F50]  }
0x12c: {  	[tilespmem:s24+$0x13EF0] =	vst v9;
	v9 =	vmul.f32 v11, v13;
	v11 =	vld [tilespmem:s24+$0x13F60]  }
0x12d: {  	[tilespmem:s24+$0x13F00] =	vst v8;
	v8 =	vmul.f32 v12, v13;
	v12 =	vld [tilespmem:s24+$0x13F70]  }
0x12e: {  	[tilespmem:s24+$0x13F10] =	vst v9;
	v9 =	vmul.f32 v16, v13;
	v15 =	vld [tilespmem:s24+$0x13F80]  }
0x12f: {  	[tilespmem:s24+$0x13F20] =	vst v8;
	v8 =	vmul.f32 v10, v13;
	v10 =	vld [tilespmem:s24+$0x13F90]  }
0x130: {  	[tilespmem:s24+$0x13F30] =	vst v9;
	v9 =	vmul.f32 v14, v13;
	v14 =	vld [tilespmem:s24+$0x13FA0]  }
0x131: {  	[tilespmem:s24+$0x13F40] =	vst v8;
	v8 =	vmul.f32 v11, v13;
	v11 =	vld [tilespmem:s24+$0x13FB0]  }
0x132: {  	[tilespmem:s24+$0x13F50] =	vst v9;
	v9 =	vmul.f32 v12, v13;
	v12 =	vld [tilespmem:s24+$0x13FC0]  }
0x133: {  	[tilespmem:s24+$0x13F60] =	vst v8;
	v8 =	vmul.f32 v15, v7;
	v13 =	vld [tilespmem:s24+$0x13FD0]  }
0x134: {  	[tilespmem:s24+$0x13F70] =	vst v9;
	v9 =	vmul.f32 v10, v7;
	v10 =	vld [tilespmem:s24+$0x13FE0]  }
0x135: {  	[tilespmem:s24+$0x13F80] =	vst v8;
	v8 =	vmul.f32 v14, v7;
	v14 =	vld [tilespmem:s24+$0x13FF0]  }
0x136: {  	[tilespmem:s24+$0x13F90] =	vst v9;
	v9 =	vmul.f32 v11, v7;
	v11 =	vld [tilespmem:s24+$0x14000]  }
0x137: {  	[tilespmem:s24+$0x13FA0] =	vst v8;
	v8 =	vmul.f32 v12, v7;
	v12 =	vld [tilespmem:s24+$0x14010]  }
0x138: {  	[tilespmem:s24+$0x13FB0] =	vst v9;
	v9 =	vmul.f32 v13, v7;
	v13 =	vld [tilespmem:s24+$0x14020]  }
0x139: {  	[tilespmem:s24+$0x13FC0] =	vst v8;
	v8 =	vmul.f32 v10, v7;
	v10 =	vbroadcast v1, $0x5;
	v15 =	vld [tilespmem:s24+$0x14030]  }
0x13a: {  	[tilespmem:s24+$0x13FD0] =	vst v9;
	v7 =	vmul.f32 v14, v7;
	v9 =	vld [tilespmem:s24+$0x14040]  }
0x13b: {  	[tilespmem:s24+$0x13FE0] =	vst v8;
	v8 =	vmul.f32 v11, v10;
	v11 =	vld [tilespmem:s24+$0x14050]  }
0x13c: {  	[tilespmem:s24+$0x13FF0] =	vst v7;
	v7 =	vmul.f32 v12, v10;
	v12 =	vld [tilespmem:s24+$0x14060]  }
0x13d: {  	[tilespmem:s24+$0x14000] =	vst v8;
	v8 =	vmul.f32 v13, v10;
	v13 =	vld [tilespmem:s24+$0x14070]  }
0x13e: {  	[tilespmem:s24+$0x14010] =	vst v7;
	v7 =	vmul.f32 v15, v10;
	v14 =	vld [tilespmem:s24+$0x14080]  }
0x13f: {  	[tilespmem:s24+$0x14020] =	vst v8;
	v8 =	vmul.f32 v9, v10;
	v9 =	vld [tilespmem:s24+$0x14090]  }
0x140: {  	[tilespmem:s24+$0x14030] =	vst v7;
	v7 =	vmul.f32 v11, v10;
	v11 =	vld [tilespmem:s24+$0x140A0]  }
0x141: {  	[tilespmem:s24+$0x14040] =	vst v8;
	v8 =	vmul.f32 v12, v10;
	v12 =	vbroadcast v1, $0x6;
	v15 =	vld [tilespmem:s24+$0x140B0]  }
0x142: {  	[tilespmem:s24+$0x14050] =	vst v7;
	v7 =	vmul.f32 v13, v10;
	v10 =	vld [tilespmem:s24+$0x140C0]  }
0x143: {  	[tilespmem:s24+$0x14060] =	vst v8;
	v8 =	vmul.f32 v14, v12;
	v13 =	vld [tilespmem:s24+$0x140D0]  }
0x144: {  	[tilespmem:s24+$0x14070] =	vst v7;
	v7 =	vmul.f32 v9, v12;
	v9 =	vld [tilespmem:s24+$0x140E0]  }
0x145: {  	[tilespmem:s24+$0x14080] =	vst v8;
	v8 =	vmul.f32 v11, v12;
	v11 =	vld [tilespmem:s24+$0x140F0]  }
0x146: {  	[tilespmem:s24+$0x14090] =	vst v7;
	v7 =	vmul.f32 v15, v12;
	v14 =	vld [tilespmem:s24+$0x14100]  }
0x147: {  	[tilespmem:s24+$0x140A0] =	vst v8;
	v8 =	vmul.f32 v10, v12;
	v10 =	vld [tilespmem:s24+$0x14110]  }
0x148: {  	[tilespmem:s24+$0x140B0] =	vst v7;
	v7 =	vmul.f32 v13, v12;
	v13 =	vld [tilespmem:s24+$0x14120]  }
0x149: {  	[tilespmem:s24+$0x140C0] =	vst v8;
	v8 =	vmul.f32 v9, v12;
	v9 =	vbroadcast v1, $0x7;
	v15 =	vld [tilespmem:s24+$0x14130]  }
0x14a: {  	[tilespmem:s24+$0x140D0] =	vst v7;
	v7 =	vmul.f32 v11, v12;
	v11 =	vld [tilespmem:s24+$0x14140]  }
0x14b: {  	[tilespmem:s24+$0x140E0] =	vst v8;
	v8 =	vmul.f32 v14, v9;
	v12 =	vld [tilespmem:s24+$0x14150]  }
0x14c: {  	[tilespmem:s24+$0x140F0] =	vst v7;
	v7 =	vmul.f32 v10, v9;
	v10 =	vld [tilespmem:s24+$0x14160]  }
0x14d: {  	[tilespmem:s24+$0x14100] =	vst v8;
	v8 =	vmul.f32 v13, v9;
	v13 =	vld [tilespmem:s24+$0x14170]  }
0x14e: {  	[tilespmem:s24+$0x14110] =	vst v7;
	v7 =	vmul.f32 v15, v9;
	v14 =	vld [tilespmem:s24+$0x14180]  }
0x14f: {  	[tilespmem:s24+$0x14120] =	vst v8;
	v8 =	vmul.f32 v11, v9;
	v11 =	vld [tilespmem:s24+$0x14190]  }
0x150: {  	[tilespmem:s24+$0x14130] =	vst v7;
	v7 =	vmul.f32 v12, v9;
	v12 =	vld [tilespmem:s24+$0x141A0]  }
0x151: {  	[tilespmem:s24+$0x14140] =	vst v8;
	v8 =	vmul.f32 v10, v9;
	v10 =	vbroadcast v1, $0x8;
	v15 =	vld [tilespmem:s24+$0x141B0]  }
0x152: {  	[tilespmem:s24+$0x14150] =	vst v7;
	v7 =	vmul.f32 v13, v9;
	v9 =	vld [tilespmem:s24+$0x141C0]  }
0x153: {  	[tilespmem:s24+$0x14160] =	vst v8;
	v8 =	vmul.f32 v14, v10;
	v13 =	vld [tilespmem:s24+$0x141D0]  }
0x154: {  	[tilespmem:s24+$0x14170] =	vst v7;
	v7 =	vmul.f32 v11, v10;
	v11 =	vld [tilespmem:s24+$0x141E0]  }
0x155: {  	[tilespmem:s24+$0x14180] =	vst v8;
	v8 =	vmul.f32 v12, v10;
	v12 =	vld [tilespmem:s24+$0x141F0]  }
0x156: {  	[tilespmem:s24+$0x14190] =	vst v7;
	v7 =	vmul.f32 v15, v10;
	v14 =	vld [tilespmem:s24+$0x14200]  }
0x157: {  	[tilespmem:s24+$0x141A0] =	vst v8;
	v8 =	vmul.f32 v9, v10;
	v9 =	vld [tilespmem:s24+$0x14210]  }
0x158: {  	[tilespmem:s24+$0x141B0] =	vst v7;
	v7 =	vmul.f32 v13, v10;
	v13 =	vld [tilespmem:s24+$0x14220]  }
0x159: {  	[tilespmem:s24+$0x141C0] =	vst v8;
	v8 =	vmul.f32 v11, v10;
	v11 =	vbroadcast v1, $0x9;
	v15 =	vld [tilespmem:s24+$0x14230]  }
0x15a: {  	[tilespmem:s24+$0x141D0] =	vst v7;
	v7 =	vmul.f32 v12, v10;
	v10 =	vld [tilespmem:s24+$0x14240]  }
0x15b: {  	[tilespmem:s24+$0x141E0] =	vst v8;
	v8 =	vmul.f32 v14, v11;
	v12 =	vld [tilespmem:s24+$0x14250]  }
0x15c: {  	[tilespmem:s24+$0x141F0] =	vst v7;
	v7 =	vmul.f32 v9, v11;
	v9 =	vld [tilespmem:s24+$0x14260]  }
0x15d: {  	[tilespmem:s24+$0x14200] =	vst v8;
	v8 =	vmul.f32 v13, v11;
	v13 =	vld [tilespmem:s24+$0x14270]  }
0x15e: {  	[tilespmem:s24+$0x14210] =	vst v7;
	v7 =	vmul.f32 v15, v11;
	v14 =	vld [tilespmem:s24+$0x14280]  }
0x15f: {  	[tilespmem:s24+$0x14220] =	vst v8;
	v8 =	vmul.f32 v10, v11;
	v10 =	vld [tilespmem:s24+$0x14290]  }
0x160: {  	[tilespmem:s24+$0x14230] =	vst v7;
	v7 =	vmul.f32 v12, v11;
	v12 =	vld [tilespmem:s24+$0x142A0]  }
0x161: {  	[tilespmem:s24+$0x14240] =	vst v8;
	v8 =	vmul.f32 v9, v11;
	v9 =	vld [tilespmem:s24+$0x142B0]  }
0x162: {  	[tilespmem:s24+$0x14250] =	vst v7;
	v7 =	vmul.f32 v13, v11;
	v11 =	vld [tilespmem:s24+$0x142C0]  }
0x163: {  	[tilespmem:s24+$0x14260] =	vst v8;
	v8 =	vmul.f32 v14, v4;
	v13 =	vld [tilespmem:s24+$0x142D0]  }
0x164: {  	[tilespmem:s24+$0x14270] =	vst v7;
	v7 =	vmul.f32 v10, v4;
	v10 =	vld [tilespmem:s24+$0x142E0]  }
0x165: {  	v14 =	vld [tilespmem:s24+$0x13D80];
	[tilespmem:s24+$0x14280] =	vst v8;
	v8 =	vmul.f32 v12, v4  }
0x166: {  	v12 =	vld [tilespmem:s24+$0x13D90];
	[tilespmem:s24+$0x14290] =	vst v7;
	v7 =	vmul.f32 v9, v4  }
0x167: {  	v9 =	vld [tilespmem:s24+$0x13DC0];
	[tilespmem:s24+$0x142A0] =	vst v8;
	v8 =	vmul.f32 v11, v4  }
0x168: {  	v11 =	vld [tilespmem:s24+$0x13DD0];
	[tilespmem:s24+$0x142B0] =	vst v7;
	v7 =	vmul.f32 v13, v4  }
0x169: {  	[tilespmem:s24+$0x142C0] =	vst v8;
	v8 =	vmul.f32 v10, v4;
	v10 =	vbroadcast v1, $0xB;
	v13 =	vld [tilespmem:s24+$0x14320]  }
0x16a: {  	v4 =	vbroadcast v1, $0xF;
	v14 =	vmul.f32 v2, v14;
	[tilespmem:s24+$0x142D0] =	vst v7;
	v7 =	vld [tilespmem:s24+$0x14330]  }
0x16b: {  	v12 =	vmul.f32 v12, v2;
	[tilespmem:s24+$0x142E0] =	vst v8;
	v5 =	vmul.f32 v5, v10;
	v8 =	vld [tilespmem:s24+$0x14340]  }
0x16c: {  	v6 =	vmul.f32 v6, v10;
	[tilespmem:s24+$0x13D80] =	vst v14;
	v9 =	vmul.f32 v9, v2;
	v14 =	vld [tilespmem:s24+$0x14350]  }
0x16d: {  	v3 =	vmul.f32 v3, v4;
	v11 =	vmul.f32 v11, v2;
	[tilespmem:s24+$0x14300] =	vst v5;
	v2 =	vld [tilespmem:s24+$0x14360]  }
0x16e: {  	[tilespmem:s24+$0x14310] =	vst v6;
	v5 =	vmul.f32 v13, v10;
	v6 =	vld [tilespmem:s24+$0x14370]  }
0x16f: {  	v7 =	vmul.f32 v7, v10;
	v13 =	vld [tilespmem:s24+$0x14380];
	[tilespmem:s24+$0x14550] =	vst v3  }
0x170: {  	[tilespmem:s24+$0x13D90] =	vst v12;
	v3 =	vmul.f32 v8, v10;
	v8 =	vld [tilespmem:s24+$0x14390]  }
0x171: {  	[tilespmem:s24+$0x13DC0] =	vst v9;
	v9 =	vmul.f32 v14, v10;
	v12 =	vld [tilespmem:s24+$0x143A0]  }
0x172: {  	v14 =	vbroadcast v1, $0xC;
	[tilespmem:s24+$0x14320] =	vst v5;
	v5 =	vmul.f32 v2, v10;
	v15 =	vld [tilespmem:s24+$0x143B0]  }
0x173: {  	[tilespmem:s24+$0x14350] =	vst v9;
	v6 =	vmul.f32 v6, v10;
	v9 =	vld [tilespmem:s24+$0x143C0]  }
0x174: {  	[tilespmem:s24+$0x14330] =	vst v7;
	v2 =	vmul.f32 v13, v14;
	v7 =	vld [tilespmem:s24+$0x143D0]  }
0x175: {  	[tilespmem:s24+$0x14340] =	vst v3;
	v3 =	vmul.f32 v8, v14;
	v8 =	vld [tilespmem:s24+$0x143E0]  }
0x176: {  	[tilespmem:s24+$0x14380] =	vst v2;
	v2 =	vmul.f32 v12, v14;
	v10 =	vld [tilespmem:s24+$0x143F0]  }
0x177: {  	[tilespmem:s24+$0x14390] =	vst v3;
	v3 =	vld [tilespmem:s24+$0x14400]  }
0x178: {  	[tilespmem:s24+$0x13DD0] =	vst v11;
	v9 =	vmul.f32 v9, v14;
	v11 =	vld [tilespmem:s24+$0x14410]  }
0x179: {  	[tilespmem:s24+$0x14360] =	vst v5;
	v5 =	vmul.f32 v7, v14;
	v7 =	vld [tilespmem:s24+$0x14420]  }
0x17a: {  	[tilespmem:s24+$0x143C0] =	vst v9;
	v8 =	vmul.f32 v8, v14;
	v9 =	vbroadcast v1, $0xD;
	v12 =	vld [tilespmem:s24+$0x14430]  }
0x17b: {  	[tilespmem:s24+$0x143D0] =	vst v5;
	v5 =	vmul.f32 v10, v14;
	v10 =	vld [tilespmem:s24+$0x14440]  }
0x17c: {  	[tilespmem:s24+$0x143E0] =	vst v8;
	v3 =	vmul.f32 v3, v9;
	v8 =	vld [tilespmem:s24+$0x14450]  }
0x17d: {  	[tilespmem:s24+$0x143F0] =	vst v5;
	v5 =	vmul.f32 v11, v9;
	v11 =	vld [tilespmem:s24+$0x14460]  }
0x17e: {  	[tilespmem:s24+$0x14400] =	vst v3;
	v3 =	vmul.f32 v7, v9;
	v7 =	vld [tilespmem:s24+$0x14470]  }
0x17f: {  	[tilespmem:s24+$0x14410] =	vst v5;
	v5 =	vmul.f32 v12, v9;
	v12 =	vld [tilespmem:s24+$0x14480]  }
0x180: {  	[tilespmem:s24+$0x14420] =	vst v3;
	v3 =	vmul.f32 v10, v9;
	v10 =	vld [tilespmem:s24+$0x14490]  }
0x181: {  	[tilespmem:s24+$0x14430] =	vst v5;
	v5 =	vmul.f32 v8, v9;
	v8 =	vld [tilespmem:s24+$0x144A0]  }
0x182: {  	v1 =	vbroadcast v1, $0xE;
	[tilespmem:s24+$0x14370] =	vst v6;
	v6 =	vmul.f32 v11, v9;
	v11 =	vld [tilespmem:s24+$0x144B0]  }
0x183: {  	[tilespmem:s24+$0x14450] =	vst v5;
	v5 =	vmul.f32 v7, v9;
	v7 =	vld [tilespmem:s24+$0x144C0]  }
0x184: {  	[tilespmem:s24+$0x14460] =	vst v6;
	v6 =	vmul.f32 v12, v1;
	v9 =	vld [tilespmem:s24+$0x144D0]  }
0x185: {  	[tilespmem:s24+$0x14470] =	vst v5;
	v5 =	vmul.f32 v10, v1;
	v10 =	vld [tilespmem:s24+$0x144E0]  }
0x186: {  	[tilespmem:s24+$0x14480] =	vst v6;
	v6 =	vmul.f32 v8, v1;
	v8 =	vld [tilespmem:s24+$0x144F0]  }
0x187: {  	[tilespmem:s24+$0x14490] =	vst v5;
	v5 =	vmul.f32 v11, v1;
	v11 =	vld [tilespmem:s24+$0x14500]  }
0x188: {  	[tilespmem:s24+$0x144A0] =	vst v6;
	v6 =	vmul.f32 v7, v1;
	v7 =	vld [tilespmem:s24+$0x14510]  }
0x189: {  	[tilespmem:s24+$0x144B0] =	vst v5;
	v5 =	vmul.f32 v9, v1;
	v9 =	vld [tilespmem:s24+$0x14520]  }
0x18a: {  	[tilespmem:s24+$0x144C0] =	vst v6;
	v6 =	vmul.f32 v10, v1;
	v10 =	vld [tilespmem:s24+$0x14530]  }
0x18b: {  	[tilespmem:s24+$0x14440] =	vst v3;
	v1 =	vmul.f32 v8, v1;
	v3 =	vld [tilespmem:s24+$0x14540]  }
0x18c: {  	[tilespmem:s24+$0x144E0] =	vst v6;
	v6 =	vmul.f32 v11, v4;
	v8 =	vld [tilespmem:s24+$0x14560]  }
0x18d: {  	[tilespmem:s24+$0x144F0] =	vst v1;
	v1 =	vmul.f32 v7, v4;
	v7 =	vld [tilespmem:s24+$0x14570]  }
0x18e: {  	[tilespmem:s24+$0x14500] =	vst v6;
	v6 =	vmul.f32 v9, v4  }
0x18f: {  	[tilespmem:s24+$0x14510] =	vst v1;
	v1 =	vmul.f32 v10, v4  }
0x190: {  	v9 =	vmul.f32 v15, v14;
	[tilespmem:s24+$0x14520] =	vst v6  }
0x191: {  	[tilespmem:s24+$0x14530] =	vst v1;
	v1 =	vmul.f32 v3, v4  }
.Ltmp6:
0x192: {  	[tilespmem:s24+$0x143B0] =	vst v9;
	v3 =	vmul.f32 v7, v4;
	(pc) =	sbr.rel @p1 .LBB2_6-.Ltmp6, $4  }
0x193: {  	[tilespmem:s24+$0x14540] =	vst v1  }
0x194: {  	v1 =	vmul.f32 v8, v4;
	[tilespmem:s24+$0x14570] =	vst v3  }
0x195: {  	[tilespmem:s24+$0x144D0] =	vst v5  }
0x196: {  	[tilespmem:s24+$0x14560] =	vst v1  }
.Ltmp7:
0x197: {  	(pc) =	sbr.rel .LBB2_8-.Ltmp7, $2  }
0x198: {  	_ =	sdelay $0x2  }
0x199: {  	[tilespmem:s24+$0x143A0] =	vst v2  }
.LBB2_10:
0x19a: {  	_ =	sfence.sel $0x180000  }
0x19b: {  	[bflag:$0x0] =	sbarrier.arrive $0xFFFF  }
0x19c: {  	p0 =	sne.s32 s1, $0x0;
	_ =	strace $0x9000004A  }
0x19d: {  	s0 =	sadd.s32 @!p0 $0x100000, s0;
	[bflag:$0x2] =	sbarrier.arrive $0xFFFF  }
0x19e: {  	[sflag:s0] =	ssyncadd.tile.s32 @!p0 $0x1;
	_ =	shalt  }
.Lfunc_end2:
_tile_overlayer_lowered:
.L_overlay_start_2:
0x19f: {  	(tag) =	ssettag $0x2  }
0x1a0: {  	s0 =	rddreg [dreg:$0x0];
	s2 =	stileid.u32  }
0x1a1: {  	s1 =	rddreg [dreg:$0x1];
	p0 =	sne.s32 s2, $0x0  }
0x1a2: {  	s3 =	rddreg [dreg:$0x2];
	[bflag:$0x3] =	sbarrier.arrive $0xFFFF;
	s2 =	simm.s32 @!p0 $0x1C02  }
0x1a3: {  	[timem:s3], [sflag:s2] =	dma.local @!p0 [hbm:s0], s1  }
0x1a4: {  	s0 =	simm.s32 @!p0 $0x2  }
0x1a5: {  	_ =	swait.ge @!p0 [sflag:s0], s1  }
0x1a6: {  	s1 =	ssub.s32 @!p0 $0x0, s1;
	[sflag:s0] =	ssyncset.done @!p0 $0x0  }
0x1a7: {  	[sflag:s0] =	ssyncadd.s32 @!p0 s1  }
0x1a8: {  	[bflag:$0x3] =	sbarrier.arrive $0xFFFF  }
0x1a9: {  	_ =	shalt  }

</sc_bundles>
